<compile_context>
chip_gen: v7x
topology: tpu7x:2x2x1
jax: 0.10.2.dev20260603
libtpu: 0.0.44.dev20260713+nightly
codegen_flags: <defaults>
</compile_context>

<pallas_src>
import jax
import jax.numpy as jnp
from jax import lax
from jax.experimental import pallas as pl
from jax.experimental.pallas import tpu as pltpu
from jax.experimental.pallas import tpu_sc as plsc

N = 100000
E = 1600000
EMB = 32
VOCAB = 1000

N_PAD = 102400
NROWS = N_PAD // 128
NCHN = N_PAD // 512
SL = N_PAD // 16

EC = 2560
NCHE = E // EC
T2 = 10

_f32 = jnp.float32
_i32 = jnp.int32

_SC_PARAMS = pltpu.CompilerParams(needs_layout_passes=False,
                                  use_tc_tiling_on_sc=False)


def _tables_body(embed_ref, w2p_ref, b2p_ref, w2e_ref, b2e_ref, w3_ref,
                 b3_ref, eu_ref, ev_ref, q_ref):
    emb = embed_ref[...]
    w3m = w3_ref[...][:32]
    u = jnp.dot(w2e_ref[...][:32], w3m, preferred_element_type=_f32)
    v = jnp.dot(w2e_ref[...][32:], w3m, preferred_element_type=_f32)
    c8 = jnp.dot(b2e_ref[...].reshape(1, 32), w3m,
                 preferred_element_type=_f32) + b3_ref[...].reshape(1, 8)
    eu_ref[...] = jnp.dot(emb, u, preferred_element_type=_f32) + c8
    ev_ref[...] = jnp.dot(emb, v, preferred_element_type=_f32)
    q_ref[...] = jnp.dot(emb, w2p_ref[...][:32],
                         preferred_element_type=_f32) + b2p_ref[...]


def _make_tables(embed, W2p, b2p, W2e, b2e, W3, b3):
    return pl.pallas_call(
        _tables_body,
        out_shape=(
            jax.ShapeDtypeStruct((VOCAB, 8), _f32),
            jax.ShapeDtypeStruct((VOCAB, 8), _f32),
            jax.ShapeDtypeStruct((VOCAB, 1), _f32),
        ),
    )(embed, W2p, b2p, W2e, b2e, W3, b3)


def _mesh():
    return plsc.VectorSubcoreMesh(core_axis_name="c", subcore_axis_name="s")


def _node_body(nf_hbm, cars_hbm, free_hbm, q_hbm, embed_hbm, consts_hbm,
               emb_out, cars1_out, meta_out,
               qtab, cbuf, nfbuf, carsbuf, freebuf, c1buf, mbuf, embrows,
               sem):
    cid = lax.axis_index("c")
    sid = lax.axis_index("s")
    wid = sid * 2 + cid
    pltpu.sync_copy(q_hbm, qtab)
    pltpu.sync_copy(consts_hbm, cbuf)
    w2p_last = cbuf[5, pl.ds(0, 16)][0]

    def chunk(t, _):
        c = wid + 32 * t

        @pl.when(c < NCHN)
        def _():
            r4 = c * 4
            pltpu.sync_copy(nf_hbm.at[pl.ds(r4, 4)], nfbuf)
            pltpu.sync_copy(cars_hbm.at[pl.ds(r4, 4)], carsbuf)
            pltpu.sync_copy(free_hbm.at[pl.ds(r4, 4)], freebuf)
            descs = [
                pltpu.async_copy(embed_hbm.at[nfbuf.at[j]],
                                 embrows.at[pl.ds(j * 128, 128)], sem)
                for j in range(4)
            ]
            for dsc in descs:
                dsc.wait()
            pltpu.sync_copy(embrows, emb_out.at[pl.ds(c * 512, 512)])

            def grp(g, _):
                j = g // 8
                k = (g % 8) * 16
                nfv = nfbuf[j, pl.ds(k, 16)]
                cv = carsbuf[j, pl.ds(k, 16)]
                fv = freebuf[j, pl.ds(k, 16)]
                qg = plsc.load_gather(qtab, [nfv, jnp.zeros((16,), _i32)])
                parked = qg + cv * w2p_last
                c1 = jnp.maximum(jnp.maximum(parked, 0.0) + cv, 0.0)
                meta = nfv + jnp.where(fv > 0.5, 1024, 0).astype(_i32)
                c1buf[j, pl.ds(k, 16)] = c1
                mbuf[j, pl.ds(k, 16)] = meta
                return 0

            lax.fori_loop(0, 32, grp, 0)
            pltpu.sync_copy(c1buf, cars1_out.at[pl.ds(r4, 4)])
            pltpu.sync_copy(mbuf, meta_out.at[pl.ds(r4, 4)])

        return 0

    lax.fori_loop(0, (NCHN + 31) // 32, chunk, 0)


def _node_stage(nf2d, cars2d, free2d, qtab, embed, consts):
    fn = pl.kernel(
        _node_body,
        out_type=(
            jax.ShapeDtypeStruct((N_PAD, EMB), _f32),
            jax.ShapeDtypeStruct((NROWS, 128), _f32),
            jax.ShapeDtypeStruct((NROWS, 128), _i32),
        ),
        mesh=_mesh(),
        compiler_params=_SC_PARAMS,
        scratch_types=(
            pltpu.VMEM((VOCAB, 1), _f32),
            pltpu.VMEM((8, 16), _f32),
            pltpu.VMEM((4, 128), _i32),
            pltpu.VMEM((4, 128), _f32),
            pltpu.VMEM((4, 128), _f32),
            pltpu.VMEM((4, 128), _f32),
            pltpu.VMEM((4, 128), _i32),
            pltpu.VMEM((512, EMB), _f32),
            pltpu.SemaphoreType.DMA,
        ),
    )
    return fn(nf2d, cars2d, free2d, qtab, embed, consts)


def _pass1_body(ep_hbm, c1_hbm, ent_hbm, meta_hbm, eu_hbm, ev_hbm, consts_hbm,
                zs_out, denom_out,
                eutab, evtab, cbuf, zeroblk,
                sbuf0, dbuf0, gc1s0, gents0, gmets0, gc1d0, gmetd0, zp0, zb0,
                sbuf1, dbuf1, gc1s1, gents1, gmets1, gc1d1, gmetd1, zp1, zb1,
                gsem0, gsem1,
                sh_c1, sh_ent, sh_meta, sh_denom):
    cid = lax.axis_index("c")
    sid = lax.axis_index("s")
    wid = sid * 2 + cid
    base = sid * SL

    pltpu.sync_copy(eu_hbm, eutab)
    pltpu.sync_copy(ev_hbm, evtab)
    pltpu.sync_copy(consts_hbm, cbuf)
    pltpu.sync_copy(c1_hbm.at[pl.ds(base, SL)], sh_c1.at[pl.ds(base, SL)])
    pltpu.sync_copy(ent_hbm.at[pl.ds(base, SL)], sh_ent.at[pl.ds(base, SL)])
    pltpu.sync_copy(meta_hbm.at[pl.ds(base, SL)], sh_meta.at[pl.ds(base, SL)])

    def zb_(i, _):
        zeroblk[pl.ds(i * 16, 16)] = jnp.zeros((16,), _f32)
        return 0

    lax.fori_loop(0, 128, zb_, 0)
    for off in (0, 2048, 4096):
        pltpu.sync_copy(zeroblk, sh_denom.at[pl.ds(base + off, 2048)])
    pltpu.sync_copy(zeroblk.at[pl.ds(0, 256)],
                    sh_denom.at[pl.ds(base + 6144, 256)])
    plsc.subcore_barrier()

    r0 = cbuf[0, pl.ds(0, 16)]
    r1 = cbuf[1, pl.ds(0, 16)]
    r2 = cbuf[2, pl.ds(0, 16)]
    r3 = cbuf[3, pl.ds(0, 16)]
    r4c = cbuf[4, pl.ds(0, 16)]
    w31 = [r0[c] for c in range(8)]
    w32 = [r1[c] for c in range(8)]
    w33 = [r2[c] for c in range(8)]
    w4 = [r3[c] for c in range(8)]
    b4 = r4c[0]

    bufs = (
        (sbuf0, dbuf0, gc1s0, gents0, gmets0, gc1d0, gmetd0, zp0, zb0, gsem0),
        (sbuf1, dbuf1, gc1s1, gents1, gmets1, gc1d1, gmetd1, zp1, zb1, gsem1),
    )

    def gdescs(B):
        sb, db, c1s, ents, mets, c1d, metd, zp, zb, sem = B
        return [
            pltpu.make_async_copy(sh_c1.at[sb], c1s, sem),
            pltpu.make_async_copy(sh_ent.at[sb], ents, sem),
            pltpu.make_async_copy(sh_meta.at[sb], mets, sem),
            pltpu.make_async_copy(sh_c1.at[db], c1d, sem),
            pltpu.make_async_copy(sh_meta.at[db], metd, sem),
        ]

    def issue(c, B):
        sb, db = B[0], B[1]
        pltpu.sync_copy(ep_hbm.at[0, pl.ds(c * EC, EC)], sb)
        pltpu.sync_copy(ep_hbm.at[1, pl.ds(c * EC, EC)], db)
        for d in gdescs(B):
            d.start()

    def consume(c, B):
        sb, db, c1s, ents, mets, c1d, metd, zp, zb, sem = B
        for d in gdescs(B):
            d.wait()

        def grp(g, _):
            s16 = pl.ds(g * 16, 16)
            c1sv = c1s[s16]
            entsv = ents[s16]
            metsv = mets[s16]
            c1dv = c1d[s16]
            metdv = metd[s16]
            nfs = jnp.bitwise_and(metsv, 1023)
            frees = lax.shift_right_logical(metsv, 10)
            nfd = jnp.bitwise_and(metdv, 1023)
            h3 = jnp.full((16,), 0.0, _f32) + b4
            for cc in range(8):
                ccv = jnp.full((16,), cc, _i32)
                eu = plsc.load_gather(eutab, [nfs, ccv])
                ev = plsc.load_gather(evtab, [nfd, ccv])
                a = (eu + ev + c1sv * w31[cc] + c1dv * w32[cc]
                     + entsv * w33[cc])
                h3 = h3 + jnp.maximum(a, 0.0) * w4[cc]
            lf = jnp.maximum(h3, 0.0)
            slb = nfs == nfd
            enb = slb != (frees == 1)
            lf = jnp.where(enb, lf, 0.0)
            z = jnp.exp(lf)
            zp[s16] = z
            zb[s16] = jnp.where(slb, -z, z)
            return 0

        lax.fori_loop(0, EC // 16, grp, 0)
        sc = pltpu.async_copy(zp, sh_denom.at[sb], sem, add=True)
        pltpu.sync_copy(zb, zs_out.at[pl.ds(c * EC, EC)])
        sc.wait()

    issue(wid, bufs[0])

    def outer(t2, _):
        for b in (0, 1):
            c = wid + 32 * (2 * t2 + b)
            cn = c + 32

            @pl.when(cn < NCHE)
            def _():
                issue(cn, bufs[1 - b])

            @pl.when(c < NCHE)
            def _():
                consume(c, bufs[b])

        return 0

    lax.fori_loop(0, T2, outer, 0)
    plsc.subcore_barrier()
    pltpu.sync_copy(sh_denom.at[pl.ds(base, SL)],
                    denom_out.at[cid, pl.ds(base, SL)])


def _pass1(ep, cars1_flat, ent_flat, meta_flat, eutab, evtab, consts):
    ebufs = []
    for _ in range(2):
        ebufs += [
            pltpu.VMEM((EC,), _i32),
            pltpu.VMEM((EC,), _i32),
            pltpu.VMEM((EC,), _f32),
            pltpu.VMEM((EC,), _f32),
            pltpu.VMEM((EC,), _i32),
            pltpu.VMEM((EC,), _f32),
            pltpu.VMEM((EC,), _i32),
            pltpu.VMEM((EC,), _f32),
            pltpu.VMEM((EC,), _f32),
        ]
    fn = pl.kernel(
        _pass1_body,
        out_type=(
            jax.ShapeDtypeStruct((E,), _f32),
            jax.ShapeDtypeStruct((2, N_PAD), _f32),
        ),
        mesh=_mesh(),
        compiler_params=_SC_PARAMS,
        scratch_types=(
            pltpu.VMEM((VOCAB, 8), _f32),
            pltpu.VMEM((VOCAB, 8), _f32),
            pltpu.VMEM((8, 16), _f32),
            pltpu.VMEM((2048,), _f32),
            *ebufs,
            pltpu.SemaphoreType.DMA,
            pltpu.SemaphoreType.DMA,
            pltpu.VMEM_SHARED((N_PAD,), _f32),
            pltpu.VMEM_SHARED((N_PAD,), _f32),
            pltpu.VMEM_SHARED((N_PAD,), _i32),
            pltpu.VMEM_SHARED((N_PAD,), _f32),
        ),
    )
    return fn(ep, cars1_flat, ent_flat, meta_flat, eutab, evtab, consts)


def _pass2_body(ep_hbm, zs_hbm, c1_hbm, denom_hbm,
                cars_out, ent_out,
                d0buf, d1buf, c1chunk, wbuf, zeroblk,
                sbuf0, dbuf0, zsb0, wsg0, msgb0, outb0,
                sbuf1, dbuf1, zsb1, wsg1, msgb1, outb1,
                gsem0, gsem1,
                sh_w, sh_cars, sh_ent):
    cid = lax.axis_index("c")
    sid = lax.axis_index("s")
    wid = sid * 2 + cid
    base = sid * SL

    for off, sz in ((0, 2048), (2048, 2048), (4096, 2048), (6144, 256)):
        pltpu.sync_copy(denom_hbm.at[0, pl.ds(base + off, sz)],
                        d0buf.at[pl.ds(0, sz)])
        pltpu.sync_copy(denom_hbm.at[1, pl.ds(base + off, sz)],
                        d1buf.at[pl.ds(0, sz)])
        pltpu.sync_copy(c1_hbm.at[pl.ds(base + off, sz)],
                        c1chunk.at[pl.ds(0, sz)])

        def wgrp(i, _):
            s16 = pl.ds(i * 16, 16)
            wbuf[s16] = c1chunk[s16] / (d0buf[s16] + d1buf[s16])
            return 0

        lax.fori_loop(0, sz // 16, wgrp, 0)
        pltpu.sync_copy(wbuf.at[pl.ds(0, sz)],
                        sh_w.at[pl.ds(base + off, sz)])

    def zb_(i, _):
        zeroblk[pl.ds(i * 16, 16)] = jnp.zeros((16,), _f32)
        return 0

    lax.fori_loop(0, 128, zb_, 0)
    for sh in (sh_cars, sh_ent):
        for off in (0, 2048, 4096):
            pltpu.sync_copy(zeroblk, sh.at[pl.ds(base + off, 2048)])
        pltpu.sync_copy(zeroblk.at[pl.ds(0, 256)],
                        sh.at[pl.ds(base + 6144, 256)])
    plsc.subcore_barrier()

    bufs = (
        (sbuf0, dbuf0, zsb0, wsg0, msgb0, outb0, gsem0),
        (sbuf1, dbuf1, zsb1, wsg1, msgb1, outb1, gsem1),
    )

    def issue(c, B):
        sb, db, zsb, wsg, msgb, outb, sem = B
        pltpu.sync_copy(ep_hbm.at[0, pl.ds(c * EC, EC)], sb)
        pltpu.sync_copy(ep_hbm.at[1, pl.ds(c * EC, EC)], db)
        pltpu.sync_copy(zs_hbm.at[pl.ds(c * EC, EC)], zsb)
        pltpu.make_async_copy(sh_w.at[sb], wsg, sem).start()

    def consume(c, B):
        sb, db, zsb, wsg, msgb, outb, sem = B
        pltpu.make_async_copy(sh_w.at[sb], wsg, sem).wait()

        def grp(g, _):
            s16 = pl.ds(g * 16, 16)
            zs16 = zsb[s16]
            ws = wsg[s16]
            slb = zs16 < 0.0
            msg = jnp.abs(zs16) * ws
            msgb[s16] = msg
            outb[s16] = jnp.where(slb, 0.0, msg)
            return 0

        lax.fori_loop(0, EC // 16, grp, 0)
        sc1 = pltpu.async_copy(msgb, sh_cars.at[db], sem, add=True)
        sc2 = pltpu.async_copy(outb, sh_ent.at[db], sem, add=True)
        sc1.wait()
        sc2.wait()

    issue(wid, bufs[0])

    def outer(t2, _):
        for b in (0, 1):
            c = wid + 32 * (2 * t2 + b)
            cn = c + 32

            @pl.when(cn < NCHE)
            def _():
                issue(cn, bufs[1 - b])

            @pl.when(c < NCHE)
            def _():
                consume(c, bufs[b])

        return 0

    lax.fori_loop(0, T2, outer, 0)
    plsc.subcore_barrier()
    pltpu.sync_copy(sh_cars.at[pl.ds(base, SL)],
                    cars_out.at[cid, pl.ds(base, SL)])
    pltpu.sync_copy(sh_ent.at[pl.ds(base, SL)],
                    ent_out.at[cid, pl.ds(base, SL)])


def _pass2(ep, zs, cars1_flat, denom2):
    ebufs = []
    for _ in range(2):
        ebufs += [
            pltpu.VMEM((EC,), _i32),
            pltpu.VMEM((EC,), _i32),
            pltpu.VMEM((EC,), _f32),
            pltpu.VMEM((EC,), _f32),
            pltpu.VMEM((EC,), _f32),
            pltpu.VMEM((EC,), _f32),
        ]
    fn = pl.kernel(
        _pass2_body,
        out_type=(
            jax.ShapeDtypeStruct((2, N_PAD), _f32),
            jax.ShapeDtypeStruct((2, N_PAD), _f32),
        ),
        mesh=_mesh(),
        compiler_params=_SC_PARAMS,
        scratch_types=(
            pltpu.VMEM((2048,), _f32),
            pltpu.VMEM((2048,), _f32),
            pltpu.VMEM((2048,), _f32),
            pltpu.VMEM((2048,), _f32),
            pltpu.VMEM((2048,), _f32),
            *ebufs,
            pltpu.SemaphoreType.DMA,
            pltpu.SemaphoreType.DMA,
            pltpu.VMEM_SHARED((N_PAD,), _f32),
            pltpu.VMEM_SHARED((N_PAD,), _f32),
            pltpu.VMEM_SHARED((N_PAD,), _f32),
        ),
    )
    return fn(ep, zs, cars1_flat, denom2)


def _combine_body(a_ref, b_ref, ca_ref, cb_ref):
    ca_ref[...] = jnp.sum(a_ref[...], axis=0)
    cb_ref[...] = jnp.sum(b_ref[...], axis=0)


def _combine(carsp, entp):
    blk = 2048
    return pl.pallas_call(
        _combine_body,
        grid=(N_PAD // blk,),
        in_specs=[
            pl.BlockSpec((2, blk), lambda i: (0, i)),
            pl.BlockSpec((2, blk), lambda i: (0, i)),
        ],
        out_specs=[
            pl.BlockSpec((blk,), lambda i: (i,)),
            pl.BlockSpec((blk,), lambda i: (i,)),
        ],
        out_shape=(
            jax.ShapeDtypeStruct((N_PAD,), _f32),
            jax.ShapeDtypeStruct((N_PAD,), _f32),
        ),
    )(carsp, entp)


def kernel(edge_index, nfeatures, cars, free, entered, embed,
           W2p, b2p, W2e, b2e, W3, b3, W4, b4):
    eutab, evtab, q2d = _make_tables(embed, W2p, b2p, W2e, b2e, W3, b3)

    consts = jnp.zeros((8, 16), _f32)
    consts = consts.at[0, :8].set(W3[32])
    consts = consts.at[1, :8].set(W3[33])
    consts = consts.at[2, :8].set(W3[34])
    consts = consts.at[3, :8].set(W4[:, 0])
    consts = consts.at[4, 0].set(b4[0])
    consts = consts.at[5, 0].set(W2p[32, 0])

    nf2d = jnp.pad(nfeatures, (0, N_PAD - N)).reshape(NROWS, 128)
    cars2d = jnp.pad(cars[:, 0], (0, N_PAD - N)).reshape(NROWS, 128)
    free2d = jnp.pad(free[:, 0], (0, N_PAD - N)).reshape(NROWS, 128)
    ent_flat = jnp.pad(entered[:, 0], (0, N_PAD - N))

    emb_out, cars1_2d, meta2d = _node_stage(nf2d, cars2d, free2d, q2d,
                                            embed, consts)
    cars1_flat = cars1_2d.reshape(N_PAD)
    meta_flat = meta2d.reshape(N_PAD)

    zs, denom2 = _pass1(edge_index, cars1_flat, ent_flat, meta_flat,
                        eutab, evtab, consts)
    carsp, entp = _pass2(edge_index, zs, cars1_flat, denom2)
    cars_new, ent_new = _combine(carsp, entp)

    return (cars_new[:N, None], emb_out[:N], ent_new[:N, None])

# --- scband reference (transcript-rebuilt; emitter-appended) ---
"""Pipeline reference for scband-gcn-23673859735659 (READ-ONLY COPY).

The authoritative reference and input builder live on the scoring server;
editing this copy changes nothing except your own understanding.
"""

import jax, jax.numpy as jnp
import numpy as np

N = 100000
E = 1600000
EMB = 32
VOCAB = 1000


def setup_inputs(seed: int = 0) -> dict:
    key = jax.random.key(seed)
    ks = jax.random.split(key, 12)
    edge_index = jax.random.randint(ks[0], (2, E), 0, N, dtype=jnp.int32)
    nfeatures = jax.random.randint(ks[1], (N,), 0, VOCAB, dtype=jnp.int32)
    cars = jax.random.uniform(ks[2], (N, 1), dtype=jnp.float32)
    free = jax.random.randint(ks[3], (N, 1), 0, 2).astype(jnp.float32)
    entered = jax.random.uniform(ks[4], (N, 1), dtype=jnp.float32)
    embed = jax.random.normal(ks[5], (VOCAB, EMB), dtype=jnp.float32) * 0.1
    W2p = jax.random.normal(ks[6], (EMB + 1, 1), dtype=jnp.float32) * 0.1
    b2p = jnp.zeros((1,), jnp.float32)
    W2e = jax.random.normal(ks[7], (EMB * 2, EMB), dtype=jnp.float32) * 0.1
    b2e = jnp.zeros((EMB,), jnp.float32)
    W3 = jax.random.normal(ks[8], (EMB + 3, 8), dtype=jnp.float32) * 0.1
    b3 = jnp.zeros((8,), jnp.float32)
    W4 = jax.random.normal(ks[9], (8, 1), dtype=jnp.float32) * 0.1
    b4 = jnp.zeros((1,), jnp.float32)
    return {"edge_index": edge_index, "nfeatures": nfeatures, "cars": cars,
            "free": free, "entered": entered, "embed": embed,
            "W2p": W2p, "b2p": b2p, "W2e": W2e, "b2e": b2e,
            "W3": W3, "b3": b3, "W4": W4, "b4": b4}


def reference(edge_index, nfeatures, cars, free, entered, embed,
              W2p, b2p, W2e, b2e, W3, b3, W4, b4):
    src, dst = edge_index[0], edge_index[1]
    # --- PredictParkingModule (g.apply_nodes) ---
    embedding = jnp.take(embed, nfeatures, axis=0)            # [N, EMB]
    l2in = jnp.concatenate([embedding, cars], axis=1)         # [N, EMB+1]
    parked = l2in @ W2p + b2p                                 # [N, 1]
    cars1 = jax.nn.relu(parked) + cars
    cars1 = jax.nn.relu(cars1)
    # --- PredictEdgeProbModule (g.apply_edges) ---
    h = jnp.concatenate([embedding[src], embedding[dst]], axis=1)  # [E, 2*EMB]
    h = h @ W2e + b2e                                          # [E, EMB]
    h = jnp.concatenate([h, cars1[src], cars1[dst], entered[src]], axis=1)  # [E, EMB+3]
    h = jax.nn.relu(h @ W3 + b3)                               # [E, 8]
    h = h @ W4 + b4                                            # [E, 1]
    selfloop = (nfeatures[src] == nfeatures[dst]).astype(jnp.float32)[:, None]
    enabled = (selfloop != free[src]).astype(jnp.float32)
    logit = jax.nn.relu(h) * enabled                           # [E, 1]
    # --- group_apply_edges softmax grouped by src (segment softmax) ---
    lf = logit[:, 0]
    m = jax.ops.segment_max(lf, src, num_segments=N)
    m = jnp.where(jnp.isfinite(m), m, 0.0)
    z = jnp.exp(lf - m[src])
    denom = jax.ops.segment_sum(z, src, num_segments=N)
    prob = (z / denom[src])[:, None]                           # [E, 1]
    # --- pull: flow_message_func + flow_reduce_func ---
    all_moving = cars1[src] * prob                             # [E, 1]
    outer = all_moving * (1.0 - selfloop)                      # [E, 1]
    cars_new = jax.ops.segment_sum(all_moving, dst, num_segments=N)
    entered_new = jax.ops.segment_sum(outer, dst, num_segments=N)
    return (cars_new, embedding, entered_new)

if __name__ == "__main__":
    import jax
    _d = setup_inputs()
    print(jax.jit(kernel)(*tuple(_d.values())))

</pallas_src>

<mosaic_0001>
#map = affine_map<(d0, d1) -> (0, 0)>
#map1 = affine_map<(d0, d1) -> (0)>
module attributes {stable_mosaic.version = 14 : i64} {
  func.func @_pass1_body(%arg0: i32, %arg1: i32, %arg2: memref<2x1600000xi32, #tpu.memory_space<hbm>>, %arg3: memref<102400xf32, #tpu.memory_space<hbm>>, %arg4: memref<102400xf32, #tpu.memory_space<hbm>>, %arg5: memref<102400xi32, #tpu.memory_space<hbm>>, %arg6: memref<1000x8xf32, #tpu.memory_space<hbm>>, %arg7: memref<1000x8xf32, #tpu.memory_space<hbm>>, %arg8: memref<8x16xf32, #tpu.memory_space<hbm>>, %arg9: memref<1600000xf32, #tpu.memory_space<hbm>>, %arg10: memref<2x102400xf32, #tpu.memory_space<hbm>>, %arg11: memref<1000x8xf32, #tpu.memory_space<vmem>>, %arg12: memref<1000x8xf32, #tpu.memory_space<vmem>>, %arg13: memref<8x16xf32, #tpu.memory_space<vmem>>, %arg14: memref<2048xf32, #tpu.memory_space<vmem>>, %arg15: memref<2560xi32, #tpu.memory_space<vmem>>, %arg16: memref<2560xi32, #tpu.memory_space<vmem>>, %arg17: memref<2560xf32, #tpu.memory_space<vmem>>, %arg18: memref<2560xf32, #tpu.memory_space<vmem>>, %arg19: memref<2560xi32, #tpu.memory_space<vmem>>, %arg20: memref<2560xf32, #tpu.memory_space<vmem>>, %arg21: memref<2560xi32, #tpu.memory_space<vmem>>, %arg22: memref<2560xf32, #tpu.memory_space<vmem>>, %arg23: memref<2560xf32, #tpu.memory_space<vmem>>, %arg24: memref<2560xi32, #tpu.memory_space<vmem>>, %arg25: memref<2560xi32, #tpu.memory_space<vmem>>, %arg26: memref<2560xf32, #tpu.memory_space<vmem>>, %arg27: memref<2560xf32, #tpu.memory_space<vmem>>, %arg28: memref<2560xi32, #tpu.memory_space<vmem>>, %arg29: memref<2560xf32, #tpu.memory_space<vmem>>, %arg30: memref<2560xi32, #tpu.memory_space<vmem>>, %arg31: memref<2560xf32, #tpu.memory_space<vmem>>, %arg32: memref<2560xf32, #tpu.memory_space<vmem>>, %arg33: memref<!tpu.dma_semaphore, #tpu.memory_space<semaphore_mem>>, %arg34: memref<!tpu.dma_semaphore, #tpu.memory_space<semaphore_mem>>, %arg35: memref<102400xf32, #tpu.memory_space<vmem_shared>>, %arg36: memref<102400xf32, #tpu.memory_space<vmem_shared>>, %arg37: memref<102400xi32, #tpu.memory_space<vmem_shared>>, %arg38: memref<102400xf32, #tpu.memory_space<vmem_shared>>) attributes {dimension_semantics = [#tpu.dimension_semantics<core_parallel>, #tpu.dimension_semantics<subcore_parallel>], iteration_bounds = array<i64: 2, 16>, scalar_prefetch = 0 : i64, scratch_operands = 28 : i64, tpu.core_type = #tpu.core_type<sc_vector_subcore>, window_params = [{transform_indices = #map}, {transform_indices = #map1}, {transform_indices = #map1}, {transform_indices = #map1}, {transform_indices = #map}, {transform_indices = #map}, {transform_indices = #map}, {transform_indices = #map1}, {transform_indices = #map}]} {
    %mul3A = arith.constant 2 : i32
    %mul3A_0 = arith.muli %arg1, %mul3A : i32
    %add3A = arith.addi %mul3A_0, %arg0 : i32
    %mul3A_1 = arith.constant 6400 : i32
    %mul3A_2 = arith.muli %arg1, %mul3A_1 : i32
    "tpu.region"() ({
      %run_scoped3A_122 = tpu.sem_alloc : memref<!tpu.dma_semaphore, #tpu.memory_space<semaphore_mem>>
      tpu.enqueue_dma source(%arg6 : memref<1000x8xf32, #tpu.memory_space<hbm>>) target(%arg11 : memref<1000x8xf32, #tpu.memory_space<vmem>>) target_semaphore(%run_scoped3A_122 : memref<!tpu.dma_semaphore, #tpu.memory_space<semaphore_mem>>)
      tpu.wait_dma2 semaphore(%run_scoped3A_122 : memref<!tpu.dma_semaphore, #tpu.memory_space<semaphore_mem>>) src(%arg6 : memref<1000x8xf32, #tpu.memory_space<hbm>>) dst(%arg11 : memref<1000x8xf32, #tpu.memory_space<vmem>>)
      tpu.yield
    }) : () -> ()
    "tpu.region"() ({
      %run_scoped3A_122 = tpu.sem_alloc : memref<!tpu.dma_semaphore, #tpu.memory_space<semaphore_mem>>
      tpu.enqueue_dma source(%arg7 : memref<1000x8xf32, #tpu.memory_space<hbm>>) target(%arg12 : memref<1000x8xf32, #tpu.memory_space<vmem>>) target_semaphore(%run_scoped3A_122 : memref<!tpu.dma_semaphore, #tpu.memory_space<semaphore_mem>>)
      tpu.wait_dma2 semaphore(%run_scoped3A_122 : memref<!tpu.dma_semaphore, #tpu.memory_space<semaphore_mem>>) src(%arg7 : memref<1000x8xf32, #tpu.memory_space<hbm>>) dst(%arg12 : memref<1000x8xf32, #tpu.memory_space<vmem>>)
      tpu.yield
    }) : () -> ()
    "tpu.region"() ({
      %run_scoped3A_122 = tpu.sem_alloc : memref<!tpu.dma_semaphore, #tpu.memory_space<semaphore_mem>>
      tpu.enqueue_dma source(%arg8 : memref<8x16xf32, #tpu.memory_space<hbm>>) target(%arg13 : memref<8x16xf32, #tpu.memory_space<vmem>>) target_semaphore(%run_scoped3A_122 : memref<!tpu.dma_semaphore, #tpu.memory_space<semaphore_mem>>)
      tpu.wait_dma2 semaphore(%run_scoped3A_122 : memref<!tpu.dma_semaphore, #tpu.memory_space<semaphore_mem>>) src(%arg8 : memref<8x16xf32, #tpu.memory_space<hbm>>) dst(%arg13 : memref<8x16xf32, #tpu.memory_space<vmem>>)
      tpu.yield
    }) : () -> ()
    "tpu.region"() ({
      %run_scoped3A_122 = tpu.sem_alloc : memref<!tpu.dma_semaphore, #tpu.memory_space<semaphore_mem>>
      %dma_start3A_123 = tpu.memref_slice %arg35[%mul3A_2] : memref<102400xf32, #tpu.memory_space<vmem_shared>> -> memref<6400xf32, #tpu.memory_space<vmem_shared>>
      %dma_start3A_124 = tpu.memref_slice %arg3[%mul3A_2] : memref<102400xf32, #tpu.memory_space<hbm>> -> memref<6400xf32, #tpu.memory_space<hbm>>
      tpu.enqueue_dma source(%dma_start3A_124 : memref<6400xf32, #tpu.memory_space<hbm>>) target(%dma_start3A_123 : memref<6400xf32, #tpu.memory_space<vmem_shared>>) target_semaphore(%run_scoped3A_122 : memref<!tpu.dma_semaphore, #tpu.memory_space<semaphore_mem>>)
      %dma_wait3A = tpu.memref_slice %arg35[%mul3A_2] : memref<102400xf32, #tpu.memory_space<vmem_shared>> -> memref<6400xf32, #tpu.memory_space<vmem_shared>>
      %dma_wait3A_125 = tpu.memref_slice %arg3[%mul3A_2] : memref<102400xf32, #tpu.memory_space<hbm>> -> memref<6400xf32, #tpu.memory_space<hbm>>
      tpu.wait_dma2 semaphore(%run_scoped3A_122 : memref<!tpu.dma_semaphore, #tpu.memory_space<semaphore_mem>>) src(%dma_wait3A_125 : memref<6400xf32, #tpu.memory_space<hbm>>) dst(%dma_wait3A : memref<6400xf32, #tpu.memory_space<vmem_shared>>)
      tpu.yield
    }) : () -> ()
    "tpu.region"() ({
      %run_scoped3A_122 = tpu.sem_alloc : memref<!tpu.dma_semaphore, #tpu.memory_space<semaphore_mem>>
      %dma_start3A_123 = tpu.memref_slice %arg36[%mul3A_2] : memref<102400xf32, #tpu.memory_space<vmem_shared>> -> memref<6400xf32, #tpu.memory_space<vmem_shared>>
      %dma_start3A_124 = tpu.memref_slice %arg4[%mul3A_2] : memref<102400xf32, #tpu.memory_space<hbm>> -> memref<6400xf32, #tpu.memory_space<hbm>>
      tpu.enqueue_dma source(%dma_start3A_124 : memref<6400xf32, #tpu.memory_space<hbm>>) target(%dma_start3A_123 : memref<6400xf32, #tpu.memory_space<vmem_shared>>) target_semaphore(%run_scoped3A_122 : memref<!tpu.dma_semaphore, #tpu.memory_space<semaphore_mem>>)
      %dma_wait3A = tpu.memref_slice %arg36[%mul3A_2] : memref<102400xf32, #tpu.memory_space<vmem_shared>> -> memref<6400xf32, #tpu.memory_space<vmem_shared>>
      %dma_wait3A_125 = tpu.memref_slice %arg4[%mul3A_2] : memref<102400xf32, #tpu.memory_space<hbm>> -> memref<6400xf32, #tpu.memory_space<hbm>>
      tpu.wait_dma2 semaphore(%run_scoped3A_122 : memref<!tpu.dma_semaphore, #tpu.memory_space<semaphore_mem>>) src(%dma_wait3A_125 : memref<6400xf32, #tpu.memory_space<hbm>>) dst(%dma_wait3A : memref<6400xf32, #tpu.memory_space<vmem_shared>>)
      tpu.yield
    }) : () -> ()
    "tpu.region"() ({
      %run_scoped3A_122 = tpu.sem_alloc : memref<!tpu.dma_semaphore, #tpu.memory_space<semaphore_mem>>
      %dma_start3A_123 = tpu.memref_slice %arg37[%mul3A_2] : memref<102400xi32, #tpu.memory_space<vmem_shared>> -> memref<6400xi32, #tpu.memory_space<vmem_shared>>
      %dma_start3A_124 = tpu.memref_slice %arg5[%mul3A_2] : memref<102400xi32, #tpu.memory_space<hbm>> -> memref<6400xi32, #tpu.memory_space<hbm>>
      tpu.enqueue_dma source(%dma_start3A_124 : memref<6400xi32, #tpu.memory_space<hbm>>) target(%dma_start3A_123 : memref<6400xi32, #tpu.memory_space<vmem_shared>>) target_semaphore(%run_scoped3A_122 : memref<!tpu.dma_semaphore, #tpu.memory_space<semaphore_mem>>)
      %dma_wait3A = tpu.memref_slice %arg37[%mul3A_2] : memref<102400xi32, #tpu.memory_space<vmem_shared>> -> memref<6400xi32, #tpu.memory_space<vmem_shared>>
      %dma_wait3A_125 = tpu.memref_slice %arg5[%mul3A_2] : memref<102400xi32, #tpu.memory_space<hbm>> -> memref<6400xi32, #tpu.memory_space<hbm>>
      tpu.wait_dma2 semaphore(%run_scoped3A_122 : memref<!tpu.dma_semaphore, #tpu.memory_space<semaphore_mem>>) src(%dma_wait3A_125 : memref<6400xi32, #tpu.memory_space<hbm>>) dst(%dma_wait3A : memref<6400xi32, #tpu.memory_space<vmem_shared>>)
      tpu.yield
    }) : () -> ()
    %scan3A = arith.constant 0 : i32
    %scan3A_3 = arith.constant 0 : i32
    %scan3A_4 = arith.constant 128 : i32
    %scan3A_5 = arith.addi %scan3A_3, %scan3A_4 : i32
    %scan3A_6 = arith.constant 1 : i32
    %scan3A_7 = scf.for %scan3A_122 = %scan3A_3 to %scan3A_5 step %scan3A_6 iter_args(%scan3A_123 = %scan3A) -> (i32)  : i32 {
      %broadcast_in_dim3A = arith.constant 0.000000e+00 : f32
      %broadcast_in_dim3A_124 = vector.broadcast %broadcast_in_dim3A : f32 to vector<16xf32>
      %mul3A_125 = arith.constant 16 : i32
      %mul3A_126 = arith.muli %scan3A_122, %mul3A_125 : i32
      %swap3A = arith.index_cast %mul3A_126 : i32 to index
      %swap3A_127 = tpu.vector_load %arg14[%swap3A] {strides = array<i32>} : memref<2048xf32, #tpu.memory_space<vmem>>, vector<16xf32>,
      tpu.vector_store %arg14[%swap3A], %broadcast_in_dim3A_124 {strides = array<i32>} : memref<2048xf32, #tpu.memory_space<vmem>>, vector<16xf32>,
      %scan3A_128 = arith.constant 0 : i32
      scf.yield %scan3A_128 : i32
    }
    %scan3A_8 = arith.constant 128 : i32
    %add3A_9 = arith.constant 0 : i32
    %add3A_10 = arith.addi %mul3A_2, %add3A_9 : i32
    "tpu.region"() ({
      %run_scoped3A_122 = tpu.sem_alloc : memref<!tpu.dma_semaphore, #tpu.memory_space<semaphore_mem>>
      %dma_start3A_123 = tpu.memref_slice %arg38[%add3A_10] : memref<102400xf32, #tpu.memory_space<vmem_shared>> -> memref<2048xf32, #tpu.memory_space<vmem_shared>>
      %dma_start3A_124 = tpu.memref_slice %arg38[%add3A_10] : memref<102400xf32, #tpu.memory_space<vmem_shared>> -> memref<2048xf32, #tpu.memory_space<vmem_shared>>
      tpu.enqueue_dma source(%arg14 : memref<2048xf32, #tpu.memory_space<vmem>>) target(%dma_start3A_124 : memref<2048xf32, #tpu.memory_space<vmem_shared>>) target_semaphore(%run_scoped3A_122 : memref<!tpu.dma_semaphore, #tpu.memory_space<semaphore_mem>>)
      %dma_wait3A = tpu.memref_slice %arg38[%add3A_10] : memref<102400xf32, #tpu.memory_space<vmem_shared>> -> memref<2048xf32, #tpu.memory_space<vmem_shared>>
      %dma_wait3A_125 = tpu.memref_slice %arg38[%add3A_10] : memref<102400xf32, #tpu.memory_space<vmem_shared>> -> memref<2048xf32, #tpu.memory_space<vmem_shared>>
      tpu.wait_dma2 semaphore(%run_scoped3A_122 : memref<!tpu.dma_semaphore, #tpu.memory_space<semaphore_mem>>) src(%arg14 : memref<2048xf32, #tpu.memory_space<vmem>>) dst(%dma_wait3A_125 : memref<2048xf32, #tpu.memory_space<vmem_shared>>)
      tpu.yield
    }) : () -> ()
    %add3A_11 = arith.constant 2048 : i32
    %add3A_12 = arith.addi %mul3A_2, %add3A_11 : i32
    "tpu.region"() ({
      %run_scoped3A_122 = tpu.sem_alloc : memref<!tpu.dma_semaphore, #tpu.memory_space<semaphore_mem>>
      %dma_start3A_123 = tpu.memref_slice %arg38[%add3A_12] : memref<102400xf32, #tpu.memory_space<vmem_shared>> -> memref<2048xf32, #tpu.memory_space<vmem_shared>>
      %dma_start3A_124 = tpu.memref_slice %arg38[%add3A_12] : memref<102400xf32, #tpu.memory_space<vmem_shared>> -> memref<2048xf32, #tpu.memory_space<vmem_shared>>
      tpu.enqueue_dma source(%arg14 : memref<2048xf32, #tpu.memory_space<vmem>>) target(%dma_start3A_124 : memref<2048xf32, #tpu.memory_space<vmem_shared>>) target_semaphore(%run_scoped3A_122 : memref<!tpu.dma_semaphore, #tpu.memory_space<semaphore_mem>>)
      %dma_wait3A = tpu.memref_slice %arg38[%add3A_12] : memref<102400xf32, #tpu.memory_space<vmem_shared>> -> memref<2048xf32, #tpu.memory_space<vmem_shared>>
      %dma_wait3A_125 = tpu.memref_slice %arg38[%add3A_12] : memref<102400xf32, #tpu.memory_space<vmem_shared>> -> memref<2048xf32, #tpu.memory_space<vmem_shared>>
      tpu.wait_dma2 semaphore(%run_scoped3A_122 : memref<!tpu.dma_semaphore, #tpu.memory_space<semaphore_mem>>) src(%arg14 : memref<2048xf32, #tpu.memory_space<vmem>>) dst(%dma_wait3A_125 : memref<2048xf32, #tpu.memory_space<vmem_shared>>)
      tpu.yield
    }) : () -> ()
    %add3A_13 = arith.constant 4096 : i32
    %add3A_14 = arith.addi %mul3A_2, %add3A_13 : i32
    "tpu.region"() ({
      %run_scoped3A_122 = tpu.sem_alloc : memref<!tpu.dma_semaphore, #tpu.memory_space<semaphore_mem>>
      %dma_start3A_123 = tpu.memref_slice %arg38[%add3A_14] : memref<102400xf32, #tpu.memory_space<vmem_shared>> -> memref<2048xf32, #tpu.memory_space<vmem_shared>>
      %dma_start3A_124 = tpu.memref_slice %arg38[%add3A_14] : memref<102400xf32, #tpu.memory_space<vmem_shared>> -> memref<2048xf32, #tpu.memory_space<vmem_shared>>
      tpu.enqueue_dma source(%arg14 : memref<2048xf32, #tpu.memory_space<vmem>>) target(%dma_start3A_124 : memref<2048xf32, #tpu.memory_space<vmem_shared>>) target_semaphore(%run_scoped3A_122 : memref<!tpu.dma_semaphore, #tpu.memory_space<semaphore_mem>>)
      %dma_wait3A = tpu.memref_slice %arg38[%add3A_14] : memref<102400xf32, #tpu.memory_space<vmem_shared>> -> memref<2048xf32, #tpu.memory_space<vmem_shared>>
      %dma_wait3A_125 = tpu.memref_slice %arg38[%add3A_14] : memref<102400xf32, #tpu.memory_space<vmem_shared>> -> memref<2048xf32, #tpu.memory_space<vmem_shared>>
      tpu.wait_dma2 semaphore(%run_scoped3A_122 : memref<!tpu.dma_semaphore, #tpu.memory_space<semaphore_mem>>) src(%arg14 : memref<2048xf32, #tpu.memory_space<vmem>>) dst(%dma_wait3A_125 : memref<2048xf32, #tpu.memory_space<vmem_shared>>)
      tpu.yield
    }) : () -> ()
    %add3A_15 = arith.constant 6144 : i32
    %add3A_16 = arith.addi %mul3A_2, %add3A_15 : i32
    "tpu.region"() ({
      %run_scoped3A_122 = tpu.sem_alloc : memref<!tpu.dma_semaphore, #tpu.memory_space<semaphore_mem>>
      %dma_start3A_123 = arith.constant 0 : i32
      %dma_start3A_124 = tpu.memref_slice %arg14[%dma_start3A_123] : memref<2048xf32, #tpu.memory_space<vmem>> -> memref<256xf32, #tpu.memory_space<vmem>>
      %dma_start3A_125 = tpu.memref_slice %arg38[%add3A_16] : memref<102400xf32, #tpu.memory_space<vmem_shared>> -> memref<256xf32, #tpu.memory_space<vmem_shared>>
      %dma_start3A_126 = tpu.memref_slice %arg38[%add3A_16] : memref<102400xf32, #tpu.memory_space<vmem_shared>> -> memref<256xf32, #tpu.memory_space<vmem_shared>>
      %dma_start3A_127 = arith.constant 0 : i32
      %dma_start3A_128 = tpu.memref_slice %arg14[%dma_start3A_127] : memref<2048xf32, #tpu.memory_space<vmem>> -> memref<256xf32, #tpu.memory_space<vmem>>
      tpu.enqueue_dma source(%dma_start3A_128 : memref<256xf32, #tpu.memory_space<vmem>>) target(%dma_start3A_126 : memref<256xf32, #tpu.memory_space<vmem_shared>>) target_semaphore(%run_scoped3A_122 : memref<!tpu.dma_semaphore, #tpu.memory_space<semaphore_mem>>)
      %dma_wait3A = arith.constant 0 : i32
      %dma_wait3A_129 = tpu.memref_slice %arg14[%dma_wait3A] : memref<2048xf32, #tpu.memory_space<vmem>> -> memref<256xf32, #tpu.memory_space<vmem>>
      %dma_wait3A_130 = tpu.memref_slice %arg38[%add3A_16] : memref<102400xf32, #tpu.memory_space<vmem_shared>> -> memref<256xf32, #tpu.memory_space<vmem_shared>>
      %dma_wait3A_131 = tpu.memref_slice %arg38[%add3A_16] : memref<102400xf32, #tpu.memory_space<vmem_shared>> -> memref<256xf32, #tpu.memory_space<vmem_shared>>
      %dma_wait3A_132 = arith.constant 0 : i32
      %dma_wait3A_133 = tpu.memref_slice %arg14[%dma_wait3A_132] : memref<2048xf32, #tpu.memory_space<vmem>> -> memref<256xf32, #tpu.memory_space<vmem>>
      tpu.wait_dma2 semaphore(%run_scoped3A_122 : memref<!tpu.dma_semaphore, #tpu.memory_space<semaphore_mem>>) src(%dma_wait3A_133 : memref<256xf32, #tpu.memory_space<vmem>>) dst(%dma_wait3A_131 : memref<256xf32, #tpu.memory_space<vmem_shared>>)
      tpu.yield
    }) : () -> ()
    %barrier3A = arith.constant 0 : index
    tpu.barrier barrier_id(%barrier3A)
    %get3A = arith.constant 0 : i32
    %get3A_17 = arith.index_cast %get3A : i32 to index
    %get3A_18 = arith.constant 0 : index
    %get3A_19 = tpu.vector_load %arg13[%get3A_17, %get3A_18] {strides = array<i32>} : memref<8x16xf32, #tpu.memory_space<vmem>>, vector<16xf32>,
    %get3A_20 = arith.constant 1 : i32
    %get3A_21 = arith.index_cast %get3A_20 : i32 to index
    %get3A_22 = arith.constant 0 : index
    %get3A_23 = tpu.vector_load %arg13[%get3A_21, %get3A_22] {strides = array<i32>} : memref<8x16xf32, #tpu.memory_space<vmem>>, vector<16xf32>,
    %get3A_24 = arith.constant 2 : i32
    %get3A_25 = arith.index_cast %get3A_24 : i32 to index
    %get3A_26 = arith.constant 0 : index
    %get3A_27 = tpu.vector_load %arg13[%get3A_25, %get3A_26] {strides = array<i32>} : memref<8x16xf32, #tpu.memory_space<vmem>>, vector<16xf32>,
    %get3A_28 = arith.constant 3 : i32
    %get3A_29 = arith.index_cast %get3A_28 : i32 to index
    %get3A_30 = arith.constant 0 : index
    %get3A_31 = tpu.vector_load %arg13[%get3A_29, %get3A_30] {strides = array<i32>} : memref<8x16xf32, #tpu.memory_space<vmem>>, vector<16xf32>,
    %get3A_32 = arith.constant 4 : i32
    %get3A_33 = arith.index_cast %get3A_32 : i32 to index
    %get3A_34 = arith.constant 0 : index
    %get3A_35 = tpu.vector_load %arg13[%get3A_33, %get3A_34] {strides = array<i32>} : memref<8x16xf32, #tpu.memory_space<vmem>>, vector<16xf32>,
    %slice3A = vector.extract_strided_slice %get3A_19 {offsets = [0], sizes = [1], strides = [1]} : vector<16xf32> to vector<1xf32>
    %squeeze3A = vector.extract %slice3A[0] : f32 from vector<1xf32>
    %slice3A_36 = vector.extract_strided_slice %get3A_19 {offsets = [1], sizes = [1], strides = [1]} : vector<16xf32> to vector<1xf32>
    %squeeze3A_37 = vector.extract %slice3A_36[0] : f32 from vector<1xf32>
    %slice3A_38 = vector.extract_strided_slice %get3A_19 {offsets = [2], sizes = [1], strides = [1]} : vector<16xf32> to vector<1xf32>
    %squeeze3A_39 = vector.extract %slice3A_38[0] : f32 from vector<1xf32>
    %slice3A_40 = vector.extract_strided_slice %get3A_19 {offsets = [3], sizes = [1], strides = [1]} : vector<16xf32> to vector<1xf32>
    %squeeze3A_41 = vector.extract %slice3A_40[0] : f32 from vector<1xf32>
    %slice3A_42 = vector.extract_strided_slice %get3A_19 {offsets = [4], sizes = [1], strides = [1]} : vector<16xf32> to vector<1xf32>
    %squeeze3A_43 = vector.extract %slice3A_42[0] : f32 from vector<1xf32>
    %slice3A_44 = vector.extract_strided_slice %get3A_19 {offsets = [5], sizes = [1], strides = [1]} : vector<16xf32> to vector<1xf32>
    %squeeze3A_45 = vector.extract %slice3A_44[0] : f32 from vector<1xf32>
    %slice3A_46 = vector.extract_strided_slice %get3A_19 {offsets = [6], sizes = [1], strides = [1]} : vector<16xf32> to vector<1xf32>
    %squeeze3A_47 = vector.extract %slice3A_46[0] : f32 from vector<1xf32>
    %slice3A_48 = vector.extract_strided_slice %get3A_19 {offsets = [7], sizes = [1], strides = [1]} : vector<16xf32> to vector<1xf32>
    %squeeze3A_49 = vector.extract %slice3A_48[0] : f32 from vector<1xf32>
    %slice3A_50 = vector.extract_strided_slice %get3A_23 {offsets = [0], sizes = [1], strides = [1]} : vector<16xf32> to vector<1xf32>
    %squeeze3A_51 = vector.extract %slice3A_50[0] : f32 from vector<1xf32>
    %slice3A_52 = vector.extract_strided_slice %get3A_23 {offsets = [1], sizes = [1], strides = [1]} : vector<16xf32> to vector<1xf32>
    %squeeze3A_53 = vector.extract %slice3A_52[0] : f32 from vector<1xf32>
    %slice3A_54 = vector.extract_strided_slice %get3A_23 {offsets = [2], sizes = [1], strides = [1]} : vector<16xf32> to vector<1xf32>
    %squeeze3A_55 = vector.extract %slice3A_54[0] : f32 from vector<1xf32>
    %slice3A_56 = vector.extract_strided_slice %get3A_23 {offsets = [3], sizes = [1], strides = [1]} : vector<16xf32> to vector<1xf32>
    %squeeze3A_57 = vector.extract %slice3A_56[0] : f32 from vector<1xf32>
    %slice3A_58 = vector.extract_strided_slice %get3A_23 {offsets = [4], sizes = [1], strides = [1]} : vector<16xf32> to vector<1xf32>
    %squeeze3A_59 = vector.extract %slice3A_58[0] : f32 from vector<1xf32>
    %slice3A_60 = vector.extract_strided_slice %get3A_23 {offsets = [5], sizes = [1], strides = [1]} : vector<16xf32> to vector<1xf32>
    %squeeze3A_61 = vector.extract %slice3A_60[0] : f32 from vector<1xf32>
    %slice3A_62 = vector.extract_strided_slice %get3A_23 {offsets = [6], sizes = [1], strides = [1]} : vector<16xf32> to vector<1xf32>
    %squeeze3A_63 = vector.extract %slice3A_62[0] : f32 from vector<1xf32>
    %slice3A_64 = vector.extract_strided_slice %get3A_23 {offsets = [7], sizes = [1], strides = [1]} : vector<16xf32> to vector<1xf32>
    %squeeze3A_65 = vector.extract %slice3A_64[0] : f32 from vector<1xf32>
    %slice3A_66 = vector.extract_strided_slice %get3A_27 {offsets = [0], sizes = [1], strides = [1]} : vector<16xf32> to vector<1xf32>
    %squeeze3A_67 = vector.extract %slice3A_66[0] : f32 from vector<1xf32>
    %slice3A_68 = vector.extract_strided_slice %get3A_27 {offsets = [1], sizes = [1], strides = [1]} : vector<16xf32> to vector<1xf32>
    %squeeze3A_69 = vector.extract %slice3A_68[0] : f32 from vector<1xf32>
    %slice3A_70 = vector.extract_strided_slice %get3A_27 {offsets = [2], sizes = [1], strides = [1]} : vector<16xf32> to vector<1xf32>
    %squeeze3A_71 = vector.extract %slice3A_70[0] : f32 from vector<1xf32>
    %slice3A_72 = vector.extract_strided_slice %get3A_27 {offsets = [3], sizes = [1], strides = [1]} : vector<16xf32> to vector<1xf32>
    %squeeze3A_73 = vector.extract %slice3A_72[0] : f32 from vector<1xf32>
    %slice3A_74 = vector.extract_strided_slice %get3A_27 {offsets = [4], sizes = [1], strides = [1]} : vector<16xf32> to vector<1xf32>
    %squeeze3A_75 = vector.extract %slice3A_74[0] : f32 from vector<1xf32>
    %slice3A_76 = vector.extract_strided_slice %get3A_27 {offsets = [5], sizes = [1], strides = [1]} : vector<16xf32> to vector<1xf32>
    %squeeze3A_77 = vector.extract %slice3A_76[0] : f32 from vector<1xf32>
    %slice3A_78 = vector.extract_strided_slice %get3A_27 {offsets = [6], sizes = [1], strides = [1]} : vector<16xf32> to vector<1xf32>
    %squeeze3A_79 = vector.extract %slice3A_78[0] : f32 from vector<1xf32>
    %slice3A_80 = vector.extract_strided_slice %get3A_27 {offsets = [7], sizes = [1], strides = [1]} : vector<16xf32> to vector<1xf32>
    %squeeze3A_81 = vector.extract %slice3A_80[0] : f32 from vector<1xf32>
    %slice3A_82 = vector.extract_strided_slice %get3A_31 {offsets = [0], sizes = [1], strides = [1]} : vector<16xf32> to vector<1xf32>
    %squeeze3A_83 = vector.extract %slice3A_82[0] : f32 from vector<1xf32>
    %slice3A_84 = vector.extract_strided_slice %get3A_31 {offsets = [1], sizes = [1], strides = [1]} : vector<16xf32> to vector<1xf32>
    %squeeze3A_85 = vector.extract %slice3A_84[0] : f32 from vector<1xf32>
    %slice3A_86 = vector.extract_strided_slice %get3A_31 {offsets = [2], sizes = [1], strides = [1]} : vector<16xf32> to vector<1xf32>
    %squeeze3A_87 = vector.extract %slice3A_86[0] : f32 from vector<1xf32>
    %slice3A_88 = vector.extract_strided_slice %get3A_31 {offsets = [3], sizes = [1], strides = [1]} : vector<16xf32> to vector<1xf32>
    %squeeze3A_89 = vector.extract %slice3A_88[0] : f32 from vector<1xf32>
    %slice3A_90 = vector.extract_strided_slice %get3A_31 {offsets = [4], sizes = [1], strides = [1]} : vector<16xf32> to vector<1xf32>
    %squeeze3A_91 = vector.extract %slice3A_90[0] : f32 from vector<1xf32>
    %slice3A_92 = vector.extract_strided_slice %get3A_31 {offsets = [5], sizes = [1], strides = [1]} : vector<16xf32> to vector<1xf32>
    %squeeze3A_93 = vector.extract %slice3A_92[0] : f32 from vector<1xf32>
    %slice3A_94 = vector.extract_strided_slice %get3A_31 {offsets = [6], sizes = [1], strides = [1]} : vector<16xf32> to vector<1xf32>
    %squeeze3A_95 = vector.extract %slice3A_94[0] : f32 from vector<1xf32>
    %slice3A_96 = vector.extract_strided_slice %get3A_31 {offsets = [7], sizes = [1], strides = [1]} : vector<16xf32> to vector<1xf32>
    %squeeze3A_97 = vector.extract %slice3A_96[0] : f32 from vector<1xf32>
    %slice3A_98 = vector.extract_strided_slice %get3A_35 {offsets = [0], sizes = [1], strides = [1]} : vector<16xf32> to vector<1xf32>
    %squeeze3A_99 = vector.extract %slice3A_98[0] : f32 from vector<1xf32>
    %mul3A_100 = arith.constant 2560 : i32
    %mul3A_101 = arith.muli %add3A, %mul3A_100 : i32
    %run_scoped3A = arith.constant 0 : i32
    "tpu.region"() ({
      %run_scoped3A_122 = tpu.sem_alloc : memref<!tpu.dma_semaphore, #tpu.memory_space<semaphore_mem>>
      %dma_start3A_123 = tpu.memref_slice %arg2[%run_scoped3A, %mul3A_101] : memref<2x1600000xi32, #tpu.memory_space<hbm>> -> memref<1x2560xi32, #tpu.memory_space<hbm>>
      %dma_start3A_124 = tpu.memref_squeeze %dma_start3A_123 : memref<1x2560xi32, #tpu.memory_space<hbm>> -> memref<2560xi32, #tpu.memory_space<hbm>>
      %dma_start3A_125 = tpu.memref_slice %arg2[%run_scoped3A, %mul3A_101] : memref<2x1600000xi32, #tpu.memory_space<hbm>> -> memref<1x2560xi32, #tpu.memory_space<hbm>>
      %dma_start3A_126 = tpu.memref_squeeze %dma_start3A_125 : memref<1x2560xi32, #tpu.memory_space<hbm>> -> memref<2560xi32, #tpu.memory_space<hbm>>
      tpu.enqueue_dma source(%dma_start3A_126 : memref<2560xi32, #tpu.memory_space<hbm>>) target(%arg15 : memref<2560xi32, #tpu.memory_space<vmem>>) target_semaphore(%run_scoped3A_122 : memref<!tpu.dma_semaphore, #tpu.memory_space<semaphore_mem>>)
      %dma_wait3A = tpu.memref_slice %arg2[%run_scoped3A, %mul3A_101] : memref<2x1600000xi32, #tpu.memory_space<hbm>> -> memref<1x2560xi32, #tpu.memory_space<hbm>>
      %dma_wait3A_127 = tpu.memref_squeeze %dma_wait3A : memref<1x2560xi32, #tpu.memory_space<hbm>> -> memref<2560xi32, #tpu.memory_space<hbm>>
      %dma_wait3A_128 = tpu.memref_slice %arg2[%run_scoped3A, %mul3A_101] : memref<2x1600000xi32, #tpu.memory_space<hbm>> -> memref<1x2560xi32, #tpu.memory_space<hbm>>
      %dma_wait3A_129 = tpu.memref_squeeze %dma_wait3A_128 : memref<1x2560xi32, #tpu.memory_space<hbm>> -> memref<2560xi32, #tpu.memory_space<hbm>>
      tpu.wait_dma2 semaphore(%run_scoped3A_122 : memref<!tpu.dma_semaphore, #tpu.memory_space<semaphore_mem>>) src(%dma_wait3A_129 : memref<2560xi32, #tpu.memory_space<hbm>>) dst(%arg15 : memref<2560xi32, #tpu.memory_space<vmem>>)
      tpu.yield
    }) : () -> ()
    %mul3A_102 = arith.constant 2560 : i32
    %mul3A_103 = arith.muli %add3A, %mul3A_102 : i32
    %run_scoped3A_104 = arith.constant 1 : i32
    "tpu.region"() ({
      %run_scoped3A_122 = tpu.sem_alloc : memref<!tpu.dma_semaphore, #tpu.memory_space<semaphore_mem>>
      %dma_start3A_123 = tpu.memref_slice %arg2[%run_scoped3A_104, %mul3A_103] : memref<2x1600000xi32, #tpu.memory_space<hbm>> -> memref<1x2560xi32, #tpu.memory_space<hbm>>
      %dma_start3A_124 = tpu.memref_squeeze %dma_start3A_123 : memref<1x2560xi32, #tpu.memory_space<hbm>> -> memref<2560xi32, #tpu.memory_space<hbm>>
      %dma_start3A_125 = tpu.memref_slice %arg2[%run_scoped3A_104, %mul3A_103] : memref<2x1600000xi32, #tpu.memory_space<hbm>> -> memref<1x2560xi32, #tpu.memory_space<hbm>>
      %dma_start3A_126 = tpu.memref_squeeze %dma_start3A_125 : memref<1x2560xi32, #tpu.memory_space<hbm>> -> memref<2560xi32, #tpu.memory_space<hbm>>
      tpu.enqueue_dma source(%dma_start3A_126 : memref<2560xi32, #tpu.memory_space<hbm>>) target(%arg16 : memref<2560xi32, #tpu.memory_space<vmem>>) target_semaphore(%run_scoped3A_122 : memref<!tpu.dma_semaphore, #tpu.memory_space<semaphore_mem>>)
      %dma_wait3A = tpu.memref_slice %arg2[%run_scoped3A_104, %mul3A_103] : memref<2x1600000xi32, #tpu.memory_space<hbm>> -> memref<1x2560xi32, #tpu.memory_space<hbm>>
      %dma_wait3A_127 = tpu.memref_squeeze %dma_wait3A : memref<1x2560xi32, #tpu.memory_space<hbm>> -> memref<2560xi32, #tpu.memory_space<hbm>>
      %dma_wait3A_128 = tpu.memref_slice %arg2[%run_scoped3A_104, %mul3A_103] : memref<2x1600000xi32, #tpu.memory_space<hbm>> -> memref<1x2560xi32, #tpu.memory_space<hbm>>
      %dma_wait3A_129 = tpu.memref_squeeze %dma_wait3A_128 : memref<1x2560xi32, #tpu.memory_space<hbm>> -> memref<2560xi32, #tpu.memory_space<hbm>>
      tpu.wait_dma2 semaphore(%run_scoped3A_122 : memref<!tpu.dma_semaphore, #tpu.memory_space<semaphore_mem>>) src(%dma_wait3A_129 : memref<2560xi32, #tpu.memory_space<hbm>>) dst(%arg16 : memref<2560xi32, #tpu.memory_space<vmem>>)
      tpu.yield
    }) : () -> ()
    %dma_start3A = arith.constant 0 : i32
    %dma_start3A_105 = tpu.memref_slice %arg35[%dma_start3A] : memref<102400xf32, #tpu.memory_space<vmem_shared>> -> memref<102400xf32, #tpu.memory_space<vmem_shared>>
    tpu.enqueue_indirect_dma source(%dma_start3A_105 : memref<102400xf32, #tpu.memory_space<vmem_shared>>) target(%arg17 : memref<2560xf32, #tpu.memory_space<vmem>>) offsets(%arg15 : memref<2560xi32, #tpu.memory_space<vmem>>) semaphore(%arg33 : memref<!tpu.dma_semaphore, #tpu.memory_space<semaphore_mem>>)
    %dma_start3A_106 = arith.constant 0 : i32
    %dma_start3A_107 = tpu.memref_slice %arg36[%dma_start3A_106] : memref<102400xf32, #tpu.memory_space<vmem_shared>> -> memref<102400xf32, #tpu.memory_space<vmem_shared>>
    tpu.enqueue_indirect_dma source(%dma_start3A_107 : memref<102400xf32, #tpu.memory_space<vmem_shared>>) target(%arg18 : memref<2560xf32, #tpu.memory_space<vmem>>) offsets(%arg15 : memref<2560xi32, #tpu.memory_space<vmem>>) semaphore(%arg33 : memref<!tpu.dma_semaphore, #tpu.memory_space<semaphore_mem>>)
    %dma_start3A_108 = arith.constant 0 : i32
    %dma_start3A_109 = tpu.memref_slice %arg37[%dma_start3A_108] : memref<102400xi32, #tpu.memory_space<vmem_shared>> -> memref<102400xi32, #tpu.memory_space<vmem_shared>>
    tpu.enqueue_indirect_dma source(%dma_start3A_109 : memref<102400xi32, #tpu.memory_space<vmem_shared>>) target(%arg19 : memref<2560xi32, #tpu.memory_space<vmem>>) offsets(%arg15 : memref<2560xi32, #tpu.memory_space<vmem>>) semaphore(%arg33 : memref<!tpu.dma_semaphore, #tpu.memory_space<semaphore_mem>>)
    %dma_start3A_110 = arith.constant 0 : i32
    %dma_start3A_111 = tpu.memref_slice %arg35[%dma_start3A_110] : memref<102400xf32, #tpu.memory_space<vmem_shared>> -> memref<102400xf32, #tpu.memory_space<vmem_shared>>
    tpu.enqueue_indirect_dma source(%dma_start3A_111 : memref<102400xf32, #tpu.memory_space<vmem_shared>>) target(%arg20 : memref<2560xf32, #tpu.memory_space<vmem>>) offsets(%arg16 : memref<2560xi32, #tpu.memory_space<vmem>>) semaphore(%arg33 : memref<!tpu.dma_semaphore, #tpu.memory_space<semaphore_mem>>)
    %dma_start3A_112 = arith.constant 0 : i32
    %dma_start3A_113 = tpu.memref_slice %arg37[%dma_start3A_112] : memref<102400xi32, #tpu.memory_space<vmem_shared>> -> memref<102400xi32, #tpu.memory_space<vmem_shared>>
    tpu.enqueue_indirect_dma source(%dma_start3A_113 : memref<102400xi32, #tpu.memory_space<vmem_shared>>) target(%arg21 : memref<2560xi32, #tpu.memory_space<vmem>>) offsets(%arg16 : memref<2560xi32, #tpu.memory_space<vmem>>) semaphore(%arg33 : memref<!tpu.dma_semaphore, #tpu.memory_space<semaphore_mem>>)
    %scan3A_114 = arith.constant 0 : i32
    %scan3A_115 = arith.constant 0 : i32
    %scan3A_116 = arith.constant 10 : i32
    %scan3A_117 = arith.addi %scan3A_115, %scan3A_116 : i32
    %scan3A_118 = arith.constant 1 : i32
    %scan3A_119 = scf.for %scan3A_122 = %scan3A_115 to %scan3A_117 step %scan3A_118 iter_args(%scan3A_123 = %scan3A_114) -> (i32)  : i32 {
      %mul3A_124 = arith.constant 2 : i32
      %mul3A_125 = arith.muli %mul3A_124, %scan3A_122 : i32
      %add3A_126 = arith.constant 0 : i32
      %add3A_127 = arith.addi %mul3A_125, %add3A_126 : i32
      %mul3A_128 = arith.constant 32 : i32
      %mul3A_129 = arith.muli %mul3A_128, %add3A_127 : i32
      %add3A_130 = arith.addi %add3A, %mul3A_129 : i32
      %add3A_131 = arith.constant 32 : i32
      %add3A_132 = arith.addi %add3A_130, %add3A_131 : i32
      %lt3A = arith.constant 625 : i32
      %lt3A_133 = arith.cmpi slt, %add3A_132, %lt3A : i32
      %convert_element_type3A = arith.extui %lt3A_133 : i1 to i32
      %cond3A = arith.constant 0 : i32
      %cond3A_134 = arith.cmpi ne, %convert_element_type3A, %cond3A : i32
      scf.if %cond3A_134 {
        %mul3A_160 = arith.constant 2560 : i32
        %mul3A_161 = arith.muli %add3A_132, %mul3A_160 : i32
        %run_scoped3A_162 = arith.constant 0 : i32
        "tpu.region"() ({
          %run_scoped3A_176 = tpu.sem_alloc : memref<!tpu.dma_semaphore, #tpu.memory_space<semaphore_mem>>
          %dma_start3A_177 = tpu.memref_slice %arg2[%run_scoped3A_162, %mul3A_161] : memref<2x1600000xi32, #tpu.memory_space<hbm>> -> memref<1x2560xi32, #tpu.memory_space<hbm>>
          %dma_start3A_178 = tpu.memref_squeeze %dma_start3A_177 : memref<1x2560xi32, #tpu.memory_space<hbm>> -> memref<2560xi32, #tpu.memory_space<hbm>>
          %dma_start3A_179 = tpu.memref_slice %arg2[%run_scoped3A_162, %mul3A_161] : memref<2x1600000xi32, #tpu.memory_space<hbm>> -> memref<1x2560xi32, #tpu.memory_space<hbm>>
          %dma_start3A_180 = tpu.memref_squeeze %dma_start3A_179 : memref<1x2560xi32, #tpu.memory_space<hbm>> -> memref<2560xi32, #tpu.memory_space<hbm>>
          tpu.enqueue_dma source(%dma_start3A_180 : memref<2560xi32, #tpu.memory_space<hbm>>) target(%arg24 : memref<2560xi32, #tpu.memory_space<vmem>>) target_semaphore(%run_scoped3A_176 : memref<!tpu.dma_semaphore, #tpu.memory_space<semaphore_mem>>)
          %dma_wait3A = tpu.memref_slice %arg2[%run_scoped3A_162, %mul3A_161] : memref<2x1600000xi32, #tpu.memory_space<hbm>> -> memref<1x2560xi32, #tpu.memory_space<hbm>>
          %dma_wait3A_181 = tpu.memref_squeeze %dma_wait3A : memref<1x2560xi32, #tpu.memory_space<hbm>> -> memref<2560xi32, #tpu.memory_space<hbm>>
          %dma_wait3A_182 = tpu.memref_slice %arg2[%run_scoped3A_162, %mul3A_161] : memref<2x1600000xi32, #tpu.memory_space<hbm>> -> memref<1x2560xi32, #tpu.memory_space<hbm>>
          %dma_wait3A_183 = tpu.memref_squeeze %dma_wait3A_182 : memref<1x2560xi32, #tpu.memory_space<hbm>> -> memref<2560xi32, #tpu.memory_space<hbm>>
          tpu.wait_dma2 semaphore(%run_scoped3A_176 : memref<!tpu.dma_semaphore, #tpu.memory_space<semaphore_mem>>) src(%dma_wait3A_183 : memref<2560xi32, #tpu.memory_space<hbm>>) dst(%arg24 : memref<2560xi32, #tpu.memory_space<vmem>>)
          tpu.yield
        }) : () -> ()
        %mul3A_163 = arith.constant 2560 : i32
        %mul3A_164 = arith.muli %add3A_132, %mul3A_163 : i32
        %run_scoped3A_165 = arith.constant 1 : i32
        "tpu.region"() ({
          %run_scoped3A_176 = tpu.sem_alloc : memref<!tpu.dma_semaphore, #tpu.memory_space<semaphore_mem>>
          %dma_start3A_177 = tpu.memref_slice %arg2[%run_scoped3A_165, %mul3A_164] : memref<2x1600000xi32, #tpu.memory_space<hbm>> -> memref<1x2560xi32, #tpu.memory_space<hbm>>
          %dma_start3A_178 = tpu.memref_squeeze %dma_start3A_177 : memref<1x2560xi32, #tpu.memory_space<hbm>> -> memref<2560xi32, #tpu.memory_space<hbm>>
          %dma_start3A_179 = tpu.memref_slice %arg2[%run_scoped3A_165, %mul3A_164] : memref<2x1600000xi32, #tpu.memory_space<hbm>> -> memref<1x2560xi32, #tpu.memory_space<hbm>>
          %dma_start3A_180 = tpu.memref_squeeze %dma_start3A_179 : memref<1x2560xi32, #tpu.memory_space<hbm>> -> memref<2560xi32, #tpu.memory_space<hbm>>
          tpu.enqueue_dma source(%dma_start3A_180 : memref<2560xi32, #tpu.memory_space<hbm>>) target(%arg25 : memref<2560xi32, #tpu.memory_space<vmem>>) target_semaphore(%run_scoped3A_176 : memref<!tpu.dma_semaphore, #tpu.memory_space<semaphore_mem>>)
          %dma_wait3A = tpu.memref_slice %arg2[%run_scoped3A_165, %mul3A_164] : memref<2x1600000xi32, #tpu.memory_space<hbm>> -> memref<1x2560xi32, #tpu.memory_space<hbm>>
          %dma_wait3A_181 = tpu.memref_squeeze %dma_wait3A : memref<1x2560xi32, #tpu.memory_space<hbm>> -> memref<2560xi32, #tpu.memory_space<hbm>>
          %dma_wait3A_182 = tpu.memref_slice %arg2[%run_scoped3A_165, %mul3A_164] : memref<2x1600000xi32, #tpu.memory_space<hbm>> -> memref<1x2560xi32, #tpu.memory_space<hbm>>
          %dma_wait3A_183 = tpu.memref_squeeze %dma_wait3A_182 : memref<1x2560xi32, #tpu.memory_space<hbm>> -> memref<2560xi32, #tpu.memory_space<hbm>>
          tpu.wait_dma2 semaphore(%run_scoped3A_176 : memref<!tpu.dma_semaphore, #tpu.memory_space<semaphore_mem>>) src(%dma_wait3A_183 : memref<2560xi32, #tpu.memory_space<hbm>>) dst(%arg25 : memref<2560xi32, #tpu.memory_space<vmem>>)
          tpu.yield
        }) : () -> ()
        %dma_start3A_166 = arith.constant 0 : i32
        %dma_start3A_167 = tpu.memref_slice %arg35[%dma_start3A_166] : memref<102400xf32, #tpu.memory_space<vmem_shared>> -> memref<102400xf32, #tpu.memory_space<vmem_shared>>
        tpu.enqueue_indirect_dma source(%dma_start3A_167 : memref<102400xf32, #tpu.memory_space<vmem_shared>>) target(%arg26 : memref<2560xf32, #tpu.memory_space<vmem>>) offsets(%arg24 : memref<2560xi32, #tpu.memory_space<vmem>>) semaphore(%arg34 : memref<!tpu.dma_semaphore, #tpu.memory_space<semaphore_mem>>)
        %dma_start3A_168 = arith.constant 0 : i32
        %dma_start3A_169 = tpu.memref_slice %arg36[%dma_start3A_168] : memref<102400xf32, #tpu.memory_space<vmem_shared>> -> memref<102400xf32, #tpu.memory_space<vmem_shared>>
        tpu.enqueue_indirect_dma source(%dma_start3A_169 : memref<102400xf32, #tpu.memory_space<vmem_shared>>) target(%arg27 : memref<2560xf32, #tpu.memory_space<vmem>>) offsets(%arg24 : memref<2560xi32, #tpu.memory_space<vmem>>) semaphore(%arg34 : memref<!tpu.dma_semaphore, #tpu.memory_space<semaphore_mem>>)
        %dma_start3A_170 = arith.constant 0 : i32
        %dma_start3A_171 = tpu.memref_slice %arg37[%dma_start3A_170] : memref<102400xi32, #tpu.memory_space<vmem_shared>> -> memref<102400xi32, #tpu.memory_space<vmem_shared>>
        tpu.enqueue_indirect_dma source(%dma_start3A_171 : memref<102400xi32, #tpu.memory_space<vmem_shared>>) target(%arg28 : memref<2560xi32, #tpu.memory_space<vmem>>) offsets(%arg24 : memref<2560xi32, #tpu.memory_space<vmem>>) semaphore(%arg34 : memref<!tpu.dma_semaphore, #tpu.memory_space<semaphore_mem>>)
        %dma_start3A_172 = arith.constant 0 : i32
        %dma_start3A_173 = tpu.memref_slice %arg35[%dma_start3A_172] : memref<102400xf32, #tpu.memory_space<vmem_shared>> -> memref<102400xf32, #tpu.memory_space<vmem_shared>>
        tpu.enqueue_indirect_dma source(%dma_start3A_173 : memref<102400xf32, #tpu.memory_space<vmem_shared>>) target(%arg29 : memref<2560xf32, #tpu.memory_space<vmem>>) offsets(%arg25 : memref<2560xi32, #tpu.memory_space<vmem>>) semaphore(%arg34 : memref<!tpu.dma_semaphore, #tpu.memory_space<semaphore_mem>>)
        %dma_start3A_174 = arith.constant 0 : i32
        %dma_start3A_175 = tpu.memref_slice %arg37[%dma_start3A_174] : memref<102400xi32, #tpu.memory_space<vmem_shared>> -> memref<102400xi32, #tpu.memory_space<vmem_shared>>
        tpu.enqueue_indirect_dma source(%dma_start3A_175 : memref<102400xi32, #tpu.memory_space<vmem_shared>>) target(%arg30 : memref<2560xi32, #tpu.memory_space<vmem>>) offsets(%arg25 : memref<2560xi32, #tpu.memory_space<vmem>>) semaphore(%arg34 : memref<!tpu.dma_semaphore, #tpu.memory_space<semaphore_mem>>)
      } else {
      }
      %lt3A_135 = arith.constant 625 : i32
      %lt3A_136 = arith.cmpi slt, %add3A_130, %lt3A_135 : i32
      %convert_element_type3A_137 = arith.extui %lt3A_136 : i1 to i32
      %cond3A_138 = arith.constant 0 : i32
      %cond3A_139 = arith.cmpi ne, %convert_element_type3A_137, %cond3A_138 : i32
      scf.if %cond3A_139 {
        %dma_wait3A = arith.constant 0 : i32
        %dma_wait3A_160 = tpu.memref_slice %arg35[%dma_wait3A] : memref<102400xf32, #tpu.memory_space<vmem_shared>> -> memref<102400xf32, #tpu.memory_space<vmem_shared>>
        tpu.wait_indirect_dma semaphore(%arg33 : memref<!tpu.dma_semaphore, #tpu.memory_space<semaphore_mem>>) src(%dma_wait3A_160 : memref<102400xf32, #tpu.memory_space<vmem_shared>>) dst(%arg17 : memref<2560xf32, #tpu.memory_space<vmem>>)
        %dma_wait3A_161 = arith.constant 0 : i32
        %dma_wait3A_162 = tpu.memref_slice %arg36[%dma_wait3A_161] : memref<102400xf32, #tpu.memory_space<vmem_shared>> -> memref<102400xf32, #tpu.memory_space<vmem_shared>>
        tpu.wait_indirect_dma semaphore(%arg33 : memref<!tpu.dma_semaphore, #tpu.memory_space<semaphore_mem>>) src(%dma_wait3A_162 : memref<102400xf32, #tpu.memory_space<vmem_shared>>) dst(%arg18 : memref<2560xf32, #tpu.memory_space<vmem>>)
        %dma_wait3A_163 = arith.constant 0 : i32
        %dma_wait3A_164 = tpu.memref_slice %arg37[%dma_wait3A_163] : memref<102400xi32, #tpu.memory_space<vmem_shared>> -> memref<102400xi32, #tpu.memory_space<vmem_shared>>
        tpu.wait_indirect_dma semaphore(%arg33 : memref<!tpu.dma_semaphore, #tpu.memory_space<semaphore_mem>>) src(%dma_wait3A_164 : memref<102400xi32, #tpu.memory_space<vmem_shared>>) dst(%arg19 : memref<2560xi32, #tpu.memory_space<vmem>>)
        %dma_wait3A_165 = arith.constant 0 : i32
        %dma_wait3A_166 = tpu.memref_slice %arg35[%dma_wait3A_165] : memref<102400xf32, #tpu.memory_space<vmem_shared>> -> memref<102400xf32, #tpu.memory_space<vmem_shared>>
        tpu.wait_indirect_dma semaphore(%arg33 : memref<!tpu.dma_semaphore, #tpu.memory_space<semaphore_mem>>) src(%dma_wait3A_166 : memref<102400xf32, #tpu.memory_space<vmem_shared>>) dst(%arg20 : memref<2560xf32, #tpu.memory_space<vmem>>)
        %dma_wait3A_167 = arith.constant 0 : i32
        %dma_wait3A_168 = tpu.memref_slice %arg37[%dma_wait3A_167] : memref<102400xi32, #tpu.memory_space<vmem_shared>> -> memref<102400xi32, #tpu.memory_space<vmem_shared>>
        tpu.wait_indirect_dma semaphore(%arg33 : memref<!tpu.dma_semaphore, #tpu.memory_space<semaphore_mem>>) src(%dma_wait3A_168 : memref<102400xi32, #tpu.memory_space<vmem_shared>>) dst(%arg21 : memref<2560xi32, #tpu.memory_space<vmem>>)
        %scan3A_169 = arith.constant 0 : i32
        %scan3A_170 = arith.constant 0 : i32
        %scan3A_171 = arith.constant 160 : i32
        %scan3A_172 = arith.addi %scan3A_170, %scan3A_171 : i32
        %scan3A_173 = arith.constant 1 : i32
        %scan3A_174 = scf.for %scan3A_182 = %scan3A_170 to %scan3A_172 step %scan3A_173 iter_args(%scan3A_183 = %scan3A_169) -> (i32)  : i32 {
          %mul3A_184 = arith.constant 16 : i32
          %mul3A_185 = arith.muli %scan3A_182, %mul3A_184 : i32
          %get3A_186 = arith.index_cast %mul3A_185 : i32 to index
          %get3A_187 = tpu.vector_load %arg17[%get3A_186] {strides = array<i32>} : memref<2560xf32, #tpu.memory_space<vmem>>, vector<16xf32>,
          %get3A_188 = arith.index_cast %mul3A_185 : i32 to index
          %get3A_189 = tpu.vector_load %arg18[%get3A_188] {strides = array<i32>} : memref<2560xf32, #tpu.memory_space<vmem>>, vector<16xf32>,
          %get3A_190 = arith.index_cast %mul3A_185 : i32 to index
          %get3A_191 = tpu.vector_load %arg19[%get3A_190] {strides = array<i32>} : memref<2560xi32, #tpu.memory_space<vmem>>, vector<16xi32>,
          %get3A_192 = arith.index_cast %mul3A_185 : i32 to index
          %get3A_193 = tpu.vector_load %arg20[%get3A_192] {strides = array<i32>} : memref<2560xf32, #tpu.memory_space<vmem>>, vector<16xf32>,
          %get3A_194 = arith.index_cast %mul3A_185 : i32 to index
          %get3A_195 = tpu.vector_load %arg21[%get3A_194] {strides = array<i32>} : memref<2560xi32, #tpu.memory_space<vmem>>, vector<16xi32>,
          %and3A = arith.constant 1023 : i32
          %and3A_196 = vector.broadcast %and3A : i32 to vector<16xi32>
          %and3A_197 = arith.andi %get3A_191, %and3A_196 : vector<16xi32>
          %shift_right_logical3A = arith.constant 10 : i32
          %shift_right_logical3A_198 = vector.broadcast %shift_right_logical3A : i32 to vector<16xi32>
          %shift_right_logical3A_199 = arith.shrui %get3A_191, %shift_right_logical3A_198 : vector<16xi32>
          %and3A_200 = arith.constant 1023 : i32
          %and3A_201 = vector.broadcast %and3A_200 : i32 to vector<16xi32>
          %and3A_202 = arith.andi %get3A_195, %and3A_201 : vector<16xi32>
          %broadcast_in_dim3A = arith.constant 0.000000e+00 : f32
          %broadcast_in_dim3A_203 = vector.broadcast %broadcast_in_dim3A : f32 to vector<16xf32>
          %add3A_204 = vector.broadcast %squeeze3A_99 : f32 to vector<16xf32>
          %add3A_205 = arith.addf %broadcast_in_dim3A_203, %add3A_204 : vector<16xf32>
          %broadcast_in_dim3A_206 = arith.constant 0 : i32
          %broadcast_in_dim3A_207 = vector.broadcast %broadcast_in_dim3A_206 : i32 to vector<16xi32>
          %gather3A = tpu.vector_load_idx %arg11[%and3A_197, %broadcast_in_dim3A_207] : memref<1000x8xf32, #tpu.memory_space<vmem>>[vector<16xi32>, vector<16xi32>], vector<16xf32>,
          %gather3A_208 = tpu.vector_load_idx %arg12[%and3A_202, %broadcast_in_dim3A_207] : memref<1000x8xf32, #tpu.memory_space<vmem>>[vector<16xi32>, vector<16xi32>], vector<16xf32>,
          %add3A_209 = arith.addf %gather3A, %gather3A_208 : vector<16xf32>
          %mul3A_210 = vector.broadcast %squeeze3A : f32 to vector<16xf32>
          %mul3A_211 = arith.mulf %get3A_187, %mul3A_210 : vector<16xf32>
          %add3A_212 = arith.addf %add3A_209, %mul3A_211 : vector<16xf32>
          %mul3A_213 = vector.broadcast %squeeze3A_51 : f32 to vector<16xf32>
          %mul3A_214 = arith.mulf %get3A_193, %mul3A_213 : vector<16xf32>
          %add3A_215 = arith.addf %add3A_212, %mul3A_214 : vector<16xf32>
          %mul3A_216 = vector.broadcast %squeeze3A_67 : f32 to vector<16xf32>
          %mul3A_217 = arith.mulf %get3A_189, %mul3A_216 : vector<16xf32>
          %add3A_218 = arith.addf %add3A_215, %mul3A_217 : vector<16xf32>
          %max3A = arith.constant 0.000000e+00 : f32
          %max3A_219 = vector.broadcast %max3A : f32 to vector<16xf32>
          %max3A_220 = arith.maximumf %add3A_218, %max3A_219 : vector<16xf32>
          %mul3A_221 = vector.broadcast %squeeze3A_83 : f32 to vector<16xf32>
          %mul3A_222 = arith.mulf %max3A_220, %mul3A_221 : vector<16xf32>
          %add3A_223 = arith.addf %add3A_205, %mul3A_222 : vector<16xf32>
          %broadcast_in_dim3A_224 = arith.constant 1 : i32
          %broadcast_in_dim3A_225 = vector.broadcast %broadcast_in_dim3A_224 : i32 to vector<16xi32>
          %gather3A_226 = tpu.vector_load_idx %arg11[%and3A_197, %broadcast_in_dim3A_225] : memref<1000x8xf32, #tpu.memory_space<vmem>>[vector<16xi32>, vector<16xi32>], vector<16xf32>,
          %gather3A_227 = tpu.vector_load_idx %arg12[%and3A_202, %broadcast_in_dim3A_225] : memref<1000x8xf32, #tpu.memory_space<vmem>>[vector<16xi32>, vector<16xi32>], vector<16xf32>,
          %add3A_228 = arith.addf %gather3A_226, %gather3A_227 : vector<16xf32>
          %mul3A_229 = vector.broadcast %squeeze3A_37 : f32 to vector<16xf32>
          %mul3A_230 = arith.mulf %get3A_187, %mul3A_229 : vector<16xf32>
          %add3A_231 = arith.addf %add3A_228, %mul3A_230 : vector<16xf32>
          %mul3A_232 = vector.broadcast %squeeze3A_53 : f32 to vector<16xf32>
          %mul3A_233 = arith.mulf %get3A_193, %mul3A_232 : vector<16xf32>
          %add3A_234 = arith.addf %add3A_231, %mul3A_233 : vector<16xf32>
          %mul3A_235 = vector.broadcast %squeeze3A_69 : f32 to vector<16xf32>
          %mul3A_236 = arith.mulf %get3A_189, %mul3A_235 : vector<16xf32>
          %add3A_237 = arith.addf %add3A_234, %mul3A_236 : vector<16xf32>
          %max3A_238 = arith.constant 0.000000e+00 : f32
          %max3A_239 = vector.broadcast %max3A_238 : f32 to vector<16xf32>
          %max3A_240 = arith.maximumf %add3A_237, %max3A_239 : vector<16xf32>
          %mul3A_241 = vector.broadcast %squeeze3A_85 : f32 to vector<16xf32>
          %mul3A_242 = arith.mulf %max3A_240, %mul3A_241 : vector<16xf32>
          %add3A_243 = arith.addf %add3A_223, %mul3A_242 : vector<16xf32>
          %broadcast_in_dim3A_244 = arith.constant 2 : i32
          %broadcast_in_dim3A_245 = vector.broadcast %broadcast_in_dim3A_244 : i32 to vector<16xi32>
          %gather3A_246 = tpu.vector_load_idx %arg11[%and3A_197, %broadcast_in_dim3A_245] : memref<1000x8xf32, #tpu.memory_space<vmem>>[vector<16xi32>, vector<16xi32>], vector<16xf32>,
          %gather3A_247 = tpu.vector_load_idx %arg12[%and3A_202, %broadcast_in_dim3A_245] : memref<1000x8xf32, #tpu.memory_space<vmem>>[vector<16xi32>, vector<16xi32>], vector<16xf32>,
          %add3A_248 = arith.addf %gather3A_246, %gather3A_247 : vector<16xf32>
          %mul3A_249 = vector.broadcast %squeeze3A_39 : f32 to vector<16xf32>
          %mul3A_250 = arith.mulf %get3A_187, %mul3A_249 : vector<16xf32>
          %add3A_251 = arith.addf %add3A_248, %mul3A_250 : vector<16xf32>
          %mul3A_252 = vector.broadcast %squeeze3A_55 : f32 to vector<16xf32>
          %mul3A_253 = arith.mulf %get3A_193, %mul3A_252 : vector<16xf32>
          %add3A_254 = arith.addf %add3A_251, %mul3A_253 : vector<16xf32>
          %mul3A_255 = vector.broadcast %squeeze3A_71 : f32 to vector<16xf32>
          %mul3A_256 = arith.mulf %get3A_189, %mul3A_255 : vector<16xf32>
          %add3A_257 = arith.addf %add3A_254, %mul3A_256 : vector<16xf32>
          %max3A_258 = arith.constant 0.000000e+00 : f32
          %max3A_259 = vector.broadcast %max3A_258 : f32 to vector<16xf32>
          %max3A_260 = arith.maximumf %add3A_257, %max3A_259 : vector<16xf32>
          %mul3A_261 = vector.broadcast %squeeze3A_87 : f32 to vector<16xf32>
          %mul3A_262 = arith.mulf %max3A_260, %mul3A_261 : vector<16xf32>
          %add3A_263 = arith.addf %add3A_243, %mul3A_262 : vector<16xf32>
          %broadcast_in_dim3A_264 = arith.constant 3 : i32
          %broadcast_in_dim3A_265 = vector.broadcast %broadcast_in_dim3A_264 : i32 to vector<16xi32>
          %gather3A_266 = tpu.vector_load_idx %arg11[%and3A_197, %broadcast_in_dim3A_265] : memref<1000x8xf32, #tpu.memory_space<vmem>>[vector<16xi32>, vector<16xi32>], vector<16xf32>,
          %gather3A_267 = tpu.vector_load_idx %arg12[%and3A_202, %broadcast_in_dim3A_265] : memref<1000x8xf32, #tpu.memory_space<vmem>>[vector<16xi32>, vector<16xi32>], vector<16xf32>,
          %add3A_268 = arith.addf %gather3A_266, %gather3A_267 : vector<16xf32>
          %mul3A_269 = vector.broadcast %squeeze3A_41 : f32 to vector<16xf32>
          %mul3A_270 = arith.mulf %get3A_187, %mul3A_269 : vector<16xf32>
          %add3A_271 = arith.addf %add3A_268, %mul3A_270 : vector<16xf32>
          %mul3A_272 = vector.broadcast %squeeze3A_57 : f32 to vector<16xf32>
          %mul3A_273 = arith.mulf %get3A_193, %mul3A_272 : vector<16xf32>
          %add3A_274 = arith.addf %add3A_271, %mul3A_273 : vector<16xf32>
          %mul3A_275 = vector.broadcast %squeeze3A_73 : f32 to vector<16xf32>
          %mul3A_276 = arith.mulf %get3A_189, %mul3A_275 : vector<16xf32>
          %add3A_277 = arith.addf %add3A_274, %mul3A_276 : vector<16xf32>
          %max3A_278 = arith.constant 0.000000e+00 : f32
          %max3A_279 = vector.broadcast %max3A_278 : f32 to vector<16xf32>
          %max3A_280 = arith.maximumf %add3A_277, %max3A_279 : vector<16xf32>
          %mul3A_281 = vector.broadcast %squeeze3A_89 : f32 to vector<16xf32>
          %mul3A_282 = arith.mulf %max3A_280, %mul3A_281 : vector<16xf32>
          %add3A_283 = arith.addf %add3A_263, %mul3A_282 : vector<16xf32>
          %broadcast_in_dim3A_284 = arith.constant 4 : i32
          %broadcast_in_dim3A_285 = vector.broadcast %broadcast_in_dim3A_284 : i32 to vector<16xi32>
          %gather3A_286 = tpu.vector_load_idx %arg11[%and3A_197, %broadcast_in_dim3A_285] : memref<1000x8xf32, #tpu.memory_space<vmem>>[vector<16xi32>, vector<16xi32>], vector<16xf32>,
          %gather3A_287 = tpu.vector_load_idx %arg12[%and3A_202, %broadcast_in_dim3A_285] : memref<1000x8xf32, #tpu.memory_space<vmem>>[vector<16xi32>, vector<16xi32>], vector<16xf32>,
          %add3A_288 = arith.addf %gather3A_286, %gather3A_287 : vector<16xf32>
          %mul3A_289 = vector.broadcast %squeeze3A_43 : f32 to vector<16xf32>
          %mul3A_290 = arith.mulf %get3A_187, %mul3A_289 : vector<16xf32>
          %add3A_291 = arith.addf %add3A_288, %mul3A_290 : vector<16xf32>
          %mul3A_292 = vector.broadcast %squeeze3A_59 : f32 to vector<16xf32>
          %mul3A_293 = arith.mulf %get3A_193, %mul3A_292 : vector<16xf32>
          %add3A_294 = arith.addf %add3A_291, %mul3A_293 : vector<16xf32>
          %mul3A_295 = vector.broadcast %squeeze3A_75 : f32 to vector<16xf32>
          %mul3A_296 = arith.mulf %get3A_189, %mul3A_295 : vector<16xf32>
          %add3A_297 = arith.addf %add3A_294, %mul3A_296 : vector<16xf32>
          %max3A_298 = arith.constant 0.000000e+00 : f32
          %max3A_299 = vector.broadcast %max3A_298 : f32 to vector<16xf32>
          %max3A_300 = arith.maximumf %add3A_297, %max3A_299 : vector<16xf32>
          %mul3A_301 = vector.broadcast %squeeze3A_91 : f32 to vector<16xf32>
          %mul3A_302 = arith.mulf %max3A_300, %mul3A_301 : vector<16xf32>
          %add3A_303 = arith.addf %add3A_283, %mul3A_302 : vector<16xf32>
          %broadcast_in_dim3A_304 = arith.constant 5 : i32
          %broadcast_in_dim3A_305 = vector.broadcast %broadcast_in_dim3A_304 : i32 to vector<16xi32>
          %gather3A_306 = tpu.vector_load_idx %arg11[%and3A_197, %broadcast_in_dim3A_305] : memref<1000x8xf32, #tpu.memory_space<vmem>>[vector<16xi32>, vector<16xi32>], vector<16xf32>,
          %gather3A_307 = tpu.vector_load_idx %arg12[%and3A_202, %broadcast_in_dim3A_305] : memref<1000x8xf32, #tpu.memory_space<vmem>>[vector<16xi32>, vector<16xi32>], vector<16xf32>,
          %add3A_308 = arith.addf %gather3A_306, %gather3A_307 : vector<16xf32>
          %mul3A_309 = vector.broadcast %squeeze3A_45 : f32 to vector<16xf32>
          %mul3A_310 = arith.mulf %get3A_187, %mul3A_309 : vector<16xf32>
          %add3A_311 = arith.addf %add3A_308, %mul3A_310 : vector<16xf32>
          %mul3A_312 = vector.broadcast %squeeze3A_61 : f32 to vector<16xf32>
          %mul3A_313 = arith.mulf %get3A_193, %mul3A_312 : vector<16xf32>
          %add3A_314 = arith.addf %add3A_311, %mul3A_313 : vector<16xf32>
          %mul3A_315 = vector.broadcast %squeeze3A_77 : f32 to vector<16xf32>
          %mul3A_316 = arith.mulf %get3A_189, %mul3A_315 : vector<16xf32>
          %add3A_317 = arith.addf %add3A_314, %mul3A_316 : vector<16xf32>
          %max3A_318 = arith.constant 0.000000e+00 : f32
          %max3A_319 = vector.broadcast %max3A_318 : f32 to vector<16xf32>
          %max3A_320 = arith.maximumf %add3A_317, %max3A_319 : vector<16xf32>
          %mul3A_321 = vector.broadcast %squeeze3A_93 : f32 to vector<16xf32>
          %mul3A_322 = arith.mulf %max3A_320, %mul3A_321 : vector<16xf32>
          %add3A_323 = arith.addf %add3A_303, %mul3A_322 : vector<16xf32>
          %broadcast_in_dim3A_324 = arith.constant 6 : i32
          %broadcast_in_dim3A_325 = vector.broadcast %broadcast_in_dim3A_324 : i32 to vector<16xi32>
          %gather3A_326 = tpu.vector_load_idx %arg11[%and3A_197, %broadcast_in_dim3A_325] : memref<1000x8xf32, #tpu.memory_space<vmem>>[vector<16xi32>, vector<16xi32>], vector<16xf32>,
          %gather3A_327 = tpu.vector_load_idx %arg12[%and3A_202, %broadcast_in_dim3A_325] : memref<1000x8xf32, #tpu.memory_space<vmem>>[vector<16xi32>, vector<16xi32>], vector<16xf32>,
          %add3A_328 = arith.addf %gather3A_326, %gather3A_327 : vector<16xf32>
          %mul3A_329 = vector.broadcast %squeeze3A_47 : f32 to vector<16xf32>
          %mul3A_330 = arith.mulf %get3A_187, %mul3A_329 : vector<16xf32>
          %add3A_331 = arith.addf %add3A_328, %mul3A_330 : vector<16xf32>
          %mul3A_332 = vector.broadcast %squeeze3A_63 : f32 to vector<16xf32>
          %mul3A_333 = arith.mulf %get3A_193, %mul3A_332 : vector<16xf32>
          %add3A_334 = arith.addf %add3A_331, %mul3A_333 : vector<16xf32>
          %mul3A_335 = vector.broadcast %squeeze3A_79 : f32 to vector<16xf32>
          %mul3A_336 = arith.mulf %get3A_189, %mul3A_335 : vector<16xf32>
          %add3A_337 = arith.addf %add3A_334, %mul3A_336 : vector<16xf32>
          %max3A_338 = arith.constant 0.000000e+00 : f32
          %max3A_339 = vector.broadcast %max3A_338 : f32 to vector<16xf32>
          %max3A_340 = arith.maximumf %add3A_337, %max3A_339 : vector<16xf32>
          %mul3A_341 = vector.broadcast %squeeze3A_95 : f32 to vector<16xf32>
          %mul3A_342 = arith.mulf %max3A_340, %mul3A_341 : vector<16xf32>
          %add3A_343 = arith.addf %add3A_323, %mul3A_342 : vector<16xf32>
          %broadcast_in_dim3A_344 = arith.constant 7 : i32
          %broadcast_in_dim3A_345 = vector.broadcast %broadcast_in_dim3A_344 : i32 to vector<16xi32>
          %gather3A_346 = tpu.vector_load_idx %arg11[%and3A_197, %broadcast_in_dim3A_345] : memref<1000x8xf32, #tpu.memory_space<vmem>>[vector<16xi32>, vector<16xi32>], vector<16xf32>,
          %gather3A_347 = tpu.vector_load_idx %arg12[%and3A_202, %broadcast_in_dim3A_345] : memref<1000x8xf32, #tpu.memory_space<vmem>>[vector<16xi32>, vector<16xi32>], vector<16xf32>,
          %add3A_348 = arith.addf %gather3A_346, %gather3A_347 : vector<16xf32>
          %mul3A_349 = vector.broadcast %squeeze3A_49 : f32 to vector<16xf32>
          %mul3A_350 = arith.mulf %get3A_187, %mul3A_349 : vector<16xf32>
          %add3A_351 = arith.addf %add3A_348, %mul3A_350 : vector<16xf32>
          %mul3A_352 = vector.broadcast %squeeze3A_65 : f32 to vector<16xf32>
          %mul3A_353 = arith.mulf %get3A_193, %mul3A_352 : vector<16xf32>
          %add3A_354 = arith.addf %add3A_351, %mul3A_353 : vector<16xf32>
          %mul3A_355 = vector.broadcast %squeeze3A_81 : f32 to vector<16xf32>
          %mul3A_356 = arith.mulf %get3A_189, %mul3A_355 : vector<16xf32>
          %add3A_357 = arith.addf %add3A_354, %mul3A_356 : vector<16xf32>
          %max3A_358 = arith.constant 0.000000e+00 : f32
          %max3A_359 = vector.broadcast %max3A_358 : f32 to vector<16xf32>
          %max3A_360 = arith.maximumf %add3A_357, %max3A_359 : vector<16xf32>
          %mul3A_361 = vector.broadcast %squeeze3A_97 : f32 to vector<16xf32>
          %mul3A_362 = arith.mulf %max3A_360, %mul3A_361 : vector<16xf32>
          %add3A_363 = arith.addf %add3A_343, %mul3A_362 : vector<16xf32>
          %max3A_364 = arith.constant 0.000000e+00 : f32
          %max3A_365 = vector.broadcast %max3A_364 : f32 to vector<16xf32>
          %max3A_366 = arith.maximumf %add3A_363, %max3A_365 : vector<16xf32>
          %eq3A = arith.cmpi eq, %and3A_197, %and3A_202 : vector<16xi32>
          %eq3A_367 = arith.constant 1 : i32
          %eq3A_368 = vector.broadcast %eq3A_367 : i32 to vector<16xi32>
          %eq3A_369 = arith.cmpi eq, %shift_right_logical3A_199, %eq3A_368 : vector<16xi32>
          %ne3A = arith.xori %eq3A, %eq3A_369 : vector<16xi1>
          %jit3A = arith.constant 0.000000e+00 : f32
          %broadcast_in_dim3A_370 = vector.broadcast %jit3A : f32 to vector<16xf32>
          %select_n3A = arith.select %ne3A, %max3A_366, %broadcast_in_dim3A_370 : vector<16xi1>, vector<16xf32>
          %exp3A = math.exp %select_n3A : vector<16xf32>
          %swap3A = arith.index_cast %mul3A_185 : i32 to index
          %swap3A_371 = tpu.vector_load %arg22[%swap3A] {strides = array<i32>} : memref<2560xf32, #tpu.memory_space<vmem>>, vector<16xf32>,
          tpu.vector_store %arg22[%swap3A], %exp3A {strides = array<i32>} : memref<2560xf32, #tpu.memory_space<vmem>>, vector<16xf32>,
          %neg3A = arith.constant 0.000000e+00 : f32
          %neg3A_372 = vector.broadcast %neg3A : f32 to vector<16xf32>
          %neg3A_373 = arith.subf %neg3A_372, %exp3A : vector<16xf32>
          %select_n3A_374 = arith.select %eq3A, %neg3A_373, %exp3A : vector<16xi1>, vector<16xf32>
          %swap3A_375 = arith.index_cast %mul3A_185 : i32 to index
          %swap3A_376 = tpu.vector_load %arg23[%swap3A_375] {strides = array<i32>} : memref<2560xf32, #tpu.memory_space<vmem>>, vector<16xf32>,
          tpu.vector_store %arg23[%swap3A_375], %select_n3A_374 {strides = array<i32>} : memref<2560xf32, #tpu.memory_space<vmem>>, vector<16xf32>,
          %scan3A_377 = arith.constant 0 : i32
          scf.yield %scan3A_377 : i32
        }
        %scan3A_175 = arith.constant 160 : i32
        %dma_start3A_176 = arith.constant 0 : i32
        %dma_start3A_177 = tpu.memref_slice %arg38[%dma_start3A_176] : memref<102400xf32, #tpu.memory_space<vmem_shared>> -> memref<102400xf32, #tpu.memory_space<vmem_shared>>
        tpu.enqueue_indirect_dma source(%arg22 : memref<2560xf32, #tpu.memory_space<vmem>>) target(%dma_start3A_177 : memref<102400xf32, #tpu.memory_space<vmem_shared>>) offsets(%arg15 : memref<2560xi32, #tpu.memory_space<vmem>>) semaphore(%arg33 : memref<!tpu.dma_semaphore, #tpu.memory_space<semaphore_mem>>) {add = true}
        %mul3A_178 = arith.constant 2560 : i32
        %mul3A_179 = arith.muli %add3A_130, %mul3A_178 : i32
        "tpu.region"() ({
          %run_scoped3A_182 = tpu.sem_alloc : memref<!tpu.dma_semaphore, #tpu.memory_space<semaphore_mem>>
          %dma_start3A_183 = tpu.memref_slice %arg9[%mul3A_179] : memref<1600000xf32, #tpu.memory_space<hbm>> -> memref<2560xf32, #tpu.memory_space<hbm>>
          %dma_start3A_184 = tpu.memref_slice %arg9[%mul3A_179] : memref<1600000xf32, #tpu.memory_space<hbm>> -> memref<2560xf32, #tpu.memory_space<hbm>>
          tpu.enqueue_dma source(%arg23 : memref<2560xf32, #tpu.memory_space<vmem>>) target(%dma_start3A_184 : memref<2560xf32, #tpu.memory_space<hbm>>) target_semaphore(%run_scoped3A_182 : memref<!tpu.dma_semaphore, #tpu.memory_space<semaphore_mem>>)
          %dma_wait3A_185 = tpu.memref_slice %arg9[%mul3A_179] : memref<1600000xf32, #tpu.memory_space<hbm>> -> memref<2560xf32, #tpu.memory_space<hbm>>
          %dma_wait3A_186 = tpu.memref_slice %arg9[%mul3A_179] : memref<1600000xf32, #tpu.memory_space<hbm>> -> memref<2560xf32, #tpu.memory_space<hbm>>
          tpu.wait_dma2 semaphore(%run_scoped3A_182 : memref<!tpu.dma_semaphore, #tpu.memory_space<semaphore_mem>>) src(%arg23 : memref<2560xf32, #tpu.memory_space<vmem>>) dst(%dma_wait3A_186 : memref<2560xf32, #tpu.memory_space<hbm>>)
          tpu.yield
        }) : () -> ()
        %dma_wait3A_180 = arith.constant 0 : i32
        %dma_wait3A_181 = tpu.memref_slice %arg38[%dma_wait3A_180] : memref<102400xf32, #tpu.memory_space<vmem_shared>> -> memref<102400xf32, #tpu.memory_space<vmem_shared>>
        tpu.wait_indirect_dma semaphore(%arg33 : memref<!tpu.dma_semaphore, #tpu.memory_space<semaphore_mem>>) src(%arg22 : memref<2560xf32, #tpu.memory_space<vmem>>) dst(%dma_wait3A_181 : memref<102400xf32, #tpu.memory_space<vmem_shared>>)
      } else {
      }
      %mul3A_140 = arith.constant 2 : i32
      %mul3A_141 = arith.muli %mul3A_140, %scan3A_122 : i32
      %add3A_142 = arith.constant 1 : i32
      %add3A_143 = arith.addi %mul3A_141, %add3A_142 : i32
      %mul3A_144 = arith.constant 32 : i32
      %mul3A_145 = arith.muli %mul3A_144, %add3A_143 : i32
      %add3A_146 = arith.addi %add3A, %mul3A_145 : i32
      %add3A_147 = arith.constant 32 : i32
      %add3A_148 = arith.addi %add3A_146, %add3A_147 : i32
      %lt3A_149 = arith.constant 625 : i32
      %lt3A_150 = arith.cmpi slt, %add3A_148, %lt3A_149 : i32
      %convert_element_type3A_151 = arith.extui %lt3A_150 : i1 to i32
      %cond3A_152 = arith.constant 0 : i32
      %cond3A_153 = arith.cmpi ne, %convert_element_type3A_151, %cond3A_152 : i32
      scf.if %cond3A_153 {
        %mul3A_160 = arith.constant 2560 : i32
        %mul3A_161 = arith.muli %add3A_148, %mul3A_160 : i32
        %run_scoped3A_162 = arith.constant 0 : i32
        "tpu.region"() ({
          %run_scoped3A_176 = tpu.sem_alloc : memref<!tpu.dma_semaphore, #tpu.memory_space<semaphore_mem>>
          %dma_start3A_177 = tpu.memref_slice %arg2[%run_scoped3A_162, %mul3A_161] : memref<2x1600000xi32, #tpu.memory_space<hbm>> -> memref<1x2560xi32, #tpu.memory_space<hbm>>
          %dma_start3A_178 = tpu.memref_squeeze %dma_start3A_177 : memref<1x2560xi32, #tpu.memory_space<hbm>> -> memref<2560xi32, #tpu.memory_space<hbm>>
          %dma_start3A_179 = tpu.memref_slice %arg2[%run_scoped3A_162, %mul3A_161] : memref<2x1600000xi32, #tpu.memory_space<hbm>> -> memref<1x2560xi32, #tpu.memory_space<hbm>>
          %dma_start3A_180 = tpu.memref_squeeze %dma_start3A_179 : memref<1x2560xi32, #tpu.memory_space<hbm>> -> memref<2560xi32, #tpu.memory_space<hbm>>
          tpu.enqueue_dma source(%dma_start3A_180 : memref<2560xi32, #tpu.memory_space<hbm>>) target(%arg15 : memref<2560xi32, #tpu.memory_space<vmem>>) target_semaphore(%run_scoped3A_176 : memref<!tpu.dma_semaphore, #tpu.memory_space<semaphore_mem>>)
          %dma_wait3A = tpu.memref_slice %arg2[%run_scoped3A_162, %mul3A_161] : memref<2x1600000xi32, #tpu.memory_space<hbm>> -> memref<1x2560xi32, #tpu.memory_space<hbm>>
          %dma_wait3A_181 = tpu.memref_squeeze %dma_wait3A : memref<1x2560xi32, #tpu.memory_space<hbm>> -> memref<2560xi32, #tpu.memory_space<hbm>>
          %dma_wait3A_182 = tpu.memref_slice %arg2[%run_scoped3A_162, %mul3A_161] : memref<2x1600000xi32, #tpu.memory_space<hbm>> -> memref<1x2560xi32, #tpu.memory_space<hbm>>
          %dma_wait3A_183 = tpu.memref_squeeze %dma_wait3A_182 : memref<1x2560xi32, #tpu.memory_space<hbm>> -> memref<2560xi32, #tpu.memory_space<hbm>>
          tpu.wait_dma2 semaphore(%run_scoped3A_176 : memref<!tpu.dma_semaphore, #tpu.memory_space<semaphore_mem>>) src(%dma_wait3A_183 : memref<2560xi32, #tpu.memory_space<hbm>>) dst(%arg15 : memref<2560xi32, #tpu.memory_space<vmem>>)
          tpu.yield
        }) : () -> ()
        %mul3A_163 = arith.constant 2560 : i32
        %mul3A_164 = arith.muli %add3A_148, %mul3A_163 : i32
        %run_scoped3A_165 = arith.constant 1 : i32
        "tpu.region"() ({
          %run_scoped3A_176 = tpu.sem_alloc : memref<!tpu.dma_semaphore, #tpu.memory_space<semaphore_mem>>
          %dma_start3A_177 = tpu.memref_slice %arg2[%run_scoped3A_165, %mul3A_164] : memref<2x1600000xi32, #tpu.memory_space<hbm>> -> memref<1x2560xi32, #tpu.memory_space<hbm>>
          %dma_start3A_178 = tpu.memref_squeeze %dma_start3A_177 : memref<1x2560xi32, #tpu.memory_space<hbm>> -> memref<2560xi32, #tpu.memory_space<hbm>>
          %dma_start3A_179 = tpu.memref_slice %arg2[%run_scoped3A_165, %mul3A_164] : memref<2x1600000xi32, #tpu.memory_space<hbm>> -> memref<1x2560xi32, #tpu.memory_space<hbm>>
          %dma_start3A_180 = tpu.memref_squeeze %dma_start3A_179 : memref<1x2560xi32, #tpu.memory_space<hbm>> -> memref<2560xi32, #tpu.memory_space<hbm>>
          tpu.enqueue_dma source(%dma_start3A_180 : memref<2560xi32, #tpu.memory_space<hbm>>) target(%arg16 : memref<2560xi32, #tpu.memory_space<vmem>>) target_semaphore(%run_scoped3A_176 : memref<!tpu.dma_semaphore, #tpu.memory_space<semaphore_mem>>)
          %dma_wait3A = tpu.memref_slice %arg2[%run_scoped3A_165, %mul3A_164] : memref<2x1600000xi32, #tpu.memory_space<hbm>> -> memref<1x2560xi32, #tpu.memory_space<hbm>>
          %dma_wait3A_181 = tpu.memref_squeeze %dma_wait3A : memref<1x2560xi32, #tpu.memory_space<hbm>> -> memref<2560xi32, #tpu.memory_space<hbm>>
          %dma_wait3A_182 = tpu.memref_slice %arg2[%run_scoped3A_165, %mul3A_164] : memref<2x1600000xi32, #tpu.memory_space<hbm>> -> memref<1x2560xi32, #tpu.memory_space<hbm>>
          %dma_wait3A_183 = tpu.memref_squeeze %dma_wait3A_182 : memref<1x2560xi32, #tpu.memory_space<hbm>> -> memref<2560xi32, #tpu.memory_space<hbm>>
          tpu.wait_dma2 semaphore(%run_scoped3A_176 : memref<!tpu.dma_semaphore, #tpu.memory_space<semaphore_mem>>) src(%dma_wait3A_183 : memref<2560xi32, #tpu.memory_space<hbm>>) dst(%arg16 : memref<2560xi32, #tpu.memory_space<vmem>>)
          tpu.yield
        }) : () -> ()
        %dma_start3A_166 = arith.constant 0 : i32
        %dma_start3A_167 = tpu.memref_slice %arg35[%dma_start3A_166] : memref<102400xf32, #tpu.memory_space<vmem_shared>> -> memref<102400xf32, #tpu.memory_space<vmem_shared>>
        tpu.enqueue_indirect_dma source(%dma_start3A_167 : memref<102400xf32, #tpu.memory_space<vmem_shared>>) target(%arg17 : memref<2560xf32, #tpu.memory_space<vmem>>) offsets(%arg15 : memref<2560xi32, #tpu.memory_space<vmem>>) semaphore(%arg33 : memref<!tpu.dma_semaphore, #tpu.memory_space<semaphore_mem>>)
        %dma_start3A_168 = arith.constant 0 : i32
        %dma_start3A_169 = tpu.memref_slice %arg36[%dma_start3A_168] : memref<102400xf32, #tpu.memory_space<vmem_shared>> -> memref<102400xf32, #tpu.memory_space<vmem_shared>>
        tpu.enqueue_indirect_dma source(%dma_start3A_169 : memref<102400xf32, #tpu.memory_space<vmem_shared>>) target(%arg18 : memref<2560xf32, #tpu.memory_space<vmem>>) offsets(%arg15 : memref<2560xi32, #tpu.memory_space<vmem>>) semaphore(%arg33 : memref<!tpu.dma_semaphore, #tpu.memory_space<semaphore_mem>>)
        %dma_start3A_170 = arith.constant 0 : i32
        %dma_start3A_171 = tpu.memref_slice %arg37[%dma_start3A_170] : memref<102400xi32, #tpu.memory_space<vmem_shared>> -> memref<102400xi32, #tpu.memory_space<vmem_shared>>
        tpu.enqueue_indirect_dma source(%dma_start3A_171 : memref<102400xi32, #tpu.memory_space<vmem_shared>>) target(%arg19 : memref<2560xi32, #tpu.memory_space<vmem>>) offsets(%arg15 : memref<2560xi32, #tpu.memory_space<vmem>>) semaphore(%arg33 : memref<!tpu.dma_semaphore, #tpu.memory_space<semaphore_mem>>)
        %dma_start3A_172 = arith.constant 0 : i32
        %dma_start3A_173 = tpu.memref_slice %arg35[%dma_start3A_172] : memref<102400xf32, #tpu.memory_space<vmem_shared>> -> memref<102400xf32, #tpu.memory_space<vmem_shared>>
        tpu.enqueue_indirect_dma source(%dma_start3A_173 : memref<102400xf32, #tpu.memory_space<vmem_shared>>) target(%arg20 : memref<2560xf32, #tpu.memory_space<vmem>>) offsets(%arg16 : memref<2560xi32, #tpu.memory_space<vmem>>) semaphore(%arg33 : memref<!tpu.dma_semaphore, #tpu.memory_space<semaphore_mem>>)
        %dma_start3A_174 = arith.constant 0 : i32
        %dma_start3A_175 = tpu.memref_slice %arg37[%dma_start3A_174] : memref<102400xi32, #tpu.memory_space<vmem_shared>> -> memref<102400xi32, #tpu.memory_space<vmem_shared>>
        tpu.enqueue_indirect_dma source(%dma_start3A_175 : memref<102400xi32, #tpu.memory_space<vmem_shared>>) target(%arg21 : memref<2560xi32, #tpu.memory_space<vmem>>) offsets(%arg16 : memref<2560xi32, #tpu.memory_space<vmem>>) semaphore(%arg33 : memref<!tpu.dma_semaphore, #tpu.memory_space<semaphore_mem>>)
      } else {
      }
      %lt3A_154 = arith.constant 625 : i32
      %lt3A_155 = arith.cmpi slt, %add3A_146, %lt3A_154 : i32
      %convert_element_type3A_156 = arith.extui %lt3A_155 : i1 to i32
      %cond3A_157 = arith.constant 0 : i32
      %cond3A_158 = arith.cmpi ne, %convert_element_type3A_156, %cond3A_157 : i32
      scf.if %cond3A_158 {
        %dma_wait3A = arith.constant 0 : i32
        %dma_wait3A_160 = tpu.memref_slice %arg35[%dma_wait3A] : memref<102400xf32, #tpu.memory_space<vmem_shared>> -> memref<102400xf32, #tpu.memory_space<vmem_shared>>
        tpu.wait_indirect_dma semaphore(%arg34 : memref<!tpu.dma_semaphore, #tpu.memory_space<semaphore_mem>>) src(%dma_wait3A_160 : memref<102400xf32, #tpu.memory_space<vmem_shared>>) dst(%arg26 : memref<2560xf32, #tpu.memory_space<vmem>>)
        %dma_wait3A_161 = arith.constant 0 : i32
        %dma_wait3A_162 = tpu.memref_slice %arg36[%dma_wait3A_161] : memref<102400xf32, #tpu.memory_space<vmem_shared>> -> memref<102400xf32, #tpu.memory_space<vmem_shared>>
        tpu.wait_indirect_dma semaphore(%arg34 : memref<!tpu.dma_semaphore, #tpu.memory_space<semaphore_mem>>) src(%dma_wait3A_162 : memref<102400xf32, #tpu.memory_space<vmem_shared>>) dst(%arg27 : memref<2560xf32, #tpu.memory_space<vmem>>)
        %dma_wait3A_163 = arith.constant 0 : i32
        %dma_wait3A_164 = tpu.memref_slice %arg37[%dma_wait3A_163] : memref<102400xi32, #tpu.memory_space<vmem_shared>> -> memref<102400xi32, #tpu.memory_space<vmem_shared>>
        tpu.wait_indirect_dma semaphore(%arg34 : memref<!tpu.dma_semaphore, #tpu.memory_space<semaphore_mem>>) src(%dma_wait3A_164 : memref<102400xi32, #tpu.memory_space<vmem_shared>>) dst(%arg28 : memref<2560xi32, #tpu.memory_space<vmem>>)
        %dma_wait3A_165 = arith.constant 0 : i32
        %dma_wait3A_166 = tpu.memref_slice %arg35[%dma_wait3A_165] : memref<102400xf32, #tpu.memory_space<vmem_shared>> -> memref<102400xf32, #tpu.memory_space<vmem_shared>>
        tpu.wait_indirect_dma semaphore(%arg34 : memref<!tpu.dma_semaphore, #tpu.memory_space<semaphore_mem>>) src(%dma_wait3A_166 : memref<102400xf32, #tpu.memory_space<vmem_shared>>) dst(%arg29 : memref<2560xf32, #tpu.memory_space<vmem>>)
        %dma_wait3A_167 = arith.constant 0 : i32
        %dma_wait3A_168 = tpu.memref_slice %arg37[%dma_wait3A_167] : memref<102400xi32, #tpu.memory_space<vmem_shared>> -> memref<102400xi32, #tpu.memory_space<vmem_shared>>
        tpu.wait_indirect_dma semaphore(%arg34 : memref<!tpu.dma_semaphore, #tpu.memory_space<semaphore_mem>>) src(%dma_wait3A_168 : memref<102400xi32, #tpu.memory_space<vmem_shared>>) dst(%arg30 : memref<2560xi32, #tpu.memory_space<vmem>>)
        %scan3A_169 = arith.constant 0 : i32
        %scan3A_170 = arith.constant 0 : i32
        %scan3A_171 = arith.constant 160 : i32
        %scan3A_172 = arith.addi %scan3A_170, %scan3A_171 : i32
        %scan3A_173 = arith.constant 1 : i32
        %scan3A_174 = scf.for %scan3A_182 = %scan3A_170 to %scan3A_172 step %scan3A_173 iter_args(%scan3A_183 = %scan3A_169) -> (i32)  : i32 {
          %mul3A_184 = arith.constant 16 : i32
          %mul3A_185 = arith.muli %scan3A_182, %mul3A_184 : i32
          %get3A_186 = arith.index_cast %mul3A_185 : i32 to index
          %get3A_187 = tpu.vector_load %arg26[%get3A_186] {strides = array<i32>} : memref<2560xf32, #tpu.memory_space<vmem>>, vector<16xf32>,
          %get3A_188 = arith.index_cast %mul3A_185 : i32 to index
          %get3A_189 = tpu.vector_load %arg27[%get3A_188] {strides = array<i32>} : memref<2560xf32, #tpu.memory_space<vmem>>, vector<16xf32>,
          %get3A_190 = arith.index_cast %mul3A_185 : i32 to index
          %get3A_191 = tpu.vector_load %arg28[%get3A_190] {strides = array<i32>} : memref<2560xi32, #tpu.memory_space<vmem>>, vector<16xi32>,
          %get3A_192 = arith.index_cast %mul3A_185 : i32 to index
          %get3A_193 = tpu.vector_load %arg29[%get3A_192] {strides = array<i32>} : memref<2560xf32, #tpu.memory_space<vmem>>, vector<16xf32>,
          %get3A_194 = arith.index_cast %mul3A_185 : i32 to index
          %get3A_195 = tpu.vector_load %arg30[%get3A_194] {strides = array<i32>} : memref<2560xi32, #tpu.memory_space<vmem>>, vector<16xi32>,
          %and3A = arith.constant 1023 : i32
          %and3A_196 = vector.broadcast %and3A : i32 to vector<16xi32>
          %and3A_197 = arith.andi %get3A_191, %and3A_196 : vector<16xi32>
          %shift_right_logical3A = arith.constant 10 : i32
          %shift_right_logical3A_198 = vector.broadcast %shift_right_logical3A : i32 to vector<16xi32>
          %shift_right_logical3A_199 = arith.shrui %get3A_191, %shift_right_logical3A_198 : vector<16xi32>
          %and3A_200 = arith.constant 1023 : i32
          %and3A_201 = vector.broadcast %and3A_200 : i32 to vector<16xi32>
          %and3A_202 = arith.andi %get3A_195, %and3A_201 : vector<16xi32>
          %broadcast_in_dim3A = arith.constant 0.000000e+00 : f32
          %broadcast_in_dim3A_203 = vector.broadcast %broadcast_in_dim3A : f32 to vector<16xf32>
          %add3A_204 = vector.broadcast %squeeze3A_99 : f32 to vector<16xf32>
          %add3A_205 = arith.addf %broadcast_in_dim3A_203, %add3A_204 : vector<16xf32>
          %broadcast_in_dim3A_206 = arith.constant 0 : i32
          %broadcast_in_dim3A_207 = vector.broadcast %broadcast_in_dim3A_206 : i32 to vector<16xi32>
          %gather3A = tpu.vector_load_idx %arg11[%and3A_197, %broadcast_in_dim3A_207] : memref<1000x8xf32, #tpu.memory_space<vmem>>[vector<16xi32>, vector<16xi32>], vector<16xf32>,
          %gather3A_208 = tpu.vector_load_idx %arg12[%and3A_202, %broadcast_in_dim3A_207] : memref<1000x8xf32, #tpu.memory_space<vmem>>[vector<16xi32>, vector<16xi32>], vector<16xf32>,
          %add3A_209 = arith.addf %gather3A, %gather3A_208 : vector<16xf32>
          %mul3A_210 = vector.broadcast %squeeze3A : f32 to vector<16xf32>
          %mul3A_211 = arith.mulf %get3A_187, %mul3A_210 : vector<16xf32>
          %add3A_212 = arith.addf %add3A_209, %mul3A_211 : vector<16xf32>
          %mul3A_213 = vector.broadcast %squeeze3A_51 : f32 to vector<16xf32>
          %mul3A_214 = arith.mulf %get3A_193, %mul3A_213 : vector<16xf32>
          %add3A_215 = arith.addf %add3A_212, %mul3A_214 : vector<16xf32>
          %mul3A_216 = vector.broadcast %squeeze3A_67 : f32 to vector<16xf32>
          %mul3A_217 = arith.mulf %get3A_189, %mul3A_216 : vector<16xf32>
          %add3A_218 = arith.addf %add3A_215, %mul3A_217 : vector<16xf32>
          %max3A = arith.constant 0.000000e+00 : f32
          %max3A_219 = vector.broadcast %max3A : f32 to vector<16xf32>
          %max3A_220 = arith.maximumf %add3A_218, %max3A_219 : vector<16xf32>
          %mul3A_221 = vector.broadcast %squeeze3A_83 : f32 to vector<16xf32>
          %mul3A_222 = arith.mulf %max3A_220, %mul3A_221 : vector<16xf32>
          %add3A_223 = arith.addf %add3A_205, %mul3A_222 : vector<16xf32>
          %broadcast_in_dim3A_224 = arith.constant 1 : i32
          %broadcast_in_dim3A_225 = vector.broadcast %broadcast_in_dim3A_224 : i32 to vector<16xi32>
          %gather3A_226 = tpu.vector_load_idx %arg11[%and3A_197, %broadcast_in_dim3A_225] : memref<1000x8xf32, #tpu.memory_space<vmem>>[vector<16xi32>, vector<16xi32>], vector<16xf32>,
          %gather3A_227 = tpu.vector_load_idx %arg12[%and3A_202, %broadcast_in_dim3A_225] : memref<1000x8xf32, #tpu.memory_space<vmem>>[vector<16xi32>, vector<16xi32>], vector<16xf32>,
          %add3A_228 = arith.addf %gather3A_226, %gather3A_227 : vector<16xf32>
          %mul3A_229 = vector.broadcast %squeeze3A_37 : f32 to vector<16xf32>
          %mul3A_230 = arith.mulf %get3A_187, %mul3A_229 : vector<16xf32>
          %add3A_231 = arith.addf %add3A_228, %mul3A_230 : vector<16xf32>
          %mul3A_232 = vector.broadcast %squeeze3A_53 : f32 to vector<16xf32>
          %mul3A_233 = arith.mulf %get3A_193, %mul3A_232 : vector<16xf32>
          %add3A_234 = arith.addf %add3A_231, %mul3A_233 : vector<16xf32>
          %mul3A_235 = vector.broadcast %squeeze3A_69 : f32 to vector<16xf32>
          %mul3A_236 = arith.mulf %get3A_189, %mul3A_235 : vector<16xf32>
          %add3A_237 = arith.addf %add3A_234, %mul3A_236 : vector<16xf32>
          %max3A_238 = arith.constant 0.000000e+00 : f32
          %max3A_239 = vector.broadcast %max3A_238 : f32 to vector<16xf32>
          %max3A_240 = arith.maximumf %add3A_237, %max3A_239 : vector<16xf32>
          %mul3A_241 = vector.broadcast %squeeze3A_85 : f32 to vector<16xf32>
          %mul3A_242 = arith.mulf %max3A_240, %mul3A_241 : vector<16xf32>
          %add3A_243 = arith.addf %add3A_223, %mul3A_242 : vector<16xf32>
          %broadcast_in_dim3A_244 = arith.constant 2 : i32
          %broadcast_in_dim3A_245 = vector.broadcast %broadcast_in_dim3A_244 : i32 to vector<16xi32>
          %gather3A_246 = tpu.vector_load_idx %arg11[%and3A_197, %broadcast_in_dim3A_245] : memref<1000x8xf32, #tpu.memory_space<vmem>>[vector<16xi32>, vector<16xi32>], vector<16xf32>,
          %gather3A_247 = tpu.vector_load_idx %arg12[%and3A_202, %broadcast_in_dim3A_245] : memref<1000x8xf32, #tpu.memory_space<vmem>>[vector<16xi32>, vector<16xi32>], vector<16xf32>,
          %add3A_248 = arith.addf %gather3A_246, %gather3A_247 : vector<16xf32>
          %mul3A_249 = vector.broadcast %squeeze3A_39 : f32 to vector<16xf32>
          %mul3A_250 = arith.mulf %get3A_187, %mul3A_249 : vector<16xf32>
          %add3A_251 = arith.addf %add3A_248, %mul3A_250 : vector<16xf32>
          %mul3A_252 = vector.broadcast %squeeze3A_55 : f32 to vector<16xf32>
          %mul3A_253 = arith.mulf %get3A_193, %mul3A_252 : vector<16xf32>
          %add3A_254 = arith.addf %add3A_251, %mul3A_253 : vector<16xf32>
          %mul3A_255 = vector.broadcast %squeeze3A_71 : f32 to vector<16xf32>
          %mul3A_256 = arith.mulf %get3A_189, %mul3A_255 : vector<16xf32>
          %add3A_257 = arith.addf %add3A_254, %mul3A_256 : vector<16xf32>
          %max3A_258 = arith.constant 0.000000e+00 : f32
          %max3A_259 = vector.broadcast %max3A_258 : f32 to vector<16xf32>
          %max3A_260 = arith.maximumf %add3A_257, %max3A_259 : vector<16xf32>
          %mul3A_261 = vector.broadcast %squeeze3A_87 : f32 to vector<16xf32>
          %mul3A_262 = arith.mulf %max3A_260, %mul3A_261 : vector<16xf32>
          %add3A_263 = arith.addf %add3A_243, %mul3A_262 : vector<16xf32>
          %broadcast_in_dim3A_264 = arith.constant 3 : i32
          %broadcast_in_dim3A_265 = vector.broadcast %broadcast_in_dim3A_264 : i32 to vector<16xi32>
          %gather3A_266 = tpu.vector_load_idx %arg11[%and3A_197, %broadcast_in_dim3A_265] : memref<1000x8xf32, #tpu.memory_space<vmem>>[vector<16xi32>, vector<16xi32>], vector<16xf32>,
          %gather3A_267 = tpu.vector_load_idx %arg12[%and3A_202, %broadcast_in_dim3A_265] : memref<1000x8xf32, #tpu.memory_space<vmem>>[vector<16xi32>, vector<16xi32>], vector<16xf32>,
          %add3A_268 = arith.addf %gather3A_266, %gather3A_267 : vector<16xf32>
          %mul3A_269 = vector.broadcast %squeeze3A_41 : f32 to vector<16xf32>
          %mul3A_270 = arith.mulf %get3A_187, %mul3A_269 : vector<16xf32>
          %add3A_271 = arith.addf %add3A_268, %mul3A_270 : vector<16xf32>
          %mul3A_272 = vector.broadcast %squeeze3A_57 : f32 to vector<16xf32>
          %mul3A_273 = arith.mulf %get3A_193, %mul3A_272 : vector<16xf32>
          %add3A_274 = arith.addf %add3A_271, %mul3A_273 : vector<16xf32>
          %mul3A_275 = vector.broadcast %squeeze3A_73 : f32 to vector<16xf32>
          %mul3A_276 = arith.mulf %get3A_189, %mul3A_275 : vector<16xf32>
          %add3A_277 = arith.addf %add3A_274, %mul3A_276 : vector<16xf32>
          %max3A_278 = arith.constant 0.000000e+00 : f32
          %max3A_279 = vector.broadcast %max3A_278 : f32 to vector<16xf32>
          %max3A_280 = arith.maximumf %add3A_277, %max3A_279 : vector<16xf32>
          %mul3A_281 = vector.broadcast %squeeze3A_89 : f32 to vector<16xf32>
          %mul3A_282 = arith.mulf %max3A_280, %mul3A_281 : vector<16xf32>
          %add3A_283 = arith.addf %add3A_263, %mul3A_282 : vector<16xf32>
          %broadcast_in_dim3A_284 = arith.constant 4 : i32
          %broadcast_in_dim3A_285 = vector.broadcast %broadcast_in_dim3A_284 : i32 to vector<16xi32>
          %gather3A_286 = tpu.vector_load_idx %arg11[%and3A_197, %broadcast_in_dim3A_285] : memref<1000x8xf32, #tpu.memory_space<vmem>>[vector<16xi32>, vector<16xi32>], vector<16xf32>,
          %gather3A_287 = tpu.vector_load_idx %arg12[%and3A_202, %broadcast_in_dim3A_285] : memref<1000x8xf32, #tpu.memory_space<vmem>>[vector<16xi32>, vector<16xi32>], vector<16xf32>,
          %add3A_288 = arith.addf %gather3A_286, %gather3A_287 : vector<16xf32>
          %mul3A_289 = vector.broadcast %squeeze3A_43 : f32 to vector<16xf32>
          %mul3A_290 = arith.mulf %get3A_187, %mul3A_289 : vector<16xf32>
          %add3A_291 = arith.addf %add3A_288, %mul3A_290 : vector<16xf32>
          %mul3A_292 = vector.broadcast %squeeze3A_59 : f32 to vector<16xf32>
          %mul3A_293 = arith.mulf %get3A_193, %mul3A_292 : vector<16xf32>
          %add3A_294 = arith.addf %add3A_291, %mul3A_293 : vector<16xf32>
          %mul3A_295 = vector.broadcast %squeeze3A_75 : f32 to vector<16xf32>
          %mul3A_296 = arith.mulf %get3A_189, %mul3A_295 : vector<16xf32>
          %add3A_297 = arith.addf %add3A_294, %mul3A_296 : vector<16xf32>
          %max3A_298 = arith.constant 0.000000e+00 : f32
          %max3A_299 = vector.broadcast %max3A_298 : f32 to vector<16xf32>
          %max3A_300 = arith.maximumf %add3A_297, %max3A_299 : vector<16xf32>
          %mul3A_301 = vector.broadcast %squeeze3A_91 : f32 to vector<16xf32>
          %mul3A_302 = arith.mulf %max3A_300, %mul3A_301 : vector<16xf32>
          %add3A_303 = arith.addf %add3A_283, %mul3A_302 : vector<16xf32>
          %broadcast_in_dim3A_304 = arith.constant 5 : i32
          %broadcast_in_dim3A_305 = vector.broadcast %broadcast_in_dim3A_304 : i32 to vector<16xi32>
          %gather3A_306 = tpu.vector_load_idx %arg11[%and3A_197, %broadcast_in_dim3A_305] : memref<1000x8xf32, #tpu.memory_space<vmem>>[vector<16xi32>, vector<16xi32>], vector<16xf32>,
          %gather3A_307 = tpu.vector_load_idx %arg12[%and3A_202, %broadcast_in_dim3A_305] : memref<1000x8xf32, #tpu.memory_space<vmem>>[vector<16xi32>, vector<16xi32>], vector<16xf32>,
          %add3A_308 = arith.addf %gather3A_306, %gather3A_307 : vector<16xf32>
          %mul3A_309 = vector.broadcast %squeeze3A_45 : f32 to vector<16xf32>
          %mul3A_310 = arith.mulf %get3A_187, %mul3A_309 : vector<16xf32>
          %add3A_311 = arith.addf %add3A_308, %mul3A_310 : vector<16xf32>
          %mul3A_312 = vector.broadcast %squeeze3A_61 : f32 to vector<16xf32>
          %mul3A_313 = arith.mulf %get3A_193, %mul3A_312 : vector<16xf32>
          %add3A_314 = arith.addf %add3A_311, %mul3A_313 : vector<16xf32>
          %mul3A_315 = vector.broadcast %squeeze3A_77 : f32 to vector<16xf32>
          %mul3A_316 = arith.mulf %get3A_189, %mul3A_315 : vector<16xf32>
          %add3A_317 = arith.addf %add3A_314, %mul3A_316 : vector<16xf32>
          %max3A_318 = arith.constant 0.000000e+00 : f32
          %max3A_319 = vector.broadcast %max3A_318 : f32 to vector<16xf32>
          %max3A_320 = arith.maximumf %add3A_317, %max3A_319 : vector<16xf32>
          %mul3A_321 = vector.broadcast %squeeze3A_93 : f32 to vector<16xf32>
          %mul3A_322 = arith.mulf %max3A_320, %mul3A_321 : vector<16xf32>
          %add3A_323 = arith.addf %add3A_303, %mul3A_322 : vector<16xf32>
          %broadcast_in_dim3A_324 = arith.constant 6 : i32
          %broadcast_in_dim3A_325 = vector.broadcast %broadcast_in_dim3A_324 : i32 to vector<16xi32>
          %gather3A_326 = tpu.vector_load_idx %arg11[%and3A_197, %broadcast_in_dim3A_325] : memref<1000x8xf32, #tpu.memory_space<vmem>>[vector<16xi32>, vector<16xi32>], vector<16xf32>,
          %gather3A_327 = tpu.vector_load_idx %arg12[%and3A_202, %broadcast_in_dim3A_325] : memref<1000x8xf32, #tpu.memory_space<vmem>>[vector<16xi32>, vector<16xi32>], vector<16xf32>,
          %add3A_328 = arith.addf %gather3A_326, %gather3A_327 : vector<16xf32>
          %mul3A_329 = vector.broadcast %squeeze3A_47 : f32 to vector<16xf32>
          %mul3A_330 = arith.mulf %get3A_187, %mul3A_329 : vector<16xf32>
          %add3A_331 = arith.addf %add3A_328, %mul3A_330 : vector<16xf32>
          %mul3A_332 = vector.broadcast %squeeze3A_63 : f32 to vector<16xf32>
          %mul3A_333 = arith.mulf %get3A_193, %mul3A_332 : vector<16xf32>
          %add3A_334 = arith.addf %add3A_331, %mul3A_333 : vector<16xf32>
          %mul3A_335 = vector.broadcast %squeeze3A_79 : f32 to vector<16xf32>
          %mul3A_336 = arith.mulf %get3A_189, %mul3A_335 : vector<16xf32>
          %add3A_337 = arith.addf %add3A_334, %mul3A_336 : vector<16xf32>
          %max3A_338 = arith.constant 0.000000e+00 : f32
          %max3A_339 = vector.broadcast %max3A_338 : f32 to vector<16xf32>
          %max3A_340 = arith.maximumf %add3A_337, %max3A_339 : vector<16xf32>
          %mul3A_341 = vector.broadcast %squeeze3A_95 : f32 to vector<16xf32>
          %mul3A_342 = arith.mulf %max3A_340, %mul3A_341 : vector<16xf32>
          %add3A_343 = arith.addf %add3A_323, %mul3A_342 : vector<16xf32>
          %broadcast_in_dim3A_344 = arith.constant 7 : i32
          %broadcast_in_dim3A_345 = vector.broadcast %broadcast_in_dim3A_344 : i32 to vector<16xi32>
          %gather3A_346 = tpu.vector_load_idx %arg11[%and3A_197, %broadcast_in_dim3A_345] : memref<1000x8xf32, #tpu.memory_space<vmem>>[vector<16xi32>, vector<16xi32>], vector<16xf32>,
          %gather3A_347 = tpu.vector_load_idx %arg12[%and3A_202, %broadcast_in_dim3A_345] : memref<1000x8xf32, #tpu.memory_space<vmem>>[vector<16xi32>, vector<16xi32>], vector<16xf32>,
          %add3A_348 = arith.addf %gather3A_346, %gather3A_347 : vector<16xf32>
          %mul3A_349 = vector.broadcast %squeeze3A_49 : f32 to vector<16xf32>
          %mul3A_350 = arith.mulf %get3A_187, %mul3A_349 : vector<16xf32>
          %add3A_351 = arith.addf %add3A_348, %mul3A_350 : vector<16xf32>
          %mul3A_352 = vector.broadcast %squeeze3A_65 : f32 to vector<16xf32>
          %mul3A_353 = arith.mulf %get3A_193, %mul3A_352 : vector<16xf32>
          %add3A_354 = arith.addf %add3A_351, %mul3A_353 : vector<16xf32>
          %mul3A_355 = vector.broadcast %squeeze3A_81 : f32 to vector<16xf32>
          %mul3A_356 = arith.mulf %get3A_189, %mul3A_355 : vector<16xf32>
          %add3A_357 = arith.addf %add3A_354, %mul3A_356 : vector<16xf32>
          %max3A_358 = arith.constant 0.000000e+00 : f32
          %max3A_359 = vector.broadcast %max3A_358 : f32 to vector<16xf32>
          %max3A_360 = arith.maximumf %add3A_357, %max3A_359 : vector<16xf32>
          %mul3A_361 = vector.broadcast %squeeze3A_97 : f32 to vector<16xf32>
          %mul3A_362 = arith.mulf %max3A_360, %mul3A_361 : vector<16xf32>
          %add3A_363 = arith.addf %add3A_343, %mul3A_362 : vector<16xf32>
          %max3A_364 = arith.constant 0.000000e+00 : f32
          %max3A_365 = vector.broadcast %max3A_364 : f32 to vector<16xf32>
          %max3A_366 = arith.maximumf %add3A_363, %max3A_365 : vector<16xf32>
          %eq3A = arith.cmpi eq, %and3A_197, %and3A_202 : vector<16xi32>
          %eq3A_367 = arith.constant 1 : i32
          %eq3A_368 = vector.broadcast %eq3A_367 : i32 to vector<16xi32>
          %eq3A_369 = arith.cmpi eq, %shift_right_logical3A_199, %eq3A_368 : vector<16xi32>
          %ne3A = arith.xori %eq3A, %eq3A_369 : vector<16xi1>
          %jit3A = arith.constant 0.000000e+00 : f32
          %broadcast_in_dim3A_370 = vector.broadcast %jit3A : f32 to vector<16xf32>
          %select_n3A = arith.select %ne3A, %max3A_366, %broadcast_in_dim3A_370 : vector<16xi1>, vector<16xf32>
          %exp3A = math.exp %select_n3A : vector<16xf32>
          %swap3A = arith.index_cast %mul3A_185 : i32 to index
          %swap3A_371 = tpu.vector_load %arg31[%swap3A] {strides = array<i32>} : memref<2560xf32, #tpu.memory_space<vmem>>, vector<16xf32>,
          tpu.vector_store %arg31[%swap3A], %exp3A {strides = array<i32>} : memref<2560xf32, #tpu.memory_space<vmem>>, vector<16xf32>,
          %neg3A = arith.constant 0.000000e+00 : f32
          %neg3A_372 = vector.broadcast %neg3A : f32 to vector<16xf32>
          %neg3A_373 = arith.subf %neg3A_372, %exp3A : vector<16xf32>
          %select_n3A_374 = arith.select %eq3A, %neg3A_373, %exp3A : vector<16xi1>, vector<16xf32>
          %swap3A_375 = arith.index_cast %mul3A_185 : i32 to index
          %swap3A_376 = tpu.vector_load %arg32[%swap3A_375] {strides = array<i32>} : memref<2560xf32, #tpu.memory_space<vmem>>, vector<16xf32>,
          tpu.vector_store %arg32[%swap3A_375], %select_n3A_374 {strides = array<i32>} : memref<2560xf32, #tpu.memory_space<vmem>>, vector<16xf32>,
          %scan3A_377 = arith.constant 0 : i32
          scf.yield %scan3A_377 : i32
        }
        %scan3A_175 = arith.constant 160 : i32
        %dma_start3A_176 = arith.constant 0 : i32
        %dma_start3A_177 = tpu.memref_slice %arg38[%dma_start3A_176] : memref<102400xf32, #tpu.memory_space<vmem_shared>> -> memref<102400xf32, #tpu.memory_space<vmem_shared>>
        tpu.enqueue_indirect_dma source(%arg31 : memref<2560xf32, #tpu.memory_space<vmem>>) target(%dma_start3A_177 : memref<102400xf32, #tpu.memory_space<vmem_shared>>) offsets(%arg24 : memref<2560xi32, #tpu.memory_space<vmem>>) semaphore(%arg34 : memref<!tpu.dma_semaphore, #tpu.memory_space<semaphore_mem>>) {add = true}
        %mul3A_178 = arith.constant 2560 : i32
        %mul3A_179 = arith.muli %add3A_146, %mul3A_178 : i32
        "tpu.region"() ({
          %run_scoped3A_182 = tpu.sem_alloc : memref<!tpu.dma_semaphore, #tpu.memory_space<semaphore_mem>>
          %dma_start3A_183 = tpu.memref_slice %arg9[%mul3A_179] : memref<1600000xf32, #tpu.memory_space<hbm>> -> memref<2560xf32, #tpu.memory_space<hbm>>
          %dma_start3A_184 = tpu.memref_slice %arg9[%mul3A_179] : memref<1600000xf32, #tpu.memory_space<hbm>> -> memref<2560xf32, #tpu.memory_space<hbm>>
          tpu.enqueue_dma source(%arg32 : memref<2560xf32, #tpu.memory_space<vmem>>) target(%dma_start3A_184 : memref<2560xf32, #tpu.memory_space<hbm>>) target_semaphore(%run_scoped3A_182 : memref<!tpu.dma_semaphore, #tpu.memory_space<semaphore_mem>>)
          %dma_wait3A_185 = tpu.memref_slice %arg9[%mul3A_179] : memref<1600000xf32, #tpu.memory_space<hbm>> -> memref<2560xf32, #tpu.memory_space<hbm>>
          %dma_wait3A_186 = tpu.memref_slice %arg9[%mul3A_179] : memref<1600000xf32, #tpu.memory_space<hbm>> -> memref<2560xf32, #tpu.memory_space<hbm>>
          tpu.wait_dma2 semaphore(%run_scoped3A_182 : memref<!tpu.dma_semaphore, #tpu.memory_space<semaphore_mem>>) src(%arg32 : memref<2560xf32, #tpu.memory_space<vmem>>) dst(%dma_wait3A_186 : memref<2560xf32, #tpu.memory_space<hbm>>)
          tpu.yield
        }) : () -> ()
        %dma_wait3A_180 = arith.constant 0 : i32
        %dma_wait3A_181 = tpu.memref_slice %arg38[%dma_wait3A_180] : memref<102400xf32, #tpu.memory_space<vmem_shared>> -> memref<102400xf32, #tpu.memory_space<vmem_shared>>
        tpu.wait_indirect_dma semaphore(%arg34 : memref<!tpu.dma_semaphore, #tpu.memory_space<semaphore_mem>>) src(%arg31 : memref<2560xf32, #tpu.memory_space<vmem>>) dst(%dma_wait3A_181 : memref<102400xf32, #tpu.memory_space<vmem_shared>>)
      } else {
      }
      %scan3A_159 = arith.constant 0 : i32
      scf.yield %scan3A_159 : i32
    }
    %scan3A_120 = arith.constant 10 : i32
    %barrier3A_121 = arith.constant 0 : index
    tpu.barrier barrier_id(%barrier3A_121)
    "tpu.region"() ({
      %run_scoped3A_122 = tpu.sem_alloc : memref<!tpu.dma_semaphore, #tpu.memory_space<semaphore_mem>>
      %dma_start3A_123 = tpu.memref_slice %arg10[%arg0, %mul3A_2] : memref<2x102400xf32, #tpu.memory_space<hbm>> -> memref<1x6400xf32, #tpu.memory_space<hbm>>
      %dma_start3A_124 = tpu.memref_squeeze %dma_start3A_123 : memref<1x6400xf32, #tpu.memory_space<hbm>> -> memref<6400xf32, #tpu.memory_space<hbm>>
      %dma_start3A_125 = tpu.memref_slice %arg38[%mul3A_2] : memref<102400xf32, #tpu.memory_space<vmem_shared>> -> memref<6400xf32, #tpu.memory_space<vmem_shared>>
      tpu.enqueue_dma source(%dma_start3A_125 : memref<6400xf32, #tpu.memory_space<vmem_shared>>) target(%dma_start3A_124 : memref<6400xf32, #tpu.memory_space<hbm>>) target_semaphore(%run_scoped3A_122 : memref<!tpu.dma_semaphore, #tpu.memory_space<semaphore_mem>>)
      %dma_wait3A = tpu.memref_slice %arg10[%arg0, %mul3A_2] : memref<2x102400xf32, #tpu.memory_space<hbm>> -> memref<1x6400xf32, #tpu.memory_space<hbm>>
      %dma_wait3A_126 = tpu.memref_squeeze %dma_wait3A : memref<1x6400xf32, #tpu.memory_space<hbm>> -> memref<6400xf32, #tpu.memory_space<hbm>>
      %dma_wait3A_127 = tpu.memref_slice %arg38[%mul3A_2] : memref<102400xf32, #tpu.memory_space<vmem_shared>> -> memref<6400xf32, #tpu.memory_space<vmem_shared>>
      tpu.wait_dma2 semaphore(%run_scoped3A_122 : memref<!tpu.dma_semaphore, #tpu.memory_space<semaphore_mem>>) src(%dma_wait3A_127 : memref<6400xf32, #tpu.memory_space<vmem_shared>>) dst(%dma_wait3A_126 : memref<6400xf32, #tpu.memory_space<hbm>>)
      tpu.yield
    }) : () -> ()
    return
  }
}

#map = affine_map<(d0, d1) -> (0, 0)>
module attributes {stable_mosaic.version = 14 : i64} {
  func.func @_node_body(%arg0: i32, %arg1: i32, %arg2: memref<800x128xi32, #tpu.memory_space<hbm>>, %arg3: memref<800x128xf32, #tpu.memory_space<hbm>>, %arg4: memref<800x128xf32, #tpu.memory_space<hbm>>, %arg5: memref<1000x1xf32, #tpu.memory_space<hbm>>, %arg6: memref<1000x32xf32, #tpu.memory_space<hbm>>, %arg7: memref<8x16xf32, #tpu.memory_space<hbm>>, %arg8: memref<102400x32xf32, #tpu.memory_space<hbm>>, %arg9: memref<800x128xf32, #tpu.memory_space<hbm>>, %arg10: memref<800x128xi32, #tpu.memory_space<hbm>>, %arg11: memref<1000x1xf32, #tpu.memory_space<vmem>>, %arg12: memref<8x16xf32, #tpu.memory_space<vmem>>, %arg13: memref<4x128xi32, #tpu.memory_space<vmem>>, %arg14: memref<4x128xf32, #tpu.memory_space<vmem>>, %arg15: memref<4x128xf32, #tpu.memory_space<vmem>>, %arg16: memref<4x128xf32, #tpu.memory_space<vmem>>, %arg17: memref<4x128xi32, #tpu.memory_space<vmem>>, %arg18: memref<512x32xf32, #tpu.memory_space<vmem>>, %arg19: memref<!tpu.dma_semaphore, #tpu.memory_space<semaphore_mem>>) attributes {dimension_semantics = [#tpu.dimension_semantics<core_parallel>, #tpu.dimension_semantics<subcore_parallel>], iteration_bounds = array<i64: 2, 16>, scalar_prefetch = 0 : i64, scratch_operands = 9 : i64, tpu.core_type = #tpu.core_type<sc_vector_subcore>, window_params = [{transform_indices = #map}, {transform_indices = #map}, {transform_indices = #map}, {transform_indices = #map}, {transform_indices = #map}, {transform_indices = #map}, {transform_indices = #map}, {transform_indices = #map}, {transform_indices = #map}]} {
    %mul3A = arith.constant 2 : i32
    %mul3A_0 = arith.muli %arg1, %mul3A : i32
    %add3A = arith.addi %mul3A_0, %arg0 : i32
    "tpu.region"() ({
      %run_scoped3A = tpu.sem_alloc : memref<!tpu.dma_semaphore, #tpu.memory_space<semaphore_mem>>
      tpu.enqueue_dma source(%arg5 : memref<1000x1xf32, #tpu.memory_space<hbm>>) target(%arg11 : memref<1000x1xf32, #tpu.memory_space<vmem>>) target_semaphore(%run_scoped3A : memref<!tpu.dma_semaphore, #tpu.memory_space<semaphore_mem>>)
      tpu.wait_dma2 semaphore(%run_scoped3A : memref<!tpu.dma_semaphore, #tpu.memory_space<semaphore_mem>>) src(%arg5 : memref<1000x1xf32, #tpu.memory_space<hbm>>) dst(%arg11 : memref<1000x1xf32, #tpu.memory_space<vmem>>)
      tpu.yield
    }) : () -> ()
    "tpu.region"() ({
      %run_scoped3A = tpu.sem_alloc : memref<!tpu.dma_semaphore, #tpu.memory_space<semaphore_mem>>
      tpu.enqueue_dma source(%arg7 : memref<8x16xf32, #tpu.memory_space<hbm>>) target(%arg12 : memref<8x16xf32, #tpu.memory_space<vmem>>) target_semaphore(%run_scoped3A : memref<!tpu.dma_semaphore, #tpu.memory_space<semaphore_mem>>)
      tpu.wait_dma2 semaphore(%run_scoped3A : memref<!tpu.dma_semaphore, #tpu.memory_space<semaphore_mem>>) src(%arg7 : memref<8x16xf32, #tpu.memory_space<hbm>>) dst(%arg12 : memref<8x16xf32, #tpu.memory_space<vmem>>)
      tpu.yield
    }) : () -> ()
    %get3A = arith.constant 5 : i32
    %get3A_1 = arith.index_cast %get3A : i32 to index
    %get3A_2 = arith.constant 0 : index
    %get3A_3 = tpu.vector_load %arg12[%get3A_1, %get3A_2] {strides = array<i32>} : memref<8x16xf32, #tpu.memory_space<vmem>>, vector<16xf32>,
    %slice3A = vector.extract_strided_slice %get3A_3 {offsets = [0], sizes = [1], strides = [1]} : vector<16xf32> to vector<1xf32>
    %squeeze3A = vector.extract %slice3A[0] : f32 from vector<1xf32>
    %scan3A = arith.constant 0 : i32
    %scan3A_4 = arith.constant 0 : i32
    %scan3A_5 = arith.constant 7 : i32
    %scan3A_6 = arith.addi %scan3A_4, %scan3A_5 : i32
    %scan3A_7 = arith.constant 1 : i32
    %scan3A_8 = scf.for %scan3A_10 = %scan3A_4 to %scan3A_6 step %scan3A_7 iter_args(%scan3A_11 = %scan3A) -> (i32)  : i32 {
      %mul3A_12 = arith.constant 32 : i32
      %mul3A_13 = arith.muli %mul3A_12, %scan3A_10 : i32
      %add3A_14 = arith.addi %add3A, %mul3A_13 : i32
      %lt3A = arith.constant 200 : i32
      %lt3A_15 = arith.cmpi slt, %add3A_14, %lt3A : i32
      %convert_element_type3A = arith.extui %lt3A_15 : i1 to i32
      %cond3A = arith.constant 0 : i32
      %cond3A_16 = arith.cmpi ne, %convert_element_type3A, %cond3A : i32
      scf.if %cond3A_16 {
        %mul3A_18 = arith.constant 4 : i32
        %mul3A_19 = arith.muli %add3A_14, %mul3A_18 : i32
        "tpu.region"() ({
          %run_scoped3A = tpu.sem_alloc : memref<!tpu.dma_semaphore, #tpu.memory_space<semaphore_mem>>
          %dma_start3A_107 = arith.constant 0 : i32
          %dma_start3A_108 = tpu.memref_slice %arg2[%mul3A_19, %dma_start3A_107] : memref<800x128xi32, #tpu.memory_space<hbm>> -> memref<4x128xi32, #tpu.memory_space<hbm>>
          %dma_start3A_109 = arith.constant 0 : i32
          %dma_start3A_110 = tpu.memref_slice %arg2[%mul3A_19, %dma_start3A_109] : memref<800x128xi32, #tpu.memory_space<hbm>> -> memref<4x128xi32, #tpu.memory_space<hbm>>
          tpu.enqueue_dma source(%dma_start3A_110 : memref<4x128xi32, #tpu.memory_space<hbm>>) target(%arg13 : memref<4x128xi32, #tpu.memory_space<vmem>>) target_semaphore(%run_scoped3A : memref<!tpu.dma_semaphore, #tpu.memory_space<semaphore_mem>>)
          %dma_wait3A_111 = arith.constant 0 : i32
          %dma_wait3A_112 = tpu.memref_slice %arg2[%mul3A_19, %dma_wait3A_111] : memref<800x128xi32, #tpu.memory_space<hbm>> -> memref<4x128xi32, #tpu.memory_space<hbm>>
          %dma_wait3A_113 = arith.constant 0 : i32
          %dma_wait3A_114 = tpu.memref_slice %arg2[%mul3A_19, %dma_wait3A_113] : memref<800x128xi32, #tpu.memory_space<hbm>> -> memref<4x128xi32, #tpu.memory_space<hbm>>
          tpu.wait_dma2 semaphore(%run_scoped3A : memref<!tpu.dma_semaphore, #tpu.memory_space<semaphore_mem>>) src(%dma_wait3A_114 : memref<4x128xi32, #tpu.memory_space<hbm>>) dst(%arg13 : memref<4x128xi32, #tpu.memory_space<vmem>>)
          tpu.yield
        }) : () -> ()
        "tpu.region"() ({
          %run_scoped3A = tpu.sem_alloc : memref<!tpu.dma_semaphore, #tpu.memory_space<semaphore_mem>>
          %dma_start3A_107 = arith.constant 0 : i32
          %dma_start3A_108 = tpu.memref_slice %arg3[%mul3A_19, %dma_start3A_107] : memref<800x128xf32, #tpu.memory_space<hbm>> -> memref<4x128xf32, #tpu.memory_space<hbm>>
          %dma_start3A_109 = arith.constant 0 : i32
          %dma_start3A_110 = tpu.memref_slice %arg3[%mul3A_19, %dma_start3A_109] : memref<800x128xf32, #tpu.memory_space<hbm>> -> memref<4x128xf32, #tpu.memory_space<hbm>>
          tpu.enqueue_dma source(%dma_start3A_110 : memref<4x128xf32, #tpu.memory_space<hbm>>) target(%arg14 : memref<4x128xf32, #tpu.memory_space<vmem>>) target_semaphore(%run_scoped3A : memref<!tpu.dma_semaphore, #tpu.memory_space<semaphore_mem>>)
          %dma_wait3A_111 = arith.constant 0 : i32
          %dma_wait3A_112 = tpu.memref_slice %arg3[%mul3A_19, %dma_wait3A_111] : memref<800x128xf32, #tpu.memory_space<hbm>> -> memref<4x128xf32, #tpu.memory_space<hbm>>
          %dma_wait3A_113 = arith.constant 0 : i32
          %dma_wait3A_114 = tpu.memref_slice %arg3[%mul3A_19, %dma_wait3A_113] : memref<800x128xf32, #tpu.memory_space<hbm>> -> memref<4x128xf32, #tpu.memory_space<hbm>>
          tpu.wait_dma2 semaphore(%run_scoped3A : memref<!tpu.dma_semaphore, #tpu.memory_space<semaphore_mem>>) src(%dma_wait3A_114 : memref<4x128xf32, #tpu.memory_space<hbm>>) dst(%arg14 : memref<4x128xf32, #tpu.memory_space<vmem>>)
          tpu.yield
        }) : () -> ()
        "tpu.region"() ({
          %run_scoped3A = tpu.sem_alloc : memref<!tpu.dma_semaphore, #tpu.memory_space<semaphore_mem>>
          %dma_start3A_107 = arith.constant 0 : i32
          %dma_start3A_108 = tpu.memref_slice %arg4[%mul3A_19, %dma_start3A_107] : memref<800x128xf32, #tpu.memory_space<hbm>> -> memref<4x128xf32, #tpu.memory_space<hbm>>
          %dma_start3A_109 = arith.constant 0 : i32
          %dma_start3A_110 = tpu.memref_slice %arg4[%mul3A_19, %dma_start3A_109] : memref<800x128xf32, #tpu.memory_space<hbm>> -> memref<4x128xf32, #tpu.memory_space<hbm>>
          tpu.enqueue_dma source(%dma_start3A_110 : memref<4x128xf32, #tpu.memory_space<hbm>>) target(%arg15 : memref<4x128xf32, #tpu.memory_space<vmem>>) target_semaphore(%run_scoped3A : memref<!tpu.dma_semaphore, #tpu.memory_space<semaphore_mem>>)
          %dma_wait3A_111 = arith.constant 0 : i32
          %dma_wait3A_112 = tpu.memref_slice %arg4[%mul3A_19, %dma_wait3A_111] : memref<800x128xf32, #tpu.memory_space<hbm>> -> memref<4x128xf32, #tpu.memory_space<hbm>>
          %dma_wait3A_113 = arith.constant 0 : i32
          %dma_wait3A_114 = tpu.memref_slice %arg4[%mul3A_19, %dma_wait3A_113] : memref<800x128xf32, #tpu.memory_space<hbm>> -> memref<4x128xf32, #tpu.memory_space<hbm>>
          tpu.wait_dma2 semaphore(%run_scoped3A : memref<!tpu.dma_semaphore, #tpu.memory_space<semaphore_mem>>) src(%dma_wait3A_114 : memref<4x128xf32, #tpu.memory_space<hbm>>) dst(%arg15 : memref<4x128xf32, #tpu.memory_space<vmem>>)
          tpu.yield
        }) : () -> ()
        %dma_start3A = arith.constant 0 : i32
        %dma_start3A_20 = arith.constant 0 : i32
        %dma_start3A_21 = arith.constant 0 : i32
        %dma_start3A_22 = tpu.memref_slice %arg18[%dma_start3A_20, %dma_start3A_21] : memref<512x32xf32, #tpu.memory_space<vmem>> -> memref<128x32xf32, #tpu.memory_space<vmem>>
        %dma_start3A_23 = arith.constant 0 : i32
        %dma_start3A_24 = tpu.memref_slice %arg13[%dma_start3A, %dma_start3A_23] : memref<4x128xi32, #tpu.memory_space<vmem>> -> memref<1x128xi32, #tpu.memory_space<vmem>>
        %dma_start3A_25 = tpu.memref_squeeze %dma_start3A_24 : memref<1x128xi32, #tpu.memory_space<vmem>> -> memref<128xi32, #tpu.memory_space<vmem>>
        %dma_start3A_26 = arith.constant 0 : i32
        %dma_start3A_27 = arith.constant 0 : i32
        %dma_start3A_28 = tpu.memref_slice %arg6[%dma_start3A_26, %dma_start3A_27] : memref<1000x32xf32, #tpu.memory_space<hbm>> -> memref<1000x32xf32, #tpu.memory_space<hbm>>
        tpu.enqueue_indirect_dma source(%dma_start3A_28 : memref<1000x32xf32, #tpu.memory_space<hbm>>) target(%dma_start3A_22 : memref<128x32xf32, #tpu.memory_space<vmem>>) offsets(%dma_start3A_25 : memref<128xi32, #tpu.memory_space<vmem>>) semaphore(%arg19 : memref<!tpu.dma_semaphore, #tpu.memory_space<semaphore_mem>>)
        %dma_start3A_29 = arith.constant 1 : i32
        %dma_start3A_30 = arith.constant 128 : i32
        %dma_start3A_31 = arith.constant 0 : i32
        %dma_start3A_32 = tpu.memref_slice %arg18[%dma_start3A_30, %dma_start3A_31] : memref<512x32xf32, #tpu.memory_space<vmem>> -> memref<128x32xf32, #tpu.memory_space<vmem>>
        %dma_start3A_33 = arith.constant 0 : i32
        %dma_start3A_34 = tpu.memref_slice %arg13[%dma_start3A_29, %dma_start3A_33] : memref<4x128xi32, #tpu.memory_space<vmem>> -> memref<1x128xi32, #tpu.memory_space<vmem>>
        %dma_start3A_35 = tpu.memref_squeeze %dma_start3A_34 : memref<1x128xi32, #tpu.memory_space<vmem>> -> memref<128xi32, #tpu.memory_space<vmem>>
        %dma_start3A_36 = arith.constant 0 : i32
        %dma_start3A_37 = arith.constant 0 : i32
        %dma_start3A_38 = tpu.memref_slice %arg6[%dma_start3A_36, %dma_start3A_37] : memref<1000x32xf32, #tpu.memory_space<hbm>> -> memref<1000x32xf32, #tpu.memory_space<hbm>>
        tpu.enqueue_indirect_dma source(%dma_start3A_38 : memref<1000x32xf32, #tpu.memory_space<hbm>>) target(%dma_start3A_32 : memref<128x32xf32, #tpu.memory_space<vmem>>) offsets(%dma_start3A_35 : memref<128xi32, #tpu.memory_space<vmem>>) semaphore(%arg19 : memref<!tpu.dma_semaphore, #tpu.memory_space<semaphore_mem>>)
        %dma_start3A_39 = arith.constant 2 : i32
        %dma_start3A_40 = arith.constant 256 : i32
        %dma_start3A_41 = arith.constant 0 : i32
        %dma_start3A_42 = tpu.memref_slice %arg18[%dma_start3A_40, %dma_start3A_41] : memref<512x32xf32, #tpu.memory_space<vmem>> -> memref<128x32xf32, #tpu.memory_space<vmem>>
        %dma_start3A_43 = arith.constant 0 : i32
        %dma_start3A_44 = tpu.memref_slice %arg13[%dma_start3A_39, %dma_start3A_43] : memref<4x128xi32, #tpu.memory_space<vmem>> -> memref<1x128xi32, #tpu.memory_space<vmem>>
        %dma_start3A_45 = tpu.memref_squeeze %dma_start3A_44 : memref<1x128xi32, #tpu.memory_space<vmem>> -> memref<128xi32, #tpu.memory_space<vmem>>
        %dma_start3A_46 = arith.constant 0 : i32
        %dma_start3A_47 = arith.constant 0 : i32
        %dma_start3A_48 = tpu.memref_slice %arg6[%dma_start3A_46, %dma_start3A_47] : memref<1000x32xf32, #tpu.memory_space<hbm>> -> memref<1000x32xf32, #tpu.memory_space<hbm>>
        tpu.enqueue_indirect_dma source(%dma_start3A_48 : memref<1000x32xf32, #tpu.memory_space<hbm>>) target(%dma_start3A_42 : memref<128x32xf32, #tpu.memory_space<vmem>>) offsets(%dma_start3A_45 : memref<128xi32, #tpu.memory_space<vmem>>) semaphore(%arg19 : memref<!tpu.dma_semaphore, #tpu.memory_space<semaphore_mem>>)
        %dma_start3A_49 = arith.constant 3 : i32
        %dma_start3A_50 = arith.constant 384 : i32
        %dma_start3A_51 = arith.constant 0 : i32
        %dma_start3A_52 = tpu.memref_slice %arg18[%dma_start3A_50, %dma_start3A_51] : memref<512x32xf32, #tpu.memory_space<vmem>> -> memref<128x32xf32, #tpu.memory_space<vmem>>
        %dma_start3A_53 = arith.constant 0 : i32
        %dma_start3A_54 = tpu.memref_slice %arg13[%dma_start3A_49, %dma_start3A_53] : memref<4x128xi32, #tpu.memory_space<vmem>> -> memref<1x128xi32, #tpu.memory_space<vmem>>
        %dma_start3A_55 = tpu.memref_squeeze %dma_start3A_54 : memref<1x128xi32, #tpu.memory_space<vmem>> -> memref<128xi32, #tpu.memory_space<vmem>>
        %dma_start3A_56 = arith.constant 0 : i32
        %dma_start3A_57 = arith.constant 0 : i32
        %dma_start3A_58 = tpu.memref_slice %arg6[%dma_start3A_56, %dma_start3A_57] : memref<1000x32xf32, #tpu.memory_space<hbm>> -> memref<1000x32xf32, #tpu.memory_space<hbm>>
        tpu.enqueue_indirect_dma source(%dma_start3A_58 : memref<1000x32xf32, #tpu.memory_space<hbm>>) target(%dma_start3A_52 : memref<128x32xf32, #tpu.memory_space<vmem>>) offsets(%dma_start3A_55 : memref<128xi32, #tpu.memory_space<vmem>>) semaphore(%arg19 : memref<!tpu.dma_semaphore, #tpu.memory_space<semaphore_mem>>)
        %dma_wait3A = arith.constant 0 : i32
        %dma_wait3A_59 = arith.constant 0 : i32
        %dma_wait3A_60 = arith.constant 0 : i32
        %dma_wait3A_61 = tpu.memref_slice %arg18[%dma_wait3A_59, %dma_wait3A_60] : memref<512x32xf32, #tpu.memory_space<vmem>> -> memref<128x32xf32, #tpu.memory_space<vmem>>
        %dma_wait3A_62 = arith.constant 0 : i32
        %dma_wait3A_63 = tpu.memref_slice %arg13[%dma_wait3A, %dma_wait3A_62] : memref<4x128xi32, #tpu.memory_space<vmem>> -> memref<1x128xi32, #tpu.memory_space<vmem>>
        %dma_wait3A_64 = tpu.memref_squeeze %dma_wait3A_63 : memref<1x128xi32, #tpu.memory_space<vmem>> -> memref<128xi32, #tpu.memory_space<vmem>>
        %dma_wait3A_65 = arith.constant 0 : i32
        %dma_wait3A_66 = arith.constant 0 : i32
        %dma_wait3A_67 = tpu.memref_slice %arg6[%dma_wait3A_65, %dma_wait3A_66] : memref<1000x32xf32, #tpu.memory_space<hbm>> -> memref<1000x32xf32, #tpu.memory_space<hbm>>
        tpu.wait_indirect_dma semaphore(%arg19 : memref<!tpu.dma_semaphore, #tpu.memory_space<semaphore_mem>>) src(%dma_wait3A_67 : memref<1000x32xf32, #tpu.memory_space<hbm>>) dst(%dma_wait3A_61 : memref<128x32xf32, #tpu.memory_space<vmem>>)
        %dma_wait3A_68 = arith.constant 1 : i32
        %dma_wait3A_69 = arith.constant 128 : i32
        %dma_wait3A_70 = arith.constant 0 : i32
        %dma_wait3A_71 = tpu.memref_slice %arg18[%dma_wait3A_69, %dma_wait3A_70] : memref<512x32xf32, #tpu.memory_space<vmem>> -> memref<128x32xf32, #tpu.memory_space<vmem>>
        %dma_wait3A_72 = arith.constant 0 : i32
        %dma_wait3A_73 = tpu.memref_slice %arg13[%dma_wait3A_68, %dma_wait3A_72] : memref<4x128xi32, #tpu.memory_space<vmem>> -> memref<1x128xi32, #tpu.memory_space<vmem>>
        %dma_wait3A_74 = tpu.memref_squeeze %dma_wait3A_73 : memref<1x128xi32, #tpu.memory_space<vmem>> -> memref<128xi32, #tpu.memory_space<vmem>>
        %dma_wait3A_75 = arith.constant 0 : i32
        %dma_wait3A_76 = arith.constant 0 : i32
        %dma_wait3A_77 = tpu.memref_slice %arg6[%dma_wait3A_75, %dma_wait3A_76] : memref<1000x32xf32, #tpu.memory_space<hbm>> -> memref<1000x32xf32, #tpu.memory_space<hbm>>
        tpu.wait_indirect_dma semaphore(%arg19 : memref<!tpu.dma_semaphore, #tpu.memory_space<semaphore_mem>>) src(%dma_wait3A_77 : memref<1000x32xf32, #tpu.memory_space<hbm>>) dst(%dma_wait3A_71 : memref<128x32xf32, #tpu.memory_space<vmem>>)
        %dma_wait3A_78 = arith.constant 2 : i32
        %dma_wait3A_79 = arith.constant 256 : i32
        %dma_wait3A_80 = arith.constant 0 : i32
        %dma_wait3A_81 = tpu.memref_slice %arg18[%dma_wait3A_79, %dma_wait3A_80] : memref<512x32xf32, #tpu.memory_space<vmem>> -> memref<128x32xf32, #tpu.memory_space<vmem>>
        %dma_wait3A_82 = arith.constant 0 : i32
        %dma_wait3A_83 = tpu.memref_slice %arg13[%dma_wait3A_78, %dma_wait3A_82] : memref<4x128xi32, #tpu.memory_space<vmem>> -> memref<1x128xi32, #tpu.memory_space<vmem>>
        %dma_wait3A_84 = tpu.memref_squeeze %dma_wait3A_83 : memref<1x128xi32, #tpu.memory_space<vmem>> -> memref<128xi32, #tpu.memory_space<vmem>>
        %dma_wait3A_85 = arith.constant 0 : i32
        %dma_wait3A_86 = arith.constant 0 : i32
        %dma_wait3A_87 = tpu.memref_slice %arg6[%dma_wait3A_85, %dma_wait3A_86] : memref<1000x32xf32, #tpu.memory_space<hbm>> -> memref<1000x32xf32, #tpu.memory_space<hbm>>
        tpu.wait_indirect_dma semaphore(%arg19 : memref<!tpu.dma_semaphore, #tpu.memory_space<semaphore_mem>>) src(%dma_wait3A_87 : memref<1000x32xf32, #tpu.memory_space<hbm>>) dst(%dma_wait3A_81 : memref<128x32xf32, #tpu.memory_space<vmem>>)
        %dma_wait3A_88 = arith.constant 3 : i32
        %dma_wait3A_89 = arith.constant 384 : i32
        %dma_wait3A_90 = arith.constant 0 : i32
        %dma_wait3A_91 = tpu.memref_slice %arg18[%dma_wait3A_89, %dma_wait3A_90] : memref<512x32xf32, #tpu.memory_space<vmem>> -> memref<128x32xf32, #tpu.memory_space<vmem>>
        %dma_wait3A_92 = arith.constant 0 : i32
        %dma_wait3A_93 = tpu.memref_slice %arg13[%dma_wait3A_88, %dma_wait3A_92] : memref<4x128xi32, #tpu.memory_space<vmem>> -> memref<1x128xi32, #tpu.memory_space<vmem>>
        %dma_wait3A_94 = tpu.memref_squeeze %dma_wait3A_93 : memref<1x128xi32, #tpu.memory_space<vmem>> -> memref<128xi32, #tpu.memory_space<vmem>>
        %dma_wait3A_95 = arith.constant 0 : i32
        %dma_wait3A_96 = arith.constant 0 : i32
        %dma_wait3A_97 = tpu.memref_slice %arg6[%dma_wait3A_95, %dma_wait3A_96] : memref<1000x32xf32, #tpu.memory_space<hbm>> -> memref<1000x32xf32, #tpu.memory_space<hbm>>
        tpu.wait_indirect_dma semaphore(%arg19 : memref<!tpu.dma_semaphore, #tpu.memory_space<semaphore_mem>>) src(%dma_wait3A_97 : memref<1000x32xf32, #tpu.memory_space<hbm>>) dst(%dma_wait3A_91 : memref<128x32xf32, #tpu.memory_space<vmem>>)
        %mul3A_98 = arith.constant 512 : i32
        %mul3A_99 = arith.muli %add3A_14, %mul3A_98 : i32
        "tpu.region"() ({
          %run_scoped3A = tpu.sem_alloc : memref<!tpu.dma_semaphore, #tpu.memory_space<semaphore_mem>>
          %dma_start3A_107 = arith.constant 0 : i32
          %dma_start3A_108 = tpu.memref_slice %arg8[%mul3A_99, %dma_start3A_107] : memref<102400x32xf32, #tpu.memory_space<hbm>> -> memref<512x32xf32, #tpu.memory_space<hbm>>
          %dma_start3A_109 = arith.constant 0 : i32
          %dma_start3A_110 = tpu.memref_slice %arg8[%mul3A_99, %dma_start3A_109] : memref<102400x32xf32, #tpu.memory_space<hbm>> -> memref<512x32xf32, #tpu.memory_space<hbm>>
          tpu.enqueue_dma source(%arg18 : memref<512x32xf32, #tpu.memory_space<vmem>>) target(%dma_start3A_110 : memref<512x32xf32, #tpu.memory_space<hbm>>) target_semaphore(%run_scoped3A : memref<!tpu.dma_semaphore, #tpu.memory_space<semaphore_mem>>)
          %dma_wait3A_111 = arith.constant 0 : i32
          %dma_wait3A_112 = tpu.memref_slice %arg8[%mul3A_99, %dma_wait3A_111] : memref<102400x32xf32, #tpu.memory_space<hbm>> -> memref<512x32xf32, #tpu.memory_space<hbm>>
          %dma_wait3A_113 = arith.constant 0 : i32
          %dma_wait3A_114 = tpu.memref_slice %arg8[%mul3A_99, %dma_wait3A_113] : memref<102400x32xf32, #tpu.memory_space<hbm>> -> memref<512x32xf32, #tpu.memory_space<hbm>>
          tpu.wait_dma2 semaphore(%run_scoped3A : memref<!tpu.dma_semaphore, #tpu.memory_space<semaphore_mem>>) src(%arg18 : memref<512x32xf32, #tpu.memory_space<vmem>>) dst(%dma_wait3A_114 : memref<512x32xf32, #tpu.memory_space<hbm>>)
          tpu.yield
        }) : () -> ()
        %scan3A_100 = arith.constant 0 : i32
        %scan3A_101 = arith.constant 0 : i32
        %scan3A_102 = arith.constant 32 : i32
        %scan3A_103 = arith.addi %scan3A_101, %scan3A_102 : i32
        %scan3A_104 = arith.constant 1 : i32
        %scan3A_105 = scf.for %scan3A_107 = %scan3A_101 to %scan3A_103 step %scan3A_104 iter_args(%scan3A_108 = %scan3A_100) -> (i32)  : i32 {
          %jit3A = arith.constant 8 : i32
          %div3A = arith.divsi %scan3A_107, %jit3A : i32
          %sign3A = arith.constant 0 : i32
          %sign3A_109 = arith.cmpi sgt, %scan3A_107, %sign3A : i32
          %sign3A_110 = arith.extui %sign3A_109 : i1 to i32
          %sign3A_111 = arith.constant 0 : i32
          %sign3A_112 = arith.cmpi slt, %scan3A_107, %sign3A_111 : i32
          %sign3A_113 = arith.extui %sign3A_112 : i1 to i32
          %sign3A_114 = arith.subi %sign3A_110, %sign3A_113 : i32
          %sign3A_115 = arith.constant 0 : i32
          %sign3A_116 = arith.cmpi sgt, %jit3A, %sign3A_115 : i32
          %sign3A_117 = arith.extui %sign3A_116 : i1 to i32
          %sign3A_118 = arith.constant 0 : i32
          %sign3A_119 = arith.cmpi slt, %jit3A, %sign3A_118 : i32
          %sign3A_120 = arith.extui %sign3A_119 : i1 to i32
          %sign3A_121 = arith.subi %sign3A_117, %sign3A_120 : i32
          %ne3A = arith.cmpi ne, %sign3A_114, %sign3A_121 : i32
          %rem3A = arith.remsi %scan3A_107, %jit3A : i32
          %ne3A_122 = arith.constant 0 : i32
          %ne3A_123 = arith.cmpi ne, %rem3A, %ne3A_122 : i32
          %and3A = arith.andi %ne3A, %ne3A_123 : i1
          %sub3A = arith.constant 1 : i32
          %sub3A_124 = arith.subi %div3A, %sub3A : i32
          %select_n3A = arith.select %and3A, %sub3A_124, %div3A : i32
          %jit3A_125 = arith.constant 8 : i32
          %eq3A = arith.constant 0 : i32
          %eq3A_126 = arith.cmpi eq, %jit3A_125, %eq3A : i32
          %jit3A_127 = arith.constant 1 : i32
          %select_n3A_128 = arith.select %eq3A_126, %jit3A_127, %jit3A_125 : i32
          %rem3A_129 = arith.remsi %scan3A_107, %select_n3A_128 : i32
          %ne3A_130 = arith.constant 0 : i32
          %ne3A_131 = arith.cmpi ne, %rem3A_129, %ne3A_130 : i32
          %lt3A_132 = arith.constant 0 : i32
          %lt3A_133 = arith.cmpi slt, %rem3A_129, %lt3A_132 : i32
          %lt3A_134 = arith.constant 0 : i32
          %lt3A_135 = arith.cmpi slt, %select_n3A_128, %lt3A_134 : i32
          %ne3A_136 = arith.xori %lt3A_133, %lt3A_135 : i1
          %and3A_137 = arith.andi %ne3A_136, %ne3A_131 : i1
          %add3A_138 = arith.addi %rem3A_129, %select_n3A_128 : i32
          %select_n3A_139 = arith.select %and3A_137, %add3A_138, %rem3A_129 : i32
          %mul3A_140 = arith.constant 16 : i32
          %mul3A_141 = arith.muli %select_n3A_139, %mul3A_140 : i32
          %get3A_142 = arith.index_cast %select_n3A : i32 to index
          %get3A_143 = arith.index_cast %mul3A_141 : i32 to index
          %get3A_144 = tpu.vector_load %arg13[%get3A_142, %get3A_143] {strides = array<i32>} : memref<4x128xi32, #tpu.memory_space<vmem>>, vector<16xi32>,
          %get3A_145 = arith.index_cast %select_n3A : i32 to index
          %get3A_146 = arith.index_cast %mul3A_141 : i32 to index
          %get3A_147 = tpu.vector_load %arg14[%get3A_145, %get3A_146] {strides = array<i32>} : memref<4x128xf32, #tpu.memory_space<vmem>>, vector<16xf32>,
          %get3A_148 = arith.index_cast %select_n3A : i32 to index
          %get3A_149 = arith.index_cast %mul3A_141 : i32 to index
          %get3A_150 = tpu.vector_load %arg15[%get3A_148, %get3A_149] {strides = array<i32>} : memref<4x128xf32, #tpu.memory_space<vmem>>, vector<16xf32>,
          %broadcast_in_dim3A = arith.constant 0 : i32
          %broadcast_in_dim3A_151 = vector.broadcast %broadcast_in_dim3A : i32 to vector<16xi32>
          %gather3A = tpu.vector_load_idx %arg11[%get3A_144, %broadcast_in_dim3A_151] : memref<1000x1xf32, #tpu.memory_space<vmem>>[vector<16xi32>, vector<16xi32>], vector<16xf32>,
          %mul3A_152 = vector.broadcast %squeeze3A : f32 to vector<16xf32>
          %mul3A_153 = arith.mulf %get3A_147, %mul3A_152 : vector<16xf32>
          %add3A_154 = arith.addf %gather3A, %mul3A_153 : vector<16xf32>
          %max3A = arith.constant 0.000000e+00 : f32
          %max3A_155 = vector.broadcast %max3A : f32 to vector<16xf32>
          %max3A_156 = arith.maximumf %add3A_154, %max3A_155 : vector<16xf32>
          %add3A_157 = arith.addf %max3A_156, %get3A_147 : vector<16xf32>
          %max3A_158 = arith.constant 0.000000e+00 : f32
          %max3A_159 = vector.broadcast %max3A_158 : f32 to vector<16xf32>
          %max3A_160 = arith.maximumf %add3A_157, %max3A_159 : vector<16xf32>
          %gt3A = arith.constant 5.000000e-01 : f32
          %gt3A_161 = vector.broadcast %gt3A : f32 to vector<16xf32>
          %gt3A_162 = arith.cmpf ogt, %get3A_150, %gt3A_161 : vector<16xf32>
          %jit3A_163 = arith.constant 1024 : i32
          %jit3A_164 = arith.constant 0 : i32
          %broadcast_in_dim3A_165 = vector.broadcast %jit3A_163 : i32 to vector<16xi32>
          %broadcast_in_dim3A_166 = vector.broadcast %jit3A_164 : i32 to vector<16xi32>
          %select_n3A_167 = arith.select %gt3A_162, %broadcast_in_dim3A_165, %broadcast_in_dim3A_166 : vector<16xi1>, vector<16xi32>
          %add3A_168 = arith.addi %get3A_144, %select_n3A_167 : vector<16xi32>
          %swap3A = arith.index_cast %select_n3A : i32 to index
          %swap3A_169 = arith.index_cast %mul3A_141 : i32 to index
          %swap3A_170 = tpu.vector_load %arg16[%swap3A, %swap3A_169] {strides = array<i32>} : memref<4x128xf32, #tpu.memory_space<vmem>>, vector<16xf32>,
          tpu.vector_store %arg16[%swap3A, %swap3A_169], %max3A_160 {strides = array<i32>} : memref<4x128xf32, #tpu.memory_space<vmem>>, vector<16xf32>,
          %swap3A_171 = arith.index_cast %select_n3A : i32 to index
          %swap3A_172 = arith.index_cast %mul3A_141 : i32 to index
          %swap3A_173 = tpu.vector_load %arg17[%swap3A_171, %swap3A_172] {strides = array<i32>} : memref<4x128xi32, #tpu.memory_space<vmem>>, vector<16xi32>,
          tpu.vector_store %arg17[%swap3A_171, %swap3A_172], %add3A_168 {strides = array<i32>} : memref<4x128xi32, #tpu.memory_space<vmem>>, vector<16xi32>,
          %scan3A_174 = arith.constant 0 : i32
          scf.yield %scan3A_174 : i32
        }
        %scan3A_106 = arith.constant 32 : i32
        "tpu.region"() ({
          %run_scoped3A = tpu.sem_alloc : memref<!tpu.dma_semaphore, #tpu.memory_space<semaphore_mem>>
          %dma_start3A_107 = arith.constant 0 : i32
          %dma_start3A_108 = tpu.memref_slice %arg9[%mul3A_19, %dma_start3A_107] : memref<800x128xf32, #tpu.memory_space<hbm>> -> memref<4x128xf32, #tpu.memory_space<hbm>>
          %dma_start3A_109 = arith.constant 0 : i32
          %dma_start3A_110 = tpu.memref_slice %arg9[%mul3A_19, %dma_start3A_109] : memref<800x128xf32, #tpu.memory_space<hbm>> -> memref<4x128xf32, #tpu.memory_space<hbm>>
          tpu.enqueue_dma source(%arg16 : memref<4x128xf32, #tpu.memory_space<vmem>>) target(%dma_start3A_110 : memref<4x128xf32, #tpu.memory_space<hbm>>) target_semaphore(%run_scoped3A : memref<!tpu.dma_semaphore, #tpu.memory_space<semaphore_mem>>)
          %dma_wait3A_111 = arith.constant 0 : i32
          %dma_wait3A_112 = tpu.memref_slice %arg9[%mul3A_19, %dma_wait3A_111] : memref<800x128xf32, #tpu.memory_space<hbm>> -> memref<4x128xf32, #tpu.memory_space<hbm>>
          %dma_wait3A_113 = arith.constant 0 : i32
          %dma_wait3A_114 = tpu.memref_slice %arg9[%mul3A_19, %dma_wait3A_113] : memref<800x128xf32, #tpu.memory_space<hbm>> -> memref<4x128xf32, #tpu.memory_space<hbm>>
          tpu.wait_dma2 semaphore(%run_scoped3A : memref<!tpu.dma_semaphore, #tpu.memory_space<semaphore_mem>>) src(%arg16 : memref<4x128xf32, #tpu.memory_space<vmem>>) dst(%dma_wait3A_114 : memref<4x128xf32, #tpu.memory_space<hbm>>)
          tpu.yield
        }) : () -> ()
        "tpu.region"() ({
          %run_scoped3A = tpu.sem_alloc : memref<!tpu.dma_semaphore, #tpu.memory_space<semaphore_mem>>
          %dma_start3A_107 = arith.constant 0 : i32
          %dma_start3A_108 = tpu.memref_slice %arg10[%mul3A_19, %dma_start3A_107] : memref<800x128xi32, #tpu.memory_space<hbm>> -> memref<4x128xi32, #tpu.memory_space<hbm>>
          %dma_start3A_109 = arith.constant 0 : i32
          %dma_start3A_110 = tpu.memref_slice %arg10[%mul3A_19, %dma_start3A_109] : memref<800x128xi32, #tpu.memory_space<hbm>> -> memref<4x128xi32, #tpu.memory_space<hbm>>
          tpu.enqueue_dma source(%arg17 : memref<4x128xi32, #tpu.memory_space<vmem>>) target(%dma_start3A_110 : memref<4x128xi32, #tpu.memory_space<hbm>>) target_semaphore(%run_scoped3A : memref<!tpu.dma_semaphore, #tpu.memory_space<semaphore_mem>>)
          %dma_wait3A_111 = arith.constant 0 : i32
          %dma_wait3A_112 = tpu.memref_slice %arg10[%mul3A_19, %dma_wait3A_111] : memref<800x128xi32, #tpu.memory_space<hbm>> -> memref<4x128xi32, #tpu.memory_space<hbm>>
          %dma_wait3A_113 = arith.constant 0 : i32
          %dma_wait3A_114 = tpu.memref_slice %arg10[%mul3A_19, %dma_wait3A_113] : memref<800x128xi32, #tpu.memory_space<hbm>> -> memref<4x128xi32, #tpu.memory_space<hbm>>
          tpu.wait_dma2 semaphore(%run_scoped3A : memref<!tpu.dma_semaphore, #tpu.memory_space<semaphore_mem>>) src(%arg17 : memref<4x128xi32, #tpu.memory_space<vmem>>) dst(%dma_wait3A_114 : memref<4x128xi32, #tpu.memory_space<hbm>>)
          tpu.yield
        }) : () -> ()
      } else {
      }
      %scan3A_17 = arith.constant 0 : i32
      scf.yield %scan3A_17 : i32
    }
    %scan3A_9 = arith.constant 7 : i32
    return
  }
}

#map = affine_map<(d0, d1) -> (0, 0)>
#map1 = affine_map<(d0, d1) -> (0)>
module attributes {stable_mosaic.version = 14 : i64} {
  func.func @_pass2_body(%arg0: i32, %arg1: i32, %arg2: memref<2x1600000xi32, #tpu.memory_space<hbm>>, %arg3: memref<1600000xf32, #tpu.memory_space<hbm>>, %arg4: memref<102400xf32, #tpu.memory_space<hbm>>, %arg5: memref<2x102400xf32, #tpu.memory_space<hbm>>, %arg6: memref<2x102400xf32, #tpu.memory_space<hbm>>, %arg7: memref<2x102400xf32, #tpu.memory_space<hbm>>, %arg8: memref<2048xf32, #tpu.memory_space<vmem>>, %arg9: memref<2048xf32, #tpu.memory_space<vmem>>, %arg10: memref<2048xf32, #tpu.memory_space<vmem>>, %arg11: memref<2048xf32, #tpu.memory_space<vmem>>, %arg12: memref<2048xf32, #tpu.memory_space<vmem>>, %arg13: memref<2560xi32, #tpu.memory_space<vmem>>, %arg14: memref<2560xi32, #tpu.memory_space<vmem>>, %arg15: memref<2560xf32, #tpu.memory_space<vmem>>, %arg16: memref<2560xf32, #tpu.memory_space<vmem>>, %arg17: memref<2560xf32, #tpu.memory_space<vmem>>, %arg18: memref<2560xf32, #tpu.memory_space<vmem>>, %arg19: memref<2560xi32, #tpu.memory_space<vmem>>, %arg20: memref<2560xi32, #tpu.memory_space<vmem>>, %arg21: memref<2560xf32, #tpu.memory_space<vmem>>, %arg22: memref<2560xf32, #tpu.memory_space<vmem>>, %arg23: memref<2560xf32, #tpu.memory_space<vmem>>, %arg24: memref<2560xf32, #tpu.memory_space<vmem>>, %arg25: memref<!tpu.dma_semaphore, #tpu.memory_space<semaphore_mem>>, %arg26: memref<!tpu.dma_semaphore, #tpu.memory_space<semaphore_mem>>, %arg27: memref<102400xf32, #tpu.memory_space<vmem_shared>>, %arg28: memref<102400xf32, #tpu.memory_space<vmem_shared>>, %arg29: memref<102400xf32, #tpu.memory_space<vmem_shared>>) attributes {dimension_semantics = [#tpu.dimension_semantics<core_parallel>, #tpu.dimension_semantics<subcore_parallel>], iteration_bounds = array<i64: 2, 16>, scalar_prefetch = 0 : i64, scratch_operands = 22 : i64, tpu.core_type = #tpu.core_type<sc_vector_subcore>, window_params = [{transform_indices = #map}, {transform_indices = #map1}, {transform_indices = #map1}, {transform_indices = #map}, {transform_indices = #map}, {transform_indices = #map}]} {
    %mul3A = arith.constant 2 : i32
    %mul3A_0 = arith.muli %arg1, %mul3A : i32
    %add3A = arith.addi %mul3A_0, %arg0 : i32
    %mul3A_1 = arith.constant 6400 : i32
    %mul3A_2 = arith.muli %arg1, %mul3A_1 : i32
    %add3A_3 = arith.constant 0 : i32
    %add3A_4 = arith.addi %mul3A_2, %add3A_3 : i32
    %run_scoped3A = arith.constant 0 : i32
    "tpu.region"() ({
      %run_scoped3A_109 = tpu.sem_alloc : memref<!tpu.dma_semaphore, #tpu.memory_space<semaphore_mem>>
      %dma_start3A_110 = arith.constant 0 : i32
      %dma_start3A_111 = tpu.memref_slice %arg8[%dma_start3A_110] : memref<2048xf32, #tpu.memory_space<vmem>> -> memref<2048xf32, #tpu.memory_space<vmem>>
      %dma_start3A_112 = tpu.memref_slice %arg5[%run_scoped3A, %add3A_4] : memref<2x102400xf32, #tpu.memory_space<hbm>> -> memref<1x2048xf32, #tpu.memory_space<hbm>>
      %dma_start3A_113 = tpu.memref_squeeze %dma_start3A_112 : memref<1x2048xf32, #tpu.memory_space<hbm>> -> memref<2048xf32, #tpu.memory_space<hbm>>
      %dma_start3A_114 = arith.constant 0 : i32
      %dma_start3A_115 = tpu.memref_slice %arg8[%dma_start3A_114] : memref<2048xf32, #tpu.memory_space<vmem>> -> memref<2048xf32, #tpu.memory_space<vmem>>
      %dma_start3A_116 = tpu.memref_slice %arg5[%run_scoped3A, %add3A_4] : memref<2x102400xf32, #tpu.memory_space<hbm>> -> memref<1x2048xf32, #tpu.memory_space<hbm>>
      %dma_start3A_117 = tpu.memref_squeeze %dma_start3A_116 : memref<1x2048xf32, #tpu.memory_space<hbm>> -> memref<2048xf32, #tpu.memory_space<hbm>>
      tpu.enqueue_dma source(%dma_start3A_117 : memref<2048xf32, #tpu.memory_space<hbm>>) target(%dma_start3A_115 : memref<2048xf32, #tpu.memory_space<vmem>>) target_semaphore(%run_scoped3A_109 : memref<!tpu.dma_semaphore, #tpu.memory_space<semaphore_mem>>)
      %dma_wait3A = arith.constant 0 : i32
      %dma_wait3A_118 = tpu.memref_slice %arg8[%dma_wait3A] : memref<2048xf32, #tpu.memory_space<vmem>> -> memref<2048xf32, #tpu.memory_space<vmem>>
      %dma_wait3A_119 = tpu.memref_slice %arg5[%run_scoped3A, %add3A_4] : memref<2x102400xf32, #tpu.memory_space<hbm>> -> memref<1x2048xf32, #tpu.memory_space<hbm>>
      %dma_wait3A_120 = tpu.memref_squeeze %dma_wait3A_119 : memref<1x2048xf32, #tpu.memory_space<hbm>> -> memref<2048xf32, #tpu.memory_space<hbm>>
      %dma_wait3A_121 = arith.constant 0 : i32
      %dma_wait3A_122 = tpu.memref_slice %arg8[%dma_wait3A_121] : memref<2048xf32, #tpu.memory_space<vmem>> -> memref<2048xf32, #tpu.memory_space<vmem>>
      %dma_wait3A_123 = tpu.memref_slice %arg5[%run_scoped3A, %add3A_4] : memref<2x102400xf32, #tpu.memory_space<hbm>> -> memref<1x2048xf32, #tpu.memory_space<hbm>>
      %dma_wait3A_124 = tpu.memref_squeeze %dma_wait3A_123 : memref<1x2048xf32, #tpu.memory_space<hbm>> -> memref<2048xf32, #tpu.memory_space<hbm>>
      tpu.wait_dma2 semaphore(%run_scoped3A_109 : memref<!tpu.dma_semaphore, #tpu.memory_space<semaphore_mem>>) src(%dma_wait3A_124 : memref<2048xf32, #tpu.memory_space<hbm>>) dst(%dma_wait3A_122 : memref<2048xf32, #tpu.memory_space<vmem>>)
      tpu.yield
    }) : () -> ()
    %add3A_5 = arith.constant 0 : i32
    %add3A_6 = arith.addi %mul3A_2, %add3A_5 : i32
    %run_scoped3A_7 = arith.constant 1 : i32
    "tpu.region"() ({
      %run_scoped3A_109 = tpu.sem_alloc : memref<!tpu.dma_semaphore, #tpu.memory_space<semaphore_mem>>
      %dma_start3A_110 = arith.constant 0 : i32
      %dma_start3A_111 = tpu.memref_slice %arg9[%dma_start3A_110] : memref<2048xf32, #tpu.memory_space<vmem>> -> memref<2048xf32, #tpu.memory_space<vmem>>
      %dma_start3A_112 = tpu.memref_slice %arg5[%run_scoped3A_7, %add3A_6] : memref<2x102400xf32, #tpu.memory_space<hbm>> -> memref<1x2048xf32, #tpu.memory_space<hbm>>
      %dma_start3A_113 = tpu.memref_squeeze %dma_start3A_112 : memref<1x2048xf32, #tpu.memory_space<hbm>> -> memref<2048xf32, #tpu.memory_space<hbm>>
      %dma_start3A_114 = arith.constant 0 : i32
      %dma_start3A_115 = tpu.memref_slice %arg9[%dma_start3A_114] : memref<2048xf32, #tpu.memory_space<vmem>> -> memref<2048xf32, #tpu.memory_space<vmem>>
      %dma_start3A_116 = tpu.memref_slice %arg5[%run_scoped3A_7, %add3A_6] : memref<2x102400xf32, #tpu.memory_space<hbm>> -> memref<1x2048xf32, #tpu.memory_space<hbm>>
      %dma_start3A_117 = tpu.memref_squeeze %dma_start3A_116 : memref<1x2048xf32, #tpu.memory_space<hbm>> -> memref<2048xf32, #tpu.memory_space<hbm>>
      tpu.enqueue_dma source(%dma_start3A_117 : memref<2048xf32, #tpu.memory_space<hbm>>) target(%dma_start3A_115 : memref<2048xf32, #tpu.memory_space<vmem>>) target_semaphore(%run_scoped3A_109 : memref<!tpu.dma_semaphore, #tpu.memory_space<semaphore_mem>>)
      %dma_wait3A = arith.constant 0 : i32
      %dma_wait3A_118 = tpu.memref_slice %arg9[%dma_wait3A] : memref<2048xf32, #tpu.memory_space<vmem>> -> memref<2048xf32, #tpu.memory_space<vmem>>
      %dma_wait3A_119 = tpu.memref_slice %arg5[%run_scoped3A_7, %add3A_6] : memref<2x102400xf32, #tpu.memory_space<hbm>> -> memref<1x2048xf32, #tpu.memory_space<hbm>>
      %dma_wait3A_120 = tpu.memref_squeeze %dma_wait3A_119 : memref<1x2048xf32, #tpu.memory_space<hbm>> -> memref<2048xf32, #tpu.memory_space<hbm>>
      %dma_wait3A_121 = arith.constant 0 : i32
      %dma_wait3A_122 = tpu.memref_slice %arg9[%dma_wait3A_121] : memref<2048xf32, #tpu.memory_space<vmem>> -> memref<2048xf32, #tpu.memory_space<vmem>>
      %dma_wait3A_123 = tpu.memref_slice %arg5[%run_scoped3A_7, %add3A_6] : memref<2x102400xf32, #tpu.memory_space<hbm>> -> memref<1x2048xf32, #tpu.memory_space<hbm>>
      %dma_wait3A_124 = tpu.memref_squeeze %dma_wait3A_123 : memref<1x2048xf32, #tpu.memory_space<hbm>> -> memref<2048xf32, #tpu.memory_space<hbm>>
      tpu.wait_dma2 semaphore(%run_scoped3A_109 : memref<!tpu.dma_semaphore, #tpu.memory_space<semaphore_mem>>) src(%dma_wait3A_124 : memref<2048xf32, #tpu.memory_space<hbm>>) dst(%dma_wait3A_122 : memref<2048xf32, #tpu.memory_space<vmem>>)
      tpu.yield
    }) : () -> ()
    %add3A_8 = arith.constant 0 : i32
    %add3A_9 = arith.addi %mul3A_2, %add3A_8 : i32
    "tpu.region"() ({
      %run_scoped3A_109 = tpu.sem_alloc : memref<!tpu.dma_semaphore, #tpu.memory_space<semaphore_mem>>
      %dma_start3A_110 = arith.constant 0 : i32
      %dma_start3A_111 = tpu.memref_slice %arg10[%dma_start3A_110] : memref<2048xf32, #tpu.memory_space<vmem>> -> memref<2048xf32, #tpu.memory_space<vmem>>
      %dma_start3A_112 = tpu.memref_slice %arg4[%add3A_9] : memref<102400xf32, #tpu.memory_space<hbm>> -> memref<2048xf32, #tpu.memory_space<hbm>>
      %dma_start3A_113 = arith.constant 0 : i32
      %dma_start3A_114 = tpu.memref_slice %arg10[%dma_start3A_113] : memref<2048xf32, #tpu.memory_space<vmem>> -> memref<2048xf32, #tpu.memory_space<vmem>>
      %dma_start3A_115 = tpu.memref_slice %arg4[%add3A_9] : memref<102400xf32, #tpu.memory_space<hbm>> -> memref<2048xf32, #tpu.memory_space<hbm>>
      tpu.enqueue_dma source(%dma_start3A_115 : memref<2048xf32, #tpu.memory_space<hbm>>) target(%dma_start3A_114 : memref<2048xf32, #tpu.memory_space<vmem>>) target_semaphore(%run_scoped3A_109 : memref<!tpu.dma_semaphore, #tpu.memory_space<semaphore_mem>>)
      %dma_wait3A = arith.constant 0 : i32
      %dma_wait3A_116 = tpu.memref_slice %arg10[%dma_wait3A] : memref<2048xf32, #tpu.memory_space<vmem>> -> memref<2048xf32, #tpu.memory_space<vmem>>
      %dma_wait3A_117 = tpu.memref_slice %arg4[%add3A_9] : memref<102400xf32, #tpu.memory_space<hbm>> -> memref<2048xf32, #tpu.memory_space<hbm>>
      %dma_wait3A_118 = arith.constant 0 : i32
      %dma_wait3A_119 = tpu.memref_slice %arg10[%dma_wait3A_118] : memref<2048xf32, #tpu.memory_space<vmem>> -> memref<2048xf32, #tpu.memory_space<vmem>>
      %dma_wait3A_120 = tpu.memref_slice %arg4[%add3A_9] : memref<102400xf32, #tpu.memory_space<hbm>> -> memref<2048xf32, #tpu.memory_space<hbm>>
      tpu.wait_dma2 semaphore(%run_scoped3A_109 : memref<!tpu.dma_semaphore, #tpu.memory_space<semaphore_mem>>) src(%dma_wait3A_120 : memref<2048xf32, #tpu.memory_space<hbm>>) dst(%dma_wait3A_119 : memref<2048xf32, #tpu.memory_space<vmem>>)
      tpu.yield
    }) : () -> ()
    %scan3A = arith.constant 0 : i32
    %scan3A_10 = arith.constant 0 : i32
    %scan3A_11 = arith.constant 128 : i32
    %scan3A_12 = arith.addi %scan3A_10, %scan3A_11 : i32
    %scan3A_13 = arith.constant 1 : i32
    %scan3A_14 = scf.for %scan3A_109 = %scan3A_10 to %scan3A_12 step %scan3A_13 iter_args(%scan3A_110 = %scan3A) -> (i32)  : i32 {
      %mul3A_111 = arith.constant 16 : i32
      %mul3A_112 = arith.muli %scan3A_109, %mul3A_111 : i32
      %get3A = arith.index_cast %mul3A_112 : i32 to index
      %get3A_113 = tpu.vector_load %arg10[%get3A] {strides = array<i32>} : memref<2048xf32, #tpu.memory_space<vmem>>, vector<16xf32>,
      %get3A_114 = arith.index_cast %mul3A_112 : i32 to index
      %get3A_115 = tpu.vector_load %arg8[%get3A_114] {strides = array<i32>} : memref<2048xf32, #tpu.memory_space<vmem>>, vector<16xf32>,
      %get3A_116 = arith.index_cast %mul3A_112 : i32 to index
      %get3A_117 = tpu.vector_load %arg9[%get3A_116] {strides = array<i32>} : memref<2048xf32, #tpu.memory_space<vmem>>, vector<16xf32>,
      %add3A_118 = arith.addf %get3A_115, %get3A_117 : vector<16xf32>
      %div3A = arith.divf %get3A_113, %add3A_118 : vector<16xf32>
      %swap3A = arith.index_cast %mul3A_112 : i32 to index
      %swap3A_119 = tpu.vector_load %arg11[%swap3A] {strides = array<i32>} : memref<2048xf32, #tpu.memory_space<vmem>>, vector<16xf32>,
      tpu.vector_store %arg11[%swap3A], %div3A {strides = array<i32>} : memref<2048xf32, #tpu.memory_space<vmem>>, vector<16xf32>,
      %scan3A_120 = arith.constant 0 : i32
      scf.yield %scan3A_120 : i32
    }
    %scan3A_15 = arith.constant 128 : i32
    %add3A_16 = arith.constant 0 : i32
    %add3A_17 = arith.addi %mul3A_2, %add3A_16 : i32
    "tpu.region"() ({
      %run_scoped3A_109 = tpu.sem_alloc : memref<!tpu.dma_semaphore, #tpu.memory_space<semaphore_mem>>
      %dma_start3A_110 = arith.constant 0 : i32
      %dma_start3A_111 = tpu.memref_slice %arg11[%dma_start3A_110] : memref<2048xf32, #tpu.memory_space<vmem>> -> memref<2048xf32, #tpu.memory_space<vmem>>
      %dma_start3A_112 = tpu.memref_slice %arg27[%add3A_17] : memref<102400xf32, #tpu.memory_space<vmem_shared>> -> memref<2048xf32, #tpu.memory_space<vmem_shared>>
      %dma_start3A_113 = tpu.memref_slice %arg27[%add3A_17] : memref<102400xf32, #tpu.memory_space<vmem_shared>> -> memref<2048xf32, #tpu.memory_space<vmem_shared>>
      %dma_start3A_114 = arith.constant 0 : i32
      %dma_start3A_115 = tpu.memref_slice %arg11[%dma_start3A_114] : memref<2048xf32, #tpu.memory_space<vmem>> -> memref<2048xf32, #tpu.memory_space<vmem>>
      tpu.enqueue_dma source(%dma_start3A_115 : memref<2048xf32, #tpu.memory_space<vmem>>) target(%dma_start3A_113 : memref<2048xf32, #tpu.memory_space<vmem_shared>>) target_semaphore(%run_scoped3A_109 : memref<!tpu.dma_semaphore, #tpu.memory_space<semaphore_mem>>)
      %dma_wait3A = arith.constant 0 : i32
      %dma_wait3A_116 = tpu.memref_slice %arg11[%dma_wait3A] : memref<2048xf32, #tpu.memory_space<vmem>> -> memref<2048xf32, #tpu.memory_space<vmem>>
      %dma_wait3A_117 = tpu.memref_slice %arg27[%add3A_17] : memref<102400xf32, #tpu.memory_space<vmem_shared>> -> memref<2048xf32, #tpu.memory_space<vmem_shared>>
      %dma_wait3A_118 = tpu.memref_slice %arg27[%add3A_17] : memref<102400xf32, #tpu.memory_space<vmem_shared>> -> memref<2048xf32, #tpu.memory_space<vmem_shared>>
      %dma_wait3A_119 = arith.constant 0 : i32
      %dma_wait3A_120 = tpu.memref_slice %arg11[%dma_wait3A_119] : memref<2048xf32, #tpu.memory_space<vmem>> -> memref<2048xf32, #tpu.memory_space<vmem>>
      tpu.wait_dma2 semaphore(%run_scoped3A_109 : memref<!tpu.dma_semaphore, #tpu.memory_space<semaphore_mem>>) src(%dma_wait3A_120 : memref<2048xf32, #tpu.memory_space<vmem>>) dst(%dma_wait3A_118 : memref<2048xf32, #tpu.memory_space<vmem_shared>>)
      tpu.yield
    }) : () -> ()
    %add3A_18 = arith.constant 2048 : i32
    %add3A_19 = arith.addi %mul3A_2, %add3A_18 : i32
    %run_scoped3A_20 = arith.constant 0 : i32
    "tpu.region"() ({
      %run_scoped3A_109 = tpu.sem_alloc : memref<!tpu.dma_semaphore, #tpu.memory_space<semaphore_mem>>
      %dma_start3A_110 = arith.constant 0 : i32
      %dma_start3A_111 = tpu.memref_slice %arg8[%dma_start3A_110] : memref<2048xf32, #tpu.memory_space<vmem>> -> memref<2048xf32, #tpu.memory_space<vmem>>
      %dma_start3A_112 = tpu.memref_slice %arg5[%run_scoped3A_20, %add3A_19] : memref<2x102400xf32, #tpu.memory_space<hbm>> -> memref<1x2048xf32, #tpu.memory_space<hbm>>
      %dma_start3A_113 = tpu.memref_squeeze %dma_start3A_112 : memref<1x2048xf32, #tpu.memory_space<hbm>> -> memref<2048xf32, #tpu.memory_space<hbm>>
      %dma_start3A_114 = arith.constant 0 : i32
      %dma_start3A_115 = tpu.memref_slice %arg8[%dma_start3A_114] : memref<2048xf32, #tpu.memory_space<vmem>> -> memref<2048xf32, #tpu.memory_space<vmem>>
      %dma_start3A_116 = tpu.memref_slice %arg5[%run_scoped3A_20, %add3A_19] : memref<2x102400xf32, #tpu.memory_space<hbm>> -> memref<1x2048xf32, #tpu.memory_space<hbm>>
      %dma_start3A_117 = tpu.memref_squeeze %dma_start3A_116 : memref<1x2048xf32, #tpu.memory_space<hbm>> -> memref<2048xf32, #tpu.memory_space<hbm>>
      tpu.enqueue_dma source(%dma_start3A_117 : memref<2048xf32, #tpu.memory_space<hbm>>) target(%dma_start3A_115 : memref<2048xf32, #tpu.memory_space<vmem>>) target_semaphore(%run_scoped3A_109 : memref<!tpu.dma_semaphore, #tpu.memory_space<semaphore_mem>>)
      %dma_wait3A = arith.constant 0 : i32
      %dma_wait3A_118 = tpu.memref_slice %arg8[%dma_wait3A] : memref<2048xf32, #tpu.memory_space<vmem>> -> memref<2048xf32, #tpu.memory_space<vmem>>
      %dma_wait3A_119 = tpu.memref_slice %arg5[%run_scoped3A_20, %add3A_19] : memref<2x102400xf32, #tpu.memory_space<hbm>> -> memref<1x2048xf32, #tpu.memory_space<hbm>>
      %dma_wait3A_120 = tpu.memref_squeeze %dma_wait3A_119 : memref<1x2048xf32, #tpu.memory_space<hbm>> -> memref<2048xf32, #tpu.memory_space<hbm>>
      %dma_wait3A_121 = arith.constant 0 : i32
      %dma_wait3A_122 = tpu.memref_slice %arg8[%dma_wait3A_121] : memref<2048xf32, #tpu.memory_space<vmem>> -> memref<2048xf32, #tpu.memory_space<vmem>>
      %dma_wait3A_123 = tpu.memref_slice %arg5[%run_scoped3A_20, %add3A_19] : memref<2x102400xf32, #tpu.memory_space<hbm>> -> memref<1x2048xf32, #tpu.memory_space<hbm>>
      %dma_wait3A_124 = tpu.memref_squeeze %dma_wait3A_123 : memref<1x2048xf32, #tpu.memory_space<hbm>> -> memref<2048xf32, #tpu.memory_space<hbm>>
      tpu.wait_dma2 semaphore(%run_scoped3A_109 : memref<!tpu.dma_semaphore, #tpu.memory_space<semaphore_mem>>) src(%dma_wait3A_124 : memref<2048xf32, #tpu.memory_space<hbm>>) dst(%dma_wait3A_122 : memref<2048xf32, #tpu.memory_space<vmem>>)
      tpu.yield
    }) : () -> ()
    %add3A_21 = arith.constant 2048 : i32
    %add3A_22 = arith.addi %mul3A_2, %add3A_21 : i32
    %run_scoped3A_23 = arith.constant 1 : i32
    "tpu.region"() ({
      %run_scoped3A_109 = tpu.sem_alloc : memref<!tpu.dma_semaphore, #tpu.memory_space<semaphore_mem>>
      %dma_start3A_110 = arith.constant 0 : i32
      %dma_start3A_111 = tpu.memref_slice %arg9[%dma_start3A_110] : memref<2048xf32, #tpu.memory_space<vmem>> -> memref<2048xf32, #tpu.memory_space<vmem>>
      %dma_start3A_112 = tpu.memref_slice %arg5[%run_scoped3A_23, %add3A_22] : memref<2x102400xf32, #tpu.memory_space<hbm>> -> memref<1x2048xf32, #tpu.memory_space<hbm>>
      %dma_start3A_113 = tpu.memref_squeeze %dma_start3A_112 : memref<1x2048xf32, #tpu.memory_space<hbm>> -> memref<2048xf32, #tpu.memory_space<hbm>>
      %dma_start3A_114 = arith.constant 0 : i32
      %dma_start3A_115 = tpu.memref_slice %arg9[%dma_start3A_114] : memref<2048xf32, #tpu.memory_space<vmem>> -> memref<2048xf32, #tpu.memory_space<vmem>>
      %dma_start3A_116 = tpu.memref_slice %arg5[%run_scoped3A_23, %add3A_22] : memref<2x102400xf32, #tpu.memory_space<hbm>> -> memref<1x2048xf32, #tpu.memory_space<hbm>>
      %dma_start3A_117 = tpu.memref_squeeze %dma_start3A_116 : memref<1x2048xf32, #tpu.memory_space<hbm>> -> memref<2048xf32, #tpu.memory_space<hbm>>
      tpu.enqueue_dma source(%dma_start3A_117 : memref<2048xf32, #tpu.memory_space<hbm>>) target(%dma_start3A_115 : memref<2048xf32, #tpu.memory_space<vmem>>) target_semaphore(%run_scoped3A_109 : memref<!tpu.dma_semaphore, #tpu.memory_space<semaphore_mem>>)
      %dma_wait3A = arith.constant 0 : i32
      %dma_wait3A_118 = tpu.memref_slice %arg9[%dma_wait3A] : memref<2048xf32, #tpu.memory_space<vmem>> -> memref<2048xf32, #tpu.memory_space<vmem>>
      %dma_wait3A_119 = tpu.memref_slice %arg5[%run_scoped3A_23, %add3A_22] : memref<2x102400xf32, #tpu.memory_space<hbm>> -> memref<1x2048xf32, #tpu.memory_space<hbm>>
      %dma_wait3A_120 = tpu.memref_squeeze %dma_wait3A_119 : memref<1x2048xf32, #tpu.memory_space<hbm>> -> memref<2048xf32, #tpu.memory_space<hbm>>
      %dma_wait3A_121 = arith.constant 0 : i32
      %dma_wait3A_122 = tpu.memref_slice %arg9[%dma_wait3A_121] : memref<2048xf32, #tpu.memory_space<vmem>> -> memref<2048xf32, #tpu.memory_space<vmem>>
      %dma_wait3A_123 = tpu.memref_slice %arg5[%run_scoped3A_23, %add3A_22] : memref<2x102400xf32, #tpu.memory_space<hbm>> -> memref<1x2048xf32, #tpu.memory_space<hbm>>
      %dma_wait3A_124 = tpu.memref_squeeze %dma_wait3A_123 : memref<1x2048xf32, #tpu.memory_space<hbm>> -> memref<2048xf32, #tpu.memory_space<hbm>>
      tpu.wait_dma2 semaphore(%run_scoped3A_109 : memref<!tpu.dma_semaphore, #tpu.memory_space<semaphore_mem>>) src(%dma_wait3A_124 : memref<2048xf32, #tpu.memory_space<hbm>>) dst(%dma_wait3A_122 : memref<2048xf32, #tpu.memory_space<vmem>>)
      tpu.yield
    }) : () -> ()
    %add3A_24 = arith.constant 2048 : i32
    %add3A_25 = arith.addi %mul3A_2, %add3A_24 : i32
    "tpu.region"() ({
      %run_scoped3A_109 = tpu.sem_alloc : memref<!tpu.dma_semaphore, #tpu.memory_space<semaphore_mem>>
      %dma_start3A_110 = arith.constant 0 : i32
      %dma_start3A_111 = tpu.memref_slice %arg10[%dma_start3A_110] : memref<2048xf32, #tpu.memory_space<vmem>> -> memref<2048xf32, #tpu.memory_space<vmem>>
      %dma_start3A_112 = tpu.memref_slice %arg4[%add3A_25] : memref<102400xf32, #tpu.memory_space<hbm>> -> memref<2048xf32, #tpu.memory_space<hbm>>
      %dma_start3A_113 = arith.constant 0 : i32
      %dma_start3A_114 = tpu.memref_slice %arg10[%dma_start3A_113] : memref<2048xf32, #tpu.memory_space<vmem>> -> memref<2048xf32, #tpu.memory_space<vmem>>
      %dma_start3A_115 = tpu.memref_slice %arg4[%add3A_25] : memref<102400xf32, #tpu.memory_space<hbm>> -> memref<2048xf32, #tpu.memory_space<hbm>>
      tpu.enqueue_dma source(%dma_start3A_115 : memref<2048xf32, #tpu.memory_space<hbm>>) target(%dma_start3A_114 : memref<2048xf32, #tpu.memory_space<vmem>>) target_semaphore(%run_scoped3A_109 : memref<!tpu.dma_semaphore, #tpu.memory_space<semaphore_mem>>)
      %dma_wait3A = arith.constant 0 : i32
      %dma_wait3A_116 = tpu.memref_slice %arg10[%dma_wait3A] : memref<2048xf32, #tpu.memory_space<vmem>> -> memref<2048xf32, #tpu.memory_space<vmem>>
      %dma_wait3A_117 = tpu.memref_slice %arg4[%add3A_25] : memref<102400xf32, #tpu.memory_space<hbm>> -> memref<2048xf32, #tpu.memory_space<hbm>>
      %dma_wait3A_118 = arith.constant 0 : i32
      %dma_wait3A_119 = tpu.memref_slice %arg10[%dma_wait3A_118] : memref<2048xf32, #tpu.memory_space<vmem>> -> memref<2048xf32, #tpu.memory_space<vmem>>
      %dma_wait3A_120 = tpu.memref_slice %arg4[%add3A_25] : memref<102400xf32, #tpu.memory_space<hbm>> -> memref<2048xf32, #tpu.memory_space<hbm>>
      tpu.wait_dma2 semaphore(%run_scoped3A_109 : memref<!tpu.dma_semaphore, #tpu.memory_space<semaphore_mem>>) src(%dma_wait3A_120 : memref<2048xf32, #tpu.memory_space<hbm>>) dst(%dma_wait3A_119 : memref<2048xf32, #tpu.memory_space<vmem>>)
      tpu.yield
    }) : () -> ()
    %scan3A_26 = arith.constant 0 : i32
    %scan3A_27 = arith.constant 0 : i32
    %scan3A_28 = arith.constant 128 : i32
    %scan3A_29 = arith.addi %scan3A_27, %scan3A_28 : i32
    %scan3A_30 = arith.constant 1 : i32
    %scan3A_31 = scf.for %scan3A_109 = %scan3A_27 to %scan3A_29 step %scan3A_30 iter_args(%scan3A_110 = %scan3A_26) -> (i32)  : i32 {
      %mul3A_111 = arith.constant 16 : i32
      %mul3A_112 = arith.muli %scan3A_109, %mul3A_111 : i32
      %get3A = arith.index_cast %mul3A_112 : i32 to index
      %get3A_113 = tpu.vector_load %arg10[%get3A] {strides = array<i32>} : memref<2048xf32, #tpu.memory_space<vmem>>, vector<16xf32>,
      %get3A_114 = arith.index_cast %mul3A_112 : i32 to index
      %get3A_115 = tpu.vector_load %arg8[%get3A_114] {strides = array<i32>} : memref<2048xf32, #tpu.memory_space<vmem>>, vector<16xf32>,
      %get3A_116 = arith.index_cast %mul3A_112 : i32 to index
      %get3A_117 = tpu.vector_load %arg9[%get3A_116] {strides = array<i32>} : memref<2048xf32, #tpu.memory_space<vmem>>, vector<16xf32>,
      %add3A_118 = arith.addf %get3A_115, %get3A_117 : vector<16xf32>
      %div3A = arith.divf %get3A_113, %add3A_118 : vector<16xf32>
      %swap3A = arith.index_cast %mul3A_112 : i32 to index
      %swap3A_119 = tpu.vector_load %arg11[%swap3A] {strides = array<i32>} : memref<2048xf32, #tpu.memory_space<vmem>>, vector<16xf32>,
      tpu.vector_store %arg11[%swap3A], %div3A {strides = array<i32>} : memref<2048xf32, #tpu.memory_space<vmem>>, vector<16xf32>,
      %scan3A_120 = arith.constant 0 : i32
      scf.yield %scan3A_120 : i32
    }
    %scan3A_32 = arith.constant 128 : i32
    %add3A_33 = arith.constant 2048 : i32
    %add3A_34 = arith.addi %mul3A_2, %add3A_33 : i32
    "tpu.region"() ({
      %run_scoped3A_109 = tpu.sem_alloc : memref<!tpu.dma_semaphore, #tpu.memory_space<semaphore_mem>>
      %dma_start3A_110 = arith.constant 0 : i32
      %dma_start3A_111 = tpu.memref_slice %arg11[%dma_start3A_110] : memref<2048xf32, #tpu.memory_space<vmem>> -> memref<2048xf32, #tpu.memory_space<vmem>>
      %dma_start3A_112 = tpu.memref_slice %arg27[%add3A_34] : memref<102400xf32, #tpu.memory_space<vmem_shared>> -> memref<2048xf32, #tpu.memory_space<vmem_shared>>
      %dma_start3A_113 = tpu.memref_slice %arg27[%add3A_34] : memref<102400xf32, #tpu.memory_space<vmem_shared>> -> memref<2048xf32, #tpu.memory_space<vmem_shared>>
      %dma_start3A_114 = arith.constant 0 : i32
      %dma_start3A_115 = tpu.memref_slice %arg11[%dma_start3A_114] : memref<2048xf32, #tpu.memory_space<vmem>> -> memref<2048xf32, #tpu.memory_space<vmem>>
      tpu.enqueue_dma source(%dma_start3A_115 : memref<2048xf32, #tpu.memory_space<vmem>>) target(%dma_start3A_113 : memref<2048xf32, #tpu.memory_space<vmem_shared>>) target_semaphore(%run_scoped3A_109 : memref<!tpu.dma_semaphore, #tpu.memory_space<semaphore_mem>>)
      %dma_wait3A = arith.constant 0 : i32
      %dma_wait3A_116 = tpu.memref_slice %arg11[%dma_wait3A] : memref<2048xf32, #tpu.memory_space<vmem>> -> memref<2048xf32, #tpu.memory_space<vmem>>
      %dma_wait3A_117 = tpu.memref_slice %arg27[%add3A_34] : memref<102400xf32, #tpu.memory_space<vmem_shared>> -> memref<2048xf32, #tpu.memory_space<vmem_shared>>
      %dma_wait3A_118 = tpu.memref_slice %arg27[%add3A_34] : memref<102400xf32, #tpu.memory_space<vmem_shared>> -> memref<2048xf32, #tpu.memory_space<vmem_shared>>
      %dma_wait3A_119 = arith.constant 0 : i32
      %dma_wait3A_120 = tpu.memref_slice %arg11[%dma_wait3A_119] : memref<2048xf32, #tpu.memory_space<vmem>> -> memref<2048xf32, #tpu.memory_space<vmem>>
      tpu.wait_dma2 semaphore(%run_scoped3A_109 : memref<!tpu.dma_semaphore, #tpu.memory_space<semaphore_mem>>) src(%dma_wait3A_120 : memref<2048xf32, #tpu.memory_space<vmem>>) dst(%dma_wait3A_118 : memref<2048xf32, #tpu.memory_space<vmem_shared>>)
      tpu.yield
    }) : () -> ()
    %add3A_35 = arith.constant 4096 : i32
    %add3A_36 = arith.addi %mul3A_2, %add3A_35 : i32
    %run_scoped3A_37 = arith.constant 0 : i32
    "tpu.region"() ({
      %run_scoped3A_109 = tpu.sem_alloc : memref<!tpu.dma_semaphore, #tpu.memory_space<semaphore_mem>>
      %dma_start3A_110 = arith.constant 0 : i32
      %dma_start3A_111 = tpu.memref_slice %arg8[%dma_start3A_110] : memref<2048xf32, #tpu.memory_space<vmem>> -> memref<2048xf32, #tpu.memory_space<vmem>>
      %dma_start3A_112 = tpu.memref_slice %arg5[%run_scoped3A_37, %add3A_36] : memref<2x102400xf32, #tpu.memory_space<hbm>> -> memref<1x2048xf32, #tpu.memory_space<hbm>>
      %dma_start3A_113 = tpu.memref_squeeze %dma_start3A_112 : memref<1x2048xf32, #tpu.memory_space<hbm>> -> memref<2048xf32, #tpu.memory_space<hbm>>
      %dma_start3A_114 = arith.constant 0 : i32
      %dma_start3A_115 = tpu.memref_slice %arg8[%dma_start3A_114] : memref<2048xf32, #tpu.memory_space<vmem>> -> memref<2048xf32, #tpu.memory_space<vmem>>
      %dma_start3A_116 = tpu.memref_slice %arg5[%run_scoped3A_37, %add3A_36] : memref<2x102400xf32, #tpu.memory_space<hbm>> -> memref<1x2048xf32, #tpu.memory_space<hbm>>
      %dma_start3A_117 = tpu.memref_squeeze %dma_start3A_116 : memref<1x2048xf32, #tpu.memory_space<hbm>> -> memref<2048xf32, #tpu.memory_space<hbm>>
      tpu.enqueue_dma source(%dma_start3A_117 : memref<2048xf32, #tpu.memory_space<hbm>>) target(%dma_start3A_115 : memref<2048xf32, #tpu.memory_space<vmem>>) target_semaphore(%run_scoped3A_109 : memref<!tpu.dma_semaphore, #tpu.memory_space<semaphore_mem>>)
      %dma_wait3A = arith.constant 0 : i32
      %dma_wait3A_118 = tpu.memref_slice %arg8[%dma_wait3A] : memref<2048xf32, #tpu.memory_space<vmem>> -> memref<2048xf32, #tpu.memory_space<vmem>>
      %dma_wait3A_119 = tpu.memref_slice %arg5[%run_scoped3A_37, %add3A_36] : memref<2x102400xf32, #tpu.memory_space<hbm>> -> memref<1x2048xf32, #tpu.memory_space<hbm>>
      %dma_wait3A_120 = tpu.memref_squeeze %dma_wait3A_119 : memref<1x2048xf32, #tpu.memory_space<hbm>> -> memref<2048xf32, #tpu.memory_space<hbm>>
      %dma_wait3A_121 = arith.constant 0 : i32
      %dma_wait3A_122 = tpu.memref_slice %arg8[%dma_wait3A_121] : memref<2048xf32, #tpu.memory_space<vmem>> -> memref<2048xf32, #tpu.memory_space<vmem>>
      %dma_wait3A_123 = tpu.memref_slice %arg5[%run_scoped3A_37, %add3A_36] : memref<2x102400xf32, #tpu.memory_space<hbm>> -> memref<1x2048xf32, #tpu.memory_space<hbm>>
      %dma_wait3A_124 = tpu.memref_squeeze %dma_wait3A_123 : memref<1x2048xf32, #tpu.memory_space<hbm>> -> memref<2048xf32, #tpu.memory_space<hbm>>
      tpu.wait_dma2 semaphore(%run_scoped3A_109 : memref<!tpu.dma_semaphore, #tpu.memory_space<semaphore_mem>>) src(%dma_wait3A_124 : memref<2048xf32, #tpu.memory_space<hbm>>) dst(%dma_wait3A_122 : memref<2048xf32, #tpu.memory_space<vmem>>)
      tpu.yield
    }) : () -> ()
    %add3A_38 = arith.constant 4096 : i32
    %add3A_39 = arith.addi %mul3A_2, %add3A_38 : i32
    %run_scoped3A_40 = arith.constant 1 : i32
    "tpu.region"() ({
      %run_scoped3A_109 = tpu.sem_alloc : memref<!tpu.dma_semaphore, #tpu.memory_space<semaphore_mem>>
      %dma_start3A_110 = arith.constant 0 : i32
      %dma_start3A_111 = tpu.memref_slice %arg9[%dma_start3A_110] : memref<2048xf32, #tpu.memory_space<vmem>> -> memref<2048xf32, #tpu.memory_space<vmem>>
      %dma_start3A_112 = tpu.memref_slice %arg5[%run_scoped3A_40, %add3A_39] : memref<2x102400xf32, #tpu.memory_space<hbm>> -> memref<1x2048xf32, #tpu.memory_space<hbm>>
      %dma_start3A_113 = tpu.memref_squeeze %dma_start3A_112 : memref<1x2048xf32, #tpu.memory_space<hbm>> -> memref<2048xf32, #tpu.memory_space<hbm>>
      %dma_start3A_114 = arith.constant 0 : i32
      %dma_start3A_115 = tpu.memref_slice %arg9[%dma_start3A_114] : memref<2048xf32, #tpu.memory_space<vmem>> -> memref<2048xf32, #tpu.memory_space<vmem>>
      %dma_start3A_116 = tpu.memref_slice %arg5[%run_scoped3A_40, %add3A_39] : memref<2x102400xf32, #tpu.memory_space<hbm>> -> memref<1x2048xf32, #tpu.memory_space<hbm>>
      %dma_start3A_117 = tpu.memref_squeeze %dma_start3A_116 : memref<1x2048xf32, #tpu.memory_space<hbm>> -> memref<2048xf32, #tpu.memory_space<hbm>>
      tpu.enqueue_dma source(%dma_start3A_117 : memref<2048xf32, #tpu.memory_space<hbm>>) target(%dma_start3A_115 : memref<2048xf32, #tpu.memory_space<vmem>>) target_semaphore(%run_scoped3A_109 : memref<!tpu.dma_semaphore, #tpu.memory_space<semaphore_mem>>)
      %dma_wait3A = arith.constant 0 : i32
      %dma_wait3A_118 = tpu.memref_slice %arg9[%dma_wait3A] : memref<2048xf32, #tpu.memory_space<vmem>> -> memref<2048xf32, #tpu.memory_space<vmem>>
      %dma_wait3A_119 = tpu.memref_slice %arg5[%run_scoped3A_40, %add3A_39] : memref<2x102400xf32, #tpu.memory_space<hbm>> -> memref<1x2048xf32, #tpu.memory_space<hbm>>
      %dma_wait3A_120 = tpu.memref_squeeze %dma_wait3A_119 : memref<1x2048xf32, #tpu.memory_space<hbm>> -> memref<2048xf32, #tpu.memory_space<hbm>>
      %dma_wait3A_121 = arith.constant 0 : i32
      %dma_wait3A_122 = tpu.memref_slice %arg9[%dma_wait3A_121] : memref<2048xf32, #tpu.memory_space<vmem>> -> memref<2048xf32, #tpu.memory_space<vmem>>
      %dma_wait3A_123 = tpu.memref_slice %arg5[%run_scoped3A_40, %add3A_39] : memref<2x102400xf32, #tpu.memory_space<hbm>> -> memref<1x2048xf32, #tpu.memory_space<hbm>>
      %dma_wait3A_124 = tpu.memref_squeeze %dma_wait3A_123 : memref<1x2048xf32, #tpu.memory_space<hbm>> -> memref<2048xf32, #tpu.memory_space<hbm>>
      tpu.wait_dma2 semaphore(%run_scoped3A_109 : memref<!tpu.dma_semaphore, #tpu.memory_space<semaphore_mem>>) src(%dma_wait3A_124 : memref<2048xf32, #tpu.memory_space<hbm>>) dst(%dma_wait3A_122 : memref<2048xf32, #tpu.memory_space<vmem>>)
      tpu.yield
    }) : () -> ()
    %add3A_41 = arith.constant 4096 : i32
    %add3A_42 = arith.addi %mul3A_2, %add3A_41 : i32
    "tpu.region"() ({
      %run_scoped3A_109 = tpu.sem_alloc : memref<!tpu.dma_semaphore, #tpu.memory_space<semaphore_mem>>
      %dma_start3A_110 = arith.constant 0 : i32
      %dma_start3A_111 = tpu.memref_slice %arg10[%dma_start3A_110] : memref<2048xf32, #tpu.memory_space<vmem>> -> memref<2048xf32, #tpu.memory_space<vmem>>
      %dma_start3A_112 = tpu.memref_slice %arg4[%add3A_42] : memref<102400xf32, #tpu.memory_space<hbm>> -> memref<2048xf32, #tpu.memory_space<hbm>>
      %dma_start3A_113 = arith.constant 0 : i32
      %dma_start3A_114 = tpu.memref_slice %arg10[%dma_start3A_113] : memref<2048xf32, #tpu.memory_space<vmem>> -> memref<2048xf32, #tpu.memory_space<vmem>>
      %dma_start3A_115 = tpu.memref_slice %arg4[%add3A_42] : memref<102400xf32, #tpu.memory_space<hbm>> -> memref<2048xf32, #tpu.memory_space<hbm>>
      tpu.enqueue_dma source(%dma_start3A_115 : memref<2048xf32, #tpu.memory_space<hbm>>) target(%dma_start3A_114 : memref<2048xf32, #tpu.memory_space<vmem>>) target_semaphore(%run_scoped3A_109 : memref<!tpu.dma_semaphore, #tpu.memory_space<semaphore_mem>>)
      %dma_wait3A = arith.constant 0 : i32
      %dma_wait3A_116 = tpu.memref_slice %arg10[%dma_wait3A] : memref<2048xf32, #tpu.memory_space<vmem>> -> memref<2048xf32, #tpu.memory_space<vmem>>
      %dma_wait3A_117 = tpu.memref_slice %arg4[%add3A_42] : memref<102400xf32, #tpu.memory_space<hbm>> -> memref<2048xf32, #tpu.memory_space<hbm>>
      %dma_wait3A_118 = arith.constant 0 : i32
      %dma_wait3A_119 = tpu.memref_slice %arg10[%dma_wait3A_118] : memref<2048xf32, #tpu.memory_space<vmem>> -> memref<2048xf32, #tpu.memory_space<vmem>>
      %dma_wait3A_120 = tpu.memref_slice %arg4[%add3A_42] : memref<102400xf32, #tpu.memory_space<hbm>> -> memref<2048xf32, #tpu.memory_space<hbm>>
      tpu.wait_dma2 semaphore(%run_scoped3A_109 : memref<!tpu.dma_semaphore, #tpu.memory_space<semaphore_mem>>) src(%dma_wait3A_120 : memref<2048xf32, #tpu.memory_space<hbm>>) dst(%dma_wait3A_119 : memref<2048xf32, #tpu.memory_space<vmem>>)
      tpu.yield
    }) : () -> ()
    %scan3A_43 = arith.constant 0 : i32
    %scan3A_44 = arith.constant 0 : i32
    %scan3A_45 = arith.constant 128 : i32
    %scan3A_46 = arith.addi %scan3A_44, %scan3A_45 : i32
    %scan3A_47 = arith.constant 1 : i32
    %scan3A_48 = scf.for %scan3A_109 = %scan3A_44 to %scan3A_46 step %scan3A_47 iter_args(%scan3A_110 = %scan3A_43) -> (i32)  : i32 {
      %mul3A_111 = arith.constant 16 : i32
      %mul3A_112 = arith.muli %scan3A_109, %mul3A_111 : i32
      %get3A = arith.index_cast %mul3A_112 : i32 to index
      %get3A_113 = tpu.vector_load %arg10[%get3A] {strides = array<i32>} : memref<2048xf32, #tpu.memory_space<vmem>>, vector<16xf32>,
      %get3A_114 = arith.index_cast %mul3A_112 : i32 to index
      %get3A_115 = tpu.vector_load %arg8[%get3A_114] {strides = array<i32>} : memref<2048xf32, #tpu.memory_space<vmem>>, vector<16xf32>,
      %get3A_116 = arith.index_cast %mul3A_112 : i32 to index
      %get3A_117 = tpu.vector_load %arg9[%get3A_116] {strides = array<i32>} : memref<2048xf32, #tpu.memory_space<vmem>>, vector<16xf32>,
      %add3A_118 = arith.addf %get3A_115, %get3A_117 : vector<16xf32>
      %div3A = arith.divf %get3A_113, %add3A_118 : vector<16xf32>
      %swap3A = arith.index_cast %mul3A_112 : i32 to index
      %swap3A_119 = tpu.vector_load %arg11[%swap3A] {strides = array<i32>} : memref<2048xf32, #tpu.memory_space<vmem>>, vector<16xf32>,
      tpu.vector_store %arg11[%swap3A], %div3A {strides = array<i32>} : memref<2048xf32, #tpu.memory_space<vmem>>, vector<16xf32>,
      %scan3A_120 = arith.constant 0 : i32
      scf.yield %scan3A_120 : i32
    }
    %scan3A_49 = arith.constant 128 : i32
    %add3A_50 = arith.constant 4096 : i32
    %add3A_51 = arith.addi %mul3A_2, %add3A_50 : i32
    "tpu.region"() ({
      %run_scoped3A_109 = tpu.sem_alloc : memref<!tpu.dma_semaphore, #tpu.memory_space<semaphore_mem>>
      %dma_start3A_110 = arith.constant 0 : i32
      %dma_start3A_111 = tpu.memref_slice %arg11[%dma_start3A_110] : memref<2048xf32, #tpu.memory_space<vmem>> -> memref<2048xf32, #tpu.memory_space<vmem>>
      %dma_start3A_112 = tpu.memref_slice %arg27[%add3A_51] : memref<102400xf32, #tpu.memory_space<vmem_shared>> -> memref<2048xf32, #tpu.memory_space<vmem_shared>>
      %dma_start3A_113 = tpu.memref_slice %arg27[%add3A_51] : memref<102400xf32, #tpu.memory_space<vmem_shared>> -> memref<2048xf32, #tpu.memory_space<vmem_shared>>
      %dma_start3A_114 = arith.constant 0 : i32
      %dma_start3A_115 = tpu.memref_slice %arg11[%dma_start3A_114] : memref<2048xf32, #tpu.memory_space<vmem>> -> memref<2048xf32, #tpu.memory_space<vmem>>
      tpu.enqueue_dma source(%dma_start3A_115 : memref<2048xf32, #tpu.memory_space<vmem>>) target(%dma_start3A_113 : memref<2048xf32, #tpu.memory_space<vmem_shared>>) target_semaphore(%run_scoped3A_109 : memref<!tpu.dma_semaphore, #tpu.memory_space<semaphore_mem>>)
      %dma_wait3A = arith.constant 0 : i32
      %dma_wait3A_116 = tpu.memref_slice %arg11[%dma_wait3A] : memref<2048xf32, #tpu.memory_space<vmem>> -> memref<2048xf32, #tpu.memory_space<vmem>>
      %dma_wait3A_117 = tpu.memref_slice %arg27[%add3A_51] : memref<102400xf32, #tpu.memory_space<vmem_shared>> -> memref<2048xf32, #tpu.memory_space<vmem_shared>>
      %dma_wait3A_118 = tpu.memref_slice %arg27[%add3A_51] : memref<102400xf32, #tpu.memory_space<vmem_shared>> -> memref<2048xf32, #tpu.memory_space<vmem_shared>>
      %dma_wait3A_119 = arith.constant 0 : i32
      %dma_wait3A_120 = tpu.memref_slice %arg11[%dma_wait3A_119] : memref<2048xf32, #tpu.memory_space<vmem>> -> memref<2048xf32, #tpu.memory_space<vmem>>
      tpu.wait_dma2 semaphore(%run_scoped3A_109 : memref<!tpu.dma_semaphore, #tpu.memory_space<semaphore_mem>>) src(%dma_wait3A_120 : memref<2048xf32, #tpu.memory_space<vmem>>) dst(%dma_wait3A_118 : memref<2048xf32, #tpu.memory_space<vmem_shared>>)
      tpu.yield
    }) : () -> ()
    %add3A_52 = arith.constant 6144 : i32
    %add3A_53 = arith.addi %mul3A_2, %add3A_52 : i32
    %run_scoped3A_54 = arith.constant 0 : i32
    "tpu.region"() ({
      %run_scoped3A_109 = tpu.sem_alloc : memref<!tpu.dma_semaphore, #tpu.memory_space<semaphore_mem>>
      %dma_start3A_110 = arith.constant 0 : i32
      %dma_start3A_111 = tpu.memref_slice %arg8[%dma_start3A_110] : memref<2048xf32, #tpu.memory_space<vmem>> -> memref<256xf32, #tpu.memory_space<vmem>>
      %dma_start3A_112 = tpu.memref_slice %arg5[%run_scoped3A_54, %add3A_53] : memref<2x102400xf32, #tpu.memory_space<hbm>> -> memref<1x256xf32, #tpu.memory_space<hbm>>
      %dma_start3A_113 = tpu.memref_squeeze %dma_start3A_112 : memref<1x256xf32, #tpu.memory_space<hbm>> -> memref<256xf32, #tpu.memory_space<hbm>>
      %dma_start3A_114 = arith.constant 0 : i32
      %dma_start3A_115 = tpu.memref_slice %arg8[%dma_start3A_114] : memref<2048xf32, #tpu.memory_space<vmem>> -> memref<256xf32, #tpu.memory_space<vmem>>
      %dma_start3A_116 = tpu.memref_slice %arg5[%run_scoped3A_54, %add3A_53] : memref<2x102400xf32, #tpu.memory_space<hbm>> -> memref<1x256xf32, #tpu.memory_space<hbm>>
      %dma_start3A_117 = tpu.memref_squeeze %dma_start3A_116 : memref<1x256xf32, #tpu.memory_space<hbm>> -> memref<256xf32, #tpu.memory_space<hbm>>
      tpu.enqueue_dma source(%dma_start3A_117 : memref<256xf32, #tpu.memory_space<hbm>>) target(%dma_start3A_115 : memref<256xf32, #tpu.memory_space<vmem>>) target_semaphore(%run_scoped3A_109 : memref<!tpu.dma_semaphore, #tpu.memory_space<semaphore_mem>>)
      %dma_wait3A = arith.constant 0 : i32
      %dma_wait3A_118 = tpu.memref_slice %arg8[%dma_wait3A] : memref<2048xf32, #tpu.memory_space<vmem>> -> memref<256xf32, #tpu.memory_space<vmem>>
      %dma_wait3A_119 = tpu.memref_slice %arg5[%run_scoped3A_54, %add3A_53] : memref<2x102400xf32, #tpu.memory_space<hbm>> -> memref<1x256xf32, #tpu.memory_space<hbm>>
      %dma_wait3A_120 = tpu.memref_squeeze %dma_wait3A_119 : memref<1x256xf32, #tpu.memory_space<hbm>> -> memref<256xf32, #tpu.memory_space<hbm>>
      %dma_wait3A_121 = arith.constant 0 : i32
      %dma_wait3A_122 = tpu.memref_slice %arg8[%dma_wait3A_121] : memref<2048xf32, #tpu.memory_space<vmem>> -> memref<256xf32, #tpu.memory_space<vmem>>
      %dma_wait3A_123 = tpu.memref_slice %arg5[%run_scoped3A_54, %add3A_53] : memref<2x102400xf32, #tpu.memory_space<hbm>> -> memref<1x256xf32, #tpu.memory_space<hbm>>
      %dma_wait3A_124 = tpu.memref_squeeze %dma_wait3A_123 : memref<1x256xf32, #tpu.memory_space<hbm>> -> memref<256xf32, #tpu.memory_space<hbm>>
      tpu.wait_dma2 semaphore(%run_scoped3A_109 : memref<!tpu.dma_semaphore, #tpu.memory_space<semaphore_mem>>) src(%dma_wait3A_124 : memref<256xf32, #tpu.memory_space<hbm>>) dst(%dma_wait3A_122 : memref<256xf32, #tpu.memory_space<vmem>>)
      tpu.yield
    }) : () -> ()
    %add3A_55 = arith.constant 6144 : i32
    %add3A_56 = arith.addi %mul3A_2, %add3A_55 : i32
    %run_scoped3A_57 = arith.constant 1 : i32
    "tpu.region"() ({
      %run_scoped3A_109 = tpu.sem_alloc : memref<!tpu.dma_semaphore, #tpu.memory_space<semaphore_mem>>
      %dma_start3A_110 = arith.constant 0 : i32
      %dma_start3A_111 = tpu.memref_slice %arg9[%dma_start3A_110] : memref<2048xf32, #tpu.memory_space<vmem>> -> memref<256xf32, #tpu.memory_space<vmem>>
      %dma_start3A_112 = tpu.memref_slice %arg5[%run_scoped3A_57, %add3A_56] : memref<2x102400xf32, #tpu.memory_space<hbm>> -> memref<1x256xf32, #tpu.memory_space<hbm>>
      %dma_start3A_113 = tpu.memref_squeeze %dma_start3A_112 : memref<1x256xf32, #tpu.memory_space<hbm>> -> memref<256xf32, #tpu.memory_space<hbm>>
      %dma_start3A_114 = arith.constant 0 : i32
      %dma_start3A_115 = tpu.memref_slice %arg9[%dma_start3A_114] : memref<2048xf32, #tpu.memory_space<vmem>> -> memref<256xf32, #tpu.memory_space<vmem>>
      %dma_start3A_116 = tpu.memref_slice %arg5[%run_scoped3A_57, %add3A_56] : memref<2x102400xf32, #tpu.memory_space<hbm>> -> memref<1x256xf32, #tpu.memory_space<hbm>>
      %dma_start3A_117 = tpu.memref_squeeze %dma_start3A_116 : memref<1x256xf32, #tpu.memory_space<hbm>> -> memref<256xf32, #tpu.memory_space<hbm>>
      tpu.enqueue_dma source(%dma_start3A_117 : memref<256xf32, #tpu.memory_space<hbm>>) target(%dma_start3A_115 : memref<256xf32, #tpu.memory_space<vmem>>) target_semaphore(%run_scoped3A_109 : memref<!tpu.dma_semaphore, #tpu.memory_space<semaphore_mem>>)
      %dma_wait3A = arith.constant 0 : i32
      %dma_wait3A_118 = tpu.memref_slice %arg9[%dma_wait3A] : memref<2048xf32, #tpu.memory_space<vmem>> -> memref<256xf32, #tpu.memory_space<vmem>>
      %dma_wait3A_119 = tpu.memref_slice %arg5[%run_scoped3A_57, %add3A_56] : memref<2x102400xf32, #tpu.memory_space<hbm>> -> memref<1x256xf32, #tpu.memory_space<hbm>>
      %dma_wait3A_120 = tpu.memref_squeeze %dma_wait3A_119 : memref<1x256xf32, #tpu.memory_space<hbm>> -> memref<256xf32, #tpu.memory_space<hbm>>
      %dma_wait3A_121 = arith.constant 0 : i32
      %dma_wait3A_122 = tpu.memref_slice %arg9[%dma_wait3A_121] : memref<2048xf32, #tpu.memory_space<vmem>> -> memref<256xf32, #tpu.memory_space<vmem>>
      %dma_wait3A_123 = tpu.memref_slice %arg5[%run_scoped3A_57, %add3A_56] : memref<2x102400xf32, #tpu.memory_space<hbm>> -> memref<1x256xf32, #tpu.memory_space<hbm>>
      %dma_wait3A_124 = tpu.memref_squeeze %dma_wait3A_123 : memref<1x256xf32, #tpu.memory_space<hbm>> -> memref<256xf32, #tpu.memory_space<hbm>>
      tpu.wait_dma2 semaphore(%run_scoped3A_109 : memref<!tpu.dma_semaphore, #tpu.memory_space<semaphore_mem>>) src(%dma_wait3A_124 : memref<256xf32, #tpu.memory_space<hbm>>) dst(%dma_wait3A_122 : memref<256xf32, #tpu.memory_space<vmem>>)
      tpu.yield
    }) : () -> ()
    %add3A_58 = arith.constant 6144 : i32
    %add3A_59 = arith.addi %mul3A_2, %add3A_58 : i32
    "tpu.region"() ({
      %run_scoped3A_109 = tpu.sem_alloc : memref<!tpu.dma_semaphore, #tpu.memory_space<semaphore_mem>>
      %dma_start3A_110 = arith.constant 0 : i32
      %dma_start3A_111 = tpu.memref_slice %arg10[%dma_start3A_110] : memref<2048xf32, #tpu.memory_space<vmem>> -> memref<256xf32, #tpu.memory_space<vmem>>
      %dma_start3A_112 = tpu.memref_slice %arg4[%add3A_59] : memref<102400xf32, #tpu.memory_space<hbm>> -> memref<256xf32, #tpu.memory_space<hbm>>
      %dma_start3A_113 = arith.constant 0 : i32
      %dma_start3A_114 = tpu.memref_slice %arg10[%dma_start3A_113] : memref<2048xf32, #tpu.memory_space<vmem>> -> memref<256xf32, #tpu.memory_space<vmem>>
      %dma_start3A_115 = tpu.memref_slice %arg4[%add3A_59] : memref<102400xf32, #tpu.memory_space<hbm>> -> memref<256xf32, #tpu.memory_space<hbm>>
      tpu.enqueue_dma source(%dma_start3A_115 : memref<256xf32, #tpu.memory_space<hbm>>) target(%dma_start3A_114 : memref<256xf32, #tpu.memory_space<vmem>>) target_semaphore(%run_scoped3A_109 : memref<!tpu.dma_semaphore, #tpu.memory_space<semaphore_mem>>)
      %dma_wait3A = arith.constant 0 : i32
      %dma_wait3A_116 = tpu.memref_slice %arg10[%dma_wait3A] : memref<2048xf32, #tpu.memory_space<vmem>> -> memref<256xf32, #tpu.memory_space<vmem>>
      %dma_wait3A_117 = tpu.memref_slice %arg4[%add3A_59] : memref<102400xf32, #tpu.memory_space<hbm>> -> memref<256xf32, #tpu.memory_space<hbm>>
      %dma_wait3A_118 = arith.constant 0 : i32
      %dma_wait3A_119 = tpu.memref_slice %arg10[%dma_wait3A_118] : memref<2048xf32, #tpu.memory_space<vmem>> -> memref<256xf32, #tpu.memory_space<vmem>>
      %dma_wait3A_120 = tpu.memref_slice %arg4[%add3A_59] : memref<102400xf32, #tpu.memory_space<hbm>> -> memref<256xf32, #tpu.memory_space<hbm>>
      tpu.wait_dma2 semaphore(%run_scoped3A_109 : memref<!tpu.dma_semaphore, #tpu.memory_space<semaphore_mem>>) src(%dma_wait3A_120 : memref<256xf32, #tpu.memory_space<hbm>>) dst(%dma_wait3A_119 : memref<256xf32, #tpu.memory_space<vmem>>)
      tpu.yield
    }) : () -> ()
    %scan3A_60 = arith.constant 0 : i32
    %scan3A_61 = arith.constant 0 : i32
    %scan3A_62 = arith.constant 16 : i32
    %scan3A_63 = arith.addi %scan3A_61, %scan3A_62 : i32
    %scan3A_64 = arith.constant 1 : i32
    %scan3A_65 = scf.for %scan3A_109 = %scan3A_61 to %scan3A_63 step %scan3A_64 iter_args(%scan3A_110 = %scan3A_60) -> (i32)  : i32 {
      %mul3A_111 = arith.constant 16 : i32
      %mul3A_112 = arith.muli %scan3A_109, %mul3A_111 : i32
      %get3A = arith.index_cast %mul3A_112 : i32 to index
      %get3A_113 = tpu.vector_load %arg10[%get3A] {strides = array<i32>} : memref<2048xf32, #tpu.memory_space<vmem>>, vector<16xf32>,
      %get3A_114 = arith.index_cast %mul3A_112 : i32 to index
      %get3A_115 = tpu.vector_load %arg8[%get3A_114] {strides = array<i32>} : memref<2048xf32, #tpu.memory_space<vmem>>, vector<16xf32>,
      %get3A_116 = arith.index_cast %mul3A_112 : i32 to index
      %get3A_117 = tpu.vector_load %arg9[%get3A_116] {strides = array<i32>} : memref<2048xf32, #tpu.memory_space<vmem>>, vector<16xf32>,
      %add3A_118 = arith.addf %get3A_115, %get3A_117 : vector<16xf32>
      %div3A = arith.divf %get3A_113, %add3A_118 : vector<16xf32>
      %swap3A = arith.index_cast %mul3A_112 : i32 to index
      %swap3A_119 = tpu.vector_load %arg11[%swap3A] {strides = array<i32>} : memref<2048xf32, #tpu.memory_space<vmem>>, vector<16xf32>,
      tpu.vector_store %arg11[%swap3A], %div3A {strides = array<i32>} : memref<2048xf32, #tpu.memory_space<vmem>>, vector<16xf32>,
      %scan3A_120 = arith.constant 0 : i32
      scf.yield %scan3A_120 : i32
    }
    %scan3A_66 = arith.constant 16 : i32
    %add3A_67 = arith.constant 6144 : i32
    %add3A_68 = arith.addi %mul3A_2, %add3A_67 : i32
    "tpu.region"() ({
      %run_scoped3A_109 = tpu.sem_alloc : memref<!tpu.dma_semaphore, #tpu.memory_space<semaphore_mem>>
      %dma_start3A_110 = arith.constant 0 : i32
      %dma_start3A_111 = tpu.memref_slice %arg11[%dma_start3A_110] : memref<2048xf32, #tpu.memory_space<vmem>> -> memref<256xf32, #tpu.memory_space<vmem>>
      %dma_start3A_112 = tpu.memref_slice %arg27[%add3A_68] : memref<102400xf32, #tpu.memory_space<vmem_shared>> -> memref<256xf32, #tpu.memory_space<vmem_shared>>
      %dma_start3A_113 = tpu.memref_slice %arg27[%add3A_68] : memref<102400xf32, #tpu.memory_space<vmem_shared>> -> memref<256xf32, #tpu.memory_space<vmem_shared>>
      %dma_start3A_114 = arith.constant 0 : i32
      %dma_start3A_115 = tpu.memref_slice %arg11[%dma_start3A_114] : memref<2048xf32, #tpu.memory_space<vmem>> -> memref<256xf32, #tpu.memory_space<vmem>>
      tpu.enqueue_dma source(%dma_start3A_115 : memref<256xf32, #tpu.memory_space<vmem>>) target(%dma_start3A_113 : memref<256xf32, #tpu.memory_space<vmem_shared>>) target_semaphore(%run_scoped3A_109 : memref<!tpu.dma_semaphore, #tpu.memory_space<semaphore_mem>>)
      %dma_wait3A = arith.constant 0 : i32
      %dma_wait3A_116 = tpu.memref_slice %arg11[%dma_wait3A] : memref<2048xf32, #tpu.memory_space<vmem>> -> memref<256xf32, #tpu.memory_space<vmem>>
      %dma_wait3A_117 = tpu.memref_slice %arg27[%add3A_68] : memref<102400xf32, #tpu.memory_space<vmem_shared>> -> memref<256xf32, #tpu.memory_space<vmem_shared>>
      %dma_wait3A_118 = tpu.memref_slice %arg27[%add3A_68] : memref<102400xf32, #tpu.memory_space<vmem_shared>> -> memref<256xf32, #tpu.memory_space<vmem_shared>>
      %dma_wait3A_119 = arith.constant 0 : i32
      %dma_wait3A_120 = tpu.memref_slice %arg11[%dma_wait3A_119] : memref<2048xf32, #tpu.memory_space<vmem>> -> memref<256xf32, #tpu.memory_space<vmem>>
      tpu.wait_dma2 semaphore(%run_scoped3A_109 : memref<!tpu.dma_semaphore, #tpu.memory_space<semaphore_mem>>) src(%dma_wait3A_120 : memref<256xf32, #tpu.memory_space<vmem>>) dst(%dma_wait3A_118 : memref<256xf32, #tpu.memory_space<vmem_shared>>)
      tpu.yield
    }) : () -> ()
    %scan3A_69 = arith.constant 0 : i32
    %scan3A_70 = arith.constant 0 : i32
    %scan3A_71 = arith.constant 128 : i32
    %scan3A_72 = arith.addi %scan3A_70, %scan3A_71 : i32
    %scan3A_73 = arith.constant 1 : i32
    %scan3A_74 = scf.for %scan3A_109 = %scan3A_70 to %scan3A_72 step %scan3A_73 iter_args(%scan3A_110 = %scan3A_69) -> (i32)  : i32 {
      %broadcast_in_dim3A = arith.constant 0.000000e+00 : f32
      %broadcast_in_dim3A_111 = vector.broadcast %broadcast_in_dim3A : f32 to vector<16xf32>
      %mul3A_112 = arith.constant 16 : i32
      %mul3A_113 = arith.muli %scan3A_109, %mul3A_112 : i32
      %swap3A = arith.index_cast %mul3A_113 : i32 to index
      %swap3A_114 = tpu.vector_load %arg12[%swap3A] {strides = array<i32>} : memref<2048xf32, #tpu.memory_space<vmem>>, vector<16xf32>,
      tpu.vector_store %arg12[%swap3A], %broadcast_in_dim3A_111 {strides = array<i32>} : memref<2048xf32, #tpu.memory_space<vmem>>, vector<16xf32>,
      %scan3A_115 = arith.constant 0 : i32
      scf.yield %scan3A_115 : i32
    }
    %scan3A_75 = arith.constant 128 : i32
    %add3A_76 = arith.constant 0 : i32
    %add3A_77 = arith.addi %mul3A_2, %add3A_76 : i32
    "tpu.region"() ({
      %run_scoped3A_109 = tpu.sem_alloc : memref<!tpu.dma_semaphore, #tpu.memory_space<semaphore_mem>>
      %dma_start3A_110 = tpu.memref_slice %arg28[%add3A_77] : memref<102400xf32, #tpu.memory_space<vmem_shared>> -> memref<2048xf32, #tpu.memory_space<vmem_shared>>
      %dma_start3A_111 = tpu.memref_slice %arg28[%add3A_77] : memref<102400xf32, #tpu.memory_space<vmem_shared>> -> memref<2048xf32, #tpu.memory_space<vmem_shared>>
      tpu.enqueue_dma source(%arg12 : memref<2048xf32, #tpu.memory_space<vmem>>) target(%dma_start3A_111 : memref<2048xf32, #tpu.memory_space<vmem_shared>>) target_semaphore(%run_scoped3A_109 : memref<!tpu.dma_semaphore, #tpu.memory_space<semaphore_mem>>)
      %dma_wait3A = tpu.memref_slice %arg28[%add3A_77] : memref<102400xf32, #tpu.memory_space<vmem_shared>> -> memref<2048xf32, #tpu.memory_space<vmem_shared>>
      %dma_wait3A_112 = tpu.memref_slice %arg28[%add3A_77] : memref<102400xf32, #tpu.memory_space<vmem_shared>> -> memref<2048xf32, #tpu.memory_space<vmem_shared>>
      tpu.wait_dma2 semaphore(%run_scoped3A_109 : memref<!tpu.dma_semaphore, #tpu.memory_space<semaphore_mem>>) src(%arg12 : memref<2048xf32, #tpu.memory_space<vmem>>) dst(%dma_wait3A_112 : memref<2048xf32, #tpu.memory_space<vmem_shared>>)
      tpu.yield
    }) : () -> ()
    %add3A_78 = arith.constant 2048 : i32
    %add3A_79 = arith.addi %mul3A_2, %add3A_78 : i32
    "tpu.region"() ({
      %run_scoped3A_109 = tpu.sem_alloc : memref<!tpu.dma_semaphore, #tpu.memory_space<semaphore_mem>>
      %dma_start3A_110 = tpu.memref_slice %arg28[%add3A_79] : memref<102400xf32, #tpu.memory_space<vmem_shared>> -> memref<2048xf32, #tpu.memory_space<vmem_shared>>
      %dma_start3A_111 = tpu.memref_slice %arg28[%add3A_79] : memref<102400xf32, #tpu.memory_space<vmem_shared>> -> memref<2048xf32, #tpu.memory_space<vmem_shared>>
      tpu.enqueue_dma source(%arg12 : memref<2048xf32, #tpu.memory_space<vmem>>) target(%dma_start3A_111 : memref<2048xf32, #tpu.memory_space<vmem_shared>>) target_semaphore(%run_scoped3A_109 : memref<!tpu.dma_semaphore, #tpu.memory_space<semaphore_mem>>)
      %dma_wait3A = tpu.memref_slice %arg28[%add3A_79] : memref<102400xf32, #tpu.memory_space<vmem_shared>> -> memref<2048xf32, #tpu.memory_space<vmem_shared>>
      %dma_wait3A_112 = tpu.memref_slice %arg28[%add3A_79] : memref<102400xf32, #tpu.memory_space<vmem_shared>> -> memref<2048xf32, #tpu.memory_space<vmem_shared>>
      tpu.wait_dma2 semaphore(%run_scoped3A_109 : memref<!tpu.dma_semaphore, #tpu.memory_space<semaphore_mem>>) src(%arg12 : memref<2048xf32, #tpu.memory_space<vmem>>) dst(%dma_wait3A_112 : memref<2048xf32, #tpu.memory_space<vmem_shared>>)
      tpu.yield
    }) : () -> ()
    %add3A_80 = arith.constant 4096 : i32
    %add3A_81 = arith.addi %mul3A_2, %add3A_80 : i32
    "tpu.region"() ({
      %run_scoped3A_109 = tpu.sem_alloc : memref<!tpu.dma_semaphore, #tpu.memory_space<semaphore_mem>>
      %dma_start3A_110 = tpu.memref_slice %arg28[%add3A_81] : memref<102400xf32, #tpu.memory_space<vmem_shared>> -> memref<2048xf32, #tpu.memory_space<vmem_shared>>
      %dma_start3A_111 = tpu.memref_slice %arg28[%add3A_81] : memref<102400xf32, #tpu.memory_space<vmem_shared>> -> memref<2048xf32, #tpu.memory_space<vmem_shared>>
      tpu.enqueue_dma source(%arg12 : memref<2048xf32, #tpu.memory_space<vmem>>) target(%dma_start3A_111 : memref<2048xf32, #tpu.memory_space<vmem_shared>>) target_semaphore(%run_scoped3A_109 : memref<!tpu.dma_semaphore, #tpu.memory_space<semaphore_mem>>)
      %dma_wait3A = tpu.memref_slice %arg28[%add3A_81] : memref<102400xf32, #tpu.memory_space<vmem_shared>> -> memref<2048xf32, #tpu.memory_space<vmem_shared>>
      %dma_wait3A_112 = tpu.memref_slice %arg28[%add3A_81] : memref<102400xf32, #tpu.memory_space<vmem_shared>> -> memref<2048xf32, #tpu.memory_space<vmem_shared>>
      tpu.wait_dma2 semaphore(%run_scoped3A_109 : memref<!tpu.dma_semaphore, #tpu.memory_space<semaphore_mem>>) src(%arg12 : memref<2048xf32, #tpu.memory_space<vmem>>) dst(%dma_wait3A_112 : memref<2048xf32, #tpu.memory_space<vmem_shared>>)
      tpu.yield
    }) : () -> ()
    %add3A_82 = arith.constant 6144 : i32
    %add3A_83 = arith.addi %mul3A_2, %add3A_82 : i32
    "tpu.region"() ({
      %run_scoped3A_109 = tpu.sem_alloc : memref<!tpu.dma_semaphore, #tpu.memory_space<semaphore_mem>>
      %dma_start3A_110 = arith.constant 0 : i32
      %dma_start3A_111 = tpu.memref_slice %arg12[%dma_start3A_110] : memref<2048xf32, #tpu.memory_space<vmem>> -> memref<256xf32, #tpu.memory_space<vmem>>
      %dma_start3A_112 = tpu.memref_slice %arg28[%add3A_83] : memref<102400xf32, #tpu.memory_space<vmem_shared>> -> memref<256xf32, #tpu.memory_space<vmem_shared>>
      %dma_start3A_113 = tpu.memref_slice %arg28[%add3A_83] : memref<102400xf32, #tpu.memory_space<vmem_shared>> -> memref<256xf32, #tpu.memory_space<vmem_shared>>
      %dma_start3A_114 = arith.constant 0 : i32
      %dma_start3A_115 = tpu.memref_slice %arg12[%dma_start3A_114] : memref<2048xf32, #tpu.memory_space<vmem>> -> memref<256xf32, #tpu.memory_space<vmem>>
      tpu.enqueue_dma source(%dma_start3A_115 : memref<256xf32, #tpu.memory_space<vmem>>) target(%dma_start3A_113 : memref<256xf32, #tpu.memory_space<vmem_shared>>) target_semaphore(%run_scoped3A_109 : memref<!tpu.dma_semaphore, #tpu.memory_space<semaphore_mem>>)
      %dma_wait3A = arith.constant 0 : i32
      %dma_wait3A_116 = tpu.memref_slice %arg12[%dma_wait3A] : memref<2048xf32, #tpu.memory_space<vmem>> -> memref<256xf32, #tpu.memory_space<vmem>>
      %dma_wait3A_117 = tpu.memref_slice %arg28[%add3A_83] : memref<102400xf32, #tpu.memory_space<vmem_shared>> -> memref<256xf32, #tpu.memory_space<vmem_shared>>
      %dma_wait3A_118 = tpu.memref_slice %arg28[%add3A_83] : memref<102400xf32, #tpu.memory_space<vmem_shared>> -> memref<256xf32, #tpu.memory_space<vmem_shared>>
      %dma_wait3A_119 = arith.constant 0 : i32
      %dma_wait3A_120 = tpu.memref_slice %arg12[%dma_wait3A_119] : memref<2048xf32, #tpu.memory_space<vmem>> -> memref<256xf32, #tpu.memory_space<vmem>>
      tpu.wait_dma2 semaphore(%run_scoped3A_109 : memref<!tpu.dma_semaphore, #tpu.memory_space<semaphore_mem>>) src(%dma_wait3A_120 : memref<256xf32, #tpu.memory_space<vmem>>) dst(%dma_wait3A_118 : memref<256xf32, #tpu.memory_space<vmem_shared>>)
      tpu.yield
    }) : () -> ()
    %add3A_84 = arith.constant 0 : i32
    %add3A_85 = arith.addi %mul3A_2, %add3A_84 : i32
    "tpu.region"() ({
      %run_scoped3A_109 = tpu.sem_alloc : memref<!tpu.dma_semaphore, #tpu.memory_space<semaphore_mem>>
      %dma_start3A_110 = tpu.memref_slice %arg29[%add3A_85] : memref<102400xf32, #tpu.memory_space<vmem_shared>> -> memref<2048xf32, #tpu.memory_space<vmem_shared>>
      %dma_start3A_111 = tpu.memref_slice %arg29[%add3A_85] : memref<102400xf32, #tpu.memory_space<vmem_shared>> -> memref<2048xf32, #tpu.memory_space<vmem_shared>>
      tpu.enqueue_dma source(%arg12 : memref<2048xf32, #tpu.memory_space<vmem>>) target(%dma_start3A_111 : memref<2048xf32, #tpu.memory_space<vmem_shared>>) target_semaphore(%run_scoped3A_109 : memref<!tpu.dma_semaphore, #tpu.memory_space<semaphore_mem>>)
      %dma_wait3A = tpu.memref_slice %arg29[%add3A_85] : memref<102400xf32, #tpu.memory_space<vmem_shared>> -> memref<2048xf32, #tpu.memory_space<vmem_shared>>
      %dma_wait3A_112 = tpu.memref_slice %arg29[%add3A_85] : memref<102400xf32, #tpu.memory_space<vmem_shared>> -> memref<2048xf32, #tpu.memory_space<vmem_shared>>
      tpu.wait_dma2 semaphore(%run_scoped3A_109 : memref<!tpu.dma_semaphore, #tpu.memory_space<semaphore_mem>>) src(%arg12 : memref<2048xf32, #tpu.memory_space<vmem>>) dst(%dma_wait3A_112 : memref<2048xf32, #tpu.memory_space<vmem_shared>>)
      tpu.yield
    }) : () -> ()
    %add3A_86 = arith.constant 2048 : i32
    %add3A_87 = arith.addi %mul3A_2, %add3A_86 : i32
    "tpu.region"() ({
      %run_scoped3A_109 = tpu.sem_alloc : memref<!tpu.dma_semaphore, #tpu.memory_space<semaphore_mem>>
      %dma_start3A_110 = tpu.memref_slice %arg29[%add3A_87] : memref<102400xf32, #tpu.memory_space<vmem_shared>> -> memref<2048xf32, #tpu.memory_space<vmem_shared>>
      %dma_start3A_111 = tpu.memref_slice %arg29[%add3A_87] : memref<102400xf32, #tpu.memory_space<vmem_shared>> -> memref<2048xf32, #tpu.memory_space<vmem_shared>>
      tpu.enqueue_dma source(%arg12 : memref<2048xf32, #tpu.memory_space<vmem>>) target(%dma_start3A_111 : memref<2048xf32, #tpu.memory_space<vmem_shared>>) target_semaphore(%run_scoped3A_109 : memref<!tpu.dma_semaphore, #tpu.memory_space<semaphore_mem>>)
      %dma_wait3A = tpu.memref_slice %arg29[%add3A_87] : memref<102400xf32, #tpu.memory_space<vmem_shared>> -> memref<2048xf32, #tpu.memory_space<vmem_shared>>
      %dma_wait3A_112 = tpu.memref_slice %arg29[%add3A_87] : memref<102400xf32, #tpu.memory_space<vmem_shared>> -> memref<2048xf32, #tpu.memory_space<vmem_shared>>
      tpu.wait_dma2 semaphore(%run_scoped3A_109 : memref<!tpu.dma_semaphore, #tpu.memory_space<semaphore_mem>>) src(%arg12 : memref<2048xf32, #tpu.memory_space<vmem>>) dst(%dma_wait3A_112 : memref<2048xf32, #tpu.memory_space<vmem_shared>>)
      tpu.yield
    }) : () -> ()
    %add3A_88 = arith.constant 4096 : i32
    %add3A_89 = arith.addi %mul3A_2, %add3A_88 : i32
    "tpu.region"() ({
      %run_scoped3A_109 = tpu.sem_alloc : memref<!tpu.dma_semaphore, #tpu.memory_space<semaphore_mem>>
      %dma_start3A_110 = tpu.memref_slice %arg29[%add3A_89] : memref<102400xf32, #tpu.memory_space<vmem_shared>> -> memref<2048xf32, #tpu.memory_space<vmem_shared>>
      %dma_start3A_111 = tpu.memref_slice %arg29[%add3A_89] : memref<102400xf32, #tpu.memory_space<vmem_shared>> -> memref<2048xf32, #tpu.memory_space<vmem_shared>>
      tpu.enqueue_dma source(%arg12 : memref<2048xf32, #tpu.memory_space<vmem>>) target(%dma_start3A_111 : memref<2048xf32, #tpu.memory_space<vmem_shared>>) target_semaphore(%run_scoped3A_109 : memref<!tpu.dma_semaphore, #tpu.memory_space<semaphore_mem>>)
      %dma_wait3A = tpu.memref_slice %arg29[%add3A_89] : memref<102400xf32, #tpu.memory_space<vmem_shared>> -> memref<2048xf32, #tpu.memory_space<vmem_shared>>
      %dma_wait3A_112 = tpu.memref_slice %arg29[%add3A_89] : memref<102400xf32, #tpu.memory_space<vmem_shared>> -> memref<2048xf32, #tpu.memory_space<vmem_shared>>
      tpu.wait_dma2 semaphore(%run_scoped3A_109 : memref<!tpu.dma_semaphore, #tpu.memory_space<semaphore_mem>>) src(%arg12 : memref<2048xf32, #tpu.memory_space<vmem>>) dst(%dma_wait3A_112 : memref<2048xf32, #tpu.memory_space<vmem_shared>>)
      tpu.yield
    }) : () -> ()
    %add3A_90 = arith.constant 6144 : i32
    %add3A_91 = arith.addi %mul3A_2, %add3A_90 : i32
    "tpu.region"() ({
      %run_scoped3A_109 = tpu.sem_alloc : memref<!tpu.dma_semaphore, #tpu.memory_space<semaphore_mem>>
      %dma_start3A_110 = arith.constant 0 : i32
      %dma_start3A_111 = tpu.memref_slice %arg12[%dma_start3A_110] : memref<2048xf32, #tpu.memory_space<vmem>> -> memref<256xf32, #tpu.memory_space<vmem>>
      %dma_start3A_112 = tpu.memref_slice %arg29[%add3A_91] : memref<102400xf32, #tpu.memory_space<vmem_shared>> -> memref<256xf32, #tpu.memory_space<vmem_shared>>
      %dma_start3A_113 = tpu.memref_slice %arg29[%add3A_91] : memref<102400xf32, #tpu.memory_space<vmem_shared>> -> memref<256xf32, #tpu.memory_space<vmem_shared>>
      %dma_start3A_114 = arith.constant 0 : i32
      %dma_start3A_115 = tpu.memref_slice %arg12[%dma_start3A_114] : memref<2048xf32, #tpu.memory_space<vmem>> -> memref<256xf32, #tpu.memory_space<vmem>>
      tpu.enqueue_dma source(%dma_start3A_115 : memref<256xf32, #tpu.memory_space<vmem>>) target(%dma_start3A_113 : memref<256xf32, #tpu.memory_space<vmem_shared>>) target_semaphore(%run_scoped3A_109 : memref<!tpu.dma_semaphore, #tpu.memory_space<semaphore_mem>>)
      %dma_wait3A = arith.constant 0 : i32
      %dma_wait3A_116 = tpu.memref_slice %arg12[%dma_wait3A] : memref<2048xf32, #tpu.memory_space<vmem>> -> memref<256xf32, #tpu.memory_space<vmem>>
      %dma_wait3A_117 = tpu.memref_slice %arg29[%add3A_91] : memref<102400xf32, #tpu.memory_space<vmem_shared>> -> memref<256xf32, #tpu.memory_space<vmem_shared>>
      %dma_wait3A_118 = tpu.memref_slice %arg29[%add3A_91] : memref<102400xf32, #tpu.memory_space<vmem_shared>> -> memref<256xf32, #tpu.memory_space<vmem_shared>>
      %dma_wait3A_119 = arith.constant 0 : i32
      %dma_wait3A_120 = tpu.memref_slice %arg12[%dma_wait3A_119] : memref<2048xf32, #tpu.memory_space<vmem>> -> memref<256xf32, #tpu.memory_space<vmem>>
      tpu.wait_dma2 semaphore(%run_scoped3A_109 : memref<!tpu.dma_semaphore, #tpu.memory_space<semaphore_mem>>) src(%dma_wait3A_120 : memref<256xf32, #tpu.memory_space<vmem>>) dst(%dma_wait3A_118 : memref<256xf32, #tpu.memory_space<vmem_shared>>)
      tpu.yield
    }) : () -> ()
    %barrier3A = arith.constant 0 : index
    tpu.barrier barrier_id(%barrier3A)
    %mul3A_92 = arith.constant 2560 : i32
    %mul3A_93 = arith.muli %add3A, %mul3A_92 : i32
    %run_scoped3A_94 = arith.constant 0 : i32
    "tpu.region"() ({
      %run_scoped3A_109 = tpu.sem_alloc : memref<!tpu.dma_semaphore, #tpu.memory_space<semaphore_mem>>
      %dma_start3A_110 = tpu.memref_slice %arg2[%run_scoped3A_94, %mul3A_93] : memref<2x1600000xi32, #tpu.memory_space<hbm>> -> memref<1x2560xi32, #tpu.memory_space<hbm>>
      %dma_start3A_111 = tpu.memref_squeeze %dma_start3A_110 : memref<1x2560xi32, #tpu.memory_space<hbm>> -> memref<2560xi32, #tpu.memory_space<hbm>>
      %dma_start3A_112 = tpu.memref_slice %arg2[%run_scoped3A_94, %mul3A_93] : memref<2x1600000xi32, #tpu.memory_space<hbm>> -> memref<1x2560xi32, #tpu.memory_space<hbm>>
      %dma_start3A_113 = tpu.memref_squeeze %dma_start3A_112 : memref<1x2560xi32, #tpu.memory_space<hbm>> -> memref<2560xi32, #tpu.memory_space<hbm>>
      tpu.enqueue_dma source(%dma_start3A_113 : memref<2560xi32, #tpu.memory_space<hbm>>) target(%arg13 : memref<2560xi32, #tpu.memory_space<vmem>>) target_semaphore(%run_scoped3A_109 : memref<!tpu.dma_semaphore, #tpu.memory_space<semaphore_mem>>)
      %dma_wait3A = tpu.memref_slice %arg2[%run_scoped3A_94, %mul3A_93] : memref<2x1600000xi32, #tpu.memory_space<hbm>> -> memref<1x2560xi32, #tpu.memory_space<hbm>>
      %dma_wait3A_114 = tpu.memref_squeeze %dma_wait3A : memref<1x2560xi32, #tpu.memory_space<hbm>> -> memref<2560xi32, #tpu.memory_space<hbm>>
      %dma_wait3A_115 = tpu.memref_slice %arg2[%run_scoped3A_94, %mul3A_93] : memref<2x1600000xi32, #tpu.memory_space<hbm>> -> memref<1x2560xi32, #tpu.memory_space<hbm>>
      %dma_wait3A_116 = tpu.memref_squeeze %dma_wait3A_115 : memref<1x2560xi32, #tpu.memory_space<hbm>> -> memref<2560xi32, #tpu.memory_space<hbm>>
      tpu.wait_dma2 semaphore(%run_scoped3A_109 : memref<!tpu.dma_semaphore, #tpu.memory_space<semaphore_mem>>) src(%dma_wait3A_116 : memref<2560xi32, #tpu.memory_space<hbm>>) dst(%arg13 : memref<2560xi32, #tpu.memory_space<vmem>>)
      tpu.yield
    }) : () -> ()
    %mul3A_95 = arith.constant 2560 : i32
    %mul3A_96 = arith.muli %add3A, %mul3A_95 : i32
    %run_scoped3A_97 = arith.constant 1 : i32
    "tpu.region"() ({
      %run_scoped3A_109 = tpu.sem_alloc : memref<!tpu.dma_semaphore, #tpu.memory_space<semaphore_mem>>
      %dma_start3A_110 = tpu.memref_slice %arg2[%run_scoped3A_97, %mul3A_96] : memref<2x1600000xi32, #tpu.memory_space<hbm>> -> memref<1x2560xi32, #tpu.memory_space<hbm>>
      %dma_start3A_111 = tpu.memref_squeeze %dma_start3A_110 : memref<1x2560xi32, #tpu.memory_space<hbm>> -> memref<2560xi32, #tpu.memory_space<hbm>>
      %dma_start3A_112 = tpu.memref_slice %arg2[%run_scoped3A_97, %mul3A_96] : memref<2x1600000xi32, #tpu.memory_space<hbm>> -> memref<1x2560xi32, #tpu.memory_space<hbm>>
      %dma_start3A_113 = tpu.memref_squeeze %dma_start3A_112 : memref<1x2560xi32, #tpu.memory_space<hbm>> -> memref<2560xi32, #tpu.memory_space<hbm>>
      tpu.enqueue_dma source(%dma_start3A_113 : memref<2560xi32, #tpu.memory_space<hbm>>) target(%arg14 : memref<2560xi32, #tpu.memory_space<vmem>>) target_semaphore(%run_scoped3A_109 : memref<!tpu.dma_semaphore, #tpu.memory_space<semaphore_mem>>)
      %dma_wait3A = tpu.memref_slice %arg2[%run_scoped3A_97, %mul3A_96] : memref<2x1600000xi32, #tpu.memory_space<hbm>> -> memref<1x2560xi32, #tpu.memory_space<hbm>>
      %dma_wait3A_114 = tpu.memref_squeeze %dma_wait3A : memref<1x2560xi32, #tpu.memory_space<hbm>> -> memref<2560xi32, #tpu.memory_space<hbm>>
      %dma_wait3A_115 = tpu.memref_slice %arg2[%run_scoped3A_97, %mul3A_96] : memref<2x1600000xi32, #tpu.memory_space<hbm>> -> memref<1x2560xi32, #tpu.memory_space<hbm>>
      %dma_wait3A_116 = tpu.memref_squeeze %dma_wait3A_115 : memref<1x2560xi32, #tpu.memory_space<hbm>> -> memref<2560xi32, #tpu.memory_space<hbm>>
      tpu.wait_dma2 semaphore(%run_scoped3A_109 : memref<!tpu.dma_semaphore, #tpu.memory_space<semaphore_mem>>) src(%dma_wait3A_116 : memref<2560xi32, #tpu.memory_space<hbm>>) dst(%arg14 : memref<2560xi32, #tpu.memory_space<vmem>>)
      tpu.yield
    }) : () -> ()
    %mul3A_98 = arith.constant 2560 : i32
    %mul3A_99 = arith.muli %add3A, %mul3A_98 : i32
    "tpu.region"() ({
      %run_scoped3A_109 = tpu.sem_alloc : memref<!tpu.dma_semaphore, #tpu.memory_space<semaphore_mem>>
      %dma_start3A_110 = tpu.memref_slice %arg3[%mul3A_99] : memref<1600000xf32, #tpu.memory_space<hbm>> -> memref<2560xf32, #tpu.memory_space<hbm>>
      %dma_start3A_111 = tpu.memref_slice %arg3[%mul3A_99] : memref<1600000xf32, #tpu.memory_space<hbm>> -> memref<2560xf32, #tpu.memory_space<hbm>>
      tpu.enqueue_dma source(%dma_start3A_111 : memref<2560xf32, #tpu.memory_space<hbm>>) target(%arg15 : memref<2560xf32, #tpu.memory_space<vmem>>) target_semaphore(%run_scoped3A_109 : memref<!tpu.dma_semaphore, #tpu.memory_space<semaphore_mem>>)
      %dma_wait3A = tpu.memref_slice %arg3[%mul3A_99] : memref<1600000xf32, #tpu.memory_space<hbm>> -> memref<2560xf32, #tpu.memory_space<hbm>>
      %dma_wait3A_112 = tpu.memref_slice %arg3[%mul3A_99] : memref<1600000xf32, #tpu.memory_space<hbm>> -> memref<2560xf32, #tpu.memory_space<hbm>>
      tpu.wait_dma2 semaphore(%run_scoped3A_109 : memref<!tpu.dma_semaphore, #tpu.memory_space<semaphore_mem>>) src(%dma_wait3A_112 : memref<2560xf32, #tpu.memory_space<hbm>>) dst(%arg15 : memref<2560xf32, #tpu.memory_space<vmem>>)
      tpu.yield
    }) : () -> ()
    %dma_start3A = arith.constant 0 : i32
    %dma_start3A_100 = tpu.memref_slice %arg27[%dma_start3A] : memref<102400xf32, #tpu.memory_space<vmem_shared>> -> memref<102400xf32, #tpu.memory_space<vmem_shared>>
    tpu.enqueue_indirect_dma source(%dma_start3A_100 : memref<102400xf32, #tpu.memory_space<vmem_shared>>) target(%arg16 : memref<2560xf32, #tpu.memory_space<vmem>>) offsets(%arg13 : memref<2560xi32, #tpu.memory_space<vmem>>) semaphore(%arg25 : memref<!tpu.dma_semaphore, #tpu.memory_space<semaphore_mem>>)
    %scan3A_101 = arith.constant 0 : i32
    %scan3A_102 = arith.constant 0 : i32
    %scan3A_103 = arith.constant 10 : i32
    %scan3A_104 = arith.addi %scan3A_102, %scan3A_103 : i32
    %scan3A_105 = arith.constant 1 : i32
    %scan3A_106 = scf.for %scan3A_109 = %scan3A_102 to %scan3A_104 step %scan3A_105 iter_args(%scan3A_110 = %scan3A_101) -> (i32)  : i32 {
      %mul3A_111 = arith.constant 2 : i32
      %mul3A_112 = arith.muli %mul3A_111, %scan3A_109 : i32
      %add3A_113 = arith.constant 0 : i32
      %add3A_114 = arith.addi %mul3A_112, %add3A_113 : i32
      %mul3A_115 = arith.constant 32 : i32
      %mul3A_116 = arith.muli %mul3A_115, %add3A_114 : i32
      %add3A_117 = arith.addi %add3A, %mul3A_116 : i32
      %add3A_118 = arith.constant 32 : i32
      %add3A_119 = arith.addi %add3A_117, %add3A_118 : i32
      %lt3A = arith.constant 625 : i32
      %lt3A_120 = arith.cmpi slt, %add3A_119, %lt3A : i32
      %convert_element_type3A = arith.extui %lt3A_120 : i1 to i32
      %cond3A = arith.constant 0 : i32
      %cond3A_121 = arith.cmpi ne, %convert_element_type3A, %cond3A : i32
      scf.if %cond3A_121 {
        %mul3A_147 = arith.constant 2560 : i32
        %mul3A_148 = arith.muli %add3A_119, %mul3A_147 : i32
        %run_scoped3A_149 = arith.constant 0 : i32
        "tpu.region"() ({
          %run_scoped3A_157 = tpu.sem_alloc : memref<!tpu.dma_semaphore, #tpu.memory_space<semaphore_mem>>
          %dma_start3A_158 = tpu.memref_slice %arg2[%run_scoped3A_149, %mul3A_148] : memref<2x1600000xi32, #tpu.memory_space<hbm>> -> memref<1x2560xi32, #tpu.memory_space<hbm>>
          %dma_start3A_159 = tpu.memref_squeeze %dma_start3A_158 : memref<1x2560xi32, #tpu.memory_space<hbm>> -> memref<2560xi32, #tpu.memory_space<hbm>>
          %dma_start3A_160 = tpu.memref_slice %arg2[%run_scoped3A_149, %mul3A_148] : memref<2x1600000xi32, #tpu.memory_space<hbm>> -> memref<1x2560xi32, #tpu.memory_space<hbm>>
          %dma_start3A_161 = tpu.memref_squeeze %dma_start3A_160 : memref<1x2560xi32, #tpu.memory_space<hbm>> -> memref<2560xi32, #tpu.memory_space<hbm>>
          tpu.enqueue_dma source(%dma_start3A_161 : memref<2560xi32, #tpu.memory_space<hbm>>) target(%arg19 : memref<2560xi32, #tpu.memory_space<vmem>>) target_semaphore(%run_scoped3A_157 : memref<!tpu.dma_semaphore, #tpu.memory_space<semaphore_mem>>)
          %dma_wait3A = tpu.memref_slice %arg2[%run_scoped3A_149, %mul3A_148] : memref<2x1600000xi32, #tpu.memory_space<hbm>> -> memref<1x2560xi32, #tpu.memory_space<hbm>>
          %dma_wait3A_162 = tpu.memref_squeeze %dma_wait3A : memref<1x2560xi32, #tpu.memory_space<hbm>> -> memref<2560xi32, #tpu.memory_space<hbm>>
          %dma_wait3A_163 = tpu.memref_slice %arg2[%run_scoped3A_149, %mul3A_148] : memref<2x1600000xi32, #tpu.memory_space<hbm>> -> memref<1x2560xi32, #tpu.memory_space<hbm>>
          %dma_wait3A_164 = tpu.memref_squeeze %dma_wait3A_163 : memref<1x2560xi32, #tpu.memory_space<hbm>> -> memref<2560xi32, #tpu.memory_space<hbm>>
          tpu.wait_dma2 semaphore(%run_scoped3A_157 : memref<!tpu.dma_semaphore, #tpu.memory_space<semaphore_mem>>) src(%dma_wait3A_164 : memref<2560xi32, #tpu.memory_space<hbm>>) dst(%arg19 : memref<2560xi32, #tpu.memory_space<vmem>>)
          tpu.yield
        }) : () -> ()
        %mul3A_150 = arith.constant 2560 : i32
        %mul3A_151 = arith.muli %add3A_119, %mul3A_150 : i32
        %run_scoped3A_152 = arith.constant 1 : i32
        "tpu.region"() ({
          %run_scoped3A_157 = tpu.sem_alloc : memref<!tpu.dma_semaphore, #tpu.memory_space<semaphore_mem>>
          %dma_start3A_158 = tpu.memref_slice %arg2[%run_scoped3A_152, %mul3A_151] : memref<2x1600000xi32, #tpu.memory_space<hbm>> -> memref<1x2560xi32, #tpu.memory_space<hbm>>
          %dma_start3A_159 = tpu.memref_squeeze %dma_start3A_158 : memref<1x2560xi32, #tpu.memory_space<hbm>> -> memref<2560xi32, #tpu.memory_space<hbm>>
          %dma_start3A_160 = tpu.memref_slice %arg2[%run_scoped3A_152, %mul3A_151] : memref<2x1600000xi32, #tpu.memory_space<hbm>> -> memref<1x2560xi32, #tpu.memory_space<hbm>>
          %dma_start3A_161 = tpu.memref_squeeze %dma_start3A_160 : memref<1x2560xi32, #tpu.memory_space<hbm>> -> memref<2560xi32, #tpu.memory_space<hbm>>
          tpu.enqueue_dma source(%dma_start3A_161 : memref<2560xi32, #tpu.memory_space<hbm>>) target(%arg20 : memref<2560xi32, #tpu.memory_space<vmem>>) target_semaphore(%run_scoped3A_157 : memref<!tpu.dma_semaphore, #tpu.memory_space<semaphore_mem>>)
          %dma_wait3A = tpu.memref_slice %arg2[%run_scoped3A_152, %mul3A_151] : memref<2x1600000xi32, #tpu.memory_space<hbm>> -> memref<1x2560xi32, #tpu.memory_space<hbm>>
          %dma_wait3A_162 = tpu.memref_squeeze %dma_wait3A : memref<1x2560xi32, #tpu.memory_space<hbm>> -> memref<2560xi32, #tpu.memory_space<hbm>>
          %dma_wait3A_163 = tpu.memref_slice %arg2[%run_scoped3A_152, %mul3A_151] : memref<2x1600000xi32, #tpu.memory_space<hbm>> -> memref<1x2560xi32, #tpu.memory_space<hbm>>
          %dma_wait3A_164 = tpu.memref_squeeze %dma_wait3A_163 : memref<1x2560xi32, #tpu.memory_space<hbm>> -> memref<2560xi32, #tpu.memory_space<hbm>>
          tpu.wait_dma2 semaphore(%run_scoped3A_157 : memref<!tpu.dma_semaphore, #tpu.memory_space<semaphore_mem>>) src(%dma_wait3A_164 : memref<2560xi32, #tpu.memory_space<hbm>>) dst(%arg20 : memref<2560xi32, #tpu.memory_space<vmem>>)
          tpu.yield
        }) : () -> ()
        %mul3A_153 = arith.constant 2560 : i32
        %mul3A_154 = arith.muli %add3A_119, %mul3A_153 : i32
        "tpu.region"() ({
          %run_scoped3A_157 = tpu.sem_alloc : memref<!tpu.dma_semaphore, #tpu.memory_space<semaphore_mem>>
          %dma_start3A_158 = tpu.memref_slice %arg3[%mul3A_154] : memref<1600000xf32, #tpu.memory_space<hbm>> -> memref<2560xf32, #tpu.memory_space<hbm>>
          %dma_start3A_159 = tpu.memref_slice %arg3[%mul3A_154] : memref<1600000xf32, #tpu.memory_space<hbm>> -> memref<2560xf32, #tpu.memory_space<hbm>>
          tpu.enqueue_dma source(%dma_start3A_159 : memref<2560xf32, #tpu.memory_space<hbm>>) target(%arg21 : memref<2560xf32, #tpu.memory_space<vmem>>) target_semaphore(%run_scoped3A_157 : memref<!tpu.dma_semaphore, #tpu.memory_space<semaphore_mem>>)
          %dma_wait3A = tpu.memref_slice %arg3[%mul3A_154] : memref<1600000xf32, #tpu.memory_space<hbm>> -> memref<2560xf32, #tpu.memory_space<hbm>>
          %dma_wait3A_160 = tpu.memref_slice %arg3[%mul3A_154] : memref<1600000xf32, #tpu.memory_space<hbm>> -> memref<2560xf32, #tpu.memory_space<hbm>>
          tpu.wait_dma2 semaphore(%run_scoped3A_157 : memref<!tpu.dma_semaphore, #tpu.memory_space<semaphore_mem>>) src(%dma_wait3A_160 : memref<2560xf32, #tpu.memory_space<hbm>>) dst(%arg21 : memref<2560xf32, #tpu.memory_space<vmem>>)
          tpu.yield
        }) : () -> ()
        %dma_start3A_155 = arith.constant 0 : i32
        %dma_start3A_156 = tpu.memref_slice %arg27[%dma_start3A_155] : memref<102400xf32, #tpu.memory_space<vmem_shared>> -> memref<102400xf32, #tpu.memory_space<vmem_shared>>
        tpu.enqueue_indirect_dma source(%dma_start3A_156 : memref<102400xf32, #tpu.memory_space<vmem_shared>>) target(%arg22 : memref<2560xf32, #tpu.memory_space<vmem>>) offsets(%arg19 : memref<2560xi32, #tpu.memory_space<vmem>>) semaphore(%arg26 : memref<!tpu.dma_semaphore, #tpu.memory_space<semaphore_mem>>)
      } else {
      }
      %lt3A_122 = arith.constant 625 : i32
      %lt3A_123 = arith.cmpi slt, %add3A_117, %lt3A_122 : i32
      %convert_element_type3A_124 = arith.extui %lt3A_123 : i1 to i32
      %cond3A_125 = arith.constant 0 : i32
      %cond3A_126 = arith.cmpi ne, %convert_element_type3A_124, %cond3A_125 : i32
      scf.if %cond3A_126 {
        %dma_wait3A = arith.constant 0 : i32
        %dma_wait3A_147 = tpu.memref_slice %arg27[%dma_wait3A] : memref<102400xf32, #tpu.memory_space<vmem_shared>> -> memref<102400xf32, #tpu.memory_space<vmem_shared>>
        tpu.wait_indirect_dma semaphore(%arg25 : memref<!tpu.dma_semaphore, #tpu.memory_space<semaphore_mem>>) src(%dma_wait3A_147 : memref<102400xf32, #tpu.memory_space<vmem_shared>>) dst(%arg16 : memref<2560xf32, #tpu.memory_space<vmem>>)
        %scan3A_148 = arith.constant 0 : i32
        %scan3A_149 = arith.constant 0 : i32
        %scan3A_150 = arith.constant 160 : i32
        %scan3A_151 = arith.addi %scan3A_149, %scan3A_150 : i32
        %scan3A_152 = arith.constant 1 : i32
        %scan3A_153 = scf.for %scan3A_163 = %scan3A_149 to %scan3A_151 step %scan3A_152 iter_args(%scan3A_164 = %scan3A_148) -> (i32)  : i32 {
          %mul3A_165 = arith.constant 16 : i32
          %mul3A_166 = arith.muli %scan3A_163, %mul3A_165 : i32
          %get3A = arith.index_cast %mul3A_166 : i32 to index
          %get3A_167 = tpu.vector_load %arg15[%get3A] {strides = array<i32>} : memref<2560xf32, #tpu.memory_space<vmem>>, vector<16xf32>,
          %get3A_168 = arith.index_cast %mul3A_166 : i32 to index
          %get3A_169 = tpu.vector_load %arg16[%get3A_168] {strides = array<i32>} : memref<2560xf32, #tpu.memory_space<vmem>>, vector<16xf32>,
          %lt3A_170 = arith.constant 0.000000e+00 : f32
          %lt3A_171 = vector.broadcast %lt3A_170 : f32 to vector<16xf32>
          %lt3A_172 = arith.cmpf olt, %get3A_167, %lt3A_171 : vector<16xf32>
          %abs3A = math.absf %get3A_167 : vector<16xf32>
          %mul3A_173 = arith.mulf %abs3A, %get3A_169 : vector<16xf32>
          %swap3A = arith.index_cast %mul3A_166 : i32 to index
          %swap3A_174 = tpu.vector_load %arg17[%swap3A] {strides = array<i32>} : memref<2560xf32, #tpu.memory_space<vmem>>, vector<16xf32>,
          tpu.vector_store %arg17[%swap3A], %mul3A_173 {strides = array<i32>} : memref<2560xf32, #tpu.memory_space<vmem>>, vector<16xf32>,
          %jit3A = arith.constant 0.000000e+00 : f32
          %broadcast_in_dim3A = vector.broadcast %jit3A : f32 to vector<16xf32>
          %select_n3A = arith.select %lt3A_172, %broadcast_in_dim3A, %mul3A_173 : vector<16xi1>, vector<16xf32>
          %swap3A_175 = arith.index_cast %mul3A_166 : i32 to index
          %swap3A_176 = tpu.vector_load %arg18[%swap3A_175] {strides = array<i32>} : memref<2560xf32, #tpu.memory_space<vmem>>, vector<16xf32>,
          tpu.vector_store %arg18[%swap3A_175], %select_n3A {strides = array<i32>} : memref<2560xf32, #tpu.memory_space<vmem>>, vector<16xf32>,
          %scan3A_177 = arith.constant 0 : i32
          scf.yield %scan3A_177 : i32
        }
        %scan3A_154 = arith.constant 160 : i32
        %dma_start3A_155 = arith.constant 0 : i32
        %dma_start3A_156 = tpu.memref_slice %arg28[%dma_start3A_155] : memref<102400xf32, #tpu.memory_space<vmem_shared>> -> memref<102400xf32, #tpu.memory_space<vmem_shared>>
        tpu.enqueue_indirect_dma source(%arg17 : memref<2560xf32, #tpu.memory_space<vmem>>) target(%dma_start3A_156 : memref<102400xf32, #tpu.memory_space<vmem_shared>>) offsets(%arg14 : memref<2560xi32, #tpu.memory_space<vmem>>) semaphore(%arg25 : memref<!tpu.dma_semaphore, #tpu.memory_space<semaphore_mem>>) {add = true}
        %dma_start3A_157 = arith.constant 0 : i32
        %dma_start3A_158 = tpu.memref_slice %arg29[%dma_start3A_157] : memref<102400xf32, #tpu.memory_space<vmem_shared>> -> memref<102400xf32, #tpu.memory_space<vmem_shared>>
        tpu.enqueue_indirect_dma source(%arg18 : memref<2560xf32, #tpu.memory_space<vmem>>) target(%dma_start3A_158 : memref<102400xf32, #tpu.memory_space<vmem_shared>>) offsets(%arg14 : memref<2560xi32, #tpu.memory_space<vmem>>) semaphore(%arg25 : memref<!tpu.dma_semaphore, #tpu.memory_space<semaphore_mem>>) {add = true}
        %dma_wait3A_159 = arith.constant 0 : i32
        %dma_wait3A_160 = tpu.memref_slice %arg28[%dma_wait3A_159] : memref<102400xf32, #tpu.memory_space<vmem_shared>> -> memref<102400xf32, #tpu.memory_space<vmem_shared>>
        tpu.wait_indirect_dma semaphore(%arg25 : memref<!tpu.dma_semaphore, #tpu.memory_space<semaphore_mem>>) src(%arg17 : memref<2560xf32, #tpu.memory_space<vmem>>) dst(%dma_wait3A_160 : memref<102400xf32, #tpu.memory_space<vmem_shared>>)
        %dma_wait3A_161 = arith.constant 0 : i32
        %dma_wait3A_162 = tpu.memref_slice %arg29[%dma_wait3A_161] : memref<102400xf32, #tpu.memory_space<vmem_shared>> -> memref<102400xf32, #tpu.memory_space<vmem_shared>>
        tpu.wait_indirect_dma semaphore(%arg25 : memref<!tpu.dma_semaphore, #tpu.memory_space<semaphore_mem>>) src(%arg18 : memref<2560xf32, #tpu.memory_space<vmem>>) dst(%dma_wait3A_162 : memref<102400xf32, #tpu.memory_space<vmem_shared>>)
      } else {
      }
      %mul3A_127 = arith.constant 2 : i32
      %mul3A_128 = arith.muli %mul3A_127, %scan3A_109 : i32
      %add3A_129 = arith.constant 1 : i32
      %add3A_130 = arith.addi %mul3A_128, %add3A_129 : i32
      %mul3A_131 = arith.constant 32 : i32
      %mul3A_132 = arith.muli %mul3A_131, %add3A_130 : i32
      %add3A_133 = arith.addi %add3A, %mul3A_132 : i32
      %add3A_134 = arith.constant 32 : i32
      %add3A_135 = arith.addi %add3A_133, %add3A_134 : i32
      %lt3A_136 = arith.constant 625 : i32
      %lt3A_137 = arith.cmpi slt, %add3A_135, %lt3A_136 : i32
      %convert_element_type3A_138 = arith.extui %lt3A_137 : i1 to i32
      %cond3A_139 = arith.constant 0 : i32
      %cond3A_140 = arith.cmpi ne, %convert_element_type3A_138, %cond3A_139 : i32
      scf.if %cond3A_140 {
        %mul3A_147 = arith.constant 2560 : i32
        %mul3A_148 = arith.muli %add3A_135, %mul3A_147 : i32
        %run_scoped3A_149 = arith.constant 0 : i32
        "tpu.region"() ({
          %run_scoped3A_157 = tpu.sem_alloc : memref<!tpu.dma_semaphore, #tpu.memory_space<semaphore_mem>>
          %dma_start3A_158 = tpu.memref_slice %arg2[%run_scoped3A_149, %mul3A_148] : memref<2x1600000xi32, #tpu.memory_space<hbm>> -> memref<1x2560xi32, #tpu.memory_space<hbm>>
          %dma_start3A_159 = tpu.memref_squeeze %dma_start3A_158 : memref<1x2560xi32, #tpu.memory_space<hbm>> -> memref<2560xi32, #tpu.memory_space<hbm>>
          %dma_start3A_160 = tpu.memref_slice %arg2[%run_scoped3A_149, %mul3A_148] : memref<2x1600000xi32, #tpu.memory_space<hbm>> -> memref<1x2560xi32, #tpu.memory_space<hbm>>
          %dma_start3A_161 = tpu.memref_squeeze %dma_start3A_160 : memref<1x2560xi32, #tpu.memory_space<hbm>> -> memref<2560xi32, #tpu.memory_space<hbm>>
          tpu.enqueue_dma source(%dma_start3A_161 : memref<2560xi32, #tpu.memory_space<hbm>>) target(%arg13 : memref<2560xi32, #tpu.memory_space<vmem>>) target_semaphore(%run_scoped3A_157 : memref<!tpu.dma_semaphore, #tpu.memory_space<semaphore_mem>>)
          %dma_wait3A = tpu.memref_slice %arg2[%run_scoped3A_149, %mul3A_148] : memref<2x1600000xi32, #tpu.memory_space<hbm>> -> memref<1x2560xi32, #tpu.memory_space<hbm>>
          %dma_wait3A_162 = tpu.memref_squeeze %dma_wait3A : memref<1x2560xi32, #tpu.memory_space<hbm>> -> memref<2560xi32, #tpu.memory_space<hbm>>
          %dma_wait3A_163 = tpu.memref_slice %arg2[%run_scoped3A_149, %mul3A_148] : memref<2x1600000xi32, #tpu.memory_space<hbm>> -> memref<1x2560xi32, #tpu.memory_space<hbm>>
          %dma_wait3A_164 = tpu.memref_squeeze %dma_wait3A_163 : memref<1x2560xi32, #tpu.memory_space<hbm>> -> memref<2560xi32, #tpu.memory_space<hbm>>
          tpu.wait_dma2 semaphore(%run_scoped3A_157 : memref<!tpu.dma_semaphore, #tpu.memory_space<semaphore_mem>>) src(%dma_wait3A_164 : memref<2560xi32, #tpu.memory_space<hbm>>) dst(%arg13 : memref<2560xi32, #tpu.memory_space<vmem>>)
          tpu.yield
        }) : () -> ()
        %mul3A_150 = arith.constant 2560 : i32
        %mul3A_151 = arith.muli %add3A_135, %mul3A_150 : i32
        %run_scoped3A_152 = arith.constant 1 : i32
        "tpu.region"() ({
          %run_scoped3A_157 = tpu.sem_alloc : memref<!tpu.dma_semaphore, #tpu.memory_space<semaphore_mem>>
          %dma_start3A_158 = tpu.memref_slice %arg2[%run_scoped3A_152, %mul3A_151] : memref<2x1600000xi32, #tpu.memory_space<hbm>> -> memref<1x2560xi32, #tpu.memory_space<hbm>>
          %dma_start3A_159 = tpu.memref_squeeze %dma_start3A_158 : memref<1x2560xi32, #tpu.memory_space<hbm>> -> memref<2560xi32, #tpu.memory_space<hbm>>
          %dma_start3A_160 = tpu.memref_slice %arg2[%run_scoped3A_152, %mul3A_151] : memref<2x1600000xi32, #tpu.memory_space<hbm>> -> memref<1x2560xi32, #tpu.memory_space<hbm>>
          %dma_start3A_161 = tpu.memref_squeeze %dma_start3A_160 : memref<1x2560xi32, #tpu.memory_space<hbm>> -> memref<2560xi32, #tpu.memory_space<hbm>>
          tpu.enqueue_dma source(%dma_start3A_161 : memref<2560xi32, #tpu.memory_space<hbm>>) target(%arg14 : memref<2560xi32, #tpu.memory_space<vmem>>) target_semaphore(%run_scoped3A_157 : memref<!tpu.dma_semaphore, #tpu.memory_space<semaphore_mem>>)
          %dma_wait3A = tpu.memref_slice %arg2[%run_scoped3A_152, %mul3A_151] : memref<2x1600000xi32, #tpu.memory_space<hbm>> -> memref<1x2560xi32, #tpu.memory_space<hbm>>
          %dma_wait3A_162 = tpu.memref_squeeze %dma_wait3A : memref<1x2560xi32, #tpu.memory_space<hbm>> -> memref<2560xi32, #tpu.memory_space<hbm>>
          %dma_wait3A_163 = tpu.memref_slice %arg2[%run_scoped3A_152, %mul3A_151] : memref<2x1600000xi32, #tpu.memory_space<hbm>> -> memref<1x2560xi32, #tpu.memory_space<hbm>>
          %dma_wait3A_164 = tpu.memref_squeeze %dma_wait3A_163 : memref<1x2560xi32, #tpu.memory_space<hbm>> -> memref<2560xi32, #tpu.memory_space<hbm>>
          tpu.wait_dma2 semaphore(%run_scoped3A_157 : memref<!tpu.dma_semaphore, #tpu.memory_space<semaphore_mem>>) src(%dma_wait3A_164 : memref<2560xi32, #tpu.memory_space<hbm>>) dst(%arg14 : memref<2560xi32, #tpu.memory_space<vmem>>)
          tpu.yield
        }) : () -> ()
        %mul3A_153 = arith.constant 2560 : i32
        %mul3A_154 = arith.muli %add3A_135, %mul3A_153 : i32
        "tpu.region"() ({
          %run_scoped3A_157 = tpu.sem_alloc : memref<!tpu.dma_semaphore, #tpu.memory_space<semaphore_mem>>
          %dma_start3A_158 = tpu.memref_slice %arg3[%mul3A_154] : memref<1600000xf32, #tpu.memory_space<hbm>> -> memref<2560xf32, #tpu.memory_space<hbm>>
          %dma_start3A_159 = tpu.memref_slice %arg3[%mul3A_154] : memref<1600000xf32, #tpu.memory_space<hbm>> -> memref<2560xf32, #tpu.memory_space<hbm>>
          tpu.enqueue_dma source(%dma_start3A_159 : memref<2560xf32, #tpu.memory_space<hbm>>) target(%arg15 : memref<2560xf32, #tpu.memory_space<vmem>>) target_semaphore(%run_scoped3A_157 : memref<!tpu.dma_semaphore, #tpu.memory_space<semaphore_mem>>)
          %dma_wait3A = tpu.memref_slice %arg3[%mul3A_154] : memref<1600000xf32, #tpu.memory_space<hbm>> -> memref<2560xf32, #tpu.memory_space<hbm>>
          %dma_wait3A_160 = tpu.memref_slice %arg3[%mul3A_154] : memref<1600000xf32, #tpu.memory_space<hbm>> -> memref<2560xf32, #tpu.memory_space<hbm>>
          tpu.wait_dma2 semaphore(%run_scoped3A_157 : memref<!tpu.dma_semaphore, #tpu.memory_space<semaphore_mem>>) src(%dma_wait3A_160 : memref<2560xf32, #tpu.memory_space<hbm>>) dst(%arg15 : memref<2560xf32, #tpu.memory_space<vmem>>)
          tpu.yield
        }) : () -> ()
        %dma_start3A_155 = arith.constant 0 : i32
        %dma_start3A_156 = tpu.memref_slice %arg27[%dma_start3A_155] : memref<102400xf32, #tpu.memory_space<vmem_shared>> -> memref<102400xf32, #tpu.memory_space<vmem_shared>>
        tpu.enqueue_indirect_dma source(%dma_start3A_156 : memref<102400xf32, #tpu.memory_space<vmem_shared>>) target(%arg16 : memref<2560xf32, #tpu.memory_space<vmem>>) offsets(%arg13 : memref<2560xi32, #tpu.memory_space<vmem>>) semaphore(%arg25 : memref<!tpu.dma_semaphore, #tpu.memory_space<semaphore_mem>>)
      } else {
      }
      %lt3A_141 = arith.constant 625 : i32
      %lt3A_142 = arith.cmpi slt, %add3A_133, %lt3A_141 : i32
      %convert_element_type3A_143 = arith.extui %lt3A_142 : i1 to i32
      %cond3A_144 = arith.constant 0 : i32
      %cond3A_145 = arith.cmpi ne, %convert_element_type3A_143, %cond3A_144 : i32
      scf.if %cond3A_145 {
        %dma_wait3A = arith.constant 0 : i32
        %dma_wait3A_147 = tpu.memref_slice %arg27[%dma_wait3A] : memref<102400xf32, #tpu.memory_space<vmem_shared>> -> memref<102400xf32, #tpu.memory_space<vmem_shared>>
        tpu.wait_indirect_dma semaphore(%arg26 : memref<!tpu.dma_semaphore, #tpu.memory_space<semaphore_mem>>) src(%dma_wait3A_147 : memref<102400xf32, #tpu.memory_space<vmem_shared>>) dst(%arg22 : memref<2560xf32, #tpu.memory_space<vmem>>)
        %scan3A_148 = arith.constant 0 : i32
        %scan3A_149 = arith.constant 0 : i32
        %scan3A_150 = arith.constant 160 : i32
        %scan3A_151 = arith.addi %scan3A_149, %scan3A_150 : i32
        %scan3A_152 = arith.constant 1 : i32
        %scan3A_153 = scf.for %scan3A_163 = %scan3A_149 to %scan3A_151 step %scan3A_152 iter_args(%scan3A_164 = %scan3A_148) -> (i32)  : i32 {
          %mul3A_165 = arith.constant 16 : i32
          %mul3A_166 = arith.muli %scan3A_163, %mul3A_165 : i32
          %get3A = arith.index_cast %mul3A_166 : i32 to index
          %get3A_167 = tpu.vector_load %arg21[%get3A] {strides = array<i32>} : memref<2560xf32, #tpu.memory_space<vmem>>, vector<16xf32>,
          %get3A_168 = arith.index_cast %mul3A_166 : i32 to index
          %get3A_169 = tpu.vector_load %arg22[%get3A_168] {strides = array<i32>} : memref<2560xf32, #tpu.memory_space<vmem>>, vector<16xf32>,
          %lt3A_170 = arith.constant 0.000000e+00 : f32
          %lt3A_171 = vector.broadcast %lt3A_170 : f32 to vector<16xf32>
          %lt3A_172 = arith.cmpf olt, %get3A_167, %lt3A_171 : vector<16xf32>
          %abs3A = math.absf %get3A_167 : vector<16xf32>
          %mul3A_173 = arith.mulf %abs3A, %get3A_169 : vector<16xf32>
          %swap3A = arith.index_cast %mul3A_166 : i32 to index
          %swap3A_174 = tpu.vector_load %arg23[%swap3A] {strides = array<i32>} : memref<2560xf32, #tpu.memory_space<vmem>>, vector<16xf32>,
          tpu.vector_store %arg23[%swap3A], %mul3A_173 {strides = array<i32>} : memref<2560xf32, #tpu.memory_space<vmem>>, vector<16xf32>,
          %jit3A = arith.constant 0.000000e+00 : f32
          %broadcast_in_dim3A = vector.broadcast %jit3A : f32 to vector<16xf32>
          %select_n3A = arith.select %lt3A_172, %broadcast_in_dim3A, %mul3A_173 : vector<16xi1>, vector<16xf32>
          %swap3A_175 = arith.index_cast %mul3A_166 : i32 to index
          %swap3A_176 = tpu.vector_load %arg24[%swap3A_175] {strides = array<i32>} : memref<2560xf32, #tpu.memory_space<vmem>>, vector<16xf32>,
          tpu.vector_store %arg24[%swap3A_175], %select_n3A {strides = array<i32>} : memref<2560xf32, #tpu.memory_space<vmem>>, vector<16xf32>,
          %scan3A_177 = arith.constant 0 : i32
          scf.yield %scan3A_177 : i32
        }
        %scan3A_154 = arith.constant 160 : i32
        %dma_start3A_155 = arith.constant 0 : i32
        %dma_start3A_156 = tpu.memref_slice %arg28[%dma_start3A_155] : memref<102400xf32, #tpu.memory_space<vmem_shared>> -> memref<102400xf32, #tpu.memory_space<vmem_shared>>
        tpu.enqueue_indirect_dma source(%arg23 : memref<2560xf32, #tpu.memory_space<vmem>>) target(%dma_start3A_156 : memref<102400xf32, #tpu.memory_space<vmem_shared>>) offsets(%arg20 : memref<2560xi32, #tpu.memory_space<vmem>>) semaphore(%arg26 : memref<!tpu.dma_semaphore, #tpu.memory_space<semaphore_mem>>) {add = true}
        %dma_start3A_157 = arith.constant 0 : i32
        %dma_start3A_158 = tpu.memref_slice %arg29[%dma_start3A_157] : memref<102400xf32, #tpu.memory_space<vmem_shared>> -> memref<102400xf32, #tpu.memory_space<vmem_shared>>
        tpu.enqueue_indirect_dma source(%arg24 : memref<2560xf32, #tpu.memory_space<vmem>>) target(%dma_start3A_158 : memref<102400xf32, #tpu.memory_space<vmem_shared>>) offsets(%arg20 : memref<2560xi32, #tpu.memory_space<vmem>>) semaphore(%arg26 : memref<!tpu.dma_semaphore, #tpu.memory_space<semaphore_mem>>) {add = true}
        %dma_wait3A_159 = arith.constant 0 : i32
        %dma_wait3A_160 = tpu.memref_slice %arg28[%dma_wait3A_159] : memref<102400xf32, #tpu.memory_space<vmem_shared>> -> memref<102400xf32, #tpu.memory_space<vmem_shared>>
        tpu.wait_indirect_dma semaphore(%arg26 : memref<!tpu.dma_semaphore, #tpu.memory_space<semaphore_mem>>) src(%arg23 : memref<2560xf32, #tpu.memory_space<vmem>>) dst(%dma_wait3A_160 : memref<102400xf32, #tpu.memory_space<vmem_shared>>)
        %dma_wait3A_161 = arith.constant 0 : i32
        %dma_wait3A_162 = tpu.memref_slice %arg29[%dma_wait3A_161] : memref<102400xf32, #tpu.memory_space<vmem_shared>> -> memref<102400xf32, #tpu.memory_space<vmem_shared>>
        tpu.wait_indirect_dma semaphore(%arg26 : memref<!tpu.dma_semaphore, #tpu.memory_space<semaphore_mem>>) src(%arg24 : memref<2560xf32, #tpu.memory_space<vmem>>) dst(%dma_wait3A_162 : memref<102400xf32, #tpu.memory_space<vmem_shared>>)
      } else {
      }
      %scan3A_146 = arith.constant 0 : i32
      scf.yield %scan3A_146 : i32
    }
    %scan3A_107 = arith.constant 10 : i32
    %barrier3A_108 = arith.constant 0 : index
    tpu.barrier barrier_id(%barrier3A_108)
    "tpu.region"() ({
      %run_scoped3A_109 = tpu.sem_alloc : memref<!tpu.dma_semaphore, #tpu.memory_space<semaphore_mem>>
      %dma_start3A_110 = tpu.memref_slice %arg6[%arg0, %mul3A_2] : memref<2x102400xf32, #tpu.memory_space<hbm>> -> memref<1x6400xf32, #tpu.memory_space<hbm>>
      %dma_start3A_111 = tpu.memref_squeeze %dma_start3A_110 : memref<1x6400xf32, #tpu.memory_space<hbm>> -> memref<6400xf32, #tpu.memory_space<hbm>>
      %dma_start3A_112 = tpu.memref_slice %arg28[%mul3A_2] : memref<102400xf32, #tpu.memory_space<vmem_shared>> -> memref<6400xf32, #tpu.memory_space<vmem_shared>>
      tpu.enqueue_dma source(%dma_start3A_112 : memref<6400xf32, #tpu.memory_space<vmem_shared>>) target(%dma_start3A_111 : memref<6400xf32, #tpu.memory_space<hbm>>) target_semaphore(%run_scoped3A_109 : memref<!tpu.dma_semaphore, #tpu.memory_space<semaphore_mem>>)
      %dma_wait3A = tpu.memref_slice %arg6[%arg0, %mul3A_2] : memref<2x102400xf32, #tpu.memory_space<hbm>> -> memref<1x6400xf32, #tpu.memory_space<hbm>>
      %dma_wait3A_113 = tpu.memref_squeeze %dma_wait3A : memref<1x6400xf32, #tpu.memory_space<hbm>> -> memref<6400xf32, #tpu.memory_space<hbm>>
      %dma_wait3A_114 = tpu.memref_slice %arg28[%mul3A_2] : memref<102400xf32, #tpu.memory_space<vmem_shared>> -> memref<6400xf32, #tpu.memory_space<vmem_shared>>
      tpu.wait_dma2 semaphore(%run_scoped3A_109 : memref<!tpu.dma_semaphore, #tpu.memory_space<semaphore_mem>>) src(%dma_wait3A_114 : memref<6400xf32, #tpu.memory_space<vmem_shared>>) dst(%dma_wait3A_113 : memref<6400xf32, #tpu.memory_space<hbm>>)
      tpu.yield
    }) : () -> ()
    "tpu.region"() ({
      %run_scoped3A_109 = tpu.sem_alloc : memref<!tpu.dma_semaphore, #tpu.memory_space<semaphore_mem>>
      %dma_start3A_110 = tpu.memref_slice %arg7[%arg0, %mul3A_2] : memref<2x102400xf32, #tpu.memory_space<hbm>> -> memref<1x6400xf32, #tpu.memory_space<hbm>>
      %dma_start3A_111 = tpu.memref_squeeze %dma_start3A_110 : memref<1x6400xf32, #tpu.memory_space<hbm>> -> memref<6400xf32, #tpu.memory_space<hbm>>
      %dma_start3A_112 = tpu.memref_slice %arg29[%mul3A_2] : memref<102400xf32, #tpu.memory_space<vmem_shared>> -> memref<6400xf32, #tpu.memory_space<vmem_shared>>
      tpu.enqueue_dma source(%dma_start3A_112 : memref<6400xf32, #tpu.memory_space<vmem_shared>>) target(%dma_start3A_111 : memref<6400xf32, #tpu.memory_space<hbm>>) target_semaphore(%run_scoped3A_109 : memref<!tpu.dma_semaphore, #tpu.memory_space<semaphore_mem>>)
      %dma_wait3A = tpu.memref_slice %arg7[%arg0, %mul3A_2] : memref<2x102400xf32, #tpu.memory_space<hbm>> -> memref<1x6400xf32, #tpu.memory_space<hbm>>
      %dma_wait3A_113 = tpu.memref_squeeze %dma_wait3A : memref<1x6400xf32, #tpu.memory_space<hbm>> -> memref<6400xf32, #tpu.memory_space<hbm>>
      %dma_wait3A_114 = tpu.memref_slice %arg29[%mul3A_2] : memref<102400xf32, #tpu.memory_space<vmem_shared>> -> memref<6400xf32, #tpu.memory_space<vmem_shared>>
      tpu.wait_dma2 semaphore(%run_scoped3A_109 : memref<!tpu.dma_semaphore, #tpu.memory_space<semaphore_mem>>) src(%dma_wait3A_114 : memref<6400xf32, #tpu.memory_space<vmem_shared>>) dst(%dma_wait3A_113 : memref<6400xf32, #tpu.memory_space<hbm>>)
      tpu.yield
    }) : () -> ()
    return
  }
}

module attributes {stable_mosaic.version = 14 : i64} {
  func.func @_tables_body(%arg0: memref<1000x32xf32, #tpu.memory_space<vmem>>, %arg1: memref<33x1xf32, #tpu.memory_space<vmem>>, %arg2: memref<1xf32, #tpu.memory_space<vmem>>, %arg3: memref<64x32xf32, #tpu.memory_space<vmem>>, %arg4: memref<32xf32, #tpu.memory_space<vmem>>, %arg5: memref<35x8xf32, #tpu.memory_space<vmem>>, %arg6: memref<8xf32, #tpu.memory_space<vmem>>, %arg7: memref<1000x8xf32, #tpu.memory_space<vmem>>, %arg8: memref<1000x8xf32, #tpu.memory_space<vmem>>, %arg9: memref<1000x1xf32, #tpu.memory_space<vmem>>) attributes {dimension_semantics = [], scalar_prefetch = 0 : i64, scratch_operands = 0 : i64, tpu.core_type = #tpu.core_type<tc>} {
    %get3A = arith.constant 0 : index
    %get3A_0 = arith.constant 0 : index
    %get3A_1 = vector.load %arg0[%get3A, %get3A_0] : memref<1000x32xf32, #tpu.memory_space<vmem>>, vector<1000x32xf32>
    %get3A_2 = arith.constant 0 : index
    %get3A_3 = arith.constant 0 : index
    %get3A_4 = vector.load %arg5[%get3A_2, %get3A_3] : memref<35x8xf32, #tpu.memory_space<vmem>>, vector<35x8xf32>
    %slice3A = vector.extract_strided_slice %get3A_4 {offsets = [0, 0], sizes = [32, 8], strides = [1, 1]} : vector<35x8xf32> to vector<32x8xf32>
    %get3A_5 = arith.constant 0 : index
    %get3A_6 = arith.constant 0 : index
    %get3A_7 = vector.load %arg3[%get3A_5, %get3A_6] : memref<64x32xf32, #tpu.memory_space<vmem>>, vector<64x32xf32>
    %slice3A_8 = vector.extract_strided_slice %get3A_7 {offsets = [0, 0], sizes = [32, 32], strides = [1, 1]} : vector<64x32xf32> to vector<32x32xf32>
    %dot_general3A = arith.constant dense<0.000000e+00> : vector<32x8xf32>
    %dot_general3A_9 = tpu.matmul %slice3A_8, %slice3A, %dot_general3A {dimension_numbers = #tpu.dot_dimension_numbers<[1], [0], [0], [1], [0, 0, 1, 1], [], []>, transpose_lhs_hint = false} : vector<32x32xf32>, vector<32x8xf32>, vector<32x8xf32> -> vector<32x8xf32>
    %get3A_10 = arith.constant 0 : index
    %get3A_11 = arith.constant 0 : index
    %get3A_12 = vector.load %arg3[%get3A_10, %get3A_11] : memref<64x32xf32, #tpu.memory_space<vmem>>, vector<64x32xf32>
    %slice3A_13 = vector.extract_strided_slice %get3A_12 {offsets = [32, 0], sizes = [32, 32], strides = [1, 1]} : vector<64x32xf32> to vector<32x32xf32>
    %dot_general3A_14 = arith.constant dense<0.000000e+00> : vector<32x8xf32>
    %dot_general3A_15 = tpu.matmul %slice3A_13, %slice3A, %dot_general3A_14 {dimension_numbers = #tpu.dot_dimension_numbers<[1], [0], [0], [1], [0, 0, 1, 1], [], []>, transpose_lhs_hint = false} : vector<32x32xf32>, vector<32x8xf32>, vector<32x8xf32> -> vector<32x8xf32>
    %get3A_16 = arith.constant 0 : index
    %get3A_17 = vector.load %arg4[%get3A_16] : memref<32xf32, #tpu.memory_space<vmem>>, vector<32xf32>
    %reshape3A = vector.shape_cast %get3A_17 : vector<32xf32> to vector<1x32xf32>
    %dot_general3A_18 = arith.constant dense<0.000000e+00> : vector<1x8xf32>
    %dot_general3A_19 = tpu.matmul %reshape3A, %slice3A, %dot_general3A_18 {dimension_numbers = #tpu.dot_dimension_numbers<[1], [0], [0], [1], [0, 0, 1, 1], [], []>, transpose_lhs_hint = false} : vector<1x32xf32>, vector<32x8xf32>, vector<1x8xf32> -> vector<1x8xf32>
    %get3A_20 = arith.constant 0 : index
    %get3A_21 = vector.load %arg6[%get3A_20] : memref<8xf32, #tpu.memory_space<vmem>>, vector<8xf32>
    %reshape3A_22 = vector.shape_cast %get3A_21 : vector<8xf32> to vector<1x8xf32>
    %add3A = arith.addf %dot_general3A_19, %reshape3A_22 : vector<1x8xf32>
    %dot_general3A_23 = arith.constant dense<0.000000e+00> : vector<1000x8xf32>
    %dot_general3A_24 = tpu.matmul %get3A_1, %dot_general3A_9, %dot_general3A_23 {dimension_numbers = #tpu.dot_dimension_numbers<[1], [0], [0], [1], [0, 0, 1, 1], [], []>, transpose_lhs_hint = false} : vector<1000x32xf32>, vector<32x8xf32>, vector<1000x8xf32> -> vector<1000x8xf32>
    %add3A_25 = vector.broadcast %add3A : vector<1x8xf32> to vector<1000x8xf32>
    %add3A_26 = arith.addf %dot_general3A_24, %add3A_25 : vector<1000x8xf32>
    %swap3A = arith.constant 0 : index
    %swap3A_27 = arith.constant 0 : index
    %swap3A_28 = vector.load %arg7[%swap3A, %swap3A_27] : memref<1000x8xf32, #tpu.memory_space<vmem>>, vector<1000x8xf32>
    tpu.vector_store %arg7[%swap3A, %swap3A_27], %add3A_26 {strides = array<i32>} : memref<1000x8xf32, #tpu.memory_space<vmem>>, vector<1000x8xf32>,
    %dot_general3A_29 = arith.constant dense<0.000000e+00> : vector<1000x8xf32>
    %dot_general3A_30 = tpu.matmul %get3A_1, %dot_general3A_15, %dot_general3A_29 {dimension_numbers = #tpu.dot_dimension_numbers<[1], [0], [0], [1], [0, 0, 1, 1], [], []>, transpose_lhs_hint = false} : vector<1000x32xf32>, vector<32x8xf32>, vector<1000x8xf32> -> vector<1000x8xf32>
    %swap3A_31 = arith.constant 0 : index
    %swap3A_32 = arith.constant 0 : index
    %swap3A_33 = vector.load %arg8[%swap3A_31, %swap3A_32] : memref<1000x8xf32, #tpu.memory_space<vmem>>, vector<1000x8xf32>
    tpu.vector_store %arg8[%swap3A_31, %swap3A_32], %dot_general3A_30 {strides = array<i32>} : memref<1000x8xf32, #tpu.memory_space<vmem>>, vector<1000x8xf32>,
    %get3A_34 = arith.constant 0 : index
    %get3A_35 = arith.constant 0 : index
    %get3A_36 = vector.load %arg1[%get3A_34, %get3A_35] : memref<33x1xf32, #tpu.memory_space<vmem>>, vector<33x1xf32>
    %slice3A_37 = vector.extract_strided_slice %get3A_36 {offsets = [0, 0], sizes = [32, 1], strides = [1, 1]} : vector<33x1xf32> to vector<32x1xf32>
    %dot_general3A_38 = arith.constant dense<0.000000e+00> : vector<1000x1xf32>
    %dot_general3A_39 = tpu.matmul %get3A_1, %slice3A_37, %dot_general3A_38 {dimension_numbers = #tpu.dot_dimension_numbers<[1], [0], [0], [1], [0, 0, 1, 1], [], []>, transpose_lhs_hint = false} : vector<1000x32xf32>, vector<32x1xf32>, vector<1000x1xf32> -> vector<1000x1xf32>
    %get3A_40 = arith.constant 0 : index
    %get3A_41 = vector.load %arg2[%get3A_40] : memref<1xf32, #tpu.memory_space<vmem>>, vector<1xf32>
    %broadcast_in_dim3A = vector.shape_cast %get3A_41 : vector<1xf32> to vector<1x1xf32>
    %add3A_42 = vector.broadcast %broadcast_in_dim3A : vector<1x1xf32> to vector<1000x1xf32>
    %add3A_43 = arith.addf %dot_general3A_39, %add3A_42 : vector<1000x1xf32>
    %swap3A_44 = arith.constant 0 : index
    %swap3A_45 = arith.constant 0 : index
    %swap3A_46 = vector.load %arg9[%swap3A_44, %swap3A_45] : memref<1000x1xf32, #tpu.memory_space<vmem>>, vector<1000x1xf32>
    tpu.vector_store %arg9[%swap3A_44, %swap3A_45], %add3A_43 {strides = array<i32>} : memref<1000x1xf32, #tpu.memory_space<vmem>>, vector<1000x1xf32>,
    return
  }
}

module attributes {stable_mosaic.version = 14 : i64} {
  func.func @_combine_body(%arg0: i32, %arg1: memref<2x2048xf32, #tpu.memory_space<vmem>>, %arg2: memref<2x2048xf32, #tpu.memory_space<vmem>>, %arg3: memref<2048xf32, #tpu.memory_space<vmem>>, %arg4: memref<2048xf32, #tpu.memory_space<vmem>>) attributes {dimension_semantics = [#tpu.dimension_semantics<arbitrary>], iteration_bounds = array<i64: 50>, scalar_prefetch = 0 : i64, scratch_operands = 0 : i64, tpu.core_type = #tpu.core_type<tc>, window_params = [{transform_indices = @transform_0, window_bounds = array<i64: 2, 2048>}, {transform_indices = @transform_1, window_bounds = array<i64: 2, 2048>}, {transform_indices = @transform_2, window_bounds = array<i64: 2048>}, {transform_indices = @transform_3, window_bounds = array<i64: 2048>}]} {
    %get3A = arith.constant 0 : index
    %get3A_0 = arith.constant 0 : index
    %get3A_1 = vector.load %arg1[%get3A, %get3A_0] : memref<2x2048xf32, #tpu.memory_space<vmem>>, vector<2x2048xf32>
    %reduce_sum3A = arith.constant dense<0.000000e+00> : vector<2048xf32>
    %reduce_sum3A_2 = vector.multi_reduction <add>, %get3A_1, %reduce_sum3A [0] : vector<2x2048xf32> to vector<2048xf32>
    %swap3A = arith.constant 0 : index
    %swap3A_3 = vector.load %arg3[%swap3A] : memref<2048xf32, #tpu.memory_space<vmem>>, vector<2048xf32>
    tpu.vector_store %arg3[%swap3A], %reduce_sum3A_2 {strides = array<i32>} : memref<2048xf32, #tpu.memory_space<vmem>>, vector<2048xf32>,
    %get3A_4 = arith.constant 0 : index
    %get3A_5 = arith.constant 0 : index
    %get3A_6 = vector.load %arg2[%get3A_4, %get3A_5] : memref<2x2048xf32, #tpu.memory_space<vmem>>, vector<2x2048xf32>
    %reduce_sum3A_7 = arith.constant dense<0.000000e+00> : vector<2048xf32>
    %reduce_sum3A_8 = vector.multi_reduction <add>, %get3A_6, %reduce_sum3A_7 [0] : vector<2x2048xf32> to vector<2048xf32>
    %swap3A_9 = arith.constant 0 : index
    %swap3A_10 = vector.load %arg4[%swap3A_9] : memref<2048xf32, #tpu.memory_space<vmem>>, vector<2048xf32>
    tpu.vector_store %arg4[%swap3A_9], %reduce_sum3A_8 {strides = array<i32>} : memref<2048xf32, #tpu.memory_space<vmem>>, vector<2048xf32>,
    return
  }
  func.func @transform_0(%arg0: i32) -> (i32, i32) {
    %c0_i32 = arith.constant 0 : i32
    %c0_i32_0 = arith.constant 0 : i32
    return %c0_i32, %arg0 : i32, i32
  }
  func.func @transform_1(%arg0: i32) -> (i32, i32) {
    %c0_i32 = arith.constant 0 : i32
    %c0_i32_0 = arith.constant 0 : i32
    return %c0_i32, %arg0 : i32, i32
  }
  func.func @transform_2(%arg0: i32) -> i32 {
    %c0_i32 = arith.constant 0 : i32
    return %arg0 : i32
  }
  func.func @transform_3(%arg0: i32) -> i32 {
    %c0_i32 = arith.constant 0 : i32
    return %arg0 : i32
  }
}

</mosaic_0001>

<sc_bundles>
// kernel: kernel.10.cloned.1.call-start
scs
__scs_entry_jumppad:
0x0: {  	(pc) =	sbr.rel $0x88, $3  }
0x1: {  	(tag) =	ssettag $0x0;
	lr =	simm.s32 $0x1  }
0x2: {  	[smem:$0x3F93] =	sst lr;
	_ =	strace $0xD0000000  }
0x3: {  	_ = 	snop  }
0x4: {  	_ = 	snop  }
0x5: {  	_ = 	snop  }
0x6: {  	_ = 	snop  }
0x7: {  	_ = 	snop  }
__scs_overlays_trampoline_lowered:
0x8: {  	[smem:$0x3FA2] =	sst s0  }
0x9: {  	[smem:$0x3FA3] =	sst s1  }
0xa: {  	[smem:$0x3FA4] =	sst s2  }
0xb: {  	[smem:$0x3FA5] =	sst s3  }
0xc: {  	[smem:$0x3FA6] =	sst s4  }
0xd: {  	[smem:$0x3FA7] =	sst s5  }
0xe: {  	[smem:$0x3FA8] =	sst s6  }
0xf: {  	[smem:$0x3FA9] =	sst s7  }
0x10: {  	[smem:$0x3FAA] =	sst s8  }
0x11: {  	[smem:$0x3FAB] =	sst s9;
	s0 =	simm.s32 @!p0 $0x0  }
0x12: {  	s1 =	sld [smem:$0x3F91];
	s0 =	simm.s32 @p0 $0x1  }
0x13: {  	[smem:$0x3FAC] =	sst s0;
	s0 =	simm.s32 @!p1 $0x0  }
0x14: {  	s2 =	sld [smem:$0x3F90];
	s0 =	simm.s32 @p1 $0x1  }
0x15: {  	[smem:$0x3FAD] =	sst s0;
	s0 =	simm.s32 @!p2 $0x0  }
0x16: {  	s3 =	sld [smem:$0x3FDB];
	s0 =	simm.s32 @p2 $0x1  }
0x17: {  	s4 =	simm.s32 $0x1BF5;
	[smem:$0x3FAF] =	sst s0  }
0x18: {  	s0 =	sld [smem:$0x3F92];
	_ =	swait.ge [sflag:s4], $0x0  }
0x19: {  	s7 =	sld [smem:$0x3F93]  }
0x1a: {  	s8 =	sadd.s32 $0xFFFFE003, lr  }
0x1b: {  	s9 =	sadd.s32 $0xFFFFFEF7, lr;
	s5 =	simm.s32 $0xFFFFFFFF;
	p2 =	slt.u32 s8, $0xFFFFF086  }
0x1c: {  	p1 =	slt.u32 s9, $0xF7A;
	s5 =	simm.s32 @!p2 $0x0  }
0x1d: {  	s5 =	simm.s32 @p1 $0x1;
	p0 =	seq.s32 s7, s2  }
0x1e: {  	s7 =	smul.u32 @!p0 $0xF7A, s2;
	p2 =	seq.s32 @!p0 s5, $0x0  }
0x1f: {  	s9 =	smul.u32 $0xF7A, s1;
	s8 =	simm.s32 @!p0 $0x1BF5;
	p2 =	por !p2, p0  }
0x20: {  	[sflag:s8] =	ssyncset.s32 @!p0 $0xFFFFF086;
	s6 =	sadd.s32 @!p0 s3, s7;
	s7 =	simm.s32 @!p0 $0x108  }
0x21: {  	s3 =	sadd.s32 s3, s9;
	s6 =	sadd.s32 @!p0 $0x88, s6;
	s7 =	simm.s32 @p2 $0x1082  }
0x22: {  	[simem:s7], [sflag:s8] =	dma.local @!p0 [hbm:s6], $0xF7A  }
0x23: {  	s9 =	sor.u32 $0xD0000000, s2;
	s6 =	simm.s32 $0x108;
	_ =	swait.ge @!p0 [sflag:s8], $0x0  }
0x24: {  	s3 =	sadd.s32 $0x88, s3;
	s6 =	simm.s32 @!p1 $0x1082;
	[sflag:s4] =	ssyncset.s32 $0xFFFFF086  }
0x25: {  	[simem:s6], [sflag:s4] =	dma.local [hbm:s3], $0xF7A  }
0x26: {  	[smem:$0x3F93] =	sst s1;
	(tag) =	ssettag s2;
	_ =	strace s9  }
0x27: {  	s1 =	sld [smem:$0x3FA3]  }
0x28: {  	s2 =	sld [smem:$0x3FA4]  }
0x29: {  	s4 =	sld [smem:$0x3FA6]  }
0x2a: {  	p0 =	seq.s32 s5, $0x0;
	s5 =	sld [smem:$0x3FA7]  }
0x2b: {  	s6 =	sld [smem:$0x3FA8]  }
0x2c: {  	s7 =	sld [smem:$0x3FA9]  }
0x2d: {  	s3 =	simm.s32 $0x108;
	s8 =	sld [smem:$0x3FAA]  }
0x2e: {  	s3 =	simm.s32 @!p0 $0x1082;
	s9 =	sld [smem:$0x3FAB]  }
0x2f: {  	lr =	sadd.s32 s0, s3;
	s0 =	sld [smem:$0x3FA2]  }
0x30: {  	s3 =	sld [smem:$0x3FA5]  }
0x31: {  	[smem:$0x3FAE] =	sst s10  }
0x32: {  	s10 =	sld [smem:$0x3FAC];
	_ =	sdelay $0x3  }
0x33: {  	p0 =	seq.s32 s10, $0x1;
	s10 =	sld [smem:$0x3FAE];
	_ =	sdelay $0x3  }
0x34: {  	[smem:$0x3FAE] =	sst s10  }
0x35: {  	s10 =	sld [smem:$0x3FAD];
	_ =	sdelay $0x3  }
0x36: {  	p1 =	seq.s32 s10, $0x1;
	s10 =	sld [smem:$0x3FAE];
	_ =	sdelay $0x3  }
0x37: {  	[smem:$0x3FAE] =	sst s10  }
0x38: {  	s10 =	sld [smem:$0x3FAF]  }
0x39: {  	_ = 	snop;
	(pc) =	sbr.ind lr, $3  }
0x3a: {  	_ = 	snop  }
0x3b: {  	_ = 	snop  }
0x3c: {  	p2 =	seq.s32 s10, $0x1;
	s10 =	sld [smem:$0x3FAE]  }
0x3d: {  	_ =	shalt  }
0x3e: {  	_ =	shalt  }
0x3f: {  	_ =	shalt  }
0x40: {  	_ =	shalt  }
0x41: {  	_ =	shalt  }
0x42: {  	_ =	shalt  }
0x43: {  	_ =	shalt  }
0x44: {  	_ =	shalt  }
0x45: {  	_ =	shalt  }
0x46: {  	_ =	shalt  }
0x47: {  	_ =	shalt  }
0x48: {  	_ =	shalt  }
0x49: {  	_ =	shalt  }
0x4a: {  	_ =	shalt  }
0x4b: {  	_ =	shalt  }
0x4c: {  	_ =	shalt  }
0x4d: {  	_ =	shalt  }
0x4e: {  	_ =	shalt  }
0x4f: {  	_ =	shalt  }
0x50: {  	_ =	shalt  }
0x51: {  	_ =	shalt  }
0x52: {  	_ =	shalt  }
0x53: {  	_ =	shalt  }
0x54: {  	_ =	shalt  }
0x55: {  	_ =	shalt  }
0x56: {  	_ =	shalt  }
0x57: {  	_ =	shalt  }
0x58: {  	_ =	shalt  }
0x59: {  	_ =	shalt  }
0x5a: {  	_ =	shalt  }
0x5b: {  	_ =	shalt  }
0x5c: {  	_ =	shalt  }
0x5d: {  	_ =	shalt  }
0x5e: {  	_ =	shalt  }
0x5f: {  	_ =	shalt  }
0x60: {  	_ =	shalt  }
0x61: {  	_ =	shalt  }
0x62: {  	_ =	shalt  }
0x63: {  	_ =	shalt  }
0x64: {  	_ =	shalt  }
0x65: {  	_ =	shalt  }
0x66: {  	_ =	shalt  }
0x67: {  	_ =	shalt  }
0x68: {  	_ =	shalt  }
0x69: {  	_ =	shalt  }
0x6a: {  	_ =	shalt  }
0x6b: {  	_ =	shalt  }
0x6c: {  	_ =	shalt  }
0x6d: {  	_ =	shalt  }
0x6e: {  	_ =	shalt  }
0x6f: {  	_ =	shalt  }
0x70: {  	_ =	shalt  }
0x71: {  	_ =	shalt  }
0x72: {  	_ =	shalt  }
0x73: {  	_ =	shalt  }
0x74: {  	_ =	shalt  }
0x75: {  	_ =	shalt  }
0x76: {  	_ =	shalt  }
0x77: {  	_ =	shalt  }
0x78: {  	_ =	shalt  }
0x79: {  	_ =	shalt  }
0x7a: {  	_ =	shalt  }
0x7b: {  	_ =	shalt  }
0x7c: {  	_ =	shalt  }
0x7d: {  	_ =	shalt  }
0x7e: {  	_ =	shalt  }
0x7f: {  	_ =	shalt  }
0x80: {  	_ =	shalt  }
0x81: {  	_ =	shalt  }
0x82: {  	_ =	shalt  }
0x83: {  	_ =	shalt  }
0x84: {  	_ =	shalt  }
0x85: {  	_ =	shalt  }
0x86: {  	_ =	shalt  }
0x87: {  	_ =	shalt  }
.Lfunc_end0:
.L_simem_size_0:
called_computation.1_lowered:
.L_overlay_start_0:
0x88: {  	s2 =	sld [smem:$0x3FD9]  }
0x89: {  	s3 =	sld [smem:$0x3FFE];
	_ =	sdelay $0x1  }
0x8a: {  	s1 =	srdreg.scid  }
0x8b: {  	s0 =	sand.u32 $0x1, s1  }
0x8c: {  	s16 =	sshll.u32 s0, $0xA;
	s2 =	sadd.s32 s3, s2  }
0x8d: {  	s2 =	sadd.s32 s2, s16  }
0x8e: {  	[smem:$0x3FBA] =	sst s2  }
0x8f: {  	_ = 	snop  }
0x90: {  	(tm) =	ssettm $0x1  }
0x91: {  	s17 =	sld [smem:$0x3FFB];
	_ =	sdelay $0x3  }
0x92: {  	_ =	strace s17  }
0x93: {  	s2 =	sld [smem:$0x3FFC];
	_ =	sdelay $0x3  }
0x94: {  	_ =	strace s2  }
0x95: {  	s2 =	sld [smem:$0x3FFD];
	_ =	sdelay $0x3  }
0x96: {  	_ =	strace s2  }
0x97: {  	_ =	strace $0x8FFFFFFF  }
0x98: {  	s18 =	sld [smem:$0x3FDB];
	_ =	sdelay $0x1  }
0x99: {  	s19 =	simm.s32 $_scs_section_size  }
0x9a: {  	s4 =	simm.s32 $_size__tile_overlayer_lowered;
	s5 =	simm.s32 $_tile_overlayer_lowered  }
0x9b: {  	s22 =	simm.s32 $0x1BFF;
	s21 =	sshll.u32 s5, $0x1;
	s2 =	sadd.s32 s19, s18  }
0x9c: {  	s6 =	simm.s32 $0x0;
	s20 =	sshll.u32 s4, $0x1;
	s4 =	sadd.s32 s21, s2  }
0x9d: {  	[timem:s6], [sflag:s22] =	dma.local [hbm:s4], s20  }
0x9e: {  	_ =	swait.ge [sflag:s22], s20  }
0x9f: {  	s3 =	ssub.s32 $0x0, s20;
	[sflag:s22] =	ssyncset.done $0x0  }
0xa0: {  	[sflag:s22] =	ssyncadd.s32 s3;
	_ =	sdelay $0x1  }
0xa1: {  	s23 =	simm.s32 $0x1B8B  }
0xa2: {  	_ =	swait.ge [sflag:s23], $0x1  }
0xa3: {  	[sflag:s23] =	ssyncset.done $0x0  }
0xa4: {  	s25 =	simm.s32 $0x1B8E;
	s24 =	sld [smem:$0x3FFE];
	[sflag:s23] =	ssyncadd.s32 $0xFFFFFFFF  }
0xa5: {  	s26 =	simm.s32 $execute0_lowered;
	[smem:$0x3FD2] =	sst s25  }
0xa6: {  	s4 =	sshll.u32 s26, $0x1;
	_ =	strace $0x80000049;
	[dreg:$0x1] =	wrdreg $0xFFFFFFFF  }
0xa7: {  	s28 =	simm.s32 $_size_execute0_lowered;
	s2 =	sadd.s32 s2, s4;
	[dreg:$0x0] =	wrdreg $0x0  }
0xa8: {  	s4 =	sshll.u32 s28, $0x1;
	[dreg:$0x2] =	wrdreg s2  }
0xa9: {  	[dreg:$0x3] =	wrdreg s4  }
0xaa: {  	[dreg:$0x4] =	wrdreg $0xC0  }
0xab: {  	_ =	task [dreg:s6], $0x5FFFF  }
0xac: {  	[dreg:$0x1] =	wrdreg $0xFFFFFFFF  }
0xad: {  	[dreg:$0x0] =	wrdreg $0x60  }
0xae: {  	[dreg:$0x2] =	wrdreg s24  }
0xaf: {  	[dreg:$0x3] =	wrdreg $0xFB000  }
0xb0: {  	[dreg:$0x4] =	wrdreg $0x114000  }
0xb1: {  	[dreg:$0x5] =	wrdreg $0x12D000  }
0xb2: {  	[dreg:$0x6] =	wrdreg $0x146000  }
0xb3: {  	[dreg:$0x7] =	wrdreg $0x9  }
0xb4: {  	_ =	task.clear_ibuf [dreg:s6], $0x8FFFF;
	_ =	strace $0x90000049  }
0xb5: {  	s29 =	simm.s32 $0x9;
	_ =	strace $0x8000004B  }
0xb6: {  	_ =	swait.ge [sflag:s29], $0x1  }
0xb7: {  	[sflag:s29] =	ssyncadd.s32 $0xFFFFFFFF  }
0xb8: {  	_ =	strace $0x9000004B  }
0xb9: {  	_ =	sfence  }
0xba: {  	s30 =	sld [smem:$0x0];
	_ =	sdelay $0x2  }
0xbb: {  	s31 =	sshll.u32 s1, $0xD;
	s1 =	sshrl.u32 s1, $0x2  }
0xbc: {  	s3 =	sand.u32 $0x4000, s31;
	s1 =	sadd.s32 s1, s30  }
0xbd: {  	s0 =	sor.u32 s3, s0;
	s1 =	sshll.u32 s1, $0x11  }
0xbe: {  	s0 =	sor.u32 s1, s0  }
0xbf: {  	s0 =	sadd.s32 $0x8F2B, s0  }
0xc0: {  	[sflag:s0] =	ssyncadd.remote.s32 $0x1  }
0xc1: {  	_ =	sfence.sel $0xFFFF  }
0xc2: {  	[dreg:$0x0] =	wrdreg $0xFFFFFFFF;
	(pc) =	sbr.abs _section_cstart, $3  }
0xc3: {  	[dreg:$0x1] =	wrdreg $0xFFFFFFFF  }
0xc4: {  	_ =	task.clear_ibuf [dreg:s6], $0x2FFFF;
	_ =	strace $0x9FFFFFFF  }
0xc5: {  	(tm) =	ssettm $0x7FFFFFFF  }
tec
execute0_lowered:
.L_overlay_start_1:
0x0: {  	(tag) =	ssettag $0x1  }
0x1: {  	s0 =	rddreg [dreg:$0x0]  }
0x2: {  	s2 =	rddreg [dreg:$0x1]  }
0x3: {  	s3 =	rddreg [dreg:$0x2]  }
0x4: {  	s4 =	rddreg [dreg:$0x3]  }
0x5: {  	s5 =	rddreg [dreg:$0x4];
	s14 =	stileid.u32  }
0x6: {  	s6 =	simm.s32 $0x0;
	s7 =	srdreg.scid;
	s28 =	simm.s32 $0x3  }
0x7: {  	s29 =	simm.s32 $0x1F40;
	s30 =	simm.s32 $0x5100;
	s1 =	smul.u32 $0x1900, s14  }
0x8: {  	[smem:$0x7FF] =	sst s6;
	s9 =	sand.u32 $0x1, s7;
	s11 =	sadd.s32 $0x75000, s0  }
0x9: {  	s24 =	sadd.s32 $0x75400, s0;
	_ =	strace $0x8000004A;
	[dreg:$0x6] =	wrdreg s11  }
0xa: {  	s7 =	sadd.s32 $0x75800, s0;
	s25 =	sadd.s32 $0x1400, s0;
	[dreg:$0x7] =	wrdreg s24  }
0xb: {  	s14 =	sshll.u32 s14, $0x1;
	s10 =	smul.u32 $0x19000, s9;
	[dreg:$0x8] =	wrdreg s25  }
0xc: {  	s11 =	sadd.s32 $0xD7400, s0;
	s12 =	ssub.s32 $0x2, s9;
	s8 =	sshrl.u32 s1, $0x3  }
0xd: {  	s13 =	sshrl.u32 s12, $0x1;
	s31 =	sadd.s32 s1, s2;
	s15 =	sadd.s32 s1, s3  }
0xe: {  	s20 =	sadd.s32 s1, s5;
	s8 =	sadd.s32 s8, s0;
	s10 =	sadd.s32 s1, s10  }
0xf: {  	s26 =	ssub.s32 s12, s13;
	s18 =	sadd.s32 $0x800, s20;
	[dreg:$0xb] =	wrdreg s20  }
0x10: {  	s12 =	sor.u32 s9, s14;
	s19 =	sadd.s32 $0x1000, s20;
	[dreg:$0xd] =	wrdreg s18  }
0x11: {  	s1 =	sadd.s32 s1, s4;
	s21 =	sadd.s32 $0x1800, s20;
	[dreg:$0xe] =	wrdreg s19  }
0x12: {  	s24 =	sshrl.u32 s31, $0x3;
	s25 =	sshrl.u32 s15, $0x3;
	[dreg:$0xf] =	wrdreg s21  }
0x13: {  	s13 =	simm.s32 $0x7900;
	s9 =	simm.s32 $0x0;
	[dreg:$0x13] =	wrdreg s24  }
0x14: {  	s10 =	sshrl.u32 s10, $0x3;
	s14 =	sadd.s32 $0x6EC00, s8;
	[dreg:$0x14] =	wrdreg s25  }
0x15: {  	s16 =	sadd.s32 $0x71E00, s8;
	s17 =	smul.u32 $0xA00, s12;
	[dreg:$0x9] =	wrdreg s14  }
0x16: {  	s8 =	sadd.s32 $0x7A00, s8;
	s23 =	smax.u32 s26, $0x1;
	[dreg:$0xa] =	wrdreg s16  }
0x17: {  	s26 =	sshrl.u32 s1, $0x3;
	s1 =	simm.s32 $0xA00;
	[dreg:$0xc] =	wrdreg s8  }
0x18: {  	s18 =	simm.s32 $0x9700;
	s19 =	simm.s32 $0x2;
	[dreg:$0x12] =	wrdreg s23  }
0x19: {  	s21 =	simm.s32 $0xA100;
	s0 =	sadd.s32 s10, s0;
	[dreg:$0x15] =	wrdreg s26  }
.Ltmp0:
0x1a: {  	s10 =	simm.s32 $0x6F00;
	s14 =	simm.s32 $0x8300;
	(pc) =	sbr.rel .LBB2_1-.Ltmp0, $4  }
0x1b: {  	s16 =	simm.s32 $0x1;
	s22 =	sshrl.u32 s17, $0x3;
	s0 =	sadd.s32 $0x1600, s0  }
0x1c: {  	s23 =	simm.s32 $0xF100;
	s8 =	sadd.s32 s7, s22;
	[dreg:$0x11] =	wrdreg s0  }
0x1d: {  	s17 =	simm.s32 $0x8D00;
	[dreg:$0x10] =	wrdreg s8;
	s31 =	sadd.s32 $0x30D40, s8  }
0x1e: {  	v0 =	vimm.f32 $0.0e+00;
	s0 =	simm.s32 $0x4700;
	s22 =	simm.s32 $0xE700;
	[dreg:$0x16] =	wrdreg s31  }
.LBB2_13:
0x1f: {  	[bflag:$0x0] =	sbarrier.arrive $0xFFFF  }
0x20: {  	s20 =	rddreg [dreg:$0xb]  }
0x21: {  	s9 =	rddreg [dreg:$0x11]  }
0x22: {  	s15 =	rddreg [dreg:$0x18];
	s8 =	sshrl.u32 s20, $0x3  }
0x23: {  	[hbm:s9], [sflag:s15] =	dma.local [spmem:s8], $0x320  }
0x24: {  	_ =	swait.ge [sflag:s28], $0x320  }
0x25: {  	s26 =	rddreg [dreg:$0x17]  }
0x26: {  	s31 =	rddreg [dreg:$0x12];
	s9 =	sadd.s32 $0x1, s26  }
0x27: {  	p0 =	sne.s32 s9, s31  }
.Ltmp1:
0x28: {  	_ = 	snop;
	(pc) =	sbr.rel @!p0 .LBB2_14-.Ltmp1, $3  }
0x29: {  	_ =	sdelay $0x1  }
0x2a: {  	[sflag:s28] =	ssyncset.done $0x0  }
0x2b: {  	v0 =	vimm.f32 $0.0e+00;
	[sflag:s28] =	ssyncadd.s32 $0xFFFFFCE0  }
.LBB2_1:
0x2c: {  	[dreg:$0x17] =	wrdreg s9  }
0x2d: {  	s8 =	rddreg [dreg:$0x6]  }
0x2e: {  	[tilespmem:s6], [sflag:$0x3] =	stream.linear.gather [hbm4b:s8+s6], $0x1F40, $0x38;
	[tilespmem:$0x15F00] =	vst v63  }
0x2f: {  	_ =	swait.ge [sflag:s28], $0x1F40  }
0x30: {  	[sflag:s28] =	ssyncset.done $0x0  }
0x31: {  	s9 =	rddreg [dreg:$0x7];
	[sflag:s28] =	ssyncadd.s32 $0xFFFFE0C0  }
0x32: {  	[tilespmem:s29], [sflag:$0x3] =	stream.linear.gather [hbm4b:s9+s6], $0x1F40, $0x38;
	[tilespmem:$0x15F00] =	vst v63  }
0x33: {  	_ =	swait.ge [sflag:s28], $0x1F40  }
0x34: {  	[sflag:s28] =	ssyncset.done $0x0  }
0x35: {  	s24 =	simm.s32 $0x3E80;
	s15 =	rddreg [dreg:$0x8];
	[sflag:s28] =	ssyncadd.s32 $0xFFFFE0C0  }
0x36: {  	[tilespmem:s24], [sflag:$0x3] =	stream.linear.gather [hbm4b:s15+s6], $0x80, $0x38;
	[tilespmem:$0x15F00] =	vst v63  }
0x37: {  	s25 =	stileid.u32;
	_ =	swait.ge [sflag:s28], $0x80  }
0x38: {  	s8 =	sshll.u32 s25, $0x6;
	[sflag:s28] =	ssyncset.done $0x0;
	s26 =	rddreg [dreg:$0x9]  }
0x39: {  	s15 =	sor.u32 $0x1C03, s8;
	s31 =	rddreg [dreg:$0x13];
	[sflag:s28] =	ssyncadd.s32 $0xFFFFFF80  }
0x3a: {  	[spmem:s31], [sflag:s15] =	dma.local [hbm:s26], $0x320  }
0x3b: {  	_ =	swait.ge [sflag:s28], $0x320  }
0x3c: {  	[sflag:s28] =	ssyncset.done $0x0;
	s24 =	rddreg [dreg:$0xa]  }
0x3d: {  	s25 =	rddreg [dreg:$0x14];
	[sflag:s28] =	ssyncadd.s32 $0xFFFFFCE0  }
0x3e: {  	[spmem:s25], [sflag:s15] =	dma.local [hbm:s24], $0x320  }
0x3f: {  	_ =	swait.ge [sflag:s28], $0x320;
	[dreg:$0x18] =	wrdreg s15  }
0x40: {  	[sflag:s28] =	ssyncset.done $0x0;
	s26 =	rddreg [dreg:$0xc]  }
0x41: {  	s31 =	rddreg [dreg:$0x15];
	[sflag:s28] =	ssyncadd.s32 $0xFFFFFCE0  }
0x42: {  	[spmem:s31], [sflag:s15] =	dma.local [hbm:s26], $0x320  }
0x43: {  	_ =	swait.ge [sflag:s28], $0x320  }
0x44: {  	[sflag:s28] =	ssyncset.done $0x0  }
0x45: {  	s8 =	simm.s32 $0x40;
	s15 =	simm.s32 $0x0;
	[sflag:s28] =	ssyncadd.s32 $0xFFFFFCE0  }
.LBB2_2:
0x46: {  	p0 =	sne.s32 s8, $0x1FC0;
	[tilespmem:s15+$0x3F00] =	vst v0;
	s15 =	smov.u32 s8;
	s8 =	sadd.s32 $0x40, s8  }
.Ltmp2:
0x47: {  	(pc) =	sbr.rel @p0 .LBB2_2-.Ltmp2, $2  }
0x48: {  	_ =	sdelay $0x2  }
0x49: {  	s15 =	sshra.s32 s15, $0x2  }
0x4a: {  	[tilespmem:s15+$0x3F00] =	vst v0;
	s9 =	simm.s32 $0x3F00  }
0x4b: {  	[spmem:s20] =	stream.linear.scatter [tilespmem:s9], [sflag:$0x3], $0x800, $0x38;
	[tilespmem:$0x15F00] =	vst v63  }
0x4c: {  	_ =	swait.ge [sflag:s28], $0x800  }
0x4d: {  	[sflag:s28] =	ssyncset.done $0x0  }
0x4e: {  	s8 =	rddreg [dreg:$0xd];
	[sflag:s28] =	ssyncadd.s32 $0xFFFFF800  }
0x4f: {  	[spmem:s8] =	stream.linear.scatter [tilespmem:s9], [sflag:$0x3], $0x800, $0x38;
	[tilespmem:$0x15F00] =	vst v63  }
0x50: {  	_ =	swait.ge [sflag:s28], $0x800  }
0x51: {  	[sflag:s28] =	ssyncset.done $0x0  }
0x52: {  	s31 =	rddreg [dreg:$0xe];
	[sflag:s28] =	ssyncadd.s32 $0xFFFFF800  }
0x53: {  	[spmem:s31] =	stream.linear.scatter [tilespmem:s9], [sflag:$0x3], $0x800, $0x38;
	[tilespmem:$0x15F00] =	vst v63  }
0x54: {  	_ =	swait.ge [sflag:s28], $0x800  }
0x55: {  	[sflag:s28] =	ssyncset.done $0x0  }
0x56: {  	s15 =	rddreg [dreg:$0xf];
	[sflag:s28] =	ssyncadd.s32 $0xFFFFF800  }
0x57: {  	[spmem:s15] =	stream.linear.scatter [tilespmem:s9], [sflag:$0x3], $0x100, $0x38;
	[tilespmem:$0x15F00] =	vst v63  }
0x58: {  	_ =	swait.ge [sflag:s28], $0x100  }
0x59: {  	[sflag:s28] =	ssyncset.done $0x0  }
0x5a: {  	[sflag:s28] =	ssyncadd.s32 $0xFFFFFF00  }
0x5b: {  	[bflag:$0x0] =	sbarrier.arrive $0xFFFF  }
0x5c: {  	v30 =	vld [tilespmem:$0x3E80]  }
0x5d: {  	v31 =	vld [tilespmem:$0x3E90]  }
0x5e: {  	v32 =	vld [tilespmem:$0x3EA0]  }
0x5f: {  	v33 =	vld [tilespmem:$0x3EB0]  }
0x60: {  	s26 =	simm.s32 $0x0;
	s20 =	rddreg [dreg:$0x10]  }
0x61: {  	v1 =	vld [tilespmem:$0x3EC0];
	[tilespmem:s0], [sflag:$0x3] =	stream.linear.gather [hbm4b:s20+s26], $0xA00, $0x38  }
0x62: {  	_ =	swait.ge [sflag:s28], $0xA00;
	v63 =	vbroadcast v30, $0x0  }
0x63: {  	[sflag:s28] =	ssyncset.done $0x0;
	v59 =	vbroadcast v31, $0x0;
	v8 =	vbroadcast v32, $0x0  }
0x64: {  	s24 =	rddreg [dreg:$0x16];
	[sflag:s28] =	ssyncadd.s32 $0xFFFFF600;
	v57 =	vbroadcast v33, $0x0;
	v61 =	vbroadcast v30, $0x1  }
0x65: {  	[tilespmem:s30], [sflag:$0x3] =	stream.linear.gather [hbm4b:s24+s26], $0xA00, $0x38;
	v11 =	vbroadcast v31, $0x1;
	v7 =	vbroadcast v31, $0x2;
	[tilespmem:$0x15F00] =	vst v63  }
0x66: {  	v12 =	vbroadcast v32, $0x1;
	v9 =	vbroadcast v31, $0x7;
	_ =	swait.ge [sflag:s28], $0xA00  }
0x67: {  	v58 =	vbroadcast v33, $0x1;
	v14 =	vbroadcast v30, $0x2;
	[sflag:s28] =	ssyncset.done $0x0;
	[tilespmem:$0x1FF90] =	vst v7  }
0x68: {  	s25 =	simm.s32 $0x5B00;
	v60 =	vbroadcast v32, $0x2;
	v10 =	vbroadcast v32, $0x7;
	[tilespmem:$0x1FFA0] =	vst v9;
	[sflag:s28] =	ssyncadd.s32 $0xFFFFF600  }
0x69: {  	v18 =	vbroadcast v33, $0x2;
	v17 =	vbroadcast v30, $0x3;
	[tilespmem:s25], [sflag:$0x1] =	stream.indirect.gather [spmem:s2], $0x1, s0, s1, $0xb8;
	[tilespmem:$0x15F00] =	vst v63  }
0x6a: {  	s31 =	simm.s32 $0x6500;
	v21 =	vbroadcast v31, $0x3;
	v13 =	vbroadcast v33, $0x7;
	[tilespmem:$0x1FFB0] =	vst v10  }
0x6b: {  	v19 =	vbroadcast v32, $0x3;
	v55 =	vbroadcast v33, $0x3;
	[tilespmem:s31], [sflag:$0x1] =	stream.indirect.gather [spmem:s3], $0x1, s0, s1, $0xb8;
	[tilespmem:$0x15F00] =	vst v63  }
0x6c: {  	v24 =	vbroadcast v30, $0x4;
	v15 =	vbroadcast v33, $0x6;
	[tilespmem:$0x1FFC0] =	vst v13  }
0x6d: {  	v25 =	vbroadcast v31, $0x4;
	v4 =	vbroadcast v33, $0x5;
	[tilespmem:s10], [sflag:$0x1] =	stream.indirect.gather [spmem:s4], $0x1, s0, s1, $0xb8;
	[tilespmem:$0x15F00] =	vst v63  }
.Ltmp3:
0x6e: {  	v56 =	vbroadcast v32, $0x4;
	v26 =	vbroadcast v33, $0x4;
	[tilespmem:$0x1FFD0] =	vst v15;
	(pc) =	sbr.rel .LBB2_4-.Ltmp3, $4  }
0x6f: {  	v28 =	vbroadcast v30, $0x5;
	v29 =	vbroadcast v31, $0x5;
	[tilespmem:$0x1FFE0] =	vst v4  }
0x70: {  	v1 =	vadd.f32 $0.0e+00, v1;
	v5 =	vbroadcast v30, $0x6;
	v50 =	vbroadcast v32, $0x6;
	[tilespmem:s13], [sflag:$0x1] =	stream.indirect.gather [spmem:s2], $0x1, s30, s1, $0xb8;
	[tilespmem:$0x15F00] =	vst v63  }
0x71: {  	v53 =	vbroadcast v32, $0x5;
	v51 =	vbroadcast v31, $0x6;
	[tilespmem:$0x1FFF0] =	vst v26  }
0x72: {  	v52 =	vbroadcast v30, $0x7;
	v62 =	vbroadcast v1, $0x0;
	v30 =	vmovc v4;
	v31 =	vmovc v5;
	v33 =	vmov v50;
	[tilespmem:s14], [sflag:$0x1] =	stream.indirect.gather [spmem:s4], $0x1, s30, s1, $0xb8;
	[tilespmem:$0x15F00] =	vst v63  }
.LBB2_12:
0x73: {  	s26 =	sadd.s32 $0x1, s26  }
0x74: {  	p0 =	sne.s32 s26, $0xA  }
.Ltmp4:
0x75: {  	_ = 	snop;
	(pc) =	sbr.rel @!p0 .LBB2_13-.Ltmp4, $1  }
0x76: {  	_ =	sdelay $0x3  }
.LBB2_4:
0x77: {  	s8 =	sshll.u32 s26, $0x6  }
0x78: {  	s31 =	sor.u32 s12, s8  }
0x79: {  	s20 =	sor.u32 $0x20, s31  }
0x7a: {  	p0 =	sgt.u32 s20, $0x270  }
0x7b: {  	s8 =	smul.u32 @!p0 $0xA00, s20;
	_ =	sdelay $0x1  }
0x7c: {  	s15 =	simm.s32 @!p0 $0x0;
	s8 =	sshrl.u32 @!p0 s8, $0x3  }
0x7d: {  	s24 =	simm.s32 @!p0 $0xA100;
	s25 =	simm.s32 @!p0 $0x3;
	s8 =	sadd.s32 @!p0 s7, s8  }
0x7e: {  	[tilespmem:s24], [sflag:$0x3] =	stream.linear.gather @!p0 [hbm4b:s8+s15], $0xA00, $0x38;
	[tilespmem:$0x15F00] =	vst v63  }
0x7f: {  	_ =	swait.ge @!p0 [sflag:s25], $0xA00  }
0x80: {  	[sflag:s25] =	ssyncset.done @!p0 $0x0  }
0x81: {  	s9 =	simm.s32 @!p0 $0xAB00;
	s8 =	sadd.s32 @!p0 $0x30D40, s8;
	[sflag:s25] =	ssyncadd.s32 @!p0 $0xFFFFF600  }
0x82: {  	[tilespmem:s9], [sflag:$0x3] =	stream.linear.gather @!p0 [hbm4b:s8+s15], $0xA00, $0x38;
	[tilespmem:$0x15F00] =	vst v63  }
0x83: {  	_ =	swait.ge @!p0 [sflag:s25], $0xA00  }
0x84: {  	[sflag:s25] =	ssyncset.done @!p0 $0x0  }
0x85: {  	s8 =	simm.s32 @!p0 $0xA00;
	s15 =	simm.s32 @!p0 $0xB500;
	[sflag:s25] =	ssyncadd.s32 @!p0 $0xFFFFF600  }
0x86: {  	[tilespmem:s15], [sflag:$0x2] =	stream.indirect.gather @!p0 [spmem:s2], $0x1, s24, s8, $0xb8;
	[tilespmem:$0x15F00] =	vst v63  }
0x87: {  	s15 =	simm.s32 @!p0 $0xBF00  }
0x88: {  	[tilespmem:s15], [sflag:$0x2] =	stream.indirect.gather @!p0 [spmem:s3], $0x1, s24, s8, $0xb8;
	[tilespmem:$0x15F00] =	vst v63  }
0x89: {  	s15 =	simm.s32 @!p0 $0xC900  }
0x8a: {  	[tilespmem:s15], [sflag:$0x2] =	stream.indirect.gather @!p0 [spmem:s4], $0x1, s24, s8, $0xb8;
	[tilespmem:$0x15F00] =	vst v63  }
0x8b: {  	s15 =	simm.s32 @!p0 $0xD300  }
0x8c: {  	[tilespmem:s15], [sflag:$0x2] =	stream.indirect.gather @!p0 [spmem:s2], $0x1, s9, s8, $0xb8;
	[tilespmem:$0x15F00] =	vst v63  }
0x8d: {  	s15 =	simm.s32 @!p0 $0xDD00  }
0x8e: {  	[tilespmem:s15], [sflag:$0x2] =	stream.indirect.gather @!p0 [spmem:s4], $0x1, s9, s8, $0xb8;
	[tilespmem:$0x15F00] =	vst v63  }
0x8f: {  	_ =	swait.ge [sflag:s16], $0xA00  }
0x90: {  	[sflag:s16] =	ssyncset.done $0x0  }
0x91: {  	[sflag:s16] =	ssyncadd.s32 $0xFFFFF600  }
0x92: {  	_ =	swait.ge [sflag:s16], $0xA00  }
0x93: {  	[sflag:s16] =	ssyncset.done $0x0  }
0x94: {  	[sflag:s16] =	ssyncadd.s32 $0xFFFFF600  }
0x95: {  	_ =	swait.ge [sflag:s16], $0xA00  }
0x96: {  	[sflag:s16] =	ssyncset.done $0x0  }
0x97: {  	[sflag:s16] =	ssyncadd.s32 $0xFFFFF600  }
0x98: {  	_ =	swait.ge [sflag:s16], $0xA00  }
0x99: {  	[sflag:s16] =	ssyncset.done $0x0  }
0x9a: {  	[sflag:s16] =	ssyncadd.s32 $0xFFFFF600  }
0x9b: {  	_ =	swait.ge [sflag:s16], $0xA00  }
0x9c: {  	[sflag:s16] =	ssyncset.done $0x0  }
0x9d: {  	s15 =	simm.s32 $0x0;
	[sflag:s16] =	ssyncadd.s32 $0xFFFFF600  }
0x9e: {  	v34 =	vld [tilespmem:s15+$0x6F00]  }
0x9f: {  	v35 =	vld [tilespmem:s15+$0x8300];
	_ =	sdelay $0x3  }
0xa0: {  	v36 =	vand.u32 $0x3FF, v34  }
0xa1: {  	v35 =	vand.u32 $0x3FF, v35;
	v37 =	vshll.u32 v36, $0x3  }
0xa2: {  	v38 =	vshll.u32 v35, $0x3  }
0xa3: {  	v39 =	vld [tilespmem:s15+$0x5B00];
	v40 =	vor.u32 $0x2, v38  }
0xa4: {  	v41 =	vld [tilespmem:s15+$0x7900];
	v42 =	vor.u32 $0x1, v38  }
0xa5: {  	v43 =	vld [tilespmem:s15+$0x6500];
	v44 =	vor.u32 $0x1, v37  }
0xa6: {  	v45 =	vor.u32 $0x2, v37;
	v46 =	vld.idx.msk [tilespmem:v37+s6+$0x0], $0xffff  }
0xa7: {  	v50 =	vor.u32 $0x4, v37;
	v48 =	vld.idx.msk [tilespmem:v38+s29+$0x0], $0xffff  }
0xa8: {  	v1 =	vmov v51;
	v51 =	vor.u32 $0x4, v38;
	v40 =	vld.idx.msk [tilespmem:v40+s29+$0x0], $0xffff  }
0xa9: {  	v42 =	vld.idx.msk [tilespmem:v42+s29+$0x0], $0xffff  }
0xaa: {  	v47 =	vor.u32 $0x3, v38;
	v44 =	vld.idx.msk [tilespmem:v44+s6+$0x0], $0xffff  }
0xab: {  	v49 =	vor.u32 $0x3, v37;
	v45 =	vld.idx.msk [tilespmem:v45+s6+$0x0], $0xffff  }
0xac: {  	v50 =	vld.idx.msk [tilespmem:v50+s6+$0x0], $0xffff  }
0xad: {  	v51 =	vld.idx.msk [tilespmem:v51+s29+$0x0], $0xffff  }
0xae: {  	v0 =	vmov v53;
	v32 =	vmul.f32 v39, v63;
	v53 =	vmul.f32 v41, v59  }
0xaf: {  	v3 =	vmul.f32 v39, v61;
	v54 =	vmul.f32 v43, v8;
	v47 =	vld.idx.msk [tilespmem:v47+s29+$0x0], $0xffff  }
0xb0: {  	v2 =	vmovc v52;
	v52 =	vor.u32 $0x5, v38;
	v46 =	vadd.f32 v48, v46;
	v48 =	vld.idx.msk [tilespmem:v49+s6+$0x0], $0xffff;
	v49 =	vor.u32 $0x5, v37  }
0xb1: {  	v42 =	vadd.f32 v42, v44;
	v40 =	vadd.f32 v40, v45;
	v45 =	vmul.f32 v43, v12  }
0xb2: {  	v50 =	vadd.f32 v51, v50;
	v46 =	vadd.f32 v46, v32;
	v32 =	vmul.f32 v39, v14  }
0xb3: {  	v51 =	vmul.f32 v41, v25;
	v42 =	vadd.f32 v42, v3;
	v3 =	vmul.f32 v41, v11  }
0xb4: {  	v46 =	vadd.f32 v46, v53;
	v53 =	vor.u32 $0x6, v38;
	v40 =	vadd.f32 v40, v32  }
0xb5: {  	v32 =	vmul.f32 v39, v17;
	v38 =	vor.u32 $0x7, v38;
	v47 =	vadd.f32 v47, v48  }
0xb6: {  	v52 =	vld.idx.msk [tilespmem:v52+s29+$0x0], $0xffff;
	v48 =	vor.u32 $0x6, v37;
	v37 =	vor.u32 $0x7, v37;
	v42 =	vadd.f32 v42, v3  }
0xb7: {  	v49 =	vld.idx.msk [tilespmem:v49+s6+$0x0], $0xffff;
	v3 =	vmul.f32 v41, v7;
	v44 =	vadd.f32 v46, v54;
	v54 =	vmul.f32 v41, v21  }
0xb8: {  	v46 =	vadd.f32 v47, v32;
	v32 =	vmul.f32 v39, v24;
	v42 =	vadd.f32 v42, v45  }
0xb9: {  	v40 =	vadd.f32 v40, v3;
	v3 =	vmul.f32 v43, v60;
	v44 =	vmax.f32 v44, $0.0e+00  }
0xba: {  	v45 =	vadd.f32 v46, v54;
	v46 =	vld.idx.msk [tilespmem:v53+s29+$0x0], $0xffff;
	v50 =	vadd.f32 v50, v32;
	v32 =	vmul.f32 v43, v19  }
0xbb: {  	v40 =	vadd.f32 v40, v3;
	v3 =	vmul.f32 v39, v28;
	v44 =	vmul.f32 v44, v57;
	v38 =	vld.idx.msk [tilespmem:v38+s29+$0x0], $0xffff  }
0xbc: {  	v42 =	vmax.f32 v42, $0.0e+00;
	v54 =	vmul.f32 v43, v56;
	v48 =	vld.idx.msk [tilespmem:v48+s6+$0x0], $0xffff;
	v49 =	vadd.f32 v52, v49  }
0xbd: {  	v37 =	vld.idx.msk [tilespmem:v37+s6+$0x0], $0xffff;
	v42 =	vmul.f32 v42, v58;
	v52 =	vmul.f32 v43, v0;
	v45 =	vadd.f32 v45, v32  }
0xbe: {  	v32 =	vadd.f32 v50, v51;
	v50 =	vmul.f32 v39, v31;
	v44 =	vadd.f32 v44, v62  }
0xbf: {  	v40 =	vmax.f32 v40, $0.0e+00;
	v39 =	vmul.f32 v39, v2;
	v49 =	vadd.f32 v49, v3  }
0xc0: {  	v3 =	vmul.f32 v41, v29;
	v40 =	vmul.f32 v40, v18;
	v42 =	vadd.f32 v42, v44  }
0xc1: {  	v44 =	vadd.f32 v32, v54;
	v54 =	vmul.f32 v41, v1;
	v46 =	vadd.f32 v46, v48  }
0xc2: {  	v45 =	vmax.f32 v45, $0.0e+00;
	v32 =	vadd.f32 v49, v3;
	v37 =	vadd.f32 v38, v37  }
0xc3: {  	v45 =	vmul.f32 v45, v55;
	v53 =	vadd.f32 v40, v42;
	v46 =	vadd.f32 v46, v50  }
0xc4: {  	v48 =	vmul.f32 v41, v9;
	v49 =	vmax.f32 v44, $0.0e+00;
	v3 =	vadd.f32 v32, v52  }
0xc5: {  	v32 =	vmul.f32 v43, v33;
	v37 =	vadd.f32 v37, v39;
	v40 =	vadd.f32 v46, v54  }
0xc6: {  	v41 =	vmul.f32 v49, v26;
	v38 =	vadd.f32 v45, v53;
	v50 =	vmul.f32 v43, v10  }
0xc7: {  	v42 =	vmax.f32 v3, $0.0e+00;
	v37 =	vadd.f32 v37, v48;
	v40 =	vadd.f32 v40, v32  }
0xc8: {  	v38 =	vadd.f32 v41, v38;
	v51 =	vmul.f32 v42, v30  }
0xc9: {  	v37 =	vadd.f32 v37, v50;
	v52 =	vmax.f32 v40, $0.0e+00  }
0xca: {  	v38 =	vadd.f32 v51, v38;
	v39 =	vmul.f32 v52, v15  }
0xcb: {  	v37 =	vmax.f32 v37, $0.0e+00  }
0xcc: {  	v37 =	vmul.f32 v37, v13;
	v38 =	vadd.f32 v39, v38;
	_ =	sdelay $0x1  }
0xcd: {  	s24 =	simm.s32 $0x10;
	v34 =	vand.u32 $0xFFFFFC00, v34;
	v37 =	vadd.f32 v37, v38  }
0xce: {  	v16 =	vmovc v18;
	v20 =	vmovc v55;
	v22 =	vmov v25;
	vm0 =	veq.s32 v36, v35;
	vm1 =	veq.s32 v34, $0x400;
	v53 =	vld [tilespmem:s24+$0x6F00]  }
0xcf: {  	v23 =	vmovc v56;
	v27 =	vmovc v0;
	vm1 =	vmxor vm1, vm0;
	v25 =	vmov v28;
	v37 =	vmax.f32 v37, $0.0e+00  }
0xd0: {  	v36 =	vld [tilespmem:s24+$0x7900];
	v28 =	vmovc v11;
	v11 =	vmovc v57;
	v18 =	vmov v21;
	v21 =	vmov v24;
	v54 =	vmul.f32 $1.442695020e+00, v37  }
0xd1: {  	v35 =	vld [tilespmem:s24+$0x6500];
	v24 =	vmovc v12;
	v12 =	vmovc v61;
	v26 =	vmov v29;
	v29 =	vmov v31;
	v31 =	vmov v33  }
0xd2: {  	v33 =	vmovc v2;
	v30 =	vmovc v1;
	v32 =	vmov v59;
	v15 =	vmov v60;
	v39 =	vld [tilespmem:s24+$0x8300];
	v34 =	vnsel vm1, $0x0, v54  }
0xd3: {  	s25 =	simm.s32 $0x80;
	v13 =	vmovc v14;
	v14 =	vmovc v58;
	v38 =	vand.u32 $0x3FF, v53;
	v37 =	vld [tilespmem:s24+$0x5B00];
	(erf) = vpow2.f32 v34;
	v34 =	vand.u32 $0xFFFFFC00, v53  }
.LBB2_5:
0xd4: {  	_ =	sdelay $0x6  }
0xd5: {  	v39 =	vand.u32 $0x3FF, v39  }
0xd6: {  	v40 =	vshll.u32 v38, $0x3;
	v42 =	vshll.u32 v39, $0x3;
	v41 =	vpop (erf)  }
0xd7: {  	v46 =	vor.u32 $0x2, v42;
	v44 =	vsub.f32 $0.0e+00, v41;
	_ =	sdelay $0x1  }
0xd8: {  	v45 =	vor.u32 $0x1, v42;
	[tilespmem:s15+$0x8D00] =	vst v41;
	v41 =	vsel vm0, v44, v41  }
0xd9: {  	v43 =	vor.u32 $0x1, v40;
	[tilespmem:s15+$0x9700] =	vst v41  }
0xda: {  	v2 =	vor.u32 $0x2, v40;
	v54 =	vld.idx.msk [tilespmem:v40+s6+$0x0], $0xffff  }
0xdb: {  	v56 =	vmul.f32 v36, v30;
	v49 =	vor.u32 $0x3, v42;
	vm0 =	veq.s32 v38, v39;
	v38 =	vld.idx.msk [tilespmem:v46+s29+$0x0], $0xffff  }
0xdc: {  	v48 =	vor.u32 $0x3, v40;
	v57 =	vmul.f32 v37, v33;
	v59 =	vmul.f32 v37, v29;
	v39 =	vld.idx.msk [tilespmem:v42+s29+$0x0], $0xffff  }
0xdd: {  	v5 =	vmov v62;
	v61 =	vmul.f32 v36, v26;
	v62 =	vmul.f32 v37, v63;
	v45 =	vld.idx.msk [tilespmem:v45+s29+$0x0], $0xffff  }
0xde: {  	v6 =	vmovc v63;
	v47 =	vor.u32 $0x5, v40;
	v63 =	vmul.f32 v35, v15;
	v0 =	vmul.f32 v36, v32;
	v43 =	vld.idx.msk [tilespmem:v43+s6+$0x0], $0xffff  }
0xdf: {  	v52 =	vor.u32 $0x7, v40;
	v1 =	vmul.f32 v37, v25;
	v3 =	vmul.f32 v36, v28;
	v44 =	vld.idx.msk [tilespmem:v2+s6+$0x0], $0xffff  }
0xe0: {  	v4 =	vmul.f32 v35, v19;
	v50 =	vor.u32 $0x5, v42;
	v51 =	vor.u32 $0x6, v42;
	v49 =	vld.idx.msk [tilespmem:v49+s29+$0x0], $0xffff  }
0xe1: {  	v53 =	vor.u32 $0x7, v42;
	v41 =	vor.u32 $0x6, v40;
	v48 =	vld.idx.msk [tilespmem:v48+s6+$0x0], $0xffff;
	v39 =	vadd.f32 v39, v54  }
0xe2: {  	v46 =	vmul.f32 v36, v9;
	v40 =	vor.u32 $0x4, v40;
	v42 =	vor.u32 $0x4, v42  }
0xe3: {  	v54 =	vmul.f32 v37, v12;
	v43 =	vadd.f32 v45, v43;
	v39 =	vadd.f32 v39, v62  }
0xe4: {  	v45 =	vmul.f32 v37, v13;
	v38 =	vadd.f32 v38, v44;
	v62 =	vmul.f32 v35, v24  }
0xe5: {  	v43 =	vadd.f32 v43, v54;
	v0 =	vadd.f32 v39, v0;
	v39 =	vmul.f32 v35, v8  }
0xe6: {  	v38 =	vadd.f32 v38, v45;
	v54 =	vadd.f32 v49, v48;
	v48 =	vmul.f32 v37, v17  }
0xe7: {  	v49 =	vmul.f32 v36, v7;
	v3 =	vadd.f32 v43, v3;
	v0 =	vadd.f32 v0, v39  }
0xe8: {  	v40 =	vld.idx.msk [tilespmem:v40+s6+$0x0], $0xffff;
	v44 =	vmul.f32 v37, v21;
	v37 =	vadd.f32 v54, v48;
	v54 =	vmul.f32 v36, v18  }
0xe9: {  	v42 =	vld.idx.msk [tilespmem:v42+s29+$0x0], $0xffff;
	v38 =	vadd.f32 v38, v49;
	v3 =	vadd.f32 v3, v62;
	v0 =	vmax.f32 v0, $0.0e+00  }
0xea: {  	v2 =	vmul.f32 v36, v22;
	v0 =	vmul.f32 v0, v11  }
0xeb: {  	v36 =	vadd.f32 v37, v54;
	v38 =	vadd.f32 v38, v63;
	v3 =	vmax.f32 v3, $0.0e+00  }
0xec: {  	v50 =	vld.idx.msk [tilespmem:v50+s29+$0x0], $0xffff;
	v3 =	vmul.f32 v3, v14;
	v0 =	vadd.f32 v0, v5  }
0xed: {  	v45 =	vld.idx.msk [tilespmem:v52+s6+$0x0], $0xffff;
	v4 =	vadd.f32 v36, v4;
	v52 =	vmax.f32 v38, $0.0e+00  }
0xee: {  	v47 =	vld.idx.msk [tilespmem:v47+s6+$0x0], $0xffff;
	v40 =	vadd.f32 v42, v40;
	v36 =	vmul.f32 v52, v16;
	v0 =	vadd.f32 v3, v0  }
0xef: {  	v3 =	vmax.f32 v4, $0.0e+00  }
0xf0: {  	v41 =	vld.idx.msk [tilespmem:v41+s6+$0x0], $0xffff;
	v48 =	vadd.f32 v40, v44;
	v3 =	vmul.f32 v3, v20;
	v0 =	vadd.f32 v36, v0  }
0xf1: {  	v43 =	vld.idx.msk [tilespmem:v51+s29+$0x0], $0xffff  }
0xf2: {  	v60 =	vmul.f32 v35, v23;
	v2 =	vadd.f32 v48, v2;
	v0 =	vadd.f32 v3, v0;
	v3 =	vld [tilespmem:$0x1FFF0]  }
0xf3: {  	v49 =	vld.idx.msk [tilespmem:v53+s29+$0x0], $0xffff;
	v51 =	vadd.f32 v50, v47  }
0xf4: {  	v2 =	vadd.f32 v2, v60  }
0xf5: {  	v1 =	vadd.f32 v51, v1  }
0xf6: {  	v4 =	vadd.f32 v43, v41;
	v2 =	vmax.f32 v2, $0.0e+00  }
0xf7: {  	v58 =	vmul.f32 v35, v27;
	v1 =	vadd.f32 v1, v61;
	v2 =	vmul.f32 v2, v3;
	v3 =	vld [tilespmem:$0x1FFE0]  }
0xf8: {  	v53 =	vadd.f32 v49, v45;
	v4 =	vadd.f32 v4, v59  }
0xf9: {  	v1 =	vadd.f32 v1, v58  }
0xfa: {  	v54 =	vmul.f32 v35, v31;
	v58 =	vld [tilespmem:$0x1FFD0];
	v4 =	vadd.f32 v4, v56;
	v56 =	vadd.f32 v53, v57  }
0xfb: {  	v55 =	vmul.f32 v35, v10;
	v1 =	vmax.f32 v1, $0.0e+00  }
0xfc: {  	v60 =	vld [tilespmem:$0x1FFC0];
	v1 =	vmul.f32 v1, v3;
	v3 =	vadd.f32 v4, v54;
	v4 =	vadd.f32 v56, v46  }
0xfd: {  	v0 =	vadd.f32 v2, v0  }
0xfe: {  	v57 =	vmax.f32 v3, $0.0e+00;
	v3 =	vadd.f32 v4, v55  }
0xff: {  	v0 =	vadd.f32 v1, v0;
	v1 =	vmul.f32 v57, v58  }
0x100: {  	v59 =	vmax.f32 v3, $0.0e+00  }
0x101: {  	v0 =	vadd.f32 v1, v0;
	v1 =	vmul.f32 v59, v60  }
0x102: {  	s8 =	smov.u32 s25  }
0x103: {  	s15 =	smov.u32 s24;
	s24 =	sshra.s32 s8, $0x2;
	v0 =	vadd.f32 v1, v0  }
0x104: {  	p1 =	sne.s32 s25, $0x27C0;
	v61 =	vld [tilespmem:s24+$0x6F00]  }
.Ltmp5:
0x105: {  	v0 =	vmax.f32 v0, $0.0e+00;
	(pc) =	sbr.rel @p1 .LBB2_5-.Ltmp5, $4  }
0x106: {  	vm1 =	veq.s32 v34, $0x400;
	v39 =	vld [tilespmem:s24+$0x8300];
	v0 =	vmul.f32 $1.442695020e+00, v0  }
0x107: {  	vm1 =	vmxor vm1, vm0;
	v37 =	vld [tilespmem:s24+$0x5B00]  }
0x108: {  	v35 =	vld [tilespmem:s24+$0x6500];
	v0 =	vnsel vm1, $0x0, v0  }
0x109: {  	s25 =	sadd.s32 $0x40, s25;
	v62 =	vmovc v5;
	v63 =	vmovc v6;
	v38 =	vand.u32 $0x3FF, v61;
	v34 =	vand.u32 $0xFFFFFC00, v61;
	v36 =	vld [tilespmem:s24+$0x7900];
	(erf) = vpow2.f32 v0  }
0x10a: {  	_ =	sdelay $0x7  }
0x10b: {  	v1 =	vshll.u32 v38, $0x3;
	v0 =	vand.u32 $0x3FF, v39;
	v2 =	vpop (erf)  }
0x10c: {  	v3 =	vshll.u32 v0, $0x3;
	v4 =	vsub.f32 $0.0e+00, v2  }
0x10d: {  	v53 =	vor.u32 $0x2, v3  }
0x10e: {  	v40 =	vor.u32 $0x1, v3;
	[tilespmem:s15+$0x8D00] =	vst v2;
	v2 =	vsel vm0, v4, v2  }
0x10f: {  	v54 =	vor.u32 $0x2, v1;
	[tilespmem:s15+$0x9700] =	vst v2  }
0x110: {  	v42 =	vor.u32 $0x3, v3;
	v41 =	vld.idx.msk [tilespmem:v1+s6+$0x0], $0xffff  }
0x111: {  	v44 =	vor.u32 $0x3, v1;
	v43 =	vld.idx.msk [tilespmem:v3+s29+$0x0], $0xffff  }
0x112: {  	v4 =	vor.u32 $0x1, v1;
	v39 =	vld.idx.msk [tilespmem:v53+s29+$0x0], $0xffff  }
0x113: {  	v45 =	vor.u32 $0x4, v1;
	v40 =	vld.idx.msk [tilespmem:v40+s29+$0x0], $0xffff  }
0x114: {  	v46 =	vor.u32 $0x4, v3;
	v2 =	vld.idx.msk [tilespmem:v54+s6+$0x0], $0xffff  }
0x115: {  	v56 =	vor.u32 $0x5, v1;
	v42 =	vld.idx.msk [tilespmem:v42+s29+$0x0], $0xffff  }
0x116: {  	v47 =	vmul.f32 v37, v63;
	v55 =	vld.idx.msk [tilespmem:v44+s6+$0x0], $0xffff  }
0x117: {  	v58 =	vmul.f32 v37, v12;
	v59 =	vmul.f32 v37, v13;
	v4 =	vld.idx.msk [tilespmem:v4+s6+$0x0], $0xffff  }
0x118: {  	v51 =	vmul.f32 v37, v25;
	v57 =	vor.u32 $0x5, v3;
	v52 =	vmul.f32 v35, v8;
	v45 =	vld.idx.msk [tilespmem:v45+s6+$0x0], $0xffff  }
0x119: {  	v48 =	vmul.f32 v36, v32;
	v46 =	vld.idx.msk [tilespmem:v46+s29+$0x0], $0xffff;
	v53 =	vmul.f32 v36, v28;
	v41 =	vadd.f32 v43, v41  }
0x11a: {  	v60 =	vor.u32 $0x6, v3;
	v54 =	vmul.f32 v37, v17;
	v44 =	vld.idx.msk [tilespmem:v56+s6+$0x0], $0xffff;
	v56 =	vmul.f32 v36, v7  }
0x11b: {  	v3 =	vor.u32 $0x7, v3;
	v2 =	vadd.f32 v39, v2;
	v41 =	vadd.f32 v41, v47  }
0x11c: {  	v42 =	vadd.f32 v42, v55;
	v43 =	vor.u32 $0x6, v1;
	v4 =	vadd.f32 v40, v4  }
0x11d: {  	v55 =	vmul.f32 v35, v24;
	v2 =	vadd.f32 v2, v59;
	v41 =	vadd.f32 v41, v48  }
0x11e: {  	v45 =	vadd.f32 v46, v45;
	v47 =	vld.idx.msk [tilespmem:v57+s29+$0x0], $0xffff;
	v57 =	vmul.f32 v37, v21;
	v4 =	vadd.f32 v4, v58  }
0x11f: {  	v59 =	vmul.f32 v35, v15;
	v2 =	vadd.f32 v2, v56;
	v40 =	vadd.f32 v41, v52  }
0x120: {  	v58 =	vmul.f32 v36, v18;
	v41 =	vadd.f32 v42, v54;
	v4 =	vadd.f32 v4, v53  }
0x121: {  	v45 =	vadd.f32 v45, v57;
	v48 =	vmovc v19;
	v19 =	vmul.f32 v35, v19;
	v57 =	vmul.f32 v35, v23  }
0x122: {  	v61 =	vmovc v12;
	v12 =	vmovc v24;
	v39 =	vadd.f32 v41, v58;
	v40 =	vmax.f32 v40, $0.0e+00;
	v4 =	vadd.f32 v4, v55  }
0x123: {  	v1 =	vor.u32 $0x7, v1;
	v24 =	vmovc v21;
	v21 =	vmovc v18;
	v18 =	vmul.f32 v36, v22;
	v40 =	vmul.f32 v40, v11  }
0x124: {  	v60 =	vld.idx.msk [tilespmem:v60+s29+$0x0], $0xffff;
	v2 =	vadd.f32 v2, v59;
	v39 =	vadd.f32 v39, v19;
	v4 =	vmax.f32 v4, $0.0e+00  }
0x125: {  	v43 =	vld.idx.msk [tilespmem:v43+s6+$0x0], $0xffff;
	v44 =	vadd.f32 v47, v44;
	v40 =	vadd.f32 v40, v62;
	v4 =	vmul.f32 v4, v14  }
0x126: {  	v7 =	vld [tilespmem:$0x1FFF0];
	v52 =	vadd.f32 v45, v18;
	v2 =	vmax.f32 v2, $0.0e+00;
	v39 =	vmax.f32 v39, $0.0e+00  }
0x127: {  	v2 =	vmul.f32 v2, v16;
	v39 =	vmul.f32 v39, v20;
	v4 =	vadd.f32 v4, v40  }
0x128: {  	v3 =	vld.idx.msk [tilespmem:v3+s29+$0x0], $0xffff;
	v18 =	vmul.f32 v35, v27;
	v58 =	vmul.f32 v36, v26;
	v59 =	vadd.f32 v52, v57  }
0x129: {  	v1 =	vld.idx.msk [tilespmem:v1+s6+$0x0], $0xffff;
	v55 =	vmul.f32 v37, v29;
	v44 =	vadd.f32 v44, v51;
	v2 =	vadd.f32 v2, v4  }
0x12a: {  	v41 =	vadd.f32 v60, v43;
	v19 =	vmul.f32 v37, v33;
	v57 =	vmax.f32 v59, $0.0e+00  }
0x12b: {  	v60 =	vadd.f32 v44, v58;
	v37 =	vmul.f32 v57, v7;
	v2 =	vadd.f32 v39, v2;
	v39 =	vmovc v7;
	v7 =	vld [tilespmem:$0x1FFE0];
	_ =	sdelay $0x1  }
0x12c: {  	v4 =	vadd.f32 v60, v18  }
0x12d: {  	v1 =	vadd.f32 v3, v1;
	v3 =	vmul.f32 v36, v30;
	v41 =	vadd.f32 v41, v55  }
0x12e: {  	v45 =	vmul.f32 v35, v31;
	v4 =	vmax.f32 v4, $0.0e+00  }
0x12f: {  	v51 =	vmovc v30;
	v3 =	vadd.f32 v41, v3;
	v30 =	vmov v7;
	v4 =	vmul.f32 v4, v7;
	v7 =	vld [tilespmem:$0x1FFD0];
	_ =	sdelay $0x1  }
0x130: {  	v3 =	vadd.f32 v3, v45  }
0x131: {  	v2 =	vadd.f32 v37, v2  }
0x132: {  	v1 =	vadd.f32 v1, v19;
	v3 =	vmax.f32 v3, $0.0e+00  }
0x133: {  	v55 =	vmul.f32 v36, v9;
	v2 =	vadd.f32 v4, v2;
	v3 =	vmul.f32 v3, v7;
	_ =	sdelay $0x1  }
0x134: {  	v58 =	vmul.f32 v35, v10;
	v1 =	vadd.f32 v1, v55;
	v2 =	vadd.f32 v3, v2;
	v3 =	vld [tilespmem:$0x1FFC0];
	_ =	sdelay $0x1  }
0x135: {  	v1 =	vadd.f32 v1, v58;
	_ =	sdelay $0x1  }
0x136: {  	v1 =	vmax.f32 v1, $0.0e+00  }
0x137: {  	v1 =	vmul.f32 v1, v3;
	_ =	sdelay $0x1  }
0x138: {  	v1 =	vadd.f32 v1, v2;
	_ =	sdelay $0x1  }
0x139: {  	v1 =	vmax.f32 v1, $0.0e+00  }
0x13a: {  	vm1 =	veq.s32 v34, $0x400;
	vm15 =	veq.s32 v38, v0;
	v59 =	vmul.f32 $1.442695020e+00, v1  }
0x13b: {  	vm1 =	vmxor vm1, vm15  }
0x13c: {  	v0 =	vnsel vm1, $0x0, v59  }
0x13d: {  	(erf) = vpow2.f32 v0;
	_ =	sdelay $0x8  }
0x13e: {  	v0 =	vpop (erf)  }
0x13f: {  	v60 =	vsub.f32 $0.0e+00, v0;
	_ =	sdelay $0x1  }
0x140: {  	[tilespmem:s24+$0x8D00] =	vst v0;
	v0 =	vsel vm15, v60, v0  }
0x141: {  	s8 =	smul.u32 $0x140, s31;
	[tilespmem:s24+$0x9700] =	vst v0  }
0x142: {  	[spmem:s5] =	stream.indirect.scatter.add.f32 [tilespmem:s17], [sflag:$0x1], $0x1, s0, s1, $0xb8;
	[tilespmem:$0x15F00] =	vst v63  }
0x143: {  	s8 =	sadd.s32 s11, s8  }
0x144: {  	[hbm4b:s8+s6] =	stream.linear.scatter [tilespmem:s18], [sflag:$0x3], $0xA00, $0x38;
	[tilespmem:$0x15F00] =	vst v63  }
0x145: {  	p1 =	sgt.u32 s20, $0x250;
	_ =	swait.ge [sflag:s28], $0xA00  }
.Ltmp6:
0x146: {  	[sflag:s28] =	ssyncset.done $0x0;
	(pc) =	sbr.rel @p1 .LBB2_8-.Ltmp6, $4  }
0x147: {  	v50 =	vmov v17;
	v49 =	vmov v15;
	v46 =	vmov v16;
	[sflag:s28] =	ssyncadd.s32 $0xFFFFF600  }
0x148: {  	v56 =	vmovc v29;
	v54 =	vmovc v25;
	v42 =	vmov v20;
	v53 =	vmov v22;
	v47 =	vmov v23;
	_ =	swait.ge [sflag:s16], $0xA00  }
0x149: {  	v29 =	vmovc v26;
	v52 =	vmovc v33;
	v33 =	vmov v31;
	v44 =	vmov v27;
	v57 =	vmov v11;
	[sflag:s16] =	ssyncset.done $0x0  }
0x14a: {  	v11 =	vmovc v28;
	v58 =	vmovc v14;
	v14 =	vmov v13;
	v15 =	vmov v7;
	v59 =	vmov v32;
	[sflag:s16] =	ssyncadd.s32 $0xFFFFF600  }
0x14b: {  	s8 =	smul.u32 $0xA00, s20;
	_ =	sdelay $0x1  }
0x14c: {  	s8 =	sshrl.u32 s8, $0x3  }
0x14d: {  	s8 =	sadd.s32 s7, s8  }
0x14e: {  	s9 =	sadd.s32 $0x2800, s8  }
0x14f: {  	[tilespmem:s0], [sflag:$0x3] =	stream.linear.gather [hbm4b:s9+s6], $0xA00, $0x38;
	[tilespmem:$0x15F00] =	vst v63  }
0x150: {  	_ =	swait.ge [sflag:s28], $0xA00  }
0x151: {  	[sflag:s28] =	ssyncset.done $0x0  }
0x152: {  	s8 =	sadd.s32 $0x33540, s8;
	[sflag:s28] =	ssyncadd.s32 $0xFFFFF600  }
0x153: {  	[tilespmem:s30], [sflag:$0x3] =	stream.linear.gather [hbm4b:s8+s6], $0xA00, $0x38;
	[tilespmem:$0x15F00] =	vst v63  }
0x154: {  	_ =	swait.ge [sflag:s28], $0xA00  }
0x155: {  	[sflag:s28] =	ssyncset.done $0x0  }
0x156: {  	s25 =	simm.s32 $0x5B00;
	[sflag:s28] =	ssyncadd.s32 $0xFFFFF600  }
0x157: {  	[tilespmem:s25], [sflag:$0x1] =	stream.indirect.gather [spmem:s2], $0x1, s0, s1, $0xb8;
	[tilespmem:$0x15F00] =	vst v63  }
0x158: {  	s31 =	simm.s32 $0x6500  }
0x159: {  	[tilespmem:s31], [sflag:$0x1] =	stream.indirect.gather [spmem:s3], $0x1, s0, s1, $0xb8;
	[tilespmem:$0x15F00] =	vst v63  }
0x15a: {  	_ = 	snop  }
0x15b: {  	[tilespmem:s10], [sflag:$0x1] =	stream.indirect.gather [spmem:s4], $0x1, s0, s1, $0xb8;
	[tilespmem:$0x15F00] =	vst v63  }
.Ltmp7:
0x15c: {  	_ = 	snop;
	(pc) =	sbr.rel .LBB2_9-.Ltmp7, $4  }
0x15d: {  	v7 =	vld [tilespmem:$0x1FF90]  }
0x15e: {  	v18 =	vmov v46;
	v9 =	vld [tilespmem:$0x1FFA0];
	[tilespmem:s13], [sflag:$0x1] =	stream.indirect.gather [spmem:s2], $0x1, s30, s1, $0xb8  }
0x15f: {  	v17 =	vmovc v50;
	v19 =	vmovc v48;
	v25 =	vmov v53;
	v26 =	vmov v39;
	v28 =	vmov v54;
	v10 =	vld [tilespmem:$0x1FFB0]  }
0x160: {  	v55 =	vmovc v42;
	v53 =	vmovc v44;
	v31 =	vmov v56;
	v56 =	vmov v47;
	v60 =	vmov v49;
	v13 =	vld [tilespmem:$0x1FFC0];
	[tilespmem:s14], [sflag:$0x1] =	stream.indirect.gather [spmem:s4], $0x1, s30, s1, $0xb8  }
.LBB2_8:
.Ltmp8:
0x161: {  	(pc) =	sbr.rel @p0 .LBB2_12-.Ltmp8, $4  }
0x162: {  	v7 =	vld [tilespmem:$0x1FF90]  }
0x163: {  	v18 =	vmov v46;
	v9 =	vld [tilespmem:$0x1FFA0]  }
0x164: {  	v17 =	vmovc v50;
	v19 =	vmovc v48;
	v25 =	vmov v53;
	v26 =	vmov v39;
	v28 =	vmov v54;
	v10 =	vld [tilespmem:$0x1FFB0]  }
0x165: {  	v55 =	vmovc v42;
	v53 =	vmovc v44;
	v31 =	vmov v56;
	v56 =	vmov v47;
	v60 =	vmov v49;
	v13 =	vld [tilespmem:$0x1FFC0]  }
.LBB2_9:
0x166: {  	_ =	swait.ge [sflag:s19], $0xA00  }
0x167: {  	[sflag:s19] =	ssyncset.done $0x0  }
0x168: {  	[sflag:s19] =	ssyncadd.s32 $0xFFFFF600  }
0x169: {  	_ =	swait.ge [sflag:s19], $0xA00  }
0x16a: {  	[sflag:s19] =	ssyncset.done $0x0  }
0x16b: {  	[sflag:s19] =	ssyncadd.s32 $0xFFFFF600  }
0x16c: {  	_ =	swait.ge [sflag:s19], $0xA00  }
0x16d: {  	[sflag:s19] =	ssyncset.done $0x0  }
0x16e: {  	[sflag:s19] =	ssyncadd.s32 $0xFFFFF600  }
0x16f: {  	_ =	swait.ge [sflag:s19], $0xA00  }
0x170: {  	[sflag:s19] =	ssyncset.done $0x0  }
0x171: {  	[sflag:s19] =	ssyncadd.s32 $0xFFFFF600  }
0x172: {  	_ =	swait.ge [sflag:s19], $0xA00  }
0x173: {  	[sflag:s19] =	ssyncset.done $0x0  }
0x174: {  	s15 =	simm.s32 $0x0;
	[sflag:s19] =	ssyncadd.s32 $0xFFFFF600  }
0x175: {  	v0 =	vld [tilespmem:s15+$0xC900]  }
0x176: {  	v1 =	vld [tilespmem:s15+$0xDD00];
	_ =	sdelay $0x3  }
0x177: {  	v2 =	vand.u32 $0x3FF, v0  }
0x178: {  	v1 =	vand.u32 $0x3FF, v1;
	v3 =	vshll.u32 v2, $0x3  }
0x179: {  	v4 =	vshll.u32 v1, $0x3  }
0x17a: {  	v34 =	vld [tilespmem:s15+$0xB500];
	v35 =	vor.u32 $0x2, v4  }
0x17b: {  	v36 =	vld [tilespmem:s15+$0xD300];
	v37 =	vor.u32 $0x1, v4  }
0x17c: {  	v38 =	vld [tilespmem:s15+$0xBF00];
	v39 =	vor.u32 $0x1, v3  }
0x17d: {  	v40 =	vor.u32 $0x2, v3;
	v41 =	vld.idx.msk [tilespmem:v3+s6+$0x0], $0xffff  }
0x17e: {  	v45 =	vor.u32 $0x4, v3;
	v43 =	vld.idx.msk [tilespmem:v4+s29+$0x0], $0xffff  }
0x17f: {  	v46 =	vor.u32 $0x4, v4;
	v35 =	vld.idx.msk [tilespmem:v35+s29+$0x0], $0xffff  }
0x180: {  	v37 =	vld.idx.msk [tilespmem:v37+s29+$0x0], $0xffff  }
0x181: {  	v42 =	vor.u32 $0x3, v4;
	v39 =	vld.idx.msk [tilespmem:v39+s6+$0x0], $0xffff  }
0x182: {  	v44 =	vor.u32 $0x3, v3;
	v40 =	vld.idx.msk [tilespmem:v40+s6+$0x0], $0xffff  }
0x183: {  	v45 =	vld.idx.msk [tilespmem:v45+s6+$0x0], $0xffff  }
0x184: {  	v46 =	vld.idx.msk [tilespmem:v46+s29+$0x0], $0xffff  }
0x185: {  	v47 =	vmul.f32 v34, v63;
	v48 =	vmul.f32 v36, v59  }
0x186: {  	v54 =	vmul.f32 v34, v61;
	v32 =	vmul.f32 v34, v14;
	v42 =	vld.idx.msk [tilespmem:v42+s29+$0x0], $0xffff  }
0x187: {  	v49 =	vmul.f32 v38, v8;
	v50 =	vmul.f32 v36, v11;
	v41 =	vadd.f32 v43, v41;
	v43 =	vld.idx.msk [tilespmem:v44+s6+$0x0], $0xffff  }
0x188: {  	v44 =	vor.u32 $0x5, v3;
	v37 =	vadd.f32 v37, v39;
	v35 =	vadd.f32 v35, v40  }
0x189: {  	v45 =	vadd.f32 v46, v45;
	v46 =	vmul.f32 v38, v33;
	v41 =	vadd.f32 v41, v47  }
0x18a: {  	v47 =	vor.u32 $0x5, v4;
	v37 =	vadd.f32 v37, v54;
	v35 =	vadd.f32 v35, v32  }
0x18b: {  	v54 =	vmul.f32 v34, v17;
	v32 =	vmul.f32 v38, v12;
	v41 =	vadd.f32 v41, v48  }
0x18c: {  	v48 =	vor.u32 $0x6, v4;
	v4 =	vor.u32 $0x7, v4;
	v42 =	vadd.f32 v42, v43  }
0x18d: {  	v43 =	vor.u32 $0x6, v3;
	v3 =	vor.u32 $0x7, v3;
	v37 =	vadd.f32 v37, v50  }
0x18e: {  	v50 =	vmul.f32 v34, v24;
	v39 =	vadd.f32 v41, v49;
	v49 =	vmul.f32 v36, v7  }
0x18f: {  	v44 =	vld.idx.msk [tilespmem:v44+s6+$0x0], $0xffff;
	v41 =	vadd.f32 v42, v54;
	v37 =	vadd.f32 v37, v32;
	v54 =	vmul.f32 v36, v21  }
0x190: {  	v47 =	vld.idx.msk [tilespmem:v47+s29+$0x0], $0xffff;
	v32 =	vmul.f32 v38, v60;
	v45 =	vadd.f32 v45, v50;
	v50 =	vmul.f32 v34, v28  }
0x191: {  	v35 =	vadd.f32 v35, v49;
	v49 =	vmul.f32 v38, v19;
	v40 =	vadd.f32 v41, v54;
	v41 =	vld.idx.msk [tilespmem:v48+s29+$0x0], $0xffff  }
0x192: {  	v39 =	vmax.f32 v39, $0.0e+00;
	v48 =	vmul.f32 v36, v25;
	v4 =	vld.idx.msk [tilespmem:v4+s29+$0x0], $0xffff;
	v37 =	vmax.f32 v37, $0.0e+00  }
0x193: {  	v39 =	vmul.f32 v39, v57;
	v35 =	vadd.f32 v35, v32;
	v43 =	vld.idx.msk [tilespmem:v43+s6+$0x0], $0xffff;
	v37 =	vmul.f32 v37, v58  }
0x194: {  	v3 =	vld.idx.msk [tilespmem:v3+s6+$0x0], $0xffff;
	v40 =	vadd.f32 v40, v49;
	v54 =	vadd.f32 v45, v48;
	v45 =	vmul.f32 v34, v31  }
0x195: {  	v48 =	vmul.f32 v38, v56;
	v39 =	vadd.f32 v39, v62;
	v49 =	vmul.f32 v36, v29  }
0x196: {  	v62 =	vmul.f32 v38, v53;
	v34 =	vmul.f32 v34, v52;
	v44 =	vadd.f32 v47, v44  }
0x197: {  	v35 =	vmax.f32 v35, $0.0e+00;
	v47 =	vmul.f32 v36, v9;
	v37 =	vadd.f32 v37, v39  }
0x198: {  	v35 =	vmul.f32 v35, v18;
	v44 =	vadd.f32 v44, v50;
	v41 =	vadd.f32 v41, v43  }
0x199: {  	v40 =	vmax.f32 v40, $0.0e+00;
	v50 =	vadd.f32 v54, v48;
	v3 =	vadd.f32 v4, v3  }
0x19a: {  	v54 =	vadd.f32 v44, v49;
	v44 =	vmul.f32 v36, v51;
	v41 =	vadd.f32 v41, v45  }
0x19b: {  	v40 =	vmul.f32 v40, v55;
	v4 =	vadd.f32 v35, v37;
	v3 =	vadd.f32 v3, v34  }
0x19c: {  	v48 =	vmax.f32 v50, $0.0e+00;
	v45 =	vadd.f32 v54, v62;
	v35 =	vadd.f32 v41, v44  }
0x19d: {  	v49 =	vmul.f32 v38, v10;
	v4 =	vadd.f32 v40, v4;
	v36 =	vmul.f32 v48, v26  }
0x19e: {  	v3 =	vadd.f32 v3, v47;
	v37 =	vmax.f32 v45, $0.0e+00;
	v35 =	vadd.f32 v35, v46  }
0x19f: {  	v4 =	vadd.f32 v36, v4;
	v50 =	vmul.f32 v37, v30  }
0x1a0: {  	v3 =	vadd.f32 v3, v49;
	v54 =	vmax.f32 v35, $0.0e+00  }
0x1a1: {  	v4 =	vadd.f32 v50, v4;
	v34 =	vmul.f32 v54, v15  }
0x1a2: {  	v3 =	vmax.f32 v3, $0.0e+00  }
0x1a3: {  	v3 =	vmul.f32 v3, v13;
	v4 =	vadd.f32 v34, v4;
	_ =	sdelay $0x1  }
0x1a4: {  	s24 =	simm.s32 $0x10;
	v3 =	vadd.f32 v3, v4  }
0x1a5: {  	v4 =	vld [tilespmem:s24+$0xC900]  }
0x1a6: {  	v0 =	vand.u32 $0xFFFFFC00, v0;
	v3 =	vmax.f32 v3, $0.0e+00  }
0x1a7: {  	vm0 =	veq.s32 v2, v1;
	vm1 =	veq.s32 v0, $0x400;
	v39 =	vld [tilespmem:s24+$0xDD00];
	v62 =	vmul.f32 $1.442695020e+00, v3  }
0x1a8: {  	vm1 =	vmxor vm1, vm0;
	v36 =	vld [tilespmem:s24+$0xD300]  }
0x1a9: {  	v22 =	vmov v19;
	v37 =	vld [tilespmem:s24+$0xB500];
	v0 =	vnsel vm1, $0x0, v62  }
0x1aa: {  	s25 =	simm.s32 $0x80;
	v20 =	vmovc v17;
	v32 =	vmovc v31;
	v35 =	vld [tilespmem:s24+$0xBF00];
	v38 =	vand.u32 $0x3FF, v4;
	v34 =	vand.u32 $0xFFFFFC00, v4;
	(erf) = vpow2.f32 v0  }
.LBB2_10:
0x1ab: {  	_ =	sdelay $0x7  }
0x1ac: {  	v1 =	vshll.u32 v38, $0x3;
	v0 =	vand.u32 $0x3FF, v39;
	v2 =	vpop (erf)  }
0x1ad: {  	v3 =	vshll.u32 v0, $0x3;
	v54 =	vsub.f32 $0.0e+00, v2;
	_ =	sdelay $0x1  }
0x1ae: {  	[tilespmem:s15+$0xE700] =	vst v2;
	v2 =	vsel vm0, v54, v2  }
0x1af: {  	v41 =	vor.u32 $0x2, v3;
	[tilespmem:s15+$0xF100] =	vst v2  }
0x1b0: {  	v40 =	vor.u32 $0x1, v3;
	v49 =	vld.idx.msk [tilespmem:v1+s6+$0x0], $0xffff  }
0x1b1: {  	v4 =	vor.u32 $0x1, v1;
	vm0 =	veq.s32 v38, v0;
	v38 =	vld.idx.msk [tilespmem:v3+s29+$0x0], $0xffff  }
0x1b2: {  	v62 =	vor.u32 $0x2, v1  }
0x1b3: {  	v44 =	vor.u32 $0x3, v3  }
0x1b4: {  	v42 =	vor.u32 $0x5, v1;
	v43 =	vor.u32 $0x3, v1;
	v50 =	vmul.f32 v35, v10;
	v0 =	vld.idx.msk [tilespmem:v41+s29+$0x0], $0xffff  }
0x1b5: {  	v7 =	vmovc v59;
	v59 =	vmul.f32 v36, v59;
	v45 =	vor.u32 $0x5, v3;
	v41 =	vmul.f32 v36, v9;
	v40 =	vld.idx.msk [tilespmem:v40+s29+$0x0], $0xffff  }
0x1b6: {  	v47 =	vor.u32 $0x7, v1;
	v4 =	vld.idx.msk [tilespmem:v4+s6+$0x0], $0xffff;
	v9 =	vmovc v57;
	v57 =	vmul.f32 v37, v63;
	v38 =	vadd.f32 v38, v49  }
0x1b7: {  	v46 =	vor.u32 $0x6, v3;
	v2 =	vor.u32 $0x6, v1;
	v1 =	vor.u32 $0x4, v1;
	v39 =	vld.idx.msk [tilespmem:v62+s6+$0x0], $0xffff  }
0x1b8: {  	v48 =	vor.u32 $0x7, v3;
	v3 =	vor.u32 $0x4, v3;
	v44 =	vld.idx.msk [tilespmem:v44+s29+$0x0], $0xffff;
	v38 =	vadd.f32 v38, v57  }
0x1b9: {  	v23 =	vmovc v55;
	v27 =	vmov v26;
	v16 =	vmul.f32 v36, v51;
	v17 =	vmul.f32 v37, v52;
	v43 =	vld.idx.msk [tilespmem:v43+s6+$0x0], $0xffff  }
0x1ba: {  	v31 =	vmul.f32 v35, v53;
	v45 =	vld.idx.msk [tilespmem:v45+s29+$0x0], $0xffff;
	v38 =	vadd.f32 v38, v59;
	v59 =	vmul.f32 v35, v8  }
0x1bb: {  	v26 =	vmovc v56;
	v13 =	vmov v58;
	v55 =	vmul.f32 v35, v56;
	v56 =	vmul.f32 v36, v29;
	v42 =	vld.idx.msk [tilespmem:v42+s6+$0x0], $0xffff  }
0x1bc: {  	v19 =	vmovc v18;
	v18 =	vmov v60;
	v58 =	vmul.f32 v35, v60;
	v60 =	vmul.f32 v37, v28;
	v1 =	vld.idx.msk [tilespmem:v1+s6+$0x0], $0xffff  }
0x1bd: {  	v54 =	vmul.f32 v37, v32;
	v62 =	vmul.f32 v36, v11;
	v3 =	vld.idx.msk [tilespmem:v3+s29+$0x0], $0xffff  }
0x1be: {  	v49 =	vmul.f32 v37, v61;
	v4 =	vadd.f32 v40, v4;
	v38 =	vadd.f32 v38, v59;
	v59 =	vmovc v7;
	v7 =	vld [tilespmem:$0x1FF90]  }
0x1bf: {  	v10 =	vmovc v61;
	v63 =	vmul.f32 v35, v22;
	v40 =	vmul.f32 v37, v14;
	v0 =	vadd.f32 v0, v39  }
0x1c0: {  	v2 =	vld.idx.msk [tilespmem:v2+s6+$0x0], $0xffff;
	v61 =	vmul.f32 v36, v25;
	v39 =	vmul.f32 v37, v24;
	v4 =	vadd.f32 v4, v49  }
0x1c1: {  	v57 =	vmul.f32 v35, v12;
	v0 =	vadd.f32 v0, v40;
	v40 =	vadd.f32 v44, v43;
	v44 =	vld.idx.msk [tilespmem:v46+s29+$0x0], $0xffff  }
0x1c2: {  	v45 =	vadd.f32 v45, v42;
	v49 =	vmul.f32 v37, v20;
	v4 =	vadd.f32 v4, v62  }
0x1c3: {  	v46 =	vmul.f32 v36, v21;
	v1 =	vadd.f32 v3, v1;
	v62 =	vmul.f32 v36, v7  }
0x1c4: {  	v37 =	vadd.f32 v40, v49;
	v49 =	vld.idx.msk [tilespmem:v47+s6+$0x0], $0xffff;
	v47 =	vmul.f32 v35, v33;
	v4 =	vadd.f32 v4, v57  }
0x1c5: {  	v57 =	vmovc v9;
	v1 =	vadd.f32 v1, v39;
	v3 =	vmax.f32 v38, $0.0e+00;
	v0 =	vadd.f32 v0, v62  }
0x1c6: {  	v43 =	vld.idx.msk [tilespmem:v48+s29+$0x0], $0xffff;
	v39 =	vadd.f32 v45, v60;
	v2 =	vadd.f32 v44, v2;
	v3 =	vmul.f32 v3, v57  }
0x1c7: {  	v4 =	vmax.f32 v4, $0.0e+00;
	v36 =	vadd.f32 v37, v46;
	v0 =	vadd.f32 v0, v58;
	v58 =	vmovc v13  }
0x1c8: {  	v1 =	vadd.f32 v1, v61;
	v3 =	vadd.f32 v3, v5;
	v4 =	vmul.f32 v4, v58  }
0x1c9: {  	v2 =	vadd.f32 v2, v54;
	v36 =	vadd.f32 v36, v63;
	v0 =	vmax.f32 v0, $0.0e+00  }
0x1ca: {  	v1 =	vadd.f32 v1, v55;
	v3 =	vadd.f32 v4, v3;
	v0 =	vmul.f32 v0, v19  }
0x1cb: {  	v46 =	vadd.f32 v39, v56;
	v37 =	vadd.f32 v43, v49;
	v4 =	vmax.f32 v36, $0.0e+00  }
0x1cc: {  	v2 =	vadd.f32 v2, v16;
	v4 =	vmul.f32 v4, v23;
	v0 =	vadd.f32 v0, v3  }
0x1cd: {  	v1 =	vmax.f32 v1, $0.0e+00;
	v48 =	vadd.f32 v37, v17;
	v3 =	vadd.f32 v46, v31  }
0x1ce: {  	v1 =	vmul.f32 v1, v27;
	v0 =	vadd.f32 v4, v0  }
0x1cf: {  	v2 =	vadd.f32 v2, v47;
	v13 =	vld [tilespmem:$0x1FFC0];
	v3 =	vmax.f32 v3, $0.0e+00;
	v4 =	vadd.f32 v48, v41  }
0x1d0: {  	v3 =	vmul.f32 v3, v30;
	v0 =	vadd.f32 v1, v0  }
0x1d1: {  	v49 =	vmax.f32 v2, $0.0e+00;
	v50 =	vadd.f32 v4, v50  }
0x1d2: {  	v1 =	vmul.f32 v49, v15;
	v0 =	vadd.f32 v3, v0  }
0x1d3: {  	v2 =	vmax.f32 v50, $0.0e+00  }
0x1d4: {  	s8 =	smov.u32 s25;
	v54 =	vmul.f32 v2, v13;
	v0 =	vadd.f32 v1, v0  }
0x1d5: {  	s15 =	smov.u32 s24;
	s24 =	sshra.s32 s8, $0x2  }
0x1d6: {  	v35 =	vld [tilespmem:s24+$0xBF00];
	v0 =	vadd.f32 v54, v0  }
0x1d7: {  	p0 =	sne.s32 s25, $0x27C0;
	v62 =	vld [tilespmem:s24+$0xC900]  }
.Ltmp9:
0x1d8: {  	v9 =	vld [tilespmem:$0x1FFA0];
	v0 =	vmax.f32 v0, $0.0e+00;
	(pc) =	sbr.rel @p0 .LBB2_10-.Ltmp9, $4  }
0x1d9: {  	vm1 =	veq.s32 v34, $0x400;
	v61 =	vmov v10;
	v10 =	vld [tilespmem:$0x1FFB0];
	v0 =	vmul.f32 $1.442695020e+00, v0  }
0x1da: {  	vm1 =	vmxor vm1, vm0;
	v39 =	vld [tilespmem:s24+$0xDD00]  }
0x1db: {  	v60 =	vmovc v18;
	v18 =	vmovc v19;
	v55 =	vmov v23;
	v56 =	vmov v26;
	v37 =	vld [tilespmem:s24+$0xB500];
	v0 =	vnsel vm1, $0x0, v0  }
0x1dc: {  	s25 =	sadd.s32 $0x40, s25;
	v26 =	vmovc v27;
	v63 =	vmovc v6;
	v36 =	vld [tilespmem:s24+$0xD300];
	v38 =	vand.u32 $0x3FF, v62;
	v34 =	vand.u32 $0xFFFFFC00, v62;
	(erf) = vpow2.f32 v0  }
0x1dd: {  	_ =	sdelay $0x7  }
0x1de: {  	v1 =	vshll.u32 v38, $0x3;
	v0 =	vand.u32 $0x3FF, v39;
	v2 =	vpop (erf)  }
0x1df: {  	v3 =	vshll.u32 v0, $0x3;
	v4 =	vsub.f32 $0.0e+00, v2  }
0x1e0: {  	v49 =	vor.u32 $0x2, v3  }
0x1e1: {  	v40 =	vor.u32 $0x1, v3;
	[tilespmem:s15+$0xE700] =	vst v2;
	v2 =	vsel vm0, v4, v2  }
0x1e2: {  	v50 =	vor.u32 $0x2, v1;
	[tilespmem:s15+$0xF100] =	vst v2  }
0x1e3: {  	v45 =	vor.u32 $0x4, v1;
	v41 =	vld.idx.msk [tilespmem:v1+s6+$0x0], $0xffff  }
0x1e4: {  	v46 =	vor.u32 $0x4, v3;
	v43 =	vld.idx.msk [tilespmem:v3+s29+$0x0], $0xffff  }
0x1e5: {  	v4 =	vor.u32 $0x1, v1;
	v39 =	vld.idx.msk [tilespmem:v49+s29+$0x0], $0xffff  }
0x1e6: {  	v40 =	vld.idx.msk [tilespmem:v40+s29+$0x0], $0xffff  }
0x1e7: {  	v42 =	vor.u32 $0x3, v3;
	v2 =	vld.idx.msk [tilespmem:v50+s6+$0x0], $0xffff  }
0x1e8: {  	v44 =	vor.u32 $0x3, v1;
	v45 =	vld.idx.msk [tilespmem:v45+s6+$0x0], $0xffff  }
0x1e9: {  	v46 =	vld.idx.msk [tilespmem:v46+s29+$0x0], $0xffff  }
0x1ea: {  	v4 =	vld.idx.msk [tilespmem:v4+s6+$0x0], $0xffff  }
0x1eb: {  	v47 =	vmul.f32 v37, v63;
	v54 =	vmul.f32 v37, v14  }
0x1ec: {  	v48 =	vmul.f32 v36, v59;
	v42 =	vld.idx.msk [tilespmem:v42+s29+$0x0], $0xffff;
	v49 =	vmul.f32 v35, v8  }
0x1ed: {  	v50 =	vmul.f32 v36, v11;
	v41 =	vadd.f32 v43, v41;
	v43 =	vld.idx.msk [tilespmem:v44+s6+$0x0], $0xffff;
	v44 =	vor.u32 $0x5, v1  }
0x1ee: {  	v2 =	vadd.f32 v39, v2;
	v45 =	vadd.f32 v46, v45;
	v46 =	vmul.f32 v35, v33  }
0x1ef: {  	v41 =	vadd.f32 v41, v47;
	v4 =	vadd.f32 v40, v4;
	v40 =	vmul.f32 v37, v61  }
0x1f0: {  	v47 =	vor.u32 $0x5, v3;
	v2 =	vadd.f32 v2, v54;
	v54 =	vmul.f32 v37, v20  }
0x1f1: {  	v41 =	vadd.f32 v41, v48;
	v48 =	vor.u32 $0x6, v3;
	v4 =	vadd.f32 v4, v40  }
0x1f2: {  	v3 =	vor.u32 $0x7, v3;
	v42 =	vadd.f32 v42, v43;
	v43 =	vor.u32 $0x6, v1  }
0x1f3: {  	v40 =	vadd.f32 v41, v49;
	v49 =	vmul.f32 v35, v12;
	v4 =	vadd.f32 v4, v50  }
0x1f4: {  	v1 =	vor.u32 $0x7, v1;
	v44 =	vld.idx.msk [tilespmem:v44+s6+$0x0], $0xffff;
	v41 =	vadd.f32 v42, v54;
	v50 =	vmul.f32 v36, v7  }
0x1f5: {  	v47 =	vld.idx.msk [tilespmem:v47+s29+$0x0], $0xffff;
	v54 =	vmul.f32 v37, v24;
	v40 =	vmax.f32 v40, $0.0e+00;
	v4 =	vadd.f32 v4, v49  }
0x1f6: {  	v49 =	vmul.f32 v36, v21;
	v2 =	vadd.f32 v2, v50;
	v50 =	vmul.f32 v35, v60  }
0x1f7: {  	v45 =	vadd.f32 v45, v54;
	v54 =	vmul.f32 v36, v25;
	v40 =	vmul.f32 v40, v57;
	v3 =	vld.idx.msk [tilespmem:v3+s29+$0x0], $0xffff  }
0x1f8: {  	v39 =	vadd.f32 v41, v49;
	v41 =	vld.idx.msk [tilespmem:v48+s29+$0x0], $0xffff;
	v2 =	vadd.f32 v2, v50;
	v48 =	vmul.f32 v35, v22  }
0x1f9: {  	v43 =	vld.idx.msk [tilespmem:v43+s6+$0x0], $0xffff;
	v49 =	vmul.f32 v37, v28;
	v50 =	vadd.f32 v45, v54;
	v45 =	vmul.f32 v37, v32  }
0x1fa: {  	v1 =	vld.idx.msk [tilespmem:v1+s6+$0x0], $0xffff;
	v4 =	vmax.f32 v4, $0.0e+00;
	v54 =	vmul.f32 v35, v56;
	v44 =	vadd.f32 v47, v44  }
0x1fb: {  	v40 =	vadd.f32 v40, v5;
	v4 =	vmul.f32 v4, v58;
	v47 =	vmul.f32 v36, v9  }
0x1fc: {  	v39 =	vadd.f32 v39, v48;
	v48 =	vmul.f32 v36, v29;
	v44 =	vadd.f32 v44, v49  }
0x1fd: {  	v2 =	vmax.f32 v2, $0.0e+00;
	v4 =	vadd.f32 v4, v40;
	v49 =	vadd.f32 v50, v54  }
0x1fe: {  	v2 =	vmul.f32 v2, v18;
	v54 =	vmul.f32 v35, v53;
	v41 =	vadd.f32 v41, v43  }
0x1ff: {  	v1 =	vadd.f32 v3, v1;
	v39 =	vmax.f32 v39, $0.0e+00;
	v50 =	vadd.f32 v44, v48  }
0x200: {  	v44 =	vmul.f32 v36, v51;
	v41 =	vadd.f32 v41, v45;
	v45 =	vmul.f32 v37, v52  }
0x201: {  	v2 =	vadd.f32 v2, v4;
	v39 =	vmul.f32 v39, v55;
	v4 =	vadd.f32 v50, v54  }
0x202: {  	v48 =	vmax.f32 v49, $0.0e+00;
	v3 =	vadd.f32 v41, v44;
	v1 =	vadd.f32 v1, v45  }
0x203: {  	v49 =	vmul.f32 v35, v10;
	v2 =	vadd.f32 v39, v2;
	v37 =	vmul.f32 v48, v26  }
0x204: {  	v4 =	vmax.f32 v4, $0.0e+00;
	v3 =	vadd.f32 v3, v46;
	v1 =	vadd.f32 v1, v47  }
0x205: {  	v2 =	vadd.f32 v37, v2;
	v4 =	vmul.f32 v4, v30  }
0x206: {  	v1 =	vadd.f32 v1, v49;
	v3 =	vmax.f32 v3, $0.0e+00  }
0x207: {  	v2 =	vadd.f32 v4, v2;
	v3 =	vmul.f32 v3, v15  }
0x208: {  	v1 =	vmax.f32 v1, $0.0e+00  }
0x209: {  	v2 =	vadd.f32 v3, v2;
	v1 =	vmul.f32 v1, v13;
	_ =	sdelay $0x1  }
0x20a: {  	v1 =	vadd.f32 v1, v2;
	_ =	sdelay $0x1  }
0x20b: {  	v1 =	vmax.f32 v1, $0.0e+00  }
0x20c: {  	vm1 =	veq.s32 v34, $0x400;
	vm15 =	veq.s32 v38, v0;
	v50 =	vmul.f32 $1.442695020e+00, v1  }
0x20d: {  	vm1 =	vmxor vm1, vm15  }
0x20e: {  	v0 =	vnsel vm1, $0x0, v50  }
0x20f: {  	(erf) = vpow2.f32 v0;
	_ =	sdelay $0x8  }
0x210: {  	v0 =	vpop (erf)  }
0x211: {  	v54 =	vsub.f32 $0.0e+00, v0;
	_ =	sdelay $0x1  }
0x212: {  	[tilespmem:s24+$0xE700] =	vst v0;
	v0 =	vsel vm15, v54, v0  }
0x213: {  	s8 =	smul.u32 $0x140, s20;
	[tilespmem:s24+$0xF100] =	vst v0  }
0x214: {  	[spmem:s5] =	stream.indirect.scatter.add.f32 [tilespmem:s22], [sflag:$0x2], $0x1, s21, s1, $0xb8;
	[tilespmem:$0x15F00] =	vst v63  }
0x215: {  	s8 =	sadd.s32 s11, s8  }
0x216: {  	[hbm4b:s8+s6] =	stream.linear.scatter [tilespmem:s23], [sflag:$0x3], $0xA00, $0x38;
	[tilespmem:$0x15F00] =	vst v63  }
0x217: {  	_ =	swait.ge [sflag:s28], $0xA00  }
.Ltmp10:
0x218: {  	[sflag:s28] =	ssyncset.done $0x0;
	(pc) =	sbr.rel .LBB2_12-.Ltmp10, $4  }
0x219: {  	[sflag:s28] =	ssyncadd.s32 $0xFFFFF600  }
0x21a: {  	_ =	swait.ge [sflag:s19], $0xA00  }
0x21b: {  	[sflag:s19] =	ssyncset.done $0x0  }
0x21c: {  	v62 =	vmovc v5;
	v17 =	vmov v20;
	v19 =	vmov v22;
	v31 =	vmov v32;
	[sflag:s19] =	ssyncadd.s32 $0xFFFFF600  }
.LBB2_14:
0x21d: {  	_ =	sfence.sel $0x180000  }
0x21e: {  	[bflag:$0x0] =	sbarrier.arrive $0xFFFF  }
0x21f: {  	_ =	strace $0x9000004A  }
0x220: {  	s0 =	stileid.u32;
	[bflag:$0x2] =	sbarrier.arrive $0xFFFF  }
0x221: {  	p0 =	sne.s32 s0, $0x0;
	s0 =	rddreg [dreg:$0x5]  }
0x222: {  	s0 =	sadd.s32 @!p0 $0x100000, s0  }
0x223: {  	[sflag:s0] =	ssyncadd.tile.s32 @!p0 $0x1;
	_ =	shalt  }
.Lfunc_end2:
_tile_overlayer_lowered:
.L_overlay_start_2:
0x224: {  	(tag) =	ssettag $0x2  }
0x225: {  	s0 =	rddreg [dreg:$0x0];
	s2 =	stileid.u32  }
0x226: {  	s1 =	rddreg [dreg:$0x1];
	p0 =	sne.s32 s2, $0x0  }
0x227: {  	s3 =	rddreg [dreg:$0x2];
	[bflag:$0x3] =	sbarrier.arrive $0xFFFF;
	s2 =	simm.s32 @!p0 $0x1C03  }
0x228: {  	[timem:s3], [sflag:s2] =	dma.local @!p0 [hbm:s0], s1  }
0x229: {  	s0 =	simm.s32 @!p0 $0x3  }
0x22a: {  	_ =	swait.ge @!p0 [sflag:s0], s1  }
0x22b: {  	s1 =	ssub.s32 @!p0 $0x0, s1;
	[sflag:s0] =	ssyncset.done @!p0 $0x0  }
0x22c: {  	[sflag:s0] =	ssyncadd.s32 @!p0 s1  }
0x22d: {  	[bflag:$0x3] =	sbarrier.arrive $0xFFFF  }
0x22e: {  	_ =	shalt  }

// kernel: kernel.13.cloned.1.call-start
scs
__scs_entry_jumppad:
0x0: {  	(pc) =	sbr.rel $0x88, $3  }
0x1: {  	(tag) =	ssettag $0x0;
	lr =	simm.s32 $0x1  }
0x2: {  	[smem:$0x3F93] =	sst lr;
	_ =	strace $0xD0000000  }
0x3: {  	_ = 	snop  }
0x4: {  	_ = 	snop  }
0x5: {  	_ = 	snop  }
0x6: {  	_ = 	snop  }
0x7: {  	_ = 	snop  }
__scs_overlays_trampoline_lowered:
0x8: {  	[smem:$0x3FA2] =	sst s0  }
0x9: {  	[smem:$0x3FA3] =	sst s1  }
0xa: {  	[smem:$0x3FA4] =	sst s2  }
0xb: {  	[smem:$0x3FA5] =	sst s3  }
0xc: {  	[smem:$0x3FA6] =	sst s4  }
0xd: {  	[smem:$0x3FA7] =	sst s5  }
0xe: {  	[smem:$0x3FA8] =	sst s6  }
0xf: {  	[smem:$0x3FA9] =	sst s7  }
0x10: {  	[smem:$0x3FAA] =	sst s8  }
0x11: {  	[smem:$0x3FAB] =	sst s9;
	s0 =	simm.s32 @!p0 $0x0  }
0x12: {  	s1 =	sld [smem:$0x3F91];
	s0 =	simm.s32 @p0 $0x1  }
0x13: {  	[smem:$0x3FAC] =	sst s0;
	s0 =	simm.s32 @!p1 $0x0  }
0x14: {  	s2 =	sld [smem:$0x3F90];
	s0 =	simm.s32 @p1 $0x1  }
0x15: {  	[smem:$0x3FAD] =	sst s0;
	s0 =	simm.s32 @!p2 $0x0  }
0x16: {  	s3 =	sld [smem:$0x3FDB];
	s0 =	simm.s32 @p2 $0x1  }
0x17: {  	s4 =	simm.s32 $0x1BF5;
	[smem:$0x3FAF] =	sst s0  }
0x18: {  	s0 =	sld [smem:$0x3F92];
	_ =	swait.ge [sflag:s4], $0x0  }
0x19: {  	s7 =	sld [smem:$0x3F93]  }
0x1a: {  	s8 =	sadd.s32 $0xFFFFE003, lr  }
0x1b: {  	s9 =	sadd.s32 $0xFFFFFEF7, lr;
	s5 =	simm.s32 $0xFFFFFFFF;
	p2 =	slt.u32 s8, $0xFFFFF086  }
0x1c: {  	p1 =	slt.u32 s9, $0xF7A;
	s5 =	simm.s32 @!p2 $0x0  }
0x1d: {  	s5 =	simm.s32 @p1 $0x1;
	p0 =	seq.s32 s7, s2  }
0x1e: {  	s7 =	smul.u32 @!p0 $0xF7A, s2;
	p2 =	seq.s32 @!p0 s5, $0x0  }
0x1f: {  	s9 =	smul.u32 $0xF7A, s1;
	s8 =	simm.s32 @!p0 $0x1BF5;
	p2 =	por !p2, p0  }
0x20: {  	[sflag:s8] =	ssyncset.s32 @!p0 $0xFFFFF086;
	s6 =	sadd.s32 @!p0 s3, s7;
	s7 =	simm.s32 @!p0 $0x108  }
0x21: {  	s3 =	sadd.s32 s3, s9;
	s6 =	sadd.s32 @!p0 $0x88, s6;
	s7 =	simm.s32 @p2 $0x1082  }
0x22: {  	[simem:s7], [sflag:s8] =	dma.local @!p0 [hbm:s6], $0xF7A  }
0x23: {  	s9 =	sor.u32 $0xD0000000, s2;
	s6 =	simm.s32 $0x108;
	_ =	swait.ge @!p0 [sflag:s8], $0x0  }
0x24: {  	s3 =	sadd.s32 $0x88, s3;
	s6 =	simm.s32 @!p1 $0x1082;
	[sflag:s4] =	ssyncset.s32 $0xFFFFF086  }
0x25: {  	[simem:s6], [sflag:s4] =	dma.local [hbm:s3], $0xF7A  }
0x26: {  	[smem:$0x3F93] =	sst s1;
	(tag) =	ssettag s2;
	_ =	strace s9  }
0x27: {  	s1 =	sld [smem:$0x3FA3]  }
0x28: {  	s2 =	sld [smem:$0x3FA4]  }
0x29: {  	s4 =	sld [smem:$0x3FA6]  }
0x2a: {  	p0 =	seq.s32 s5, $0x0;
	s5 =	sld [smem:$0x3FA7]  }
0x2b: {  	s6 =	sld [smem:$0x3FA8]  }
0x2c: {  	s7 =	sld [smem:$0x3FA9]  }
0x2d: {  	s3 =	simm.s32 $0x108;
	s8 =	sld [smem:$0x3FAA]  }
0x2e: {  	s3 =	simm.s32 @!p0 $0x1082;
	s9 =	sld [smem:$0x3FAB]  }
0x2f: {  	lr =	sadd.s32 s0, s3;
	s0 =	sld [smem:$0x3FA2]  }
0x30: {  	s3 =	sld [smem:$0x3FA5]  }
0x31: {  	[smem:$0x3FAE] =	sst s10  }
0x32: {  	s10 =	sld [smem:$0x3FAC];
	_ =	sdelay $0x3  }
0x33: {  	p0 =	seq.s32 s10, $0x1;
	s10 =	sld [smem:$0x3FAE];
	_ =	sdelay $0x3  }
0x34: {  	[smem:$0x3FAE] =	sst s10  }
0x35: {  	s10 =	sld [smem:$0x3FAD];
	_ =	sdelay $0x3  }
0x36: {  	p1 =	seq.s32 s10, $0x1;
	s10 =	sld [smem:$0x3FAE];
	_ =	sdelay $0x3  }
0x37: {  	[smem:$0x3FAE] =	sst s10  }
0x38: {  	s10 =	sld [smem:$0x3FAF]  }
0x39: {  	_ = 	snop;
	(pc) =	sbr.ind lr, $3  }
0x3a: {  	_ = 	snop  }
0x3b: {  	_ = 	snop  }
0x3c: {  	p2 =	seq.s32 s10, $0x1;
	s10 =	sld [smem:$0x3FAE]  }
0x3d: {  	_ =	shalt  }
0x3e: {  	_ =	shalt  }
0x3f: {  	_ =	shalt  }
0x40: {  	_ =	shalt  }
0x41: {  	_ =	shalt  }
0x42: {  	_ =	shalt  }
0x43: {  	_ =	shalt  }
0x44: {  	_ =	shalt  }
0x45: {  	_ =	shalt  }
0x46: {  	_ =	shalt  }
0x47: {  	_ =	shalt  }
0x48: {  	_ =	shalt  }
0x49: {  	_ =	shalt  }
0x4a: {  	_ =	shalt  }
0x4b: {  	_ =	shalt  }
0x4c: {  	_ =	shalt  }
0x4d: {  	_ =	shalt  }
0x4e: {  	_ =	shalt  }
0x4f: {  	_ =	shalt  }
0x50: {  	_ =	shalt  }
0x51: {  	_ =	shalt  }
0x52: {  	_ =	shalt  }
0x53: {  	_ =	shalt  }
0x54: {  	_ =	shalt  }
0x55: {  	_ =	shalt  }
0x56: {  	_ =	shalt  }
0x57: {  	_ =	shalt  }
0x58: {  	_ =	shalt  }
0x59: {  	_ =	shalt  }
0x5a: {  	_ =	shalt  }
0x5b: {  	_ =	shalt  }
0x5c: {  	_ =	shalt  }
0x5d: {  	_ =	shalt  }
0x5e: {  	_ =	shalt  }
0x5f: {  	_ =	shalt  }
0x60: {  	_ =	shalt  }
0x61: {  	_ =	shalt  }
0x62: {  	_ =	shalt  }
0x63: {  	_ =	shalt  }
0x64: {  	_ =	shalt  }
0x65: {  	_ =	shalt  }
0x66: {  	_ =	shalt  }
0x67: {  	_ =	shalt  }
0x68: {  	_ =	shalt  }
0x69: {  	_ =	shalt  }
0x6a: {  	_ =	shalt  }
0x6b: {  	_ =	shalt  }
0x6c: {  	_ =	shalt  }
0x6d: {  	_ =	shalt  }
0x6e: {  	_ =	shalt  }
0x6f: {  	_ =	shalt  }
0x70: {  	_ =	shalt  }
0x71: {  	_ =	shalt  }
0x72: {  	_ =	shalt  }
0x73: {  	_ =	shalt  }
0x74: {  	_ =	shalt  }
0x75: {  	_ =	shalt  }
0x76: {  	_ =	shalt  }
0x77: {  	_ =	shalt  }
0x78: {  	_ =	shalt  }
0x79: {  	_ =	shalt  }
0x7a: {  	_ =	shalt  }
0x7b: {  	_ =	shalt  }
0x7c: {  	_ =	shalt  }
0x7d: {  	_ =	shalt  }
0x7e: {  	_ =	shalt  }
0x7f: {  	_ =	shalt  }
0x80: {  	_ =	shalt  }
0x81: {  	_ =	shalt  }
0x82: {  	_ =	shalt  }
0x83: {  	_ =	shalt  }
0x84: {  	_ =	shalt  }
0x85: {  	_ =	shalt  }
0x86: {  	_ =	shalt  }
0x87: {  	_ =	shalt  }
.Lfunc_end0:
.L_simem_size_0:
called_computation.2_lowered:
.L_overlay_start_0:
0x88: {  	s2 =	sld [smem:$0x3FD9]  }
0x89: {  	s3 =	sld [smem:$0x3FFE];
	_ =	sdelay $0x1  }
0x8a: {  	s1 =	srdreg.scid  }
0x8b: {  	s0 =	sand.u32 $0x1, s1  }
0x8c: {  	s16 =	sshll.u32 s0, $0xA;
	s2 =	sadd.s32 s3, s2  }
0x8d: {  	s2 =	sadd.s32 s2, s16  }
0x8e: {  	[smem:$0x3FBA] =	sst s2  }
0x8f: {  	_ = 	snop  }
0x90: {  	(tm) =	ssettm $0x1  }
0x91: {  	s17 =	sld [smem:$0x3FFB];
	_ =	sdelay $0x3  }
0x92: {  	_ =	strace s17  }
0x93: {  	s2 =	sld [smem:$0x3FFC];
	_ =	sdelay $0x3  }
0x94: {  	_ =	strace s2  }
0x95: {  	s2 =	sld [smem:$0x3FFD];
	_ =	sdelay $0x3  }
0x96: {  	_ =	strace s2  }
0x97: {  	_ =	strace $0x8FFFFFFF  }
0x98: {  	s18 =	sld [smem:$0x3FDB];
	_ =	sdelay $0x1  }
0x99: {  	s19 =	simm.s32 $_scs_section_size  }
0x9a: {  	s4 =	simm.s32 $_size__tile_overlayer_lowered;
	s5 =	simm.s32 $_tile_overlayer_lowered  }
0x9b: {  	s22 =	simm.s32 $0x1BFF;
	s21 =	sshll.u32 s5, $0x1;
	s2 =	sadd.s32 s19, s18  }
0x9c: {  	s6 =	simm.s32 $0x0;
	s20 =	sshll.u32 s4, $0x1;
	s4 =	sadd.s32 s21, s2  }
0x9d: {  	[timem:s6], [sflag:s22] =	dma.local [hbm:s4], s20  }
0x9e: {  	_ =	swait.ge [sflag:s22], s20  }
0x9f: {  	s3 =	ssub.s32 $0x0, s20;
	[sflag:s22] =	ssyncset.done $0x0  }
0xa0: {  	[sflag:s22] =	ssyncadd.s32 s3;
	_ =	sdelay $0x1  }
0xa1: {  	s23 =	simm.s32 $0x1B8B  }
0xa2: {  	_ =	swait.ge [sflag:s23], $0x1  }
0xa3: {  	[sflag:s23] =	ssyncset.done $0x0  }
0xa4: {  	s25 =	simm.s32 $0x1B8E;
	s24 =	sld [smem:$0x3FFE];
	[sflag:s23] =	ssyncadd.s32 $0xFFFFFFFF  }
0xa5: {  	s26 =	simm.s32 $execute0_lowered;
	[smem:$0x3FD2] =	sst s25  }
0xa6: {  	s4 =	sshll.u32 s26, $0x1;
	_ =	strace $0x8000004C;
	[dreg:$0x1] =	wrdreg $0xFFFFFFFF  }
0xa7: {  	s28 =	simm.s32 $_size_execute0_lowered;
	s2 =	sadd.s32 s2, s4;
	[dreg:$0x0] =	wrdreg $0x0  }
0xa8: {  	s4 =	sshll.u32 s28, $0x1;
	[dreg:$0x2] =	wrdreg s2  }
0xa9: {  	[dreg:$0x3] =	wrdreg s4  }
0xaa: {  	[dreg:$0x4] =	wrdreg $0xC0  }
0xab: {  	_ =	task [dreg:s6], $0x5FFFF  }
0xac: {  	[dreg:$0x1] =	wrdreg $0xFFFFFFFF  }
0xad: {  	[dreg:$0x0] =	wrdreg $0x60  }
0xae: {  	[dreg:$0x2] =	wrdreg s24  }
0xaf: {  	[dreg:$0x3] =	wrdreg $0xA0000  }
0xb0: {  	[dreg:$0x4] =	wrdreg $0xB9000  }
0xb1: {  	[dreg:$0x5] =	wrdreg $0xD2000  }
0xb2: {  	[dreg:$0x6] =	wrdreg $0x9  }
0xb3: {  	_ =	task.clear_ibuf [dreg:s6], $0x7FFFF;
	_ =	strace $0x9000004C  }
0xb4: {  	s29 =	simm.s32 $0x9;
	_ =	strace $0x8000004E  }
0xb5: {  	_ =	swait.ge [sflag:s29], $0x1  }
0xb6: {  	[sflag:s29] =	ssyncadd.s32 $0xFFFFFFFF  }
0xb7: {  	_ =	strace $0x9000004E  }
0xb8: {  	_ =	sfence  }
0xb9: {  	s30 =	sld [smem:$0x0];
	_ =	sdelay $0x2  }
0xba: {  	s31 =	sshll.u32 s1, $0xD;
	s1 =	sshrl.u32 s1, $0x2  }
0xbb: {  	s3 =	sand.u32 $0x4000, s31;
	s1 =	sadd.s32 s1, s30  }
0xbc: {  	s0 =	sor.u32 s3, s0;
	s1 =	sshll.u32 s1, $0x11  }
0xbd: {  	s0 =	sor.u32 s1, s0  }
0xbe: {  	s0 =	sadd.s32 $0x8F2B, s0  }
0xbf: {  	[sflag:s0] =	ssyncadd.remote.s32 $0x1  }
0xc0: {  	_ =	sfence.sel $0xFFFF  }
0xc1: {  	[dreg:$0x0] =	wrdreg $0xFFFFFFFF;
	(pc) =	sbr.abs _section_cstart, $3  }
0xc2: {  	[dreg:$0x1] =	wrdreg $0xFFFFFFFF  }
0xc3: {  	_ =	task.clear_ibuf [dreg:s6], $0x2FFFF;
	_ =	strace $0x9FFFFFFF  }
0xc4: {  	(tm) =	ssettm $0x7FFFFFFF  }
0xc5: {  	_ =	shalt  }
tec
execute0_lowered:
.L_overlay_start_1:
0x0: {  	(tag) =	ssettag $0x1  }
0x1: {  	s0 =	rddreg [dreg:$0x0]  }
0x2: {  	s1 =	rddreg [dreg:$0x1]  }
0x3: {  	s3 =	rddreg [dreg:$0x2]  }
0x4: {  	s4 =	rddreg [dreg:$0x3]  }
0x5: {  	s2 =	srdreg.scid;
	s14 =	stileid.u32;
	s5 =	simm.s32 $0x0  }
0x6: {  	s28 =	simm.s32 $0x1;
	s2 =	sand.u32 $0x1, s2;
	s8 =	smul.u32 $0x1900, s14  }
0x7: {  	[smem:$0x7FF] =	sst s5;
	s6 =	sadd.s32 $0x75800, s0;
	s7 =	sadd.s32 $0xD7400, s0  }
0x8: {  	s11 =	sadd.s32 $0x6EC00, s0;
	s13 =	sadd.s32 $0x1600, s0;
	s25 =	sshll.u32 s14, $0x1  }
0x9: {  	s9 =	smul.u32 $0x19000, s2;
	_ =	strace $0x8000004D;
	s10 =	ssub.s32 $0x2, s2  }
0xa: {  	s2 =	sor.u32 s2, s25;
	s29 =	sadd.s32 $0x800, s8;
	s20 =	sadd.s32 s8, s1  }
0xb: {  	s12 =	sshrl.u32 s10, $0x1;
	[dreg:$0x7] =	wrdreg s20;
	s15 =	sadd.s32 s29, s1  }
0xc: {  	s22 =	sadd.s32 $0x1000, s8;
	s25 =	sadd.s32 s29, s3;
	[dreg:$0xa] =	wrdreg s15  }
0xd: {  	s26 =	sshrl.u32 s8, $0x3;
	s14 =	sadd.s32 s22, s3;
	[dreg:$0x10] =	wrdreg s25  }
0xe: {  	s17 =	sadd.s32 s13, s26;
	s19 =	sshrl.u32 s29, $0x3;
	[dreg:$0x13] =	wrdreg s14  }
0xf: {  	s24 =	sshrl.u32 s22, $0x3;
	s21 =	sadd.s32 s13, s19;
	[dreg:$0x5] =	wrdreg s17  }
0x10: {  	s23 =	sadd.s32 $0x1800, s8;
	s18 =	sadd.s32 s13, s24;
	[dreg:$0x8] =	wrdreg s21  }
0x11: {  	s16 =	sshrl.u32 s23, $0x3;
	s15 =	sadd.s32 s11, s24;
	[dreg:$0xb] =	wrdreg s18  }
0x12: {  	s9 =	sadd.s32 s8, s9;
	s13 =	sadd.s32 s13, s16;
	[dreg:$0xc] =	wrdreg s15  }
0x13: {  	s9 =	sshrl.u32 s9, $0x3;
	s24 =	sadd.s32 $0x3300, s17;
	[dreg:$0xd] =	wrdreg s13  }
0x14: {  	s25 =	sadd.s32 $0x3400, s17;
	s0 =	sadd.s32 s9, s0;
	[dreg:$0x1e] =	wrdreg s24  }
0x15: {  	s9 =	ssub.s32 s10, s12;
	s12 =	sadd.s32 s11, s26;
	[dreg:$0x1f] =	wrdreg s25  }
0x16: {  	s30 =	simm.s32 $0x5000;
	s10 =	sadd.s32 s11, s19;
	[dreg:$0x6] =	wrdreg s12  }
0x17: {  	s31 =	simm.s32 $0x5A00;
	s11 =	sadd.s32 s11, s16;
	[dreg:$0x9] =	wrdreg s10  }
0x18: {  	s16 =	sadd.s32 s8, s3;
	s8 =	sadd.s32 s8, s4;
	[dreg:$0xe] =	wrdreg s11  }
0x19: {  	s26 =	sadd.s32 s29, s4;
	s29 =	smul.u32 $0xA00, s2;
	[dreg:$0xf] =	wrdreg s8  }
0x1a: {  	s13 =	sadd.s32 s22, s1;
	s15 =	sadd.s32 s23, s1;
	[dreg:$0x11] =	wrdreg s26  }
0x1b: {  	s18 =	sadd.s32 s23, s3;
	s19 =	sadd.s32 s23, s4;
	[dreg:$0x12] =	wrdreg s13  }
0x1c: {  	s23 =	sadd.s32 $0x3200, s17;
	s24 =	simm.s32 $0x3C00;
	[dreg:$0x15] =	wrdreg s15  }
0x1d: {  	s25 =	simm.s32 $0xA00;
	s10 =	sadd.s32 s22, s4;
	[dreg:$0x16] =	wrdreg s18  }
0x1e: {  	[dreg:$0x17] =	wrdreg s19;
	s21 =	sadd.s32 $0x108200, s0;
	s0 =	sadd.s32 $0x10E600, s0  }
0x1f: {  	s22 =	smax.u32 s9, $0x1;
	s9 =	sor.u32 $0x20, s2;
	[dreg:$0x1d] =	wrdreg s23  }
0x20: {  	s26 =	sadd.s32 $0x3500, s17;
	s15 =	simm.s32 $0x3;
	[dreg:$0x14] =	wrdreg s10  }
0x21: {  	s17 =	simm.s32 $0x800;
	s19 =	simm.s32 $0x1000;
	[dreg:$0x1a] =	wrdreg s21  }
0x22: {  	s23 =	simm.s32 $0x3200;
	s2 =	simm.s32 $0x6E00;
	[dreg:$0x1b] =	wrdreg s0  }
0x23: {  	s11 =	simm.s32 $0x9600;
	s12 =	simm.s32 $0x0;
	[dreg:$0x1c] =	wrdreg s22  }
.Ltmp0:
0x24: {  	s8 =	sshrl.u32 s29, $0x3;
	[smem:$0x7FC] =	sst s26;
	(pc) =	sbr.rel .LBB2_1-.Ltmp0, $4  }
0x25: {  	s21 =	simm.s32 $0x2000;
	s20 =	sadd.s32 s6, s8;
	s8 =	sadd.s32 s7, s8  }
0x26: {  	s22 =	simm.s32 $0x2800;
	s26 =	simm.s32 $0x4600;
	[dreg:$0x19] =	wrdreg s8  }
0x27: {  	s0 =	simm.s32 $0x2;
	[dreg:$0x18] =	wrdreg s20;
	s29 =	sadd.s32 $0x30D40, s20  }
0x28: {  	v0 =	vimm.f32 $0.0e+00;
	s10 =	simm.s32 $0x8C00;
	s20 =	simm.s32 $0x1800;
	[smem:$0x7FD] =	sst s29  }
.LBB2_21:
0x29: {  	s8 =	stileid.u32  }
0x2a: {  	[bflag:$0x0] =	sbarrier.arrive $0xFFFF;
	s8 =	sshll.u32 s8, $0x6  }
0x2b: {  	s13 =	sshrl.u32 s20, $0x3;
	s14 =	rddreg [dreg:$0x1a];
	s8 =	sor.u32 $0x1C03, s8  }
0x2c: {  	[hbm:s14], [sflag:s8] =	dma.local [spmem:s13], $0x320  }
0x2d: {  	_ =	swait.ge [sflag:s15], $0x320  }
0x2e: {  	s16 =	smov.u32 s20;
	[sflag:s15] =	ssyncset.done $0x0;
	s19 =	rddreg [dreg:$0xf]  }
0x2f: {  	s20 =	rddreg [dreg:$0x1b];
	[sflag:s15] =	ssyncadd.s32 $0xFFFFFCE0;
	s13 =	sshrl.u32 s19, $0x3  }
0x30: {  	[hbm:s20], [sflag:s8] =	dma.local [spmem:s13], $0x320  }
0x31: {  	_ =	swait.ge [sflag:s15], $0x320  }
0x32: {  	s12 =	sadd.s32 $0x1, s12;
	s29 =	rddreg [dreg:$0x1c]  }
0x33: {  	p0 =	sne.s32 s12, s29  }
.Ltmp1:
0x34: {  	_ = 	snop;
	(pc) =	sbr.rel @!p0 .LBB2_22-.Ltmp1, $3  }
0x35: {  	_ =	sdelay $0x1  }
0x36: {  	s17 =	simm.s32 $0x800;
	[sflag:s15] =	ssyncset.done $0x0  }
0x37: {  	s19 =	simm.s32 $0x1000;
	s20 =	simm.s32 $0x1800;
	[sflag:s15] =	ssyncadd.s32 $0xFFFFFCE0  }
.LBB2_1:
0x38: {  	s8 =	rddreg [dreg:$0x5]  }
0x39: {  	[tilespmem:s5], [sflag:$0x3] =	stream.linear.gather [hbm4b:s8+s5], $0x800, $0x38;
	[tilespmem:$0xEB00] =	vst v63  }
0x3a: {  	_ =	swait.ge [sflag:s15], $0x800  }
0x3b: {  	[sflag:s15] =	ssyncset.done $0x0  }
0x3c: {  	s14 =	rddreg [dreg:$0x1d];
	[sflag:s15] =	ssyncadd.s32 $0xFFFFF800  }
0x3d: {  	[tilespmem:s17], [sflag:$0x3] =	stream.linear.gather [hbm4b:s14+s5], $0x800, $0x38;
	[tilespmem:$0xEB00] =	vst v63  }
0x3e: {  	_ =	swait.ge [sflag:s15], $0x800  }
0x3f: {  	[sflag:s15] =	ssyncset.done $0x0  }
0x40: {  	s18 =	rddreg [dreg:$0x6];
	[sflag:s15] =	ssyncadd.s32 $0xFFFFF800  }
0x41: {  	[tilespmem:s19], [sflag:$0x3] =	stream.linear.gather [hbm4b:s18+s5], $0x800, $0x38;
	[tilespmem:$0xEB00] =	vst v63  }
0x42: {  	_ =	swait.ge [sflag:s15], $0x800  }
0x43: {  	[sflag:s15] =	ssyncset.done $0x0  }
0x44: {  	s14 =	simm.s32 $0x0;
	[sflag:s15] =	ssyncadd.s32 $0xFFFFF800  }
0x45: {  	v1 =	vld [tilespmem:s14+$0x0]  }
0x46: {  	v2 =	vld [tilespmem:s14+$0x800];
	_ =	sdelay $0x2  }
0x47: {  	s13 =	simm.s32 $0x10  }
0x48: {  	v3 =	vld [tilespmem:s13+$0x0]  }
0x49: {  	v4 =	vld [tilespmem:s13+$0x800];
	v1 =	vadd.f32 v2, v1;
	_ =	sdelay $0x1  }
0x4a: {  	(erf) = vrcp.f32 v1;
	_ =	sdelay $0x2  }
0x4b: {  	s29 =	simm.s32 $0x20;
	v2 =	vld [tilespmem:s14+$0x1000];
	v4 =	vadd.f32 v4, v3  }
0x4c: {  	v3 =	vld [tilespmem:s29+$0x800]  }
0x4d: {  	v1 =	vld [tilespmem:s29+$0x0];
	(erf) = vrcp.f32 v4;
	_ =	sdelay $0x2  }
0x4e: {  	s8 =	simm.s32 $0xC0  }
.LBB2_2:
0x4f: {  	s18 =	sshra.s32 s8, $0x2;
	v4 =	vld [tilespmem:s13+$0x1000];
	v5 =	vpop (erf);
	p0 =	sne.s32 s8, $0x1FC0  }
.Ltmp2:
0x50: {  	s8 =	sadd.s32 $0x40, s8;
	v6 =	vadd.f32 v3, v1;
	v1 =	vld [tilespmem:s18+$0x0];
	v2 =	vmul.f32 v5, v2;
	(pc) =	sbr.rel @p0 .LBB2_2-.Ltmp2, $4  }
0x51: {  	v3 =	vld [tilespmem:s18+$0x800]  }
0x52: {  	(erf) = vrcp.f32 v6;
	[tilespmem:s14+$0x1800] =	vst v2;
	s14 =	smov.u32 s13;
	s13 =	smov.u32 s29;
	s29 =	smov.u32 s18  }
0x53: {  	_ = 	snop  }
0x54: {  	v2 =	vmov v4  }
0x55: {  	_ = 	snop  }
0x56: {  	v1 =	vadd.f32 v3, v1;
	_ =	sdelay $0x2  }
0x57: {  	(erf) = vrcp.f32 v1  }
0x58: {  	v1 =	vpop (erf)  }
0x59: {  	v1 =	vmul.f32 v1, v2;
	_ =	sdelay $0x1  }
0x5a: {  	v2 =	vld [tilespmem:s13+$0x1000];
	[tilespmem:s14+$0x1800] =	vst v1  }
0x5b: {  	v1 =	vld [tilespmem:s29+$0x1000];
	_ =	sdelay $0x2  }
0x5c: {  	v3 =	vpop (erf)  }
0x5d: {  	v2 =	vmul.f32 v3, v2;
	v3 =	vpop (erf)  }
0x5e: {  	v1 =	vmul.f32 v3, v1  }
0x5f: {  	[tilespmem:s13+$0x1800] =	vst v2  }
0x60: {  	s8 =	rddreg [dreg:$0x7];
	[tilespmem:s29+$0x1800] =	vst v1  }
0x61: {  	[spmem:s8] =	stream.linear.scatter [tilespmem:s20], [sflag:$0x3], $0x800, $0x38;
	[tilespmem:$0xEB00] =	vst v63  }
0x62: {  	_ =	swait.ge [sflag:s15], $0x800  }
0x63: {  	[sflag:s15] =	ssyncset.done $0x0  }
0x64: {  	s8 =	simm.s32 $0x0;
	s18 =	rddreg [dreg:$0x8];
	[sflag:s15] =	ssyncadd.s32 $0xFFFFF800  }
0x65: {  	[tilespmem:s8], [sflag:$0x3] =	stream.linear.gather [hbm4b:s18+s8], $0x800, $0x38;
	[tilespmem:$0xEB00] =	vst v63  }
0x66: {  	_ =	swait.ge [sflag:s15], $0x800  }
0x67: {  	[sflag:s15] =	ssyncset.done $0x0  }
0x68: {  	s14 =	rddreg [dreg:$0x1e];
	[sflag:s15] =	ssyncadd.s32 $0xFFFFF800  }
0x69: {  	[tilespmem:s17], [sflag:$0x3] =	stream.linear.gather [hbm4b:s14+s8], $0x800, $0x38;
	[tilespmem:$0xEB00] =	vst v63  }
0x6a: {  	_ =	swait.ge [sflag:s15], $0x800  }
0x6b: {  	[sflag:s15] =	ssyncset.done $0x0  }
0x6c: {  	s18 =	rddreg [dreg:$0x9];
	[sflag:s15] =	ssyncadd.s32 $0xFFFFF800  }
0x6d: {  	[tilespmem:s19], [sflag:$0x3] =	stream.linear.gather [hbm4b:s18+s8], $0x800, $0x38;
	[tilespmem:$0xEB00] =	vst v63  }
0x6e: {  	_ =	swait.ge [sflag:s15], $0x800  }
0x6f: {  	[sflag:s15] =	ssyncset.done $0x0  }
0x70: {  	s14 =	simm.s32 $0x0;
	[sflag:s15] =	ssyncadd.s32 $0xFFFFF800  }
0x71: {  	v1 =	vld [tilespmem:s14+$0x0]  }
0x72: {  	v2 =	vld [tilespmem:s14+$0x800];
	_ =	sdelay $0x2  }
0x73: {  	s13 =	simm.s32 $0x10  }
0x74: {  	v3 =	vld [tilespmem:s13+$0x0]  }
0x75: {  	v4 =	vld [tilespmem:s13+$0x800];
	v1 =	vadd.f32 v2, v1;
	_ =	sdelay $0x1  }
0x76: {  	(erf) = vrcp.f32 v1;
	_ =	sdelay $0x2  }
0x77: {  	s29 =	simm.s32 $0x20;
	v2 =	vld [tilespmem:s14+$0x1000];
	v4 =	vadd.f32 v4, v3  }
0x78: {  	v3 =	vld [tilespmem:s29+$0x800]  }
0x79: {  	v1 =	vld [tilespmem:s29+$0x0];
	(erf) = vrcp.f32 v4;
	_ =	sdelay $0x2  }
0x7a: {  	s8 =	simm.s32 $0xC0  }
.LBB2_4:
0x7b: {  	s18 =	sshra.s32 s8, $0x2;
	v4 =	vld [tilespmem:s13+$0x1000];
	v5 =	vpop (erf);
	p0 =	sne.s32 s8, $0x1FC0  }
.Ltmp3:
0x7c: {  	s8 =	sadd.s32 $0x40, s8;
	v6 =	vadd.f32 v3, v1;
	v1 =	vld [tilespmem:s18+$0x0];
	v2 =	vmul.f32 v5, v2;
	(pc) =	sbr.rel @p0 .LBB2_4-.Ltmp3, $4  }
0x7d: {  	v3 =	vld [tilespmem:s18+$0x800]  }
0x7e: {  	(erf) = vrcp.f32 v6;
	[tilespmem:s14+$0x1800] =	vst v2;
	s14 =	smov.u32 s13;
	s13 =	smov.u32 s29;
	s29 =	smov.u32 s18  }
0x7f: {  	_ = 	snop  }
0x80: {  	v2 =	vmov v4  }
0x81: {  	_ = 	snop  }
0x82: {  	v1 =	vadd.f32 v3, v1;
	_ =	sdelay $0x2  }
0x83: {  	(erf) = vrcp.f32 v1  }
0x84: {  	v1 =	vpop (erf)  }
0x85: {  	v1 =	vmul.f32 v1, v2;
	_ =	sdelay $0x1  }
0x86: {  	v2 =	vld [tilespmem:s13+$0x1000];
	[tilespmem:s14+$0x1800] =	vst v1  }
0x87: {  	v1 =	vld [tilespmem:s29+$0x1000];
	_ =	sdelay $0x2  }
0x88: {  	v3 =	vpop (erf)  }
0x89: {  	v2 =	vmul.f32 v3, v2;
	v3 =	vpop (erf)  }
0x8a: {  	v1 =	vmul.f32 v3, v1  }
0x8b: {  	[tilespmem:s13+$0x1800] =	vst v2  }
0x8c: {  	s8 =	rddreg [dreg:$0xa];
	[tilespmem:s29+$0x1800] =	vst v1  }
0x8d: {  	[spmem:s8] =	stream.linear.scatter [tilespmem:s20], [sflag:$0x3], $0x800, $0x38;
	[tilespmem:$0xEB00] =	vst v63  }
0x8e: {  	_ =	swait.ge [sflag:s15], $0x800  }
0x8f: {  	[sflag:s15] =	ssyncset.done $0x0  }
0x90: {  	s8 =	simm.s32 $0x0;
	s18 =	rddreg [dreg:$0xb];
	[sflag:s15] =	ssyncadd.s32 $0xFFFFF800  }
0x91: {  	[tilespmem:s8], [sflag:$0x3] =	stream.linear.gather [hbm4b:s18+s8], $0x800, $0x38;
	[tilespmem:$0xEB00] =	vst v63  }
0x92: {  	_ =	swait.ge [sflag:s15], $0x800  }
0x93: {  	[sflag:s15] =	ssyncset.done $0x0  }
0x94: {  	s14 =	rddreg [dreg:$0x1f];
	[sflag:s15] =	ssyncadd.s32 $0xFFFFF800  }
0x95: {  	[tilespmem:s17], [sflag:$0x3] =	stream.linear.gather [hbm4b:s14+s8], $0x800, $0x38;
	[tilespmem:$0xEB00] =	vst v63  }
0x96: {  	_ =	swait.ge [sflag:s15], $0x800  }
0x97: {  	[sflag:s15] =	ssyncset.done $0x0  }
0x98: {  	s18 =	rddreg [dreg:$0xc];
	[sflag:s15] =	ssyncadd.s32 $0xFFFFF800  }
0x99: {  	[tilespmem:s19], [sflag:$0x3] =	stream.linear.gather [hbm4b:s18+s8], $0x800, $0x38;
	[tilespmem:$0xEB00] =	vst v63  }
0x9a: {  	_ =	swait.ge [sflag:s15], $0x800  }
0x9b: {  	[sflag:s15] =	ssyncset.done $0x0  }
0x9c: {  	s14 =	simm.s32 $0x0;
	[sflag:s15] =	ssyncadd.s32 $0xFFFFF800  }
0x9d: {  	v1 =	vld [tilespmem:s14+$0x0]  }
0x9e: {  	v2 =	vld [tilespmem:s14+$0x800];
	_ =	sdelay $0x2  }
0x9f: {  	s13 =	simm.s32 $0x10  }
0xa0: {  	v3 =	vld [tilespmem:s13+$0x0]  }
0xa1: {  	v4 =	vld [tilespmem:s13+$0x800];
	v1 =	vadd.f32 v2, v1;
	_ =	sdelay $0x1  }
0xa2: {  	(erf) = vrcp.f32 v1;
	_ =	sdelay $0x2  }
0xa3: {  	s29 =	simm.s32 $0x20;
	v2 =	vld [tilespmem:s14+$0x1000];
	v4 =	vadd.f32 v4, v3  }
0xa4: {  	v3 =	vld [tilespmem:s29+$0x800]  }
0xa5: {  	v1 =	vld [tilespmem:s29+$0x0];
	(erf) = vrcp.f32 v4;
	_ =	sdelay $0x2  }
0xa6: {  	s8 =	simm.s32 $0xC0  }
.LBB2_6:
0xa7: {  	s18 =	sshra.s32 s8, $0x2;
	v4 =	vld [tilespmem:s13+$0x1000];
	v5 =	vpop (erf);
	p0 =	sne.s32 s8, $0x1FC0  }
.Ltmp4:
0xa8: {  	s8 =	sadd.s32 $0x40, s8;
	v6 =	vadd.f32 v3, v1;
	v1 =	vld [tilespmem:s18+$0x0];
	v2 =	vmul.f32 v5, v2;
	(pc) =	sbr.rel @p0 .LBB2_6-.Ltmp4, $4  }
0xa9: {  	v3 =	vld [tilespmem:s18+$0x800]  }
0xaa: {  	(erf) = vrcp.f32 v6;
	[tilespmem:s14+$0x1800] =	vst v2;
	s14 =	smov.u32 s13;
	s13 =	smov.u32 s29;
	s29 =	smov.u32 s18  }
0xab: {  	_ = 	snop  }
0xac: {  	v2 =	vmov v4  }
0xad: {  	_ = 	snop  }
0xae: {  	v1 =	vadd.f32 v3, v1;
	_ =	sdelay $0x2  }
0xaf: {  	(erf) = vrcp.f32 v1  }
0xb0: {  	v1 =	vpop (erf)  }
0xb1: {  	v1 =	vmul.f32 v1, v2;
	_ =	sdelay $0x1  }
0xb2: {  	v2 =	vld [tilespmem:s13+$0x1000];
	[tilespmem:s14+$0x1800] =	vst v1  }
0xb3: {  	v1 =	vld [tilespmem:s29+$0x1000];
	_ =	sdelay $0x2  }
0xb4: {  	v3 =	vpop (erf)  }
0xb5: {  	v2 =	vmul.f32 v3, v2;
	v3 =	vpop (erf)  }
0xb6: {  	v1 =	vmul.f32 v3, v1  }
0xb7: {  	[tilespmem:s13+$0x1800] =	vst v2  }
0xb8: {  	s8 =	rddreg [dreg:$0x12];
	[tilespmem:s29+$0x1800] =	vst v1  }
0xb9: {  	[spmem:s8] =	stream.linear.scatter [tilespmem:s20], [sflag:$0x3], $0x800, $0x38;
	[tilespmem:$0xEB00] =	vst v63  }
0xba: {  	_ =	swait.ge [sflag:s15], $0x800  }
0xbb: {  	[sflag:s15] =	ssyncset.done $0x0  }
0xbc: {  	s8 =	simm.s32 $0x0;
	s18 =	rddreg [dreg:$0xd];
	[sflag:s15] =	ssyncadd.s32 $0xFFFFF800  }
0xbd: {  	[tilespmem:s8], [sflag:$0x3] =	stream.linear.gather [hbm4b:s18+s8], $0x100, $0x38;
	[tilespmem:$0xEB00] =	vst v63  }
0xbe: {  	_ =	swait.ge [sflag:s15], $0x100  }
0xbf: {  	s14 =	sld [smem:$0x7FC]  }
0xc0: {  	[sflag:s15] =	ssyncset.done $0x0  }
0xc1: {  	[sflag:s15] =	ssyncadd.s32 $0xFFFFFF00  }
0xc2: {  	[tilespmem:s17], [sflag:$0x3] =	stream.linear.gather [hbm4b:s14+s8], $0x100, $0x38;
	[tilespmem:$0xEB00] =	vst v63  }
0xc3: {  	_ =	swait.ge [sflag:s15], $0x100  }
0xc4: {  	[sflag:s15] =	ssyncset.done $0x0  }
0xc5: {  	s18 =	rddreg [dreg:$0xe];
	[sflag:s15] =	ssyncadd.s32 $0xFFFFFF00  }
0xc6: {  	[tilespmem:s19], [sflag:$0x3] =	stream.linear.gather [hbm4b:s18+s8], $0x100, $0x38;
	[tilespmem:$0xEB00] =	vst v63  }
0xc7: {  	_ =	swait.ge [sflag:s15], $0x100  }
0xc8: {  	[sflag:s15] =	ssyncset.done $0x0  }
0xc9: {  	s14 =	simm.s32 $0x0;
	[sflag:s15] =	ssyncadd.s32 $0xFFFFFF00  }
0xca: {  	v1 =	vld [tilespmem:s14+$0x0]  }
0xcb: {  	v2 =	vld [tilespmem:s14+$0x800];
	_ =	sdelay $0x2  }
0xcc: {  	s13 =	simm.s32 $0x10  }
0xcd: {  	v3 =	vld [tilespmem:s13+$0x0]  }
0xce: {  	v4 =	vld [tilespmem:s13+$0x800];
	v1 =	vadd.f32 v2, v1;
	_ =	sdelay $0x1  }
0xcf: {  	(erf) = vrcp.f32 v1;
	_ =	sdelay $0x2  }
0xd0: {  	s29 =	simm.s32 $0x20;
	v2 =	vld [tilespmem:s14+$0x1000];
	v4 =	vadd.f32 v4, v3  }
0xd1: {  	v3 =	vld [tilespmem:s29+$0x800]  }
0xd2: {  	v1 =	vld [tilespmem:s29+$0x0];
	(erf) = vrcp.f32 v4;
	_ =	sdelay $0x2  }
0xd3: {  	s8 =	simm.s32 $0xC0  }
.LBB2_8:
0xd4: {  	s18 =	sshra.s32 s8, $0x2;
	v4 =	vld [tilespmem:s13+$0x1000];
	v5 =	vpop (erf);
	p0 =	sne.s32 s8, $0x3C0  }
.Ltmp5:
0xd5: {  	s8 =	sadd.s32 $0x40, s8;
	v6 =	vadd.f32 v3, v1;
	v1 =	vld [tilespmem:s18+$0x0];
	v2 =	vmul.f32 v5, v2;
	(pc) =	sbr.rel @p0 .LBB2_8-.Ltmp5, $4  }
0xd6: {  	v3 =	vld [tilespmem:s18+$0x800]  }
0xd7: {  	(erf) = vrcp.f32 v6;
	[tilespmem:s14+$0x1800] =	vst v2;
	s14 =	smov.u32 s13;
	s13 =	smov.u32 s29;
	s29 =	smov.u32 s18  }
0xd8: {  	_ = 	snop  }
0xd9: {  	v2 =	vmov v4  }
0xda: {  	_ = 	snop  }
0xdb: {  	v1 =	vadd.f32 v3, v1;
	_ =	sdelay $0x2  }
0xdc: {  	(erf) = vrcp.f32 v1  }
0xdd: {  	v1 =	vpop (erf)  }
0xde: {  	v1 =	vmul.f32 v1, v2;
	_ =	sdelay $0x1  }
0xdf: {  	v2 =	vld [tilespmem:s13+$0x1000];
	[tilespmem:s14+$0x1800] =	vst v1  }
0xe0: {  	v1 =	vld [tilespmem:s29+$0x1000];
	_ =	sdelay $0x2  }
0xe1: {  	v3 =	vpop (erf)  }
0xe2: {  	v2 =	vmul.f32 v3, v2;
	v3 =	vpop (erf)  }
0xe3: {  	v1 =	vmul.f32 v3, v1  }
0xe4: {  	[tilespmem:s13+$0x1800] =	vst v2  }
0xe5: {  	s8 =	rddreg [dreg:$0x15];
	[tilespmem:s29+$0x1800] =	vst v1  }
0xe6: {  	[spmem:s8] =	stream.linear.scatter [tilespmem:s20], [sflag:$0x3], $0x100, $0x38;
	[tilespmem:$0xEB00] =	vst v63  }
0xe7: {  	_ =	swait.ge [sflag:s15], $0x100  }
0xe8: {  	[sflag:s15] =	ssyncset.done $0x0  }
0xe9: {  	s13 =	simm.s32 $0x0;
	s8 =	simm.s32 $0x40;
	[sflag:s15] =	ssyncadd.s32 $0xFFFFFF00  }
.LBB2_10:
0xea: {  	p0 =	sne.s32 s8, $0x1FC0;
	[tilespmem:s13+$0x2000] =	vst v0;
	s13 =	smov.u32 s8;
	s8 =	sadd.s32 $0x40, s8  }
.Ltmp6:
0xeb: {  	(pc) =	sbr.rel @p0 .LBB2_10-.Ltmp6, $2  }
0xec: {  	_ =	sdelay $0x2  }
0xed: {  	s13 =	sshra.s32 s13, $0x2  }
0xee: {  	[tilespmem:s13+$0x2000] =	vst v0  }
0xef: {  	[spmem:s16] =	stream.linear.scatter [tilespmem:s21], [sflag:$0x3], $0x800, $0x38;
	[tilespmem:$0xEB00] =	vst v63  }
0xf0: {  	_ =	swait.ge [sflag:s15], $0x800  }
0xf1: {  	[sflag:s15] =	ssyncset.done $0x0  }
0xf2: {  	s8 =	rddreg [dreg:$0x10];
	[sflag:s15] =	ssyncadd.s32 $0xFFFFF800  }
0xf3: {  	[spmem:s8] =	stream.linear.scatter [tilespmem:s21], [sflag:$0x3], $0x800, $0x38;
	[tilespmem:$0xEB00] =	vst v63  }
0xf4: {  	_ =	swait.ge [sflag:s15], $0x800  }
0xf5: {  	[sflag:s15] =	ssyncset.done $0x0  }
0xf6: {  	s19 =	rddreg [dreg:$0x13];
	[sflag:s15] =	ssyncadd.s32 $0xFFFFF800  }
0xf7: {  	[spmem:s19] =	stream.linear.scatter [tilespmem:s21], [sflag:$0x3], $0x800, $0x38;
	[tilespmem:$0xEB00] =	vst v63  }
0xf8: {  	_ =	swait.ge [sflag:s15], $0x800  }
0xf9: {  	[sflag:s15] =	ssyncset.done $0x0  }
0xfa: {  	s29 =	rddreg [dreg:$0x16];
	[sflag:s15] =	ssyncadd.s32 $0xFFFFF800  }
0xfb: {  	[spmem:s29] =	stream.linear.scatter [tilespmem:s21], [sflag:$0x3], $0x100, $0x38;
	[tilespmem:$0xEB00] =	vst v63  }
0xfc: {  	_ =	swait.ge [sflag:s15], $0x100  }
0xfd: {  	[sflag:s15] =	ssyncset.done $0x0  }
0xfe: {  	s13 =	rddreg [dreg:$0xf];
	[sflag:s15] =	ssyncadd.s32 $0xFFFFFF00  }
0xff: {  	[spmem:s13] =	stream.linear.scatter [tilespmem:s21], [sflag:$0x3], $0x800, $0x38;
	[tilespmem:$0xEB00] =	vst v63  }
0x100: {  	_ =	swait.ge [sflag:s15], $0x800  }
0x101: {  	[sflag:s15] =	ssyncset.done $0x0  }
0x102: {  	s14 =	rddreg [dreg:$0x11];
	[sflag:s15] =	ssyncadd.s32 $0xFFFFF800  }
0x103: {  	[spmem:s14] =	stream.linear.scatter [tilespmem:s21], [sflag:$0x3], $0x800, $0x38;
	[tilespmem:$0xEB00] =	vst v63  }
0x104: {  	_ =	swait.ge [sflag:s15], $0x800  }
0x105: {  	[sflag:s15] =	ssyncset.done $0x0  }
0x106: {  	s20 =	smov.u32 s16;
	s16 =	rddreg [dreg:$0x14];
	[sflag:s15] =	ssyncadd.s32 $0xFFFFF800  }
0x107: {  	[spmem:s16] =	stream.linear.scatter [tilespmem:s21], [sflag:$0x3], $0x800, $0x38;
	[tilespmem:$0xEB00] =	vst v63  }
0x108: {  	_ =	swait.ge [sflag:s15], $0x800  }
0x109: {  	[sflag:s15] =	ssyncset.done $0x0  }
0x10a: {  	s17 =	rddreg [dreg:$0x17];
	[sflag:s15] =	ssyncadd.s32 $0xFFFFF800  }
0x10b: {  	[spmem:s17] =	stream.linear.scatter [tilespmem:s21], [sflag:$0x3], $0x100, $0x38;
	[tilespmem:$0xEB00] =	vst v63  }
0x10c: {  	_ =	swait.ge [sflag:s15], $0x100  }
0x10d: {  	[sflag:s15] =	ssyncset.done $0x0  }
0x10e: {  	[sflag:s15] =	ssyncadd.s32 $0xFFFFFF00  }
0x10f: {  	[bflag:$0x0] =	sbarrier.arrive $0xFFFF  }
0x110: {  	s13 =	simm.s32 $0x0;
	s18 =	rddreg [dreg:$0x18]  }
0x111: {  	[tilespmem:s22], [sflag:$0x3] =	stream.linear.gather [hbm4b:s18+s13], $0xA00, $0x38;
	[tilespmem:$0xEB00] =	vst v63  }
0x112: {  	_ =	swait.ge [sflag:s15], $0xA00  }
0x113: {  	s19 =	sld [smem:$0x7FD]  }
0x114: {  	[sflag:s15] =	ssyncset.done $0x0  }
0x115: {  	[sflag:s15] =	ssyncadd.s32 $0xFFFFF600  }
0x116: {  	[tilespmem:s23], [sflag:$0x3] =	stream.linear.gather [hbm4b:s19+s13], $0xA00, $0x38;
	[tilespmem:$0xEB00] =	vst v63  }
0x117: {  	_ =	swait.ge [sflag:s15], $0xA00  }
0x118: {  	[sflag:s15] =	ssyncset.done $0x0  }
0x119: {  	s29 =	rddreg [dreg:$0x19];
	[sflag:s15] =	ssyncadd.s32 $0xFFFFF600  }
0x11a: {  	[tilespmem:s24], [sflag:$0x3] =	stream.linear.gather [hbm4b:s29+s13], $0xA00, $0x38;
	[tilespmem:$0xEB00] =	vst v63  }
.Ltmp7:
0x11b: {  	_ = 	snop;
	(pc) =	sbr.rel .LBB2_12-.Ltmp7, $4  }
0x11c: {  	_ =	swait.ge [sflag:s15], $0xA00  }
0x11d: {  	[sflag:s15] =	ssyncset.done $0x0  }
0x11e: {  	[sflag:s15] =	ssyncadd.s32 $0xFFFFF600  }
0x11f: {  	[tilespmem:s26], [sflag:$0x1] =	stream.indirect.gather [spmem:s1], $0x1, s22, s25, $0xb8;
	[tilespmem:$0xEB00] =	vst v63  }
.LBB2_20:
0x120: {  	s13 =	sadd.s32 $0x1, s13  }
0x121: {  	p0 =	sne.s32 s13, $0xA  }
.Ltmp8:
0x122: {  	_ = 	snop;
	(pc) =	sbr.rel @!p0 .LBB2_21-.Ltmp8, $1  }
0x123: {  	_ =	sdelay $0x3  }
.LBB2_12:
0x124: {  	s8 =	sshll.u32 s13, $0x6  }
0x125: {  	s14 =	sor.u32 s9, s8  }
0x126: {  	p0 =	sgt.u32 s14, $0x270  }
0x127: {  	s8 =	smul.u32 @!p0 $0xA00, s14;
	_ =	sdelay $0x1  }
0x128: {  	s29 =	simm.s32 @!p0 $0x0;
	s8 =	sshrl.u32 @!p0 s8, $0x3  }
0x129: {  	s19 =	simm.s32 @!p0 $0x6400;
	s16 =	simm.s32 @!p0 $0x3;
	s18 =	sadd.s32 @!p0 s6, s8  }
0x12a: {  	[tilespmem:s19], [sflag:$0x3] =	stream.linear.gather @!p0 [hbm4b:s18+s29], $0xA00, $0x38;
	[tilespmem:$0xEB00] =	vst v63  }
0x12b: {  	_ =	swait.ge @!p0 [sflag:s16], $0xA00  }
0x12c: {  	[sflag:s16] =	ssyncset.done @!p0 $0x0  }
0x12d: {  	s17 =	simm.s32 @!p0 $0x6E00;
	s18 =	sadd.s32 @!p0 $0x30D40, s18;
	[sflag:s16] =	ssyncadd.s32 @!p0 $0xFFFFF600  }
0x12e: {  	[tilespmem:s17], [sflag:$0x3] =	stream.linear.gather @!p0 [hbm4b:s18+s29], $0xA00, $0x38;
	[tilespmem:$0xEB00] =	vst v63  }
0x12f: {  	_ =	swait.ge @!p0 [sflag:s16], $0xA00  }
0x130: {  	[sflag:s16] =	ssyncset.done @!p0 $0x0  }
0x131: {  	s8 =	sadd.s32 @!p0 s7, s8;
	s17 =	simm.s32 @!p0 $0x7800;
	[sflag:s16] =	ssyncadd.s32 @!p0 $0xFFFFF600  }
0x132: {  	[tilespmem:s17], [sflag:$0x3] =	stream.linear.gather @!p0 [hbm4b:s8+s29], $0xA00, $0x38;
	[tilespmem:$0xEB00] =	vst v63  }
0x133: {  	_ =	swait.ge @!p0 [sflag:s16], $0xA00  }
0x134: {  	[sflag:s16] =	ssyncset.done @!p0 $0x0  }
0x135: {  	s8 =	simm.s32 @!p0 $0xA00;
	[sflag:s16] =	ssyncadd.s32 @!p0 $0xFFFFF600;
	s16 =	simm.s32 @!p0 $0x8200  }
0x136: {  	[tilespmem:s16], [sflag:$0x2] =	stream.indirect.gather @!p0 [spmem:s1], $0x1, s19, s8, $0xb8;
	[tilespmem:$0xEB00] =	vst v63  }
0x137: {  	_ =	swait.ge [sflag:s28], $0xA00  }
0x138: {  	[sflag:s28] =	ssyncset.done $0x0  }
0x139: {  	s29 =	simm.s32 $0x0;
	[sflag:s28] =	ssyncadd.s32 $0xFFFFF600  }
0x13a: {  	v1 =	vld [tilespmem:s29+$0x3C00]  }
0x13b: {  	v2 =	vld [tilespmem:s29+$0x4600];
	_ =	sdelay $0x1  }
0x13c: {  	s8 =	simm.s32 $0x40  }
.LBB2_13:
0x13d: {  	p1 =	sne.s32 s8, $0x27C0  }
.Ltmp9:
0x13e: {  	s16 =	sshra.s32 s8, $0x2;
	s8 =	sadd.s32 $0x40, s8;
	v3 =	vand.u32 $0x7FFFFFFF, v1;
	v4 =	vmov v1;
	(pc) =	sbr.rel @p1 .LBB2_13-.Ltmp9, $4  }
0x13f: {  	v1 =	vld [tilespmem:s16+$0x3C00];
	v3 =	vmul.f32 v2, v3  }
0x140: {  	vm0 =	vlt.f32 v4, $0.0e+00;
	v2 =	vld [tilespmem:s16+$0x4600]  }
0x141: {  	[tilespmem:s29+$0x5000] =	vst v3;
	v3 =	vsel vm0, $0x0, v3  }
0x142: {  	[tilespmem:s29+$0x5A00] =	vst v3;
	s29 =	smov.u32 s16  }
0x143: {  	_ = 	snop  }
0x144: {  	v3 =	vand.u32 $0x7FFFFFFF, v1  }
0x145: {  	v2 =	vmul.f32 v2, v3  }
0x146: {  	vm0 =	vlt.f32 v1, $0.0e+00  }
0x147: {  	[tilespmem:s29+$0x5000] =	vst v2;
	v1 =	vsel vm0, $0x0, v2  }
0x148: {  	[tilespmem:s29+$0x5A00] =	vst v1  }
0x149: {  	[spmem:s3] =	stream.indirect.scatter.add.f32 [tilespmem:s30], [sflag:$0x1], $0x1, s23, s25, $0xb8;
	[tilespmem:$0xEB00] =	vst v63  }
0x14a: {  	_ = 	snop  }
0x14b: {  	[spmem:s4] =	stream.indirect.scatter.add.f32 [tilespmem:s31], [sflag:$0x1], $0x1, s23, s25, $0xb8;
	[tilespmem:$0xEB00] =	vst v63  }
0x14c: {  	p1 =	sgt.u32 s14, $0x250;
	_ =	swait.ge [sflag:s28], $0xA00  }
.Ltmp10:
0x14d: {  	[sflag:s28] =	ssyncset.done $0x0;
	(pc) =	sbr.rel @p1 .LBB2_16-.Ltmp10, $4  }
0x14e: {  	[sflag:s28] =	ssyncadd.s32 $0xFFFFF600  }
0x14f: {  	_ =	swait.ge [sflag:s28], $0xA00  }
0x150: {  	[sflag:s28] =	ssyncset.done $0x0  }
0x151: {  	[sflag:s28] =	ssyncadd.s32 $0xFFFFF600  }
0x152: {  	s8 =	smul.u32 $0xA00, s14;
	_ =	sdelay $0x1  }
0x153: {  	s8 =	sshrl.u32 s8, $0x3  }
0x154: {  	s19 =	sadd.s32 $0x2800, s8  }
0x155: {  	s16 =	sadd.s32 s6, s19  }
0x156: {  	[tilespmem:s22], [sflag:$0x3] =	stream.linear.gather [hbm4b:s16+s5], $0xA00, $0x38;
	[tilespmem:$0xEB00] =	vst v63  }
0x157: {  	_ =	swait.ge [sflag:s15], $0xA00  }
0x158: {  	s8 =	sadd.s32 s6, s8;
	[sflag:s15] =	ssyncset.done $0x0  }
0x159: {  	s8 =	sadd.s32 $0x33540, s8;
	[sflag:s15] =	ssyncadd.s32 $0xFFFFF600  }
0x15a: {  	[tilespmem:s23], [sflag:$0x3] =	stream.linear.gather [hbm4b:s8+s5], $0xA00, $0x38;
	[tilespmem:$0xEB00] =	vst v63  }
0x15b: {  	_ =	swait.ge [sflag:s15], $0xA00  }
0x15c: {  	[sflag:s15] =	ssyncset.done $0x0  }
0x15d: {  	s29 =	sadd.s32 s7, s19;
	[sflag:s15] =	ssyncadd.s32 $0xFFFFF600  }
0x15e: {  	[tilespmem:s24], [sflag:$0x3] =	stream.linear.gather [hbm4b:s29+s5], $0xA00, $0x38;
	[tilespmem:$0xEB00] =	vst v63  }
.Ltmp11:
0x15f: {  	_ = 	snop;
	(pc) =	sbr.rel .LBB2_17-.Ltmp11, $4  }
0x160: {  	_ =	swait.ge [sflag:s15], $0xA00  }
0x161: {  	[sflag:s15] =	ssyncset.done $0x0  }
0x162: {  	[sflag:s15] =	ssyncadd.s32 $0xFFFFF600  }
0x163: {  	[tilespmem:s26], [sflag:$0x1] =	stream.indirect.gather [spmem:s1], $0x1, s22, s25, $0xb8;
	[tilespmem:$0xEB00] =	vst v63  }
.LBB2_16:
.Ltmp12:
0x164: {  	(pc) =	sbr.rel @p0 .LBB2_20-.Ltmp12, $1  }
0x165: {  	_ =	sdelay $0x3  }
.LBB2_17:
0x166: {  	_ =	swait.ge [sflag:s0], $0xA00  }
0x167: {  	[sflag:s0] =	ssyncset.done $0x0  }
0x168: {  	s14 =	simm.s32 $0x0;
	[sflag:s0] =	ssyncadd.s32 $0xFFFFF600  }
0x169: {  	v1 =	vld [tilespmem:s14+$0x7800]  }
0x16a: {  	v2 =	vld [tilespmem:s14+$0x8200];
	_ =	sdelay $0x1  }
0x16b: {  	s8 =	simm.s32 $0x40  }
.LBB2_18:
0x16c: {  	p0 =	sne.s32 s8, $0x27C0  }
.Ltmp13:
0x16d: {  	s16 =	sshra.s32 s8, $0x2;
	s8 =	sadd.s32 $0x40, s8;
	v3 =	vand.u32 $0x7FFFFFFF, v1;
	v4 =	vmov v1;
	(pc) =	sbr.rel @p0 .LBB2_18-.Ltmp13, $4  }
0x16e: {  	v1 =	vld [tilespmem:s16+$0x7800];
	v3 =	vmul.f32 v2, v3  }
0x16f: {  	vm0 =	vlt.f32 v4, $0.0e+00;
	v2 =	vld [tilespmem:s16+$0x8200]  }
0x170: {  	[tilespmem:s14+$0x8C00] =	vst v3;
	v3 =	vsel vm0, $0x0, v3  }
0x171: {  	[tilespmem:s14+$0x9600] =	vst v3;
	s14 =	smov.u32 s16  }
0x172: {  	_ = 	snop  }
0x173: {  	v3 =	vand.u32 $0x7FFFFFFF, v1  }
0x174: {  	v2 =	vmul.f32 v2, v3  }
0x175: {  	vm0 =	vlt.f32 v1, $0.0e+00  }
0x176: {  	[tilespmem:s14+$0x8C00] =	vst v2;
	v1 =	vsel vm0, $0x0, v2  }
0x177: {  	[tilespmem:s14+$0x9600] =	vst v1  }
0x178: {  	[spmem:s3] =	stream.indirect.scatter.add.f32 [tilespmem:s10], [sflag:$0x2], $0x1, s2, s25, $0xb8;
	[tilespmem:$0xEB00] =	vst v63  }
0x179: {  	_ = 	snop  }
0x17a: {  	[spmem:s4] =	stream.indirect.scatter.add.f32 [tilespmem:s11], [sflag:$0x2], $0x1, s2, s25, $0xb8;
	[tilespmem:$0xEB00] =	vst v63  }
0x17b: {  	_ =	swait.ge [sflag:s0], $0xA00  }
.Ltmp14:
0x17c: {  	[sflag:s0] =	ssyncset.done $0x0;
	(pc) =	sbr.rel .LBB2_20-.Ltmp14, $4  }
0x17d: {  	[sflag:s0] =	ssyncadd.s32 $0xFFFFF600  }
0x17e: {  	_ =	swait.ge [sflag:s0], $0xA00  }
0x17f: {  	[sflag:s0] =	ssyncset.done $0x0  }
0x180: {  	[sflag:s0] =	ssyncadd.s32 $0xFFFFF600  }
.LBB2_22:
0x181: {  	_ =	sfence.sel $0x180000  }
0x182: {  	[bflag:$0x0] =	sbarrier.arrive $0xFFFF  }
0x183: {  	_ =	strace $0x9000004D  }
0x184: {  	s0 =	stileid.u32;
	[bflag:$0x2] =	sbarrier.arrive $0xFFFF  }
0x185: {  	p0 =	sne.s32 s0, $0x0;
	s0 =	rddreg [dreg:$0x4]  }
0x186: {  	s0 =	sadd.s32 @!p0 $0x100000, s0  }
0x187: {  	[sflag:s0] =	ssyncadd.tile.s32 @!p0 $0x1;
	_ =	shalt  }
.Lfunc_end2:
_tile_overlayer_lowered:
.L_overlay_start_2:
0x188: {  	(tag) =	ssettag $0x2  }
0x189: {  	s0 =	rddreg [dreg:$0x0];
	s2 =	stileid.u32  }
0x18a: {  	s1 =	rddreg [dreg:$0x1];
	p0 =	sne.s32 s2, $0x0  }
0x18b: {  	s3 =	rddreg [dreg:$0x2];
	[bflag:$0x3] =	sbarrier.arrive $0xFFFF;
	s2 =	simm.s32 @!p0 $0x1C03  }
0x18c: {  	[timem:s3], [sflag:s2] =	dma.local @!p0 [hbm:s0], s1  }
0x18d: {  	s0 =	simm.s32 @!p0 $0x3  }
0x18e: {  	_ =	swait.ge @!p0 [sflag:s0], s1  }
0x18f: {  	s1 =	ssub.s32 @!p0 $0x0, s1;
	[sflag:s0] =	ssyncset.done @!p0 $0x0  }
0x190: {  	[sflag:s0] =	ssyncadd.s32 @!p0 s1  }
0x191: {  	[bflag:$0x3] =	sbarrier.arrive $0xFFFF  }
0x192: {  	_ =	shalt  }

// kernel: kernel.7.cloned.1.call-start
scs
__scs_entry_jumppad:
0x0: {  	(pc) =	sbr.rel $0x88, $3  }
0x1: {  	(tag) =	ssettag $0x0;
	lr =	simm.s32 $0x1  }
0x2: {  	[smem:$0x3F93] =	sst lr;
	_ =	strace $0xD0000000  }
0x3: {  	_ = 	snop  }
0x4: {  	_ = 	snop  }
0x5: {  	_ = 	snop  }
0x6: {  	_ = 	snop  }
0x7: {  	_ = 	snop  }
__scs_overlays_trampoline_lowered:
0x8: {  	[smem:$0x3FA2] =	sst s0  }
0x9: {  	[smem:$0x3FA3] =	sst s1  }
0xa: {  	[smem:$0x3FA4] =	sst s2  }
0xb: {  	[smem:$0x3FA5] =	sst s3  }
0xc: {  	[smem:$0x3FA6] =	sst s4  }
0xd: {  	[smem:$0x3FA7] =	sst s5  }
0xe: {  	[smem:$0x3FA8] =	sst s6  }
0xf: {  	[smem:$0x3FA9] =	sst s7  }
0x10: {  	[smem:$0x3FAA] =	sst s8  }
0x11: {  	[smem:$0x3FAB] =	sst s9;
	s0 =	simm.s32 @!p0 $0x0  }
0x12: {  	s1 =	sld [smem:$0x3F91];
	s0 =	simm.s32 @p0 $0x1  }
0x13: {  	[smem:$0x3FAC] =	sst s0;
	s0 =	simm.s32 @!p1 $0x0  }
0x14: {  	s2 =	sld [smem:$0x3F90];
	s0 =	simm.s32 @p1 $0x1  }
0x15: {  	[smem:$0x3FAD] =	sst s0;
	s0 =	simm.s32 @!p2 $0x0  }
0x16: {  	s3 =	sld [smem:$0x3FDB];
	s0 =	simm.s32 @p2 $0x1  }
0x17: {  	s4 =	simm.s32 $0x1BF5;
	[smem:$0x3FAF] =	sst s0  }
0x18: {  	s0 =	sld [smem:$0x3F92];
	_ =	swait.ge [sflag:s4], $0x0  }
0x19: {  	s7 =	sld [smem:$0x3F93]  }
0x1a: {  	s8 =	sadd.s32 $0xFFFFE003, lr  }
0x1b: {  	s9 =	sadd.s32 $0xFFFFFEF7, lr;
	s5 =	simm.s32 $0xFFFFFFFF;
	p2 =	slt.u32 s8, $0xFFFFF086  }
0x1c: {  	p1 =	slt.u32 s9, $0xF7A;
	s5 =	simm.s32 @!p2 $0x0  }
0x1d: {  	s5 =	simm.s32 @p1 $0x1;
	p0 =	seq.s32 s7, s2  }
0x1e: {  	s7 =	smul.u32 @!p0 $0xF7A, s2;
	p2 =	seq.s32 @!p0 s5, $0x0  }
0x1f: {  	s9 =	smul.u32 $0xF7A, s1;
	s8 =	simm.s32 @!p0 $0x1BF5;
	p2 =	por !p2, p0  }
0x20: {  	[sflag:s8] =	ssyncset.s32 @!p0 $0xFFFFF086;
	s6 =	sadd.s32 @!p0 s3, s7;
	s7 =	simm.s32 @!p0 $0x108  }
0x21: {  	s3 =	sadd.s32 s3, s9;
	s6 =	sadd.s32 @!p0 $0x88, s6;
	s7 =	simm.s32 @p2 $0x1082  }
0x22: {  	[simem:s7], [sflag:s8] =	dma.local @!p0 [hbm:s6], $0xF7A  }
0x23: {  	s9 =	sor.u32 $0xD0000000, s2;
	s6 =	simm.s32 $0x108;
	_ =	swait.ge @!p0 [sflag:s8], $0x0  }
0x24: {  	s3 =	sadd.s32 $0x88, s3;
	s6 =	simm.s32 @!p1 $0x1082;
	[sflag:s4] =	ssyncset.s32 $0xFFFFF086  }
0x25: {  	[simem:s6], [sflag:s4] =	dma.local [hbm:s3], $0xF7A  }
0x26: {  	[smem:$0x3F93] =	sst s1;
	(tag) =	ssettag s2;
	_ =	strace s9  }
0x27: {  	s1 =	sld [smem:$0x3FA3]  }
0x28: {  	s2 =	sld [smem:$0x3FA4]  }
0x29: {  	s4 =	sld [smem:$0x3FA6]  }
0x2a: {  	p0 =	seq.s32 s5, $0x0;
	s5 =	sld [smem:$0x3FA7]  }
0x2b: {  	s6 =	sld [smem:$0x3FA8]  }
0x2c: {  	s7 =	sld [smem:$0x3FA9]  }
0x2d: {  	s3 =	simm.s32 $0x108;
	s8 =	sld [smem:$0x3FAA]  }
0x2e: {  	s3 =	simm.s32 @!p0 $0x1082;
	s9 =	sld [smem:$0x3FAB]  }
0x2f: {  	lr =	sadd.s32 s0, s3;
	s0 =	sld [smem:$0x3FA2]  }
0x30: {  	s3 =	sld [smem:$0x3FA5]  }
0x31: {  	[smem:$0x3FAE] =	sst s10  }
0x32: {  	s10 =	sld [smem:$0x3FAC];
	_ =	sdelay $0x3  }
0x33: {  	p0 =	seq.s32 s10, $0x1;
	s10 =	sld [smem:$0x3FAE];
	_ =	sdelay $0x3  }
0x34: {  	[smem:$0x3FAE] =	sst s10  }
0x35: {  	s10 =	sld [smem:$0x3FAD];
	_ =	sdelay $0x3  }
0x36: {  	p1 =	seq.s32 s10, $0x1;
	s10 =	sld [smem:$0x3FAE];
	_ =	sdelay $0x3  }
0x37: {  	[smem:$0x3FAE] =	sst s10  }
0x38: {  	s10 =	sld [smem:$0x3FAF]  }
0x39: {  	_ = 	snop;
	(pc) =	sbr.ind lr, $3  }
0x3a: {  	_ = 	snop  }
0x3b: {  	_ = 	snop  }
0x3c: {  	p2 =	seq.s32 s10, $0x1;
	s10 =	sld [smem:$0x3FAE]  }
0x3d: {  	_ =	shalt  }
0x3e: {  	_ =	shalt  }
0x3f: {  	_ =	shalt  }
0x40: {  	_ =	shalt  }
0x41: {  	_ =	shalt  }
0x42: {  	_ =	shalt  }
0x43: {  	_ =	shalt  }
0x44: {  	_ =	shalt  }
0x45: {  	_ =	shalt  }
0x46: {  	_ =	shalt  }
0x47: {  	_ =	shalt  }
0x48: {  	_ =	shalt  }
0x49: {  	_ =	shalt  }
0x4a: {  	_ =	shalt  }
0x4b: {  	_ =	shalt  }
0x4c: {  	_ =	shalt  }
0x4d: {  	_ =	shalt  }
0x4e: {  	_ =	shalt  }
0x4f: {  	_ =	shalt  }
0x50: {  	_ =	shalt  }
0x51: {  	_ =	shalt  }
0x52: {  	_ =	shalt  }
0x53: {  	_ =	shalt  }
0x54: {  	_ =	shalt  }
0x55: {  	_ =	shalt  }
0x56: {  	_ =	shalt  }
0x57: {  	_ =	shalt  }
0x58: {  	_ =	shalt  }
0x59: {  	_ =	shalt  }
0x5a: {  	_ =	shalt  }
0x5b: {  	_ =	shalt  }
0x5c: {  	_ =	shalt  }
0x5d: {  	_ =	shalt  }
0x5e: {  	_ =	shalt  }
0x5f: {  	_ =	shalt  }
0x60: {  	_ =	shalt  }
0x61: {  	_ =	shalt  }
0x62: {  	_ =	shalt  }
0x63: {  	_ =	shalt  }
0x64: {  	_ =	shalt  }
0x65: {  	_ =	shalt  }
0x66: {  	_ =	shalt  }
0x67: {  	_ =	shalt  }
0x68: {  	_ =	shalt  }
0x69: {  	_ =	shalt  }
0x6a: {  	_ =	shalt  }
0x6b: {  	_ =	shalt  }
0x6c: {  	_ =	shalt  }
0x6d: {  	_ =	shalt  }
0x6e: {  	_ =	shalt  }
0x6f: {  	_ =	shalt  }
0x70: {  	_ =	shalt  }
0x71: {  	_ =	shalt  }
0x72: {  	_ =	shalt  }
0x73: {  	_ =	shalt  }
0x74: {  	_ =	shalt  }
0x75: {  	_ =	shalt  }
0x76: {  	_ =	shalt  }
0x77: {  	_ =	shalt  }
0x78: {  	_ =	shalt  }
0x79: {  	_ =	shalt  }
0x7a: {  	_ =	shalt  }
0x7b: {  	_ =	shalt  }
0x7c: {  	_ =	shalt  }
0x7d: {  	_ =	shalt  }
0x7e: {  	_ =	shalt  }
0x7f: {  	_ =	shalt  }
0x80: {  	_ =	shalt  }
0x81: {  	_ =	shalt  }
0x82: {  	_ =	shalt  }
0x83: {  	_ =	shalt  }
0x84: {  	_ =	shalt  }
0x85: {  	_ =	shalt  }
0x86: {  	_ =	shalt  }
0x87: {  	_ =	shalt  }
.Lfunc_end0:
.L_simem_size_0:
called_computation_lowered:
.L_overlay_start_0:
0x88: {  	s2 =	sld [smem:$0x3FD9]  }
0x89: {  	s3 =	sld [smem:$0x3FFE];
	_ =	sdelay $0x1  }
0x8a: {  	s1 =	srdreg.scid  }
0x8b: {  	s0 =	sand.u32 $0x1, s1  }
0x8c: {  	s14 =	sshll.u32 s0, $0xA;
	s2 =	sadd.s32 s3, s2  }
0x8d: {  	s2 =	sadd.s32 s2, s14  }
0x8e: {  	[smem:$0x3FBA] =	sst s2  }
0x8f: {  	_ = 	snop  }
0x90: {  	s2 =	sld [smem:$0x3FD0];
	_ =	sdelay $0x2  }
0x91: {  	s15 =	simm.s32 $0xA;
	s4 =	simm.s32 $0x10  }
0x92: {  	[smem:s4], [sflag:s15] =	dma.local [hbm:s2], $0x1  }
0x93: {  	_ =	swait.eq [sflag:s15], $0x1  }
0x94: {  	s16 =	sld [smem:$0x10];
	[sflag:s15] =	ssyncset.done $0x0  }
0x95: {  	s17 =	sld [smem:$0x11];
	[sflag:s15] =	ssyncadd.s32 $0xFFFFFFFF  }
0x96: {  	s18 =	sld [smem:$0x12];
	(tm) =	ssettm $0x1  }
0x97: {  	s5 =	sld [smem:$0x3FFB];
	_ =	sdelay $0x3  }
0x98: {  	_ =	strace s5  }
0x99: {  	s5 =	sld [smem:$0x3FFC];
	_ =	sdelay $0x3  }
0x9a: {  	_ =	strace s5  }
0x9b: {  	s5 =	sld [smem:$0x3FFD];
	_ =	sdelay $0x3  }
0x9c: {  	_ =	strace s5  }
0x9d: {  	_ =	strace $0x8FFFFFFF  }
0x9e: {  	s19 =	sld [smem:$0x3FDB];
	_ =	sdelay $0x1  }
0x9f: {  	s6 =	simm.s32 $_scs_section_size  }
0xa0: {  	s7 =	simm.s32 $_size__tile_overlayer_lowered;
	s8 =	simm.s32 $_tile_overlayer_lowered  }
0xa1: {  	s22 =	simm.s32 $0x1BFF;
	s21 =	sshll.u32 s8, $0x1;
	s5 =	sadd.s32 s6, s19  }
0xa2: {  	s9 =	simm.s32 $0x0;
	s20 =	sshll.u32 s7, $0x1;
	s7 =	sadd.s32 s21, s5  }
0xa3: {  	[timem:s9], [sflag:s22] =	dma.local [hbm:s7], s20  }
0xa4: {  	_ =	swait.ge [sflag:s22], s20  }
0xa5: {  	s6 =	ssub.s32 $0x0, s20;
	[sflag:s22] =	ssyncset.done $0x0  }
0xa6: {  	[sflag:s22] =	ssyncadd.s32 s6;
	_ =	sdelay $0x1  }
0xa7: {  	s23 =	simm.s32 $0x1B8B  }
0xa8: {  	_ =	swait.ge [sflag:s23], $0x1  }
0xa9: {  	[sflag:s23] =	ssyncset.done $0x0  }
0xaa: {  	s25 =	simm.s32 $0x1B8E;
	s24 =	sld [smem:$0x3FFE];
	[sflag:s23] =	ssyncadd.s32 $0xFFFFFFFF  }
0xab: {  	s26 =	simm.s32 $execute0_lowered;
	[smem:$0x3FD2] =	sst s25  }
0xac: {  	s7 =	sshll.u32 s26, $0x1;
	_ =	strace $0x80000046;
	[dreg:$0x1] =	wrdreg $0xFFFFFFFF  }
0xad: {  	s28 =	simm.s32 $_size_execute0_lowered;
	s5 =	sadd.s32 s5, s7;
	[dreg:$0x0] =	wrdreg $0x0  }
0xae: {  	s7 =	sshll.u32 s28, $0x1;
	[dreg:$0x2] =	wrdreg s5  }
0xaf: {  	[dreg:$0x3] =	wrdreg s7  }
0xb0: {  	[dreg:$0x4] =	wrdreg $0xC0  }
0xb1: {  	_ =	task [dreg:s9], $0x5FFFF  }
0xb2: {  	[dreg:$0x1] =	wrdreg $0xFFFFFFFF  }
0xb3: {  	[dreg:$0x0] =	wrdreg $0x60  }
0xb4: {  	[dreg:$0x2] =	wrdreg s17  }
0xb5: {  	[dreg:$0x3] =	wrdreg s24  }
0xb6: {  	[dreg:$0x4] =	wrdreg s16  }
0xb7: {  	[dreg:$0x5] =	wrdreg s18  }
0xb8: {  	[dreg:$0x6] =	wrdreg $0x9  }
0xb9: {  	_ =	task.clear_ibuf [dreg:s9], $0x7FFFF;
	_ =	strace $0x90000046  }
0xba: {  	s29 =	simm.s32 $0x9;
	_ =	strace $0x80000048  }
0xbb: {  	_ =	swait.ge [sflag:s29], $0x1  }
0xbc: {  	[sflag:s29] =	ssyncadd.s32 $0xFFFFFFFF  }
0xbd: {  	_ =	strace $0x90000048  }
0xbe: {  	_ =	sfence  }
0xbf: {  	s30 =	sld [smem:$0x0];
	_ =	sdelay $0x2  }
0xc0: {  	s31 =	sshll.u32 s1, $0xD;
	s1 =	sshrl.u32 s1, $0x2  }
0xc1: {  	s3 =	sand.u32 $0x4000, s31;
	s1 =	sadd.s32 s1, s30  }
0xc2: {  	s0 =	sor.u32 s3, s0;
	s1 =	sshll.u32 s1, $0x11  }
0xc3: {  	s0 =	sor.u32 s1, s0  }
0xc4: {  	s0 =	sadd.s32 $0x8F2B, s0  }
0xc5: {  	[sflag:s0] =	ssyncadd.remote.s32 $0x1  }
0xc6: {  	_ =	sfence.sel $0xFFFF  }
0xc7: {  	[dreg:$0x0] =	wrdreg $0xFFFFFFFF;
	(pc) =	sbr.abs _section_cstart, $3  }
0xc8: {  	[dreg:$0x1] =	wrdreg $0xFFFFFFFF  }
0xc9: {  	_ =	task.clear_ibuf [dreg:s9], $0x2FFFF;
	_ =	strace $0x9FFFFFFF  }
0xca: {  	(tm) =	ssettm $0x7FFFFFFF  }
0xcb: {  	_ =	shalt  }
tec
execute0_lowered:
.L_overlay_start_1:
0x0: {  	(tag) =	ssettag $0x1  }
0x1: {  	s0 =	rddreg [dreg:$0x1]  }
0x2: {  	s3 =	rddreg [dreg:$0x3];
	s4 =	simm.s32 $0x0  }
0x3: {  	s1 =	srdreg.scid;
	s8 =	stileid.u32;
	s15 =	simm.s32 $0x2  }
0x4: {  	s17 =	simm.s32 $0x1FC0;
	s18 =	simm.s32 $0x3;
	s19 =	simm.s32 $0x21C0  }
0x5: {  	s20 =	simm.s32 $0x23C0;
	s21 =	simm.s32 $0x80;
	s22 =	simm.s32 $0x29C0  }
0x6: {  	s23 =	simm.s32 $0x2040;
	s24 =	simm.s32 $0x39C0;
	s28 =	simm.s32 $0x2140  }
0x7: {  	s29 =	simm.s32 $0x59C0;
	s30 =	simm.s32 $0x1;
	s31 =	simm.s32 $0x25C0  }
0x8: {  	[smem:$0x7FF] =	sst s4;
	s5 =	sand.u32 $0x1, s1;
	s6 =	sadd.s32 $0x1600, s0  }
0x9: {  	s7 =	sadd.s32 $0x4800, s0;
	s2 =	sadd.s32 $0x1400, s0;
	s10 =	sadd.s32 $0xAC00, s0  }
.Ltmp0:
0xa: {  	s11 =	sadd.s32 $0x6EC00, s0;
	s1 =	ssub.s32 $0x2, s5;
	(pc) =	sbr.rel .LBB2_1-.Ltmp0, $4  }
0xb: {  	s12 =	sadd.s32 $0x7A00, s0;
	s13 =	sshll.u32 s8, $0x1;
	s25 =	sshrl.u32 s1, $0x1  }
0xc: {  	s0 =	simm.s32 $0x27C0;
	s8 =	simm.s32 $0x0;
	s1 =	ssub.s32 s1, s25  }
0xd: {  	_ =	strace $0x80000047;
	[dreg:$0x5] =	wrdreg s2;
	s26 =	smax.u32 s1, $0x1  }
0xe: {  	v0 =	vimm.s32 $0x0;
	s25 =	simm.s32 $0x20C0;
	[dreg:$0x6] =	wrdreg s26;
	s26 =	simm.s32 $0x49C0  }
.LBB2_7:
0xf: {  	s8 =	sadd.s32 $0x1, s8;
	s1 =	rddreg [dreg:$0x6]  }
0x10: {  	p0 =	sne.s32 s8, s1  }
.Ltmp1:
0x11: {  	_ = 	snop;
	(pc) =	sbr.rel @!p0 .LBB2_8-.Ltmp1, $1  }
0x12: {  	_ =	sdelay $0x3  }
.LBB2_1:
0x13: {  	s1 =	rddreg [dreg:$0x2]  }
0x14: {  	[tilespmem:s4], [sflag:$0x2] =	stream.linear.gather [hbm4b:s1+s4], $0x1F40, $0x38;
	[tilespmem:$0x69C0] =	vst v63  }
0x15: {  	_ =	swait.ge [sflag:s15], $0x1F40  }
0x16: {  	[sflag:s15] =	ssyncset.done $0x0  }
0x17: {  	s2 =	simm.s32 $0x1F40;
	s16 =	rddreg [dreg:$0x5];
	[sflag:s15] =	ssyncadd.s32 $0xFFFFE0C0  }
0x18: {  	[tilespmem:s2], [sflag:$0x2] =	stream.linear.gather [hbm4b:s16+s4], $0x80, $0x38;
	[tilespmem:$0x69C0] =	vst v63  }
0x19: {  	_ =	swait.ge [sflag:s15], $0x80  }
0x1a: {  	[sflag:s15] =	ssyncset.done $0x0  }
.Ltmp2:
0x1b: {  	[sflag:s15] =	ssyncadd.s32 $0xFFFFFF80;
	(pc) =	sbr.rel .LBB2_2-.Ltmp2, $2  }
0x1c: {  	v1 =	vld.msk [tilespmem:$0x1F90 ss:$0x0], $0xffff;
	_ =	sdelay $0x2  }
0x1d: {  	s2 =	simm.s32 $0x0  }
.LBB2_6:
0x1e: {  	s2 =	sadd.s32 $0x1, s2  }
0x1f: {  	p0 =	sne.s32 s2, $0x7  }
.Ltmp3:
0x20: {  	_ = 	snop;
	(pc) =	sbr.rel @!p0 .LBB2_7-.Ltmp3, $1  }
0x21: {  	_ =	sdelay $0x3  }
.LBB2_2:
0x22: {  	s1 =	sshll.u32 s2, $0x5  }
0x23: {  	s1 =	sor.u32 s13, s1  }
0x24: {  	p0 =	sgt.u32 s1, $0xC7  }
.Ltmp4:
0x25: {  	_ = 	snop;
	(pc) =	sbr.rel @p0 .LBB2_6-.Ltmp4, $1  }
0x26: {  	_ =	sdelay $0x3  }
0x27: {  	s1 =	sor.u32 s5, s1  }
0x28: {  	s9 =	rddreg [dreg:$0x0];
	s16 =	sshll.u32 s1, $0x6  }
0x29: {  	s14 =	simm.s32 $0x0;
	s9 =	sadd.s32 s9, s16  }
0x2a: {  	[tilespmem:s17], [sflag:$0x3] =	stream.linear.gather [hbm4b:s9+s14], $0x200, $0x38;
	[tilespmem:$0x69C0] =	vst v63  }
0x2b: {  	_ =	swait.ge [sflag:s18], $0x200  }
0x2c: {  	[sflag:s18] =	ssyncset.done $0x0  }
0x2d: {  	s9 =	sadd.s32 s6, s16;
	[sflag:s18] =	ssyncadd.s32 $0xFFFFFE00  }
0x2e: {  	[tilespmem:s19], [sflag:$0x3] =	stream.linear.gather [hbm4b:s9+s14], $0x200, $0x38;
	[tilespmem:$0x69C0] =	vst v63  }
0x2f: {  	_ =	swait.ge [sflag:s18], $0x200  }
0x30: {  	[sflag:s18] =	ssyncset.done $0x0  }
0x31: {  	s9 =	sadd.s32 s7, s16;
	[sflag:s18] =	ssyncadd.s32 $0xFFFFFE00  }
0x32: {  	[tilespmem:s20], [sflag:$0x3] =	stream.linear.gather [hbm4b:s9+s14], $0x200, $0x38;
	[tilespmem:$0x69C0] =	vst v63  }
0x33: {  	_ =	swait.ge [sflag:s18], $0x200  }
0x34: {  	[sflag:s18] =	ssyncset.done $0x0  }
0x35: {  	[sflag:s18] =	ssyncadd.s32 $0xFFFFFE00  }
0x36: {  	[tilespmem:s22], [sflag:$0x1] =	stream.indirect.gather [hbm4b:s3+s21], $0x20, s17, s21, $0xb8;
	[tilespmem:$0x69C0] =	vst v63  }
0x37: {  	_ = 	snop  }
0x38: {  	[tilespmem:s24], [sflag:$0x1] =	stream.indirect.gather [hbm4b:s3+s21], $0x20, s23, s21, $0xb8;
	[tilespmem:$0x69C0] =	vst v63  }
0x39: {  	_ = 	snop  }
0x3a: {  	[tilespmem:s26], [sflag:$0x1] =	stream.indirect.gather [hbm4b:s3+s21], $0x20, s25, s21, $0xb8;
	[tilespmem:$0x69C0] =	vst v63  }
0x3b: {  	_ = 	snop  }
0x3c: {  	[tilespmem:s29], [sflag:$0x1] =	stream.indirect.gather [hbm4b:s3+s21], $0x20, s28, s21, $0xb8;
	[tilespmem:$0x69C0] =	vst v63  }
0x3d: {  	_ =	swait.ge [sflag:s30], $0x1000  }
0x3e: {  	[sflag:s30] =	ssyncset.done $0x0  }
0x3f: {  	[sflag:s30] =	ssyncadd.s32 $0xFFFFF000  }
0x40: {  	_ =	swait.ge [sflag:s30], $0x1000  }
0x41: {  	[sflag:s30] =	ssyncset.done $0x0  }
0x42: {  	[sflag:s30] =	ssyncadd.s32 $0xFFFFF000  }
0x43: {  	_ =	swait.ge [sflag:s30], $0x1000  }
0x44: {  	[sflag:s30] =	ssyncset.done $0x0  }
0x45: {  	[sflag:s30] =	ssyncadd.s32 $0xFFFFF000  }
0x46: {  	_ =	swait.ge [sflag:s30], $0x1000  }
0x47: {  	s1 =	sshll.u32 s1, $0xB;
	[sflag:s30] =	ssyncset.done $0x0  }
0x48: {  	s1 =	sadd.s32 s10, s1;
	[sflag:s30] =	ssyncadd.s32 $0xFFFFF000  }
0x49: {  	[hbm4b:s1+s14] =	stream.linear.scatter [tilespmem:s22], [sflag:$0x3], $0x4000, $0x38;
	[tilespmem:$0x69C0] =	vst v63  }
0x4a: {  	_ =	swait.ge [sflag:s18], $0x4000  }
0x4b: {  	[sflag:s18] =	ssyncset.done $0x0  }
0x4c: {  	s9 =	simm.s32 $0x0;
	[sflag:s18] =	ssyncadd.s32 $0xFFFFC000  }
0x4d: {  	v3 =	vld [tilespmem:s9+$0x1FC0];
	_ =	sdelay $0x2  }
0x4e: {  	v2 =	vld [tilespmem:s9+$0x23C0];
	_ =	sdelay $0x1  }
0x4f: {  	v4 =	vshll.u32 v3, $0x3;
	_ =	sdelay $0x2  }
0x50: {  	vm0 =	vgt.f32 v2, $5.000000000e-01;
	v2 =	vld [tilespmem:s9+$0x21C0]  }
0x51: {  	v5 =	vsel vm0, $0x400, v0  }
0x52: {  	v5 =	vadd.s32 v3, v5;
	v3 =	vld.idx.msk [tilespmem:v4+s4+$0x0], $0xffff  }
0x53: {  	s14 =	simm.s32 $0x10;
	s1 =	simm.s32 $0x80;
	[tilespmem:s9+$0x27C0] =	vst v5  }
.LBB2_4:
0x54: {  	p0 =	sne.s32 s1, $0x7C0;
	v4 =	vld [tilespmem:s14+$0x1FC0]  }
0x55: {  	v5 =	vmul.f32 v2, v1  }
0x56: {  	v6 =	vld [tilespmem:s14+$0x23C0]  }
0x57: {  	v3 =	vadd.f32 v3, v5;
	_ =	sdelay $0x1  }
0x58: {  	v5 =	vshll.u32 v4, $0x3;
	v3 =	vmax.f32 v3, $0.0e+00  }
0x59: {  	v2 =	vadd.f32 v3, v2  }
0x5a: {  	vm0 =	vgt.f32 v6, $5.000000000e-01  }
.Ltmp5:
0x5b: {  	v3 =	vsel vm0, $0x400, v0;
	v6 =	vmax.f32 v2, $0.0e+00;
	(pc) =	sbr.rel @p0 .LBB2_4-.Ltmp5, $3  }
0x5c: {  	v2 =	vld [tilespmem:s14+$0x21C0];
	v4 =	vadd.s32 v4, v3;
	[tilespmem:s9+$0x25C0] =	vst v6;
	s9 =	smov.u32 s14  }
0x5d: {  	v3 =	vld.idx.msk [tilespmem:v5+s4+$0x0], $0xffff;
	[tilespmem:s9+$0x27C0] =	vst v4;
	_ =	sdelay $0x1  }
0x5e: {  	s14 =	sshra.s32 s1, $0x2;
	s1 =	sadd.s32 $0x40, s1  }
0x5f: {  	v4 =	vld [tilespmem:s14+$0x1FC0]  }
0x60: {  	v5 =	vmul.f32 v2, v1;
	_ =	sdelay $0x1  }
0x61: {  	v3 =	vadd.f32 v3, v5;
	_ =	sdelay $0x1  }
0x62: {  	v62 =	vshll.u32 v4, $0x3;
	v3 =	vmax.f32 v3, $0.0e+00  }
0x63: {  	v2 =	vadd.f32 v3, v2;
	_ =	sdelay $0x1  }
0x64: {  	v6 =	vld [tilespmem:s14+$0x21C0];
	v2 =	vmax.f32 v2, $0.0e+00  }
0x65: {  	v3 =	vld [tilespmem:s14+$0x23C0];
	[tilespmem:s9+$0x25C0] =	vst v2  }
0x66: {  	v2 =	vld.idx.msk [tilespmem:v62+s4+$0x0], $0xffff;
	_ =	sdelay $0x2  }
0x67: {  	v63 =	vmul.f32 v6, v1;
	_ =	sdelay $0x1  }
0x68: {  	v2 =	vadd.f32 v2, v63;
	_ =	sdelay $0x1  }
0x69: {  	vm0 =	vgt.f32 v3, $5.000000000e-01;
	v2 =	vmax.f32 v2, $0.0e+00  }
0x6a: {  	v3 =	vsel vm0, $0x400, v0;
	v2 =	vadd.f32 v2, v6  }
0x6b: {  	v3 =	vadd.s32 v4, v3  }
0x6c: {  	[tilespmem:s14+$0x27C0] =	vst v3;
	v2 =	vmax.f32 v2, $0.0e+00  }
0x6d: {  	s1 =	sadd.s32 s11, s16;
	[tilespmem:s14+$0x25C0] =	vst v2  }
0x6e: {  	[hbm4b:s1+s4] =	stream.linear.scatter [tilespmem:s31], [sflag:$0x3], $0x200, $0x38;
	[tilespmem:$0x69C0] =	vst v63  }
0x6f: {  	_ =	swait.ge [sflag:s18], $0x200  }
0x70: {  	[sflag:s18] =	ssyncset.done $0x0  }
.Ltmp6:
0x71: {  	s16 =	sadd.s32 s12, s16;
	[sflag:s18] =	ssyncadd.s32 $0xFFFFFE00;
	(pc) =	sbr.rel .LBB2_6-.Ltmp6, $4  }
0x72: {  	[hbm4b:s16+s4] =	stream.linear.scatter [tilespmem:s0], [sflag:$0x2], $0x200, $0x38;
	[tilespmem:$0x69C0] =	vst v63  }
0x73: {  	_ =	swait.ge [sflag:s15], $0x200  }
0x74: {  	[sflag:s15] =	ssyncset.done $0x0  }
0x75: {  	[sflag:s15] =	ssyncadd.s32 $0xFFFFFE00  }
.LBB2_8:
0x76: {  	_ =	sfence.sel $0x180000  }
0x77: {  	[bflag:$0x0] =	sbarrier.arrive $0xFFFF  }
0x78: {  	_ =	strace $0x90000047  }
0x79: {  	s0 =	stileid.u32;
	[bflag:$0x2] =	sbarrier.arrive $0xFFFF  }
0x7a: {  	p0 =	sne.s32 s0, $0x0;
	s0 =	rddreg [dreg:$0x4]  }
0x7b: {  	s0 =	sadd.s32 @!p0 $0x100000, s0  }
0x7c: {  	[sflag:s0] =	ssyncadd.tile.s32 @!p0 $0x1;
	_ =	shalt  }
.Lfunc_end2:
_tile_overlayer_lowered:
.L_overlay_start_2:
0x7d: {  	(tag) =	ssettag $0x2  }
0x7e: {  	s0 =	rddreg [dreg:$0x0];
	s2 =	stileid.u32  }
0x7f: {  	s1 =	rddreg [dreg:$0x1];
	p0 =	sne.s32 s2, $0x0  }
0x80: {  	s3 =	rddreg [dreg:$0x2];
	[bflag:$0x3] =	sbarrier.arrive $0xFFFF;
	s2 =	simm.s32 @!p0 $0x1C02  }
0x81: {  	[timem:s3], [sflag:s2] =	dma.local @!p0 [hbm:s0], s1  }
0x82: {  	s0 =	simm.s32 @!p0 $0x2  }
0x83: {  	_ =	swait.ge @!p0 [sflag:s0], s1  }
0x84: {  	s1 =	ssub.s32 @!p0 $0x0, s1;
	[sflag:s0] =	ssyncset.done @!p0 $0x0  }
0x85: {  	[sflag:s0] =	ssyncadd.s32 @!p0 s1  }
0x86: {  	[bflag:$0x3] =	sbarrier.arrive $0xFFFF  }
0x87: {  	_ =	shalt  }

</sc_bundles>
